<compile_context>
chip_gen: v7x
topology: tpu7x:2x2x1
jax: 0.10.2.dev20260603
libtpu: 0.0.44.dev20260713+nightly
codegen_flags: <defaults>
</compile_context>

<pallas_src>
import functools

import jax
import jax.numpy as jnp
from jax import lax
from jax.experimental import pallas as pl
from jax.experimental.pallas import tpu as pltpu
from jax.experimental.pallas import tpu_sc as plsc

D = 1024
L = 16
NSLICE = D // L
NC, NS = 2, 16
NW = NC * NS
R = 8192
ROWS_PER_W = R // NW
CR = 32
NCH = ROWS_PER_W // CR


def _sc_body(actions_hbm, emb_hbm, out_a,
             emb_v, buf0, buf1,
             si0, si1, so0, so1):
    wid = lax.axis_index("s") * NC + lax.axis_index("c")
    base = wid * ROWS_PER_W

    pltpu.sync_copy(emb_hbm, emb_v)

    bufs = (buf0, buf1)
    in_sems = (si0, si1)
    out_sems = (so0, so1)

    def start_in(c, b):
        pltpu.make_async_copy(
            actions_hbm.at[pl.ds(base + c * CR, CR)], bufs[b], in_sems[b]
        ).start()

    def wait_in(b):
        pltpu.make_async_copy(
            actions_hbm.at[pl.ds(base, CR)], bufs[b], in_sems[b]
        ).wait()

    def start_out(c, b):
        pltpu.make_async_copy(
            bufs[b], out_a.at[pl.ds(base + c * CR, CR)], out_sems[b]
        ).start()

    def wait_out(b):
        pltpu.make_async_copy(
            bufs[b], out_a.at[pl.ds(base, CR)], out_sems[b]
        ).wait()

    def compute(b):
        buf = bufs[b]
        GJ = 8
        for g in range(NSLICE // GJ):
            embs = [emb_v[2, pl.ds((g * GJ + k) * L, L)] for k in range(GJ)]

            @plsc.parallel_loop(0, CR, unroll=2)
            def _row(r):
                for k in range(GJ):
                    sl = pl.ds((g * GJ + k) * L, L)
                    buf[r, sl] = buf[r, sl] + embs[k]

    start_in(0, 0)
    start_in(1, 1)

    def pair_body(p, carry):
        for b in range(2):
            c = 2 * p + b
            wait_in(b)
            compute(b)
            start_out(c, b)

            @pl.when(p + 1 < NCH // 2)
            def _():
                wait_out(b)
                start_in(c + 2, b)

        return carry

    lax.fori_loop(0, NCH // 2, pair_body, 0)
    wait_out(0)
    wait_out(1)


def _tc_body(lang_ref, frames_ref, emb_ref, out_l, out_f):
    out_l[...] = lang_ref[...] + emb_ref[0, :][None, :]
    out_f[...] = frames_ref[...] + emb_ref[1, :][None, :]


def kernel(lang, frames, actions, emb_weight):
    B, S, Dm = lang.shape
    lf = lang.reshape(R, Dm)
    ff = frames.reshape(R, Dm)
    af = actions.reshape(R, Dm)
    f32 = jnp.float32

    mesh = plsc.VectorSubcoreMesh(core_axis_name="c", subcore_axis_name="s")
    sc_call = functools.partial(
        pl.kernel,
        mesh=mesh,
        out_type=jax.ShapeDtypeStruct((R, Dm), f32),
        scratch_types=[
            pltpu.VMEM((3, Dm), f32),
            pltpu.VMEM((CR, Dm), f32),
            pltpu.VMEM((CR, Dm), f32),
            pltpu.SemaphoreType.DMA,
            pltpu.SemaphoreType.DMA,
            pltpu.SemaphoreType.DMA,
            pltpu.SemaphoreType.DMA,
        ],
    )(_sc_body)
    BR = 1024
    spec = pl.BlockSpec((BR, Dm), lambda i: (i, 0))
    emb_spec = pl.BlockSpec((3, Dm), lambda i: (0, 0))
    out_l, out_f = pl.pallas_call(
        _tc_body,
        grid=(R // BR,),
        in_specs=[spec, spec, emb_spec],
        out_specs=[spec, spec],
        out_shape=[jax.ShapeDtypeStruct((R, Dm), f32)] * 2,
    )(lf, ff, emb_weight)

    out_a = sc_call(af, emb_weight)

    return (out_l.reshape(B, S, Dm), out_f.reshape(B, S, Dm),
            out_a.reshape(B, S, Dm))

# --- scband reference (transcript-rebuilt; emitter-appended) ---
"""Pipeline reference for scband-token-learned-encoding-1580547966204 (READ-ONLY COPY).

The authoritative reference and input builder live on the scoring server;
editing this copy changes nothing except your own understanding.
"""

import jax, jax.numpy as jnp
import numpy as np

D_MODEL = 1024
VOCAB_SIZE = 3
INIT_RANGE = 0.1
B, S = 4, 2048


def setup_inputs(seed: int = 0) -> dict:
    key = jax.random.key(seed)
    k1, k2, k3, k4 = jax.random.split(key, 4)
    lang = jax.random.normal(k1, (B, S, D_MODEL), dtype=jnp.float32)
    frames = jax.random.normal(k2, (B, S, D_MODEL), dtype=jnp.float32)
    actions = jax.random.normal(k3, (B, S, D_MODEL), dtype=jnp.float32)
    emb_weight = jax.random.uniform(k4, (VOCAB_SIZE, D_MODEL), dtype=jnp.float32,
                                    minval=-INIT_RANGE, maxval=INIT_RANGE)
    return {"lang": lang, "frames": frames, "actions": actions, "emb_weight": emb_weight}


def reference(lang, frames, actions, emb_weight):
    # token id 0 for lang
    token_lang = jnp.ones(lang.shape[:2], dtype=jnp.int32) * 0
    token_lang_emb = jnp.take(emb_weight, token_lang, axis=0)
    lang = lang + token_lang_emb
    # token id 1 for frames
    token_frames = jnp.ones(frames.shape[:2], dtype=jnp.int32) * 1
    token_frames_emb = jnp.take(emb_weight, token_frames, axis=0)
    frames = frames + token_frames_emb
    # token id 2 for actions
    token_actions = jnp.ones(actions.shape[:2], dtype=jnp.int32) * 2
    token_actions_emb = jnp.take(emb_weight, token_actions, axis=0)
    actions = actions + token_actions_emb
    return (lang, frames, actions)

if __name__ == "__main__":
    import jax
    _d = setup_inputs()
    print(jax.jit(kernel)(*tuple(_d.values())))

</pallas_src>

<mosaic_0001>
#map = affine_map<(d0, d1) -> (0, 0)>
module attributes {stable_mosaic.version = 14 : i64} {
  func.func @_sc_body(%arg0: i32, %arg1: i32, %arg2: memref<8192x1024xf32, #tpu.memory_space<hbm>>, %arg3: memref<3x1024xf32, #tpu.memory_space<hbm>>, %arg4: memref<8192x1024xf32, #tpu.memory_space<hbm>>, %arg5: memref<3x1024xf32, #tpu.memory_space<vmem>>, %arg6: memref<32x1024xf32, #tpu.memory_space<vmem>>, %arg7: memref<32x1024xf32, #tpu.memory_space<vmem>>, %arg8: memref<!tpu.dma_semaphore, #tpu.memory_space<semaphore_mem>>, %arg9: memref<!tpu.dma_semaphore, #tpu.memory_space<semaphore_mem>>, %arg10: memref<!tpu.dma_semaphore, #tpu.memory_space<semaphore_mem>>, %arg11: memref<!tpu.dma_semaphore, #tpu.memory_space<semaphore_mem>>) attributes {dimension_semantics = [#tpu.dimension_semantics<core_parallel>, #tpu.dimension_semantics<subcore_parallel>], iteration_bounds = array<i64: 2, 16>, scalar_prefetch = 0 : i64, scratch_operands = 7 : i64, tpu.core_type = #tpu.core_type<sc_vector_subcore>, window_params = [{transform_indices = #map}, {transform_indices = #map}, {transform_indices = #map}]} {
    %mul3A = arith.constant 2 : i32
    %mul3A_0 = arith.muli %arg1, %mul3A : i32
    %add3A = arith.addi %mul3A_0, %arg0 : i32
    %mul3A_1 = arith.constant 256 : i32
    %mul3A_2 = arith.muli %add3A, %mul3A_1 : i32
    "tpu.region"() ({
      %run_scoped3A = tpu.sem_alloc : memref<!tpu.dma_semaphore, #tpu.memory_space<semaphore_mem>>
      tpu.enqueue_dma source(%arg3 : memref<3x1024xf32, #tpu.memory_space<hbm>>) target(%arg5 : memref<3x1024xf32, #tpu.memory_space<vmem>>) target_semaphore(%run_scoped3A : memref<!tpu.dma_semaphore, #tpu.memory_space<semaphore_mem>>)
      tpu.wait_dma2 semaphore(%run_scoped3A : memref<!tpu.dma_semaphore, #tpu.memory_space<semaphore_mem>>) src(%arg3 : memref<3x1024xf32, #tpu.memory_space<hbm>>) dst(%arg5 : memref<3x1024xf32, #tpu.memory_space<vmem>>)
      tpu.yield
    }) : () -> ()
    %add3A_3 = arith.constant 0 : i32
    %add3A_4 = arith.addi %mul3A_2, %add3A_3 : i32
    %dma_start3A = arith.constant 0 : i32
    %dma_start3A_5 = tpu.memref_slice %arg2[%add3A_4, %dma_start3A] : memref<8192x1024xf32, #tpu.memory_space<hbm>> -> memref<32x1024xf32, #tpu.memory_space<hbm>>
    %dma_start3A_6 = arith.constant 0 : i32
    %dma_start3A_7 = tpu.memref_slice %arg2[%add3A_4, %dma_start3A_6] : memref<8192x1024xf32, #tpu.memory_space<hbm>> -> memref<32x1024xf32, #tpu.memory_space<hbm>>
    tpu.enqueue_dma source(%dma_start3A_7 : memref<32x1024xf32, #tpu.memory_space<hbm>>) target(%arg6 : memref<32x1024xf32, #tpu.memory_space<vmem>>) target_semaphore(%arg8 : memref<!tpu.dma_semaphore, #tpu.memory_space<semaphore_mem>>)
    %add3A_8 = arith.constant 32 : i32
    %add3A_9 = arith.addi %mul3A_2, %add3A_8 : i32
    %dma_start3A_10 = arith.constant 0 : i32
    %dma_start3A_11 = tpu.memref_slice %arg2[%add3A_9, %dma_start3A_10] : memref<8192x1024xf32, #tpu.memory_space<hbm>> -> memref<32x1024xf32, #tpu.memory_space<hbm>>
    %dma_start3A_12 = arith.constant 0 : i32
    %dma_start3A_13 = tpu.memref_slice %arg2[%add3A_9, %dma_start3A_12] : memref<8192x1024xf32, #tpu.memory_space<hbm>> -> memref<32x1024xf32, #tpu.memory_space<hbm>>
    tpu.enqueue_dma source(%dma_start3A_13 : memref<32x1024xf32, #tpu.memory_space<hbm>>) target(%arg7 : memref<32x1024xf32, #tpu.memory_space<vmem>>) target_semaphore(%arg9 : memref<!tpu.dma_semaphore, #tpu.memory_space<semaphore_mem>>)
    %scan3A = arith.constant 0 : i32
    %scan3A_14 = arith.constant 0 : i32
    %scan3A_15 = arith.constant 4 : i32
    %scan3A_16 = arith.addi %scan3A_14, %scan3A_15 : i32
    %scan3A_17 = arith.constant 1 : i32
    scf.for %scan3A_26 = %scan3A_14 to %scan3A_16 step %scan3A_17  : i32 {
      %mul3A_27 = arith.constant 2 : i32
      %mul3A_28 = arith.muli %mul3A_27, %scan3A_26 : i32
      %add3A_29 = arith.constant 0 : i32
      %add3A_30 = arith.addi %mul3A_28, %add3A_29 : i32
      %dma_wait3A_31 = arith.constant 0 : i32
      %dma_wait3A_32 = tpu.memref_slice %arg2[%mul3A_2, %dma_wait3A_31] : memref<8192x1024xf32, #tpu.memory_space<hbm>> -> memref<32x1024xf32, #tpu.memory_space<hbm>>
      %dma_wait3A_33 = arith.constant 0 : i32
      %dma_wait3A_34 = tpu.memref_slice %arg2[%mul3A_2, %dma_wait3A_33] : memref<8192x1024xf32, #tpu.memory_space<hbm>> -> memref<32x1024xf32, #tpu.memory_space<hbm>>
      tpu.wait_dma2 semaphore(%arg8 : memref<!tpu.dma_semaphore, #tpu.memory_space<semaphore_mem>>) src(%dma_wait3A_34 : memref<32x1024xf32, #tpu.memory_space<hbm>>) dst(%arg6 : memref<32x1024xf32, #tpu.memory_space<vmem>>)
      %get3A = arith.constant 2 : i32
      %get3A_35 = arith.index_cast %get3A : i32 to index
      %get3A_36 = arith.constant 0 : index
      %get3A_37 = tpu.vector_load %arg5[%get3A_35, %get3A_36] {strides = array<i32>} : memref<3x1024xf32, #tpu.memory_space<vmem>>, vector<1x16xf32>,
      %get3A_38 = vector.shape_cast %get3A_37 : vector<1x16xf32> to vector<16xf32>
      %get3A_39 = arith.constant 2 : i32
      %get3A_40 = arith.index_cast %get3A_39 : i32 to index
      %get3A_41 = arith.constant 16 : index
      %get3A_42 = tpu.vector_load %arg5[%get3A_40, %get3A_41] {strides = array<i32>} : memref<3x1024xf32, #tpu.memory_space<vmem>>, vector<1x16xf32>,
      %get3A_43 = vector.shape_cast %get3A_42 : vector<1x16xf32> to vector<16xf32>
      %get3A_44 = arith.constant 2 : i32
      %get3A_45 = arith.index_cast %get3A_44 : i32 to index
      %get3A_46 = arith.constant 32 : index
      %get3A_47 = tpu.vector_load %arg5[%get3A_45, %get3A_46] {strides = array<i32>} : memref<3x1024xf32, #tpu.memory_space<vmem>>, vector<1x16xf32>,
      %get3A_48 = vector.shape_cast %get3A_47 : vector<1x16xf32> to vector<16xf32>
      %get3A_49 = arith.constant 2 : i32
      %get3A_50 = arith.index_cast %get3A_49 : i32 to index
      %get3A_51 = arith.constant 48 : index
      %get3A_52 = tpu.vector_load %arg5[%get3A_50, %get3A_51] {strides = array<i32>} : memref<3x1024xf32, #tpu.memory_space<vmem>>, vector<1x16xf32>,
      %get3A_53 = vector.shape_cast %get3A_52 : vector<1x16xf32> to vector<16xf32>
      %get3A_54 = arith.constant 2 : i32
      %get3A_55 = arith.index_cast %get3A_54 : i32 to index
      %get3A_56 = arith.constant 64 : index
      %get3A_57 = tpu.vector_load %arg5[%get3A_55, %get3A_56] {strides = array<i32>} : memref<3x1024xf32, #tpu.memory_space<vmem>>, vector<1x16xf32>,
      %get3A_58 = vector.shape_cast %get3A_57 : vector<1x16xf32> to vector<16xf32>
      %get3A_59 = arith.constant 2 : i32
      %get3A_60 = arith.index_cast %get3A_59 : i32 to index
      %get3A_61 = arith.constant 80 : index
      %get3A_62 = tpu.vector_load %arg5[%get3A_60, %get3A_61] {strides = array<i32>} : memref<3x1024xf32, #tpu.memory_space<vmem>>, vector<1x16xf32>,
      %get3A_63 = vector.shape_cast %get3A_62 : vector<1x16xf32> to vector<16xf32>
      %get3A_64 = arith.constant 2 : i32
      %get3A_65 = arith.index_cast %get3A_64 : i32 to index
      %get3A_66 = arith.constant 96 : index
      %get3A_67 = tpu.vector_load %arg5[%get3A_65, %get3A_66] {strides = array<i32>} : memref<3x1024xf32, #tpu.memory_space<vmem>>, vector<1x16xf32>,
      %get3A_68 = vector.shape_cast %get3A_67 : vector<1x16xf32> to vector<16xf32>
      %get3A_69 = arith.constant 2 : i32
      %get3A_70 = arith.index_cast %get3A_69 : i32 to index
      %get3A_71 = arith.constant 112 : index
      %get3A_72 = tpu.vector_load %arg5[%get3A_70, %get3A_71] {strides = array<i32>} : memref<3x1024xf32, #tpu.memory_space<vmem>>, vector<1x16xf32>,
      %get3A_73 = vector.shape_cast %get3A_72 : vector<1x16xf32> to vector<16xf32>
      %parallel_loop3A = arith.constant 0 : i32
      %parallel_loop3A_74 = arith.constant 32 : i32
      %parallel_loop3A_75 = arith.constant 1 : i32
      scf.for %parallel_loop3A_754 = %parallel_loop3A to %parallel_loop3A_74 step %parallel_loop3A_75  : i32 {
        %parallel_loop3A_755 = arith.index_cast %parallel_loop3A_754 : i32 to index
        %parallel_loop3A_756 = arith.constant 0 : index
        %parallel_loop3A_757 = tpu.vector_load %arg6[%parallel_loop3A_755, %parallel_loop3A_756] {strides = array<i32>} : memref<32x1024xf32, #tpu.memory_space<vmem>>, vector<1x16xf32>,
        %parallel_loop3A_758 = vector.shape_cast %parallel_loop3A_757 : vector<1x16xf32> to vector<16xf32>
        %parallel_loop3A_759 = arith.addf %parallel_loop3A_758, %get3A_38 : vector<16xf32>
        %parallel_loop3A_760 = arith.index_cast %parallel_loop3A_754 : i32 to index
        %parallel_loop3A_761 = arith.constant 0 : index
        %parallel_loop3A_762 = tpu.vector_load %arg6[%parallel_loop3A_760, %parallel_loop3A_761] {strides = array<i32>} : memref<32x1024xf32, #tpu.memory_space<vmem>>, vector<1x16xf32>,
        %parallel_loop3A_763 = vector.shape_cast %parallel_loop3A_762 : vector<1x16xf32> to vector<16xf32>
        %parallel_loop3A_764 = vector.shape_cast %parallel_loop3A_759 : vector<16xf32> to vector<1x16xf32>
        tpu.vector_store %arg6[%parallel_loop3A_760, %parallel_loop3A_761], %parallel_loop3A_764 {strides = array<i32>} : memref<32x1024xf32, #tpu.memory_space<vmem>>, vector<1x16xf32>,
        %parallel_loop3A_765 = arith.index_cast %parallel_loop3A_754 : i32 to index
        %parallel_loop3A_766 = arith.constant 16 : index
        %parallel_loop3A_767 = tpu.vector_load %arg6[%parallel_loop3A_765, %parallel_loop3A_766] {strides = array<i32>} : memref<32x1024xf32, #tpu.memory_space<vmem>>, vector<1x16xf32>,
        %parallel_loop3A_768 = vector.shape_cast %parallel_loop3A_767 : vector<1x16xf32> to vector<16xf32>
        %parallel_loop3A_769 = arith.addf %parallel_loop3A_768, %get3A_43 : vector<16xf32>
        %parallel_loop3A_770 = arith.index_cast %parallel_loop3A_754 : i32 to index
        %parallel_loop3A_771 = arith.constant 16 : index
        %parallel_loop3A_772 = tpu.vector_load %arg6[%parallel_loop3A_770, %parallel_loop3A_771] {strides = array<i32>} : memref<32x1024xf32, #tpu.memory_space<vmem>>, vector<1x16xf32>,
        %parallel_loop3A_773 = vector.shape_cast %parallel_loop3A_772 : vector<1x16xf32> to vector<16xf32>
        %parallel_loop3A_774 = vector.shape_cast %parallel_loop3A_769 : vector<16xf32> to vector<1x16xf32>
        tpu.vector_store %arg6[%parallel_loop3A_770, %parallel_loop3A_771], %parallel_loop3A_774 {strides = array<i32>} : memref<32x1024xf32, #tpu.memory_space<vmem>>, vector<1x16xf32>,
        %parallel_loop3A_775 = arith.index_cast %parallel_loop3A_754 : i32 to index
        %parallel_loop3A_776 = arith.constant 32 : index
        %parallel_loop3A_777 = tpu.vector_load %arg6[%parallel_loop3A_775, %parallel_loop3A_776] {strides = array<i32>} : memref<32x1024xf32, #tpu.memory_space<vmem>>, vector<1x16xf32>,
        %parallel_loop3A_778 = vector.shape_cast %parallel_loop3A_777 : vector<1x16xf32> to vector<16xf32>
        %parallel_loop3A_779 = arith.addf %parallel_loop3A_778, %get3A_48 : vector<16xf32>
        %parallel_loop3A_780 = arith.index_cast %parallel_loop3A_754 : i32 to index
        %parallel_loop3A_781 = arith.constant 32 : index
        %parallel_loop3A_782 = tpu.vector_load %arg6[%parallel_loop3A_780, %parallel_loop3A_781] {strides = array<i32>} : memref<32x1024xf32, #tpu.memory_space<vmem>>, vector<1x16xf32>,
        %parallel_loop3A_783 = vector.shape_cast %parallel_loop3A_782 : vector<1x16xf32> to vector<16xf32>
        %parallel_loop3A_784 = vector.shape_cast %parallel_loop3A_779 : vector<16xf32> to vector<1x16xf32>
        tpu.vector_store %arg6[%parallel_loop3A_780, %parallel_loop3A_781], %parallel_loop3A_784 {strides = array<i32>} : memref<32x1024xf32, #tpu.memory_space<vmem>>, vector<1x16xf32>,
        %parallel_loop3A_785 = arith.index_cast %parallel_loop3A_754 : i32 to index
        %parallel_loop3A_786 = arith.constant 48 : index
        %parallel_loop3A_787 = tpu.vector_load %arg6[%parallel_loop3A_785, %parallel_loop3A_786] {strides = array<i32>} : memref<32x1024xf32, #tpu.memory_space<vmem>>, vector<1x16xf32>,
        %parallel_loop3A_788 = vector.shape_cast %parallel_loop3A_787 : vector<1x16xf32> to vector<16xf32>
        %parallel_loop3A_789 = arith.addf %parallel_loop3A_788, %get3A_53 : vector<16xf32>
        %parallel_loop3A_790 = arith.index_cast %parallel_loop3A_754 : i32 to index
        %parallel_loop3A_791 = arith.constant 48 : index
        %parallel_loop3A_792 = tpu.vector_load %arg6[%parallel_loop3A_790, %parallel_loop3A_791] {strides = array<i32>} : memref<32x1024xf32, #tpu.memory_space<vmem>>, vector<1x16xf32>,
        %parallel_loop3A_793 = vector.shape_cast %parallel_loop3A_792 : vector<1x16xf32> to vector<16xf32>
        %parallel_loop3A_794 = vector.shape_cast %parallel_loop3A_789 : vector<16xf32> to vector<1x16xf32>
        tpu.vector_store %arg6[%parallel_loop3A_790, %parallel_loop3A_791], %parallel_loop3A_794 {strides = array<i32>} : memref<32x1024xf32, #tpu.memory_space<vmem>>, vector<1x16xf32>,
        %parallel_loop3A_795 = arith.index_cast %parallel_loop3A_754 : i32 to index
        %parallel_loop3A_796 = arith.constant 64 : index
        %parallel_loop3A_797 = tpu.vector_load %arg6[%parallel_loop3A_795, %parallel_loop3A_796] {strides = array<i32>} : memref<32x1024xf32, #tpu.memory_space<vmem>>, vector<1x16xf32>,
        %parallel_loop3A_798 = vector.shape_cast %parallel_loop3A_797 : vector<1x16xf32> to vector<16xf32>
        %parallel_loop3A_799 = arith.addf %parallel_loop3A_798, %get3A_58 : vector<16xf32>
        %parallel_loop3A_800 = arith.index_cast %parallel_loop3A_754 : i32 to index
        %parallel_loop3A_801 = arith.constant 64 : index
        %parallel_loop3A_802 = tpu.vector_load %arg6[%parallel_loop3A_800, %parallel_loop3A_801] {strides = array<i32>} : memref<32x1024xf32, #tpu.memory_space<vmem>>, vector<1x16xf32>,
        %parallel_loop3A_803 = vector.shape_cast %parallel_loop3A_802 : vector<1x16xf32> to vector<16xf32>
        %parallel_loop3A_804 = vector.shape_cast %parallel_loop3A_799 : vector<16xf32> to vector<1x16xf32>
        tpu.vector_store %arg6[%parallel_loop3A_800, %parallel_loop3A_801], %parallel_loop3A_804 {strides = array<i32>} : memref<32x1024xf32, #tpu.memory_space<vmem>>, vector<1x16xf32>,
        %parallel_loop3A_805 = arith.index_cast %parallel_loop3A_754 : i32 to index
        %parallel_loop3A_806 = arith.constant 80 : index
        %parallel_loop3A_807 = tpu.vector_load %arg6[%parallel_loop3A_805, %parallel_loop3A_806] {strides = array<i32>} : memref<32x1024xf32, #tpu.memory_space<vmem>>, vector<1x16xf32>,
        %parallel_loop3A_808 = vector.shape_cast %parallel_loop3A_807 : vector<1x16xf32> to vector<16xf32>
        %parallel_loop3A_809 = arith.addf %parallel_loop3A_808, %get3A_63 : vector<16xf32>
        %parallel_loop3A_810 = arith.index_cast %parallel_loop3A_754 : i32 to index
        %parallel_loop3A_811 = arith.constant 80 : index
        %parallel_loop3A_812 = tpu.vector_load %arg6[%parallel_loop3A_810, %parallel_loop3A_811] {strides = array<i32>} : memref<32x1024xf32, #tpu.memory_space<vmem>>, vector<1x16xf32>,
        %parallel_loop3A_813 = vector.shape_cast %parallel_loop3A_812 : vector<1x16xf32> to vector<16xf32>
        %parallel_loop3A_814 = vector.shape_cast %parallel_loop3A_809 : vector<16xf32> to vector<1x16xf32>
        tpu.vector_store %arg6[%parallel_loop3A_810, %parallel_loop3A_811], %parallel_loop3A_814 {strides = array<i32>} : memref<32x1024xf32, #tpu.memory_space<vmem>>, vector<1x16xf32>,
        %parallel_loop3A_815 = arith.index_cast %parallel_loop3A_754 : i32 to index
        %parallel_loop3A_816 = arith.constant 96 : index
        %parallel_loop3A_817 = tpu.vector_load %arg6[%parallel_loop3A_815, %parallel_loop3A_816] {strides = array<i32>} : memref<32x1024xf32, #tpu.memory_space<vmem>>, vector<1x16xf32>,
        %parallel_loop3A_818 = vector.shape_cast %parallel_loop3A_817 : vector<1x16xf32> to vector<16xf32>
        %parallel_loop3A_819 = arith.addf %parallel_loop3A_818, %get3A_68 : vector<16xf32>
        %parallel_loop3A_820 = arith.index_cast %parallel_loop3A_754 : i32 to index
        %parallel_loop3A_821 = arith.constant 96 : index
        %parallel_loop3A_822 = tpu.vector_load %arg6[%parallel_loop3A_820, %parallel_loop3A_821] {strides = array<i32>} : memref<32x1024xf32, #tpu.memory_space<vmem>>, vector<1x16xf32>,
        %parallel_loop3A_823 = vector.shape_cast %parallel_loop3A_822 : vector<1x16xf32> to vector<16xf32>
        %parallel_loop3A_824 = vector.shape_cast %parallel_loop3A_819 : vector<16xf32> to vector<1x16xf32>
        tpu.vector_store %arg6[%parallel_loop3A_820, %parallel_loop3A_821], %parallel_loop3A_824 {strides = array<i32>} : memref<32x1024xf32, #tpu.memory_space<vmem>>, vector<1x16xf32>,
        %parallel_loop3A_825 = arith.index_cast %parallel_loop3A_754 : i32 to index
        %parallel_loop3A_826 = arith.constant 112 : index
        %parallel_loop3A_827 = tpu.vector_load %arg6[%parallel_loop3A_825, %parallel_loop3A_826] {strides = array<i32>} : memref<32x1024xf32, #tpu.memory_space<vmem>>, vector<1x16xf32>,
        %parallel_loop3A_828 = vector.shape_cast %parallel_loop3A_827 : vector<1x16xf32> to vector<16xf32>
        %parallel_loop3A_829 = arith.addf %parallel_loop3A_828, %get3A_73 : vector<16xf32>
        %parallel_loop3A_830 = arith.index_cast %parallel_loop3A_754 : i32 to index
        %parallel_loop3A_831 = arith.constant 112 : index
        %parallel_loop3A_832 = tpu.vector_load %arg6[%parallel_loop3A_830, %parallel_loop3A_831] {strides = array<i32>} : memref<32x1024xf32, #tpu.memory_space<vmem>>, vector<1x16xf32>,
        %parallel_loop3A_833 = vector.shape_cast %parallel_loop3A_832 : vector<1x16xf32> to vector<16xf32>
        %parallel_loop3A_834 = vector.shape_cast %parallel_loop3A_829 : vector<16xf32> to vector<1x16xf32>
        tpu.vector_store %arg6[%parallel_loop3A_830, %parallel_loop3A_831], %parallel_loop3A_834 {strides = array<i32>} : memref<32x1024xf32, #tpu.memory_space<vmem>>, vector<1x16xf32>,
      } {sc.loop_unroll_factor = 2 : i64, sc.parallel_access}
      %get3A_76 = arith.constant 2 : i32
      %get3A_77 = arith.index_cast %get3A_76 : i32 to index
      %get3A_78 = arith.constant 128 : index
      %get3A_79 = tpu.vector_load %arg5[%get3A_77, %get3A_78] {strides = array<i32>} : memref<3x1024xf32, #tpu.memory_space<vmem>>, vector<1x16xf32>,
      %get3A_80 = vector.shape_cast %get3A_79 : vector<1x16xf32> to vector<16xf32>
      %get3A_81 = arith.constant 2 : i32
      %get3A_82 = arith.index_cast %get3A_81 : i32 to index
      %get3A_83 = arith.constant 144 : index
      %get3A_84 = tpu.vector_load %arg5[%get3A_82, %get3A_83] {strides = array<i32>} : memref<3x1024xf32, #tpu.memory_space<vmem>>, vector<1x16xf32>,
      %get3A_85 = vector.shape_cast %get3A_84 : vector<1x16xf32> to vector<16xf32>
      %get3A_86 = arith.constant 2 : i32
      %get3A_87 = arith.index_cast %get3A_86 : i32 to index
      %get3A_88 = arith.constant 160 : index
      %get3A_89 = tpu.vector_load %arg5[%get3A_87, %get3A_88] {strides = array<i32>} : memref<3x1024xf32, #tpu.memory_space<vmem>>, vector<1x16xf32>,
      %get3A_90 = vector.shape_cast %get3A_89 : vector<1x16xf32> to vector<16xf32>
      %get3A_91 = arith.constant 2 : i32
      %get3A_92 = arith.index_cast %get3A_91 : i32 to index
      %get3A_93 = arith.constant 176 : index
      %get3A_94 = tpu.vector_load %arg5[%get3A_92, %get3A_93] {strides = array<i32>} : memref<3x1024xf32, #tpu.memory_space<vmem>>, vector<1x16xf32>,
      %get3A_95 = vector.shape_cast %get3A_94 : vector<1x16xf32> to vector<16xf32>
      %get3A_96 = arith.constant 2 : i32
      %get3A_97 = arith.index_cast %get3A_96 : i32 to index
      %get3A_98 = arith.constant 192 : index
      %get3A_99 = tpu.vector_load %arg5[%get3A_97, %get3A_98] {strides = array<i32>} : memref<3x1024xf32, #tpu.memory_space<vmem>>, vector<1x16xf32>,
      %get3A_100 = vector.shape_cast %get3A_99 : vector<1x16xf32> to vector<16xf32>
      %get3A_101 = arith.constant 2 : i32
      %get3A_102 = arith.index_cast %get3A_101 : i32 to index
      %get3A_103 = arith.constant 208 : index
      %get3A_104 = tpu.vector_load %arg5[%get3A_102, %get3A_103] {strides = array<i32>} : memref<3x1024xf32, #tpu.memory_space<vmem>>, vector<1x16xf32>,
      %get3A_105 = vector.shape_cast %get3A_104 : vector<1x16xf32> to vector<16xf32>
      %get3A_106 = arith.constant 2 : i32
      %get3A_107 = arith.index_cast %get3A_106 : i32 to index
      %get3A_108 = arith.constant 224 : index
      %get3A_109 = tpu.vector_load %arg5[%get3A_107, %get3A_108] {strides = array<i32>} : memref<3x1024xf32, #tpu.memory_space<vmem>>, vector<1x16xf32>,
      %get3A_110 = vector.shape_cast %get3A_109 : vector<1x16xf32> to vector<16xf32>
      %get3A_111 = arith.constant 2 : i32
      %get3A_112 = arith.index_cast %get3A_111 : i32 to index
      %get3A_113 = arith.constant 240 : index
      %get3A_114 = tpu.vector_load %arg5[%get3A_112, %get3A_113] {strides = array<i32>} : memref<3x1024xf32, #tpu.memory_space<vmem>>, vector<1x16xf32>,
      %get3A_115 = vector.shape_cast %get3A_114 : vector<1x16xf32> to vector<16xf32>
      %parallel_loop3A_116 = arith.constant 0 : i32
      %parallel_loop3A_117 = arith.constant 32 : i32
      %parallel_loop3A_118 = arith.constant 1 : i32
      scf.for %parallel_loop3A_754 = %parallel_loop3A_116 to %parallel_loop3A_117 step %parallel_loop3A_118  : i32 {
        %parallel_loop3A_755 = arith.index_cast %parallel_loop3A_754 : i32 to index
        %parallel_loop3A_756 = arith.constant 128 : index
        %parallel_loop3A_757 = tpu.vector_load %arg6[%parallel_loop3A_755, %parallel_loop3A_756] {strides = array<i32>} : memref<32x1024xf32, #tpu.memory_space<vmem>>, vector<1x16xf32>,
        %parallel_loop3A_758 = vector.shape_cast %parallel_loop3A_757 : vector<1x16xf32> to vector<16xf32>
        %parallel_loop3A_759 = arith.addf %parallel_loop3A_758, %get3A_80 : vector<16xf32>
        %parallel_loop3A_760 = arith.index_cast %parallel_loop3A_754 : i32 to index
        %parallel_loop3A_761 = arith.constant 128 : index
        %parallel_loop3A_762 = tpu.vector_load %arg6[%parallel_loop3A_760, %parallel_loop3A_761] {strides = array<i32>} : memref<32x1024xf32, #tpu.memory_space<vmem>>, vector<1x16xf32>,
        %parallel_loop3A_763 = vector.shape_cast %parallel_loop3A_762 : vector<1x16xf32> to vector<16xf32>
        %parallel_loop3A_764 = vector.shape_cast %parallel_loop3A_759 : vector<16xf32> to vector<1x16xf32>
        tpu.vector_store %arg6[%parallel_loop3A_760, %parallel_loop3A_761], %parallel_loop3A_764 {strides = array<i32>} : memref<32x1024xf32, #tpu.memory_space<vmem>>, vector<1x16xf32>,
        %parallel_loop3A_765 = arith.index_cast %parallel_loop3A_754 : i32 to index
        %parallel_loop3A_766 = arith.constant 144 : index
        %parallel_loop3A_767 = tpu.vector_load %arg6[%parallel_loop3A_765, %parallel_loop3A_766] {strides = array<i32>} : memref<32x1024xf32, #tpu.memory_space<vmem>>, vector<1x16xf32>,
        %parallel_loop3A_768 = vector.shape_cast %parallel_loop3A_767 : vector<1x16xf32> to vector<16xf32>
        %parallel_loop3A_769 = arith.addf %parallel_loop3A_768, %get3A_85 : vector<16xf32>
        %parallel_loop3A_770 = arith.index_cast %parallel_loop3A_754 : i32 to index
        %parallel_loop3A_771 = arith.constant 144 : index
        %parallel_loop3A_772 = tpu.vector_load %arg6[%parallel_loop3A_770, %parallel_loop3A_771] {strides = array<i32>} : memref<32x1024xf32, #tpu.memory_space<vmem>>, vector<1x16xf32>,
        %parallel_loop3A_773 = vector.shape_cast %parallel_loop3A_772 : vector<1x16xf32> to vector<16xf32>
        %parallel_loop3A_774 = vector.shape_cast %parallel_loop3A_769 : vector<16xf32> to vector<1x16xf32>
        tpu.vector_store %arg6[%parallel_loop3A_770, %parallel_loop3A_771], %parallel_loop3A_774 {strides = array<i32>} : memref<32x1024xf32, #tpu.memory_space<vmem>>, vector<1x16xf32>,
        %parallel_loop3A_775 = arith.index_cast %parallel_loop3A_754 : i32 to index
        %parallel_loop3A_776 = arith.constant 160 : index
        %parallel_loop3A_777 = tpu.vector_load %arg6[%parallel_loop3A_775, %parallel_loop3A_776] {strides = array<i32>} : memref<32x1024xf32, #tpu.memory_space<vmem>>, vector<1x16xf32>,
        %parallel_loop3A_778 = vector.shape_cast %parallel_loop3A_777 : vector<1x16xf32> to vector<16xf32>
        %parallel_loop3A_779 = arith.addf %parallel_loop3A_778, %get3A_90 : vector<16xf32>
        %parallel_loop3A_780 = arith.index_cast %parallel_loop3A_754 : i32 to index
        %parallel_loop3A_781 = arith.constant 160 : index
        %parallel_loop3A_782 = tpu.vector_load %arg6[%parallel_loop3A_780, %parallel_loop3A_781] {strides = array<i32>} : memref<32x1024xf32, #tpu.memory_space<vmem>>, vector<1x16xf32>,
        %parallel_loop3A_783 = vector.shape_cast %parallel_loop3A_782 : vector<1x16xf32> to vector<16xf32>
        %parallel_loop3A_784 = vector.shape_cast %parallel_loop3A_779 : vector<16xf32> to vector<1x16xf32>
        tpu.vector_store %arg6[%parallel_loop3A_780, %parallel_loop3A_781], %parallel_loop3A_784 {strides = array<i32>} : memref<32x1024xf32, #tpu.memory_space<vmem>>, vector<1x16xf32>,
        %parallel_loop3A_785 = arith.index_cast %parallel_loop3A_754 : i32 to index
        %parallel_loop3A_786 = arith.constant 176 : index
        %parallel_loop3A_787 = tpu.vector_load %arg6[%parallel_loop3A_785, %parallel_loop3A_786] {strides = array<i32>} : memref<32x1024xf32, #tpu.memory_space<vmem>>, vector<1x16xf32>,
        %parallel_loop3A_788 = vector.shape_cast %parallel_loop3A_787 : vector<1x16xf32> to vector<16xf32>
        %parallel_loop3A_789 = arith.addf %parallel_loop3A_788, %get3A_95 : vector<16xf32>
        %parallel_loop3A_790 = arith.index_cast %parallel_loop3A_754 : i32 to index
        %parallel_loop3A_791 = arith.constant 176 : index
        %parallel_loop3A_792 = tpu.vector_load %arg6[%parallel_loop3A_790, %parallel_loop3A_791] {strides = array<i32>} : memref<32x1024xf32, #tpu.memory_space<vmem>>, vector<1x16xf32>,
        %parallel_loop3A_793 = vector.shape_cast %parallel_loop3A_792 : vector<1x16xf32> to vector<16xf32>
        %parallel_loop3A_794 = vector.shape_cast %parallel_loop3A_789 : vector<16xf32> to vector<1x16xf32>
        tpu.vector_store %arg6[%parallel_loop3A_790, %parallel_loop3A_791], %parallel_loop3A_794 {strides = array<i32>} : memref<32x1024xf32, #tpu.memory_space<vmem>>, vector<1x16xf32>,
        %parallel_loop3A_795 = arith.index_cast %parallel_loop3A_754 : i32 to index
        %parallel_loop3A_796 = arith.constant 192 : index
        %parallel_loop3A_797 = tpu.vector_load %arg6[%parallel_loop3A_795, %parallel_loop3A_796] {strides = array<i32>} : memref<32x1024xf32, #tpu.memory_space<vmem>>, vector<1x16xf32>,
        %parallel_loop3A_798 = vector.shape_cast %parallel_loop3A_797 : vector<1x16xf32> to vector<16xf32>
        %parallel_loop3A_799 = arith.addf %parallel_loop3A_798, %get3A_100 : vector<16xf32>
        %parallel_loop3A_800 = arith.index_cast %parallel_loop3A_754 : i32 to index
        %parallel_loop3A_801 = arith.constant 192 : index
        %parallel_loop3A_802 = tpu.vector_load %arg6[%parallel_loop3A_800, %parallel_loop3A_801] {strides = array<i32>} : memref<32x1024xf32, #tpu.memory_space<vmem>>, vector<1x16xf32>,
        %parallel_loop3A_803 = vector.shape_cast %parallel_loop3A_802 : vector<1x16xf32> to vector<16xf32>
        %parallel_loop3A_804 = vector.shape_cast %parallel_loop3A_799 : vector<16xf32> to vector<1x16xf32>
        tpu.vector_store %arg6[%parallel_loop3A_800, %parallel_loop3A_801], %parallel_loop3A_804 {strides = array<i32>} : memref<32x1024xf32, #tpu.memory_space<vmem>>, vector<1x16xf32>,
        %parallel_loop3A_805 = arith.index_cast %parallel_loop3A_754 : i32 to index
        %parallel_loop3A_806 = arith.constant 208 : index
        %parallel_loop3A_807 = tpu.vector_load %arg6[%parallel_loop3A_805, %parallel_loop3A_806] {strides = array<i32>} : memref<32x1024xf32, #tpu.memory_space<vmem>>, vector<1x16xf32>,
        %parallel_loop3A_808 = vector.shape_cast %parallel_loop3A_807 : vector<1x16xf32> to vector<16xf32>
        %parallel_loop3A_809 = arith.addf %parallel_loop3A_808, %get3A_105 : vector<16xf32>
        %parallel_loop3A_810 = arith.index_cast %parallel_loop3A_754 : i32 to index
        %parallel_loop3A_811 = arith.constant 208 : index
        %parallel_loop3A_812 = tpu.vector_load %arg6[%parallel_loop3A_810, %parallel_loop3A_811] {strides = array<i32>} : memref<32x1024xf32, #tpu.memory_space<vmem>>, vector<1x16xf32>,
        %parallel_loop3A_813 = vector.shape_cast %parallel_loop3A_812 : vector<1x16xf32> to vector<16xf32>
        %parallel_loop3A_814 = vector.shape_cast %parallel_loop3A_809 : vector<16xf32> to vector<1x16xf32>
        tpu.vector_store %arg6[%parallel_loop3A_810, %parallel_loop3A_811], %parallel_loop3A_814 {strides = array<i32>} : memref<32x1024xf32, #tpu.memory_space<vmem>>, vector<1x16xf32>,
        %parallel_loop3A_815 = arith.index_cast %parallel_loop3A_754 : i32 to index
        %parallel_loop3A_816 = arith.constant 224 : index
        %parallel_loop3A_817 = tpu.vector_load %arg6[%parallel_loop3A_815, %parallel_loop3A_816] {strides = array<i32>} : memref<32x1024xf32, #tpu.memory_space<vmem>>, vector<1x16xf32>,
        %parallel_loop3A_818 = vector.shape_cast %parallel_loop3A_817 : vector<1x16xf32> to vector<16xf32>
        %parallel_loop3A_819 = arith.addf %parallel_loop3A_818, %get3A_110 : vector<16xf32>
        %parallel_loop3A_820 = arith.index_cast %parallel_loop3A_754 : i32 to index
        %parallel_loop3A_821 = arith.constant 224 : index
        %parallel_loop3A_822 = tpu.vector_load %arg6[%parallel_loop3A_820, %parallel_loop3A_821] {strides = array<i32>} : memref<32x1024xf32, #tpu.memory_space<vmem>>, vector<1x16xf32>,
        %parallel_loop3A_823 = vector.shape_cast %parallel_loop3A_822 : vector<1x16xf32> to vector<16xf32>
        %parallel_loop3A_824 = vector.shape_cast %parallel_loop3A_819 : vector<16xf32> to vector<1x16xf32>
        tpu.vector_store %arg6[%parallel_loop3A_820, %parallel_loop3A_821], %parallel_loop3A_824 {strides = array<i32>} : memref<32x1024xf32, #tpu.memory_space<vmem>>, vector<1x16xf32>,
        %parallel_loop3A_825 = arith.index_cast %parallel_loop3A_754 : i32 to index
        %parallel_loop3A_826 = arith.constant 240 : index
        %parallel_loop3A_827 = tpu.vector_load %arg6[%parallel_loop3A_825, %parallel_loop3A_826] {strides = array<i32>} : memref<32x1024xf32, #tpu.memory_space<vmem>>, vector<1x16xf32>,
        %parallel_loop3A_828 = vector.shape_cast %parallel_loop3A_827 : vector<1x16xf32> to vector<16xf32>
        %parallel_loop3A_829 = arith.addf %parallel_loop3A_828, %get3A_115 : vector<16xf32>
        %parallel_loop3A_830 = arith.index_cast %parallel_loop3A_754 : i32 to index
        %parallel_loop3A_831 = arith.constant 240 : index
        %parallel_loop3A_832 = tpu.vector_load %arg6[%parallel_loop3A_830, %parallel_loop3A_831] {strides = array<i32>} : memref<32x1024xf32, #tpu.memory_space<vmem>>, vector<1x16xf32>,
        %parallel_loop3A_833 = vector.shape_cast %parallel_loop3A_832 : vector<1x16xf32> to vector<16xf32>
        %parallel_loop3A_834 = vector.shape_cast %parallel_loop3A_829 : vector<16xf32> to vector<1x16xf32>
        tpu.vector_store %arg6[%parallel_loop3A_830, %parallel_loop3A_831], %parallel_loop3A_834 {strides = array<i32>} : memref<32x1024xf32, #tpu.memory_space<vmem>>, vector<1x16xf32>,
      } {sc.loop_unroll_factor = 2 : i64, sc.parallel_access}
      %get3A_119 = arith.constant 2 : i32
      %get3A_120 = arith.index_cast %get3A_119 : i32 to index
      %get3A_121 = arith.constant 256 : index
      %get3A_122 = tpu.vector_load %arg5[%get3A_120, %get3A_121] {strides = array<i32>} : memref<3x1024xf32, #tpu.memory_space<vmem>>, vector<1x16xf32>,
      %get3A_123 = vector.shape_cast %get3A_122 : vector<1x16xf32> to vector<16xf32>
      %get3A_124 = arith.constant 2 : i32
      %get3A_125 = arith.index_cast %get3A_124 : i32 to index
      %get3A_126 = arith.constant 272 : index
      %get3A_127 = tpu.vector_load %arg5[%get3A_125, %get3A_126] {strides = array<i32>} : memref<3x1024xf32, #tpu.memory_space<vmem>>, vector<1x16xf32>,
      %get3A_128 = vector.shape_cast %get3A_127 : vector<1x16xf32> to vector<16xf32>
      %get3A_129 = arith.constant 2 : i32
      %get3A_130 = arith.index_cast %get3A_129 : i32 to index
      %get3A_131 = arith.constant 288 : index
      %get3A_132 = tpu.vector_load %arg5[%get3A_130, %get3A_131] {strides = array<i32>} : memref<3x1024xf32, #tpu.memory_space<vmem>>, vector<1x16xf32>,
      %get3A_133 = vector.shape_cast %get3A_132 : vector<1x16xf32> to vector<16xf32>
      %get3A_134 = arith.constant 2 : i32
      %get3A_135 = arith.index_cast %get3A_134 : i32 to index
      %get3A_136 = arith.constant 304 : index
      %get3A_137 = tpu.vector_load %arg5[%get3A_135, %get3A_136] {strides = array<i32>} : memref<3x1024xf32, #tpu.memory_space<vmem>>, vector<1x16xf32>,
      %get3A_138 = vector.shape_cast %get3A_137 : vector<1x16xf32> to vector<16xf32>
      %get3A_139 = arith.constant 2 : i32
      %get3A_140 = arith.index_cast %get3A_139 : i32 to index
      %get3A_141 = arith.constant 320 : index
      %get3A_142 = tpu.vector_load %arg5[%get3A_140, %get3A_141] {strides = array<i32>} : memref<3x1024xf32, #tpu.memory_space<vmem>>, vector<1x16xf32>,
      %get3A_143 = vector.shape_cast %get3A_142 : vector<1x16xf32> to vector<16xf32>
      %get3A_144 = arith.constant 2 : i32
      %get3A_145 = arith.index_cast %get3A_144 : i32 to index
      %get3A_146 = arith.constant 336 : index
      %get3A_147 = tpu.vector_load %arg5[%get3A_145, %get3A_146] {strides = array<i32>} : memref<3x1024xf32, #tpu.memory_space<vmem>>, vector<1x16xf32>,
      %get3A_148 = vector.shape_cast %get3A_147 : vector<1x16xf32> to vector<16xf32>
      %get3A_149 = arith.constant 2 : i32
      %get3A_150 = arith.index_cast %get3A_149 : i32 to index
      %get3A_151 = arith.constant 352 : index
      %get3A_152 = tpu.vector_load %arg5[%get3A_150, %get3A_151] {strides = array<i32>} : memref<3x1024xf32, #tpu.memory_space<vmem>>, vector<1x16xf32>,
      %get3A_153 = vector.shape_cast %get3A_152 : vector<1x16xf32> to vector<16xf32>
      %get3A_154 = arith.constant 2 : i32
      %get3A_155 = arith.index_cast %get3A_154 : i32 to index
      %get3A_156 = arith.constant 368 : index
      %get3A_157 = tpu.vector_load %arg5[%get3A_155, %get3A_156] {strides = array<i32>} : memref<3x1024xf32, #tpu.memory_space<vmem>>, vector<1x16xf32>,
      %get3A_158 = vector.shape_cast %get3A_157 : vector<1x16xf32> to vector<16xf32>
      %parallel_loop3A_159 = arith.constant 0 : i32
      %parallel_loop3A_160 = arith.constant 32 : i32
      %parallel_loop3A_161 = arith.constant 1 : i32
      scf.for %parallel_loop3A_754 = %parallel_loop3A_159 to %parallel_loop3A_160 step %parallel_loop3A_161  : i32 {
        %parallel_loop3A_755 = arith.index_cast %parallel_loop3A_754 : i32 to index
        %parallel_loop3A_756 = arith.constant 256 : index
        %parallel_loop3A_757 = tpu.vector_load %arg6[%parallel_loop3A_755, %parallel_loop3A_756] {strides = array<i32>} : memref<32x1024xf32, #tpu.memory_space<vmem>>, vector<1x16xf32>,
        %parallel_loop3A_758 = vector.shape_cast %parallel_loop3A_757 : vector<1x16xf32> to vector<16xf32>
        %parallel_loop3A_759 = arith.addf %parallel_loop3A_758, %get3A_123 : vector<16xf32>
        %parallel_loop3A_760 = arith.index_cast %parallel_loop3A_754 : i32 to index
        %parallel_loop3A_761 = arith.constant 256 : index
        %parallel_loop3A_762 = tpu.vector_load %arg6[%parallel_loop3A_760, %parallel_loop3A_761] {strides = array<i32>} : memref<32x1024xf32, #tpu.memory_space<vmem>>, vector<1x16xf32>,
        %parallel_loop3A_763 = vector.shape_cast %parallel_loop3A_762 : vector<1x16xf32> to vector<16xf32>
        %parallel_loop3A_764 = vector.shape_cast %parallel_loop3A_759 : vector<16xf32> to vector<1x16xf32>
        tpu.vector_store %arg6[%parallel_loop3A_760, %parallel_loop3A_761], %parallel_loop3A_764 {strides = array<i32>} : memref<32x1024xf32, #tpu.memory_space<vmem>>, vector<1x16xf32>,
        %parallel_loop3A_765 = arith.index_cast %parallel_loop3A_754 : i32 to index
        %parallel_loop3A_766 = arith.constant 272 : index
        %parallel_loop3A_767 = tpu.vector_load %arg6[%parallel_loop3A_765, %parallel_loop3A_766] {strides = array<i32>} : memref<32x1024xf32, #tpu.memory_space<vmem>>, vector<1x16xf32>,
        %parallel_loop3A_768 = vector.shape_cast %parallel_loop3A_767 : vector<1x16xf32> to vector<16xf32>
        %parallel_loop3A_769 = arith.addf %parallel_loop3A_768, %get3A_128 : vector<16xf32>
        %parallel_loop3A_770 = arith.index_cast %parallel_loop3A_754 : i32 to index
        %parallel_loop3A_771 = arith.constant 272 : index
        %parallel_loop3A_772 = tpu.vector_load %arg6[%parallel_loop3A_770, %parallel_loop3A_771] {strides = array<i32>} : memref<32x1024xf32, #tpu.memory_space<vmem>>, vector<1x16xf32>,
        %parallel_loop3A_773 = vector.shape_cast %parallel_loop3A_772 : vector<1x16xf32> to vector<16xf32>
        %parallel_loop3A_774 = vector.shape_cast %parallel_loop3A_769 : vector<16xf32> to vector<1x16xf32>
        tpu.vector_store %arg6[%parallel_loop3A_770, %parallel_loop3A_771], %parallel_loop3A_774 {strides = array<i32>} : memref<32x1024xf32, #tpu.memory_space<vmem>>, vector<1x16xf32>,
        %parallel_loop3A_775 = arith.index_cast %parallel_loop3A_754 : i32 to index
        %parallel_loop3A_776 = arith.constant 288 : index
        %parallel_loop3A_777 = tpu.vector_load %arg6[%parallel_loop3A_775, %parallel_loop3A_776] {strides = array<i32>} : memref<32x1024xf32, #tpu.memory_space<vmem>>, vector<1x16xf32>,
        %parallel_loop3A_778 = vector.shape_cast %parallel_loop3A_777 : vector<1x16xf32> to vector<16xf32>
        %parallel_loop3A_779 = arith.addf %parallel_loop3A_778, %get3A_133 : vector<16xf32>
        %parallel_loop3A_780 = arith.index_cast %parallel_loop3A_754 : i32 to index
        %parallel_loop3A_781 = arith.constant 288 : index
        %parallel_loop3A_782 = tpu.vector_load %arg6[%parallel_loop3A_780, %parallel_loop3A_781] {strides = array<i32>} : memref<32x1024xf32, #tpu.memory_space<vmem>>, vector<1x16xf32>,
        %parallel_loop3A_783 = vector.shape_cast %parallel_loop3A_782 : vector<1x16xf32> to vector<16xf32>
        %parallel_loop3A_784 = vector.shape_cast %parallel_loop3A_779 : vector<16xf32> to vector<1x16xf32>
        tpu.vector_store %arg6[%parallel_loop3A_780, %parallel_loop3A_781], %parallel_loop3A_784 {strides = array<i32>} : memref<32x1024xf32, #tpu.memory_space<vmem>>, vector<1x16xf32>,
        %parallel_loop3A_785 = arith.index_cast %parallel_loop3A_754 : i32 to index
        %parallel_loop3A_786 = arith.constant 304 : index
        %parallel_loop3A_787 = tpu.vector_load %arg6[%parallel_loop3A_785, %parallel_loop3A_786] {strides = array<i32>} : memref<32x1024xf32, #tpu.memory_space<vmem>>, vector<1x16xf32>,
        %parallel_loop3A_788 = vector.shape_cast %parallel_loop3A_787 : vector<1x16xf32> to vector<16xf32>
        %parallel_loop3A_789 = arith.addf %parallel_loop3A_788, %get3A_138 : vector<16xf32>
        %parallel_loop3A_790 = arith.index_cast %parallel_loop3A_754 : i32 to index
        %parallel_loop3A_791 = arith.constant 304 : index
        %parallel_loop3A_792 = tpu.vector_load %arg6[%parallel_loop3A_790, %parallel_loop3A_791] {strides = array<i32>} : memref<32x1024xf32, #tpu.memory_space<vmem>>, vector<1x16xf32>,
        %parallel_loop3A_793 = vector.shape_cast %parallel_loop3A_792 : vector<1x16xf32> to vector<16xf32>
        %parallel_loop3A_794 = vector.shape_cast %parallel_loop3A_789 : vector<16xf32> to vector<1x16xf32>
        tpu.vector_store %arg6[%parallel_loop3A_790, %parallel_loop3A_791], %parallel_loop3A_794 {strides = array<i32>} : memref<32x1024xf32, #tpu.memory_space<vmem>>, vector<1x16xf32>,
        %parallel_loop3A_795 = arith.index_cast %parallel_loop3A_754 : i32 to index
        %parallel_loop3A_796 = arith.constant 320 : index
        %parallel_loop3A_797 = tpu.vector_load %arg6[%parallel_loop3A_795, %parallel_loop3A_796] {strides = array<i32>} : memref<32x1024xf32, #tpu.memory_space<vmem>>, vector<1x16xf32>,
        %parallel_loop3A_798 = vector.shape_cast %parallel_loop3A_797 : vector<1x16xf32> to vector<16xf32>
        %parallel_loop3A_799 = arith.addf %parallel_loop3A_798, %get3A_143 : vector<16xf32>
        %parallel_loop3A_800 = arith.index_cast %parallel_loop3A_754 : i32 to index
        %parallel_loop3A_801 = arith.constant 320 : index
        %parallel_loop3A_802 = tpu.vector_load %arg6[%parallel_loop3A_800, %parallel_loop3A_801] {strides = array<i32>} : memref<32x1024xf32, #tpu.memory_space<vmem>>, vector<1x16xf32>,
        %parallel_loop3A_803 = vector.shape_cast %parallel_loop3A_802 : vector<1x16xf32> to vector<16xf32>
        %parallel_loop3A_804 = vector.shape_cast %parallel_loop3A_799 : vector<16xf32> to vector<1x16xf32>
        tpu.vector_store %arg6[%parallel_loop3A_800, %parallel_loop3A_801], %parallel_loop3A_804 {strides = array<i32>} : memref<32x1024xf32, #tpu.memory_space<vmem>>, vector<1x16xf32>,
        %parallel_loop3A_805 = arith.index_cast %parallel_loop3A_754 : i32 to index
        %parallel_loop3A_806 = arith.constant 336 : index
        %parallel_loop3A_807 = tpu.vector_load %arg6[%parallel_loop3A_805, %parallel_loop3A_806] {strides = array<i32>} : memref<32x1024xf32, #tpu.memory_space<vmem>>, vector<1x16xf32>,
        %parallel_loop3A_808 = vector.shape_cast %parallel_loop3A_807 : vector<1x16xf32> to vector<16xf32>
        %parallel_loop3A_809 = arith.addf %parallel_loop3A_808, %get3A_148 : vector<16xf32>
        %parallel_loop3A_810 = arith.index_cast %parallel_loop3A_754 : i32 to index
        %parallel_loop3A_811 = arith.constant 336 : index
        %parallel_loop3A_812 = tpu.vector_load %arg6[%parallel_loop3A_810, %parallel_loop3A_811] {strides = array<i32>} : memref<32x1024xf32, #tpu.memory_space<vmem>>, vector<1x16xf32>,
        %parallel_loop3A_813 = vector.shape_cast %parallel_loop3A_812 : vector<1x16xf32> to vector<16xf32>
        %parallel_loop3A_814 = vector.shape_cast %parallel_loop3A_809 : vector<16xf32> to vector<1x16xf32>
        tpu.vector_store %arg6[%parallel_loop3A_810, %parallel_loop3A_811], %parallel_loop3A_814 {strides = array<i32>} : memref<32x1024xf32, #tpu.memory_space<vmem>>, vector<1x16xf32>,
        %parallel_loop3A_815 = arith.index_cast %parallel_loop3A_754 : i32 to index
        %parallel_loop3A_816 = arith.constant 352 : index
        %parallel_loop3A_817 = tpu.vector_load %arg6[%parallel_loop3A_815, %parallel_loop3A_816] {strides = array<i32>} : memref<32x1024xf32, #tpu.memory_space<vmem>>, vector<1x16xf32>,
        %parallel_loop3A_818 = vector.shape_cast %parallel_loop3A_817 : vector<1x16xf32> to vector<16xf32>
        %parallel_loop3A_819 = arith.addf %parallel_loop3A_818, %get3A_153 : vector<16xf32>
        %parallel_loop3A_820 = arith.index_cast %parallel_loop3A_754 : i32 to index
        %parallel_loop3A_821 = arith.constant 352 : index
        %parallel_loop3A_822 = tpu.vector_load %arg6[%parallel_loop3A_820, %parallel_loop3A_821] {strides = array<i32>} : memref<32x1024xf32, #tpu.memory_space<vmem>>, vector<1x16xf32>,
        %parallel_loop3A_823 = vector.shape_cast %parallel_loop3A_822 : vector<1x16xf32> to vector<16xf32>
        %parallel_loop3A_824 = vector.shape_cast %parallel_loop3A_819 : vector<16xf32> to vector<1x16xf32>
        tpu.vector_store %arg6[%parallel_loop3A_820, %parallel_loop3A_821], %parallel_loop3A_824 {strides = array<i32>} : memref<32x1024xf32, #tpu.memory_space<vmem>>, vector<1x16xf32>,
        %parallel_loop3A_825 = arith.index_cast %parallel_loop3A_754 : i32 to index
        %parallel_loop3A_826 = arith.constant 368 : index
        %parallel_loop3A_827 = tpu.vector_load %arg6[%parallel_loop3A_825, %parallel_loop3A_826] {strides = array<i32>} : memref<32x1024xf32, #tpu.memory_space<vmem>>, vector<1x16xf32>,
        %parallel_loop3A_828 = vector.shape_cast %parallel_loop3A_827 : vector<1x16xf32> to vector<16xf32>
        %parallel_loop3A_829 = arith.addf %parallel_loop3A_828, %get3A_158 : vector<16xf32>
        %parallel_loop3A_830 = arith.index_cast %parallel_loop3A_754 : i32 to index
        %parallel_loop3A_831 = arith.constant 368 : index
        %parallel_loop3A_832 = tpu.vector_load %arg6[%parallel_loop3A_830, %parallel_loop3A_831] {strides = array<i32>} : memref<32x1024xf32, #tpu.memory_space<vmem>>, vector<1x16xf32>,
        %parallel_loop3A_833 = vector.shape_cast %parallel_loop3A_832 : vector<1x16xf32> to vector<16xf32>
        %parallel_loop3A_834 = vector.shape_cast %parallel_loop3A_829 : vector<16xf32> to vector<1x16xf32>
        tpu.vector_store %arg6[%parallel_loop3A_830, %parallel_loop3A_831], %parallel_loop3A_834 {strides = array<i32>} : memref<32x1024xf32, #tpu.memory_space<vmem>>, vector<1x16xf32>,
      } {sc.loop_unroll_factor = 2 : i64, sc.parallel_access}
      %get3A_162 = arith.constant 2 : i32
      %get3A_163 = arith.index_cast %get3A_162 : i32 to index
      %get3A_164 = arith.constant 384 : index
      %get3A_165 = tpu.vector_load %arg5[%get3A_163, %get3A_164] {strides = array<i32>} : memref<3x1024xf32, #tpu.memory_space<vmem>>, vector<1x16xf32>,
      %get3A_166 = vector.shape_cast %get3A_165 : vector<1x16xf32> to vector<16xf32>
      %get3A_167 = arith.constant 2 : i32
      %get3A_168 = arith.index_cast %get3A_167 : i32 to index
      %get3A_169 = arith.constant 400 : index
      %get3A_170 = tpu.vector_load %arg5[%get3A_168, %get3A_169] {strides = array<i32>} : memref<3x1024xf32, #tpu.memory_space<vmem>>, vector<1x16xf32>,
      %get3A_171 = vector.shape_cast %get3A_170 : vector<1x16xf32> to vector<16xf32>
      %get3A_172 = arith.constant 2 : i32
      %get3A_173 = arith.index_cast %get3A_172 : i32 to index
      %get3A_174 = arith.constant 416 : index
      %get3A_175 = tpu.vector_load %arg5[%get3A_173, %get3A_174] {strides = array<i32>} : memref<3x1024xf32, #tpu.memory_space<vmem>>, vector<1x16xf32>,
      %get3A_176 = vector.shape_cast %get3A_175 : vector<1x16xf32> to vector<16xf32>
      %get3A_177 = arith.constant 2 : i32
      %get3A_178 = arith.index_cast %get3A_177 : i32 to index
      %get3A_179 = arith.constant 432 : index
      %get3A_180 = tpu.vector_load %arg5[%get3A_178, %get3A_179] {strides = array<i32>} : memref<3x1024xf32, #tpu.memory_space<vmem>>, vector<1x16xf32>,
      %get3A_181 = vector.shape_cast %get3A_180 : vector<1x16xf32> to vector<16xf32>
      %get3A_182 = arith.constant 2 : i32
      %get3A_183 = arith.index_cast %get3A_182 : i32 to index
      %get3A_184 = arith.constant 448 : index
      %get3A_185 = tpu.vector_load %arg5[%get3A_183, %get3A_184] {strides = array<i32>} : memref<3x1024xf32, #tpu.memory_space<vmem>>, vector<1x16xf32>,
      %get3A_186 = vector.shape_cast %get3A_185 : vector<1x16xf32> to vector<16xf32>
      %get3A_187 = arith.constant 2 : i32
      %get3A_188 = arith.index_cast %get3A_187 : i32 to index
      %get3A_189 = arith.constant 464 : index
      %get3A_190 = tpu.vector_load %arg5[%get3A_188, %get3A_189] {strides = array<i32>} : memref<3x1024xf32, #tpu.memory_space<vmem>>, vector<1x16xf32>,
      %get3A_191 = vector.shape_cast %get3A_190 : vector<1x16xf32> to vector<16xf32>
      %get3A_192 = arith.constant 2 : i32
      %get3A_193 = arith.index_cast %get3A_192 : i32 to index
      %get3A_194 = arith.constant 480 : index
      %get3A_195 = tpu.vector_load %arg5[%get3A_193, %get3A_194] {strides = array<i32>} : memref<3x1024xf32, #tpu.memory_space<vmem>>, vector<1x16xf32>,
      %get3A_196 = vector.shape_cast %get3A_195 : vector<1x16xf32> to vector<16xf32>
      %get3A_197 = arith.constant 2 : i32
      %get3A_198 = arith.index_cast %get3A_197 : i32 to index
      %get3A_199 = arith.constant 496 : index
      %get3A_200 = tpu.vector_load %arg5[%get3A_198, %get3A_199] {strides = array<i32>} : memref<3x1024xf32, #tpu.memory_space<vmem>>, vector<1x16xf32>,
      %get3A_201 = vector.shape_cast %get3A_200 : vector<1x16xf32> to vector<16xf32>
      %parallel_loop3A_202 = arith.constant 0 : i32
      %parallel_loop3A_203 = arith.constant 32 : i32
      %parallel_loop3A_204 = arith.constant 1 : i32
      scf.for %parallel_loop3A_754 = %parallel_loop3A_202 to %parallel_loop3A_203 step %parallel_loop3A_204  : i32 {
        %parallel_loop3A_755 = arith.index_cast %parallel_loop3A_754 : i32 to index
        %parallel_loop3A_756 = arith.constant 384 : index
        %parallel_loop3A_757 = tpu.vector_load %arg6[%parallel_loop3A_755, %parallel_loop3A_756] {strides = array<i32>} : memref<32x1024xf32, #tpu.memory_space<vmem>>, vector<1x16xf32>,
        %parallel_loop3A_758 = vector.shape_cast %parallel_loop3A_757 : vector<1x16xf32> to vector<16xf32>
        %parallel_loop3A_759 = arith.addf %parallel_loop3A_758, %get3A_166 : vector<16xf32>
        %parallel_loop3A_760 = arith.index_cast %parallel_loop3A_754 : i32 to index
        %parallel_loop3A_761 = arith.constant 384 : index
        %parallel_loop3A_762 = tpu.vector_load %arg6[%parallel_loop3A_760, %parallel_loop3A_761] {strides = array<i32>} : memref<32x1024xf32, #tpu.memory_space<vmem>>, vector<1x16xf32>,
        %parallel_loop3A_763 = vector.shape_cast %parallel_loop3A_762 : vector<1x16xf32> to vector<16xf32>
        %parallel_loop3A_764 = vector.shape_cast %parallel_loop3A_759 : vector<16xf32> to vector<1x16xf32>
        tpu.vector_store %arg6[%parallel_loop3A_760, %parallel_loop3A_761], %parallel_loop3A_764 {strides = array<i32>} : memref<32x1024xf32, #tpu.memory_space<vmem>>, vector<1x16xf32>,
        %parallel_loop3A_765 = arith.index_cast %parallel_loop3A_754 : i32 to index
        %parallel_loop3A_766 = arith.constant 400 : index
        %parallel_loop3A_767 = tpu.vector_load %arg6[%parallel_loop3A_765, %parallel_loop3A_766] {strides = array<i32>} : memref<32x1024xf32, #tpu.memory_space<vmem>>, vector<1x16xf32>,
        %parallel_loop3A_768 = vector.shape_cast %parallel_loop3A_767 : vector<1x16xf32> to vector<16xf32>
        %parallel_loop3A_769 = arith.addf %parallel_loop3A_768, %get3A_171 : vector<16xf32>
        %parallel_loop3A_770 = arith.index_cast %parallel_loop3A_754 : i32 to index
        %parallel_loop3A_771 = arith.constant 400 : index
        %parallel_loop3A_772 = tpu.vector_load %arg6[%parallel_loop3A_770, %parallel_loop3A_771] {strides = array<i32>} : memref<32x1024xf32, #tpu.memory_space<vmem>>, vector<1x16xf32>,
        %parallel_loop3A_773 = vector.shape_cast %parallel_loop3A_772 : vector<1x16xf32> to vector<16xf32>
        %parallel_loop3A_774 = vector.shape_cast %parallel_loop3A_769 : vector<16xf32> to vector<1x16xf32>
        tpu.vector_store %arg6[%parallel_loop3A_770, %parallel_loop3A_771], %parallel_loop3A_774 {strides = array<i32>} : memref<32x1024xf32, #tpu.memory_space<vmem>>, vector<1x16xf32>,
        %parallel_loop3A_775 = arith.index_cast %parallel_loop3A_754 : i32 to index
        %parallel_loop3A_776 = arith.constant 416 : index
        %parallel_loop3A_777 = tpu.vector_load %arg6[%parallel_loop3A_775, %parallel_loop3A_776] {strides = array<i32>} : memref<32x1024xf32, #tpu.memory_space<vmem>>, vector<1x16xf32>,
        %parallel_loop3A_778 = vector.shape_cast %parallel_loop3A_777 : vector<1x16xf32> to vector<16xf32>
        %parallel_loop3A_779 = arith.addf %parallel_loop3A_778, %get3A_176 : vector<16xf32>
        %parallel_loop3A_780 = arith.index_cast %parallel_loop3A_754 : i32 to index
        %parallel_loop3A_781 = arith.constant 416 : index
        %parallel_loop3A_782 = tpu.vector_load %arg6[%parallel_loop3A_780, %parallel_loop3A_781] {strides = array<i32>} : memref<32x1024xf32, #tpu.memory_space<vmem>>, vector<1x16xf32>,
        %parallel_loop3A_783 = vector.shape_cast %parallel_loop3A_782 : vector<1x16xf32> to vector<16xf32>
        %parallel_loop3A_784 = vector.shape_cast %parallel_loop3A_779 : vector<16xf32> to vector<1x16xf32>
        tpu.vector_store %arg6[%parallel_loop3A_780, %parallel_loop3A_781], %parallel_loop3A_784 {strides = array<i32>} : memref<32x1024xf32, #tpu.memory_space<vmem>>, vector<1x16xf32>,
        %parallel_loop3A_785 = arith.index_cast %parallel_loop3A_754 : i32 to index
        %parallel_loop3A_786 = arith.constant 432 : index
        %parallel_loop3A_787 = tpu.vector_load %arg6[%parallel_loop3A_785, %parallel_loop3A_786] {strides = array<i32>} : memref<32x1024xf32, #tpu.memory_space<vmem>>, vector<1x16xf32>,
        %parallel_loop3A_788 = vector.shape_cast %parallel_loop3A_787 : vector<1x16xf32> to vector<16xf32>
        %parallel_loop3A_789 = arith.addf %parallel_loop3A_788, %get3A_181 : vector<16xf32>
        %parallel_loop3A_790 = arith.index_cast %parallel_loop3A_754 : i32 to index
        %parallel_loop3A_791 = arith.constant 432 : index
        %parallel_loop3A_792 = tpu.vector_load %arg6[%parallel_loop3A_790, %parallel_loop3A_791] {strides = array<i32>} : memref<32x1024xf32, #tpu.memory_space<vmem>>, vector<1x16xf32>,
        %parallel_loop3A_793 = vector.shape_cast %parallel_loop3A_792 : vector<1x16xf32> to vector<16xf32>
        %parallel_loop3A_794 = vector.shape_cast %parallel_loop3A_789 : vector<16xf32> to vector<1x16xf32>
        tpu.vector_store %arg6[%parallel_loop3A_790, %parallel_loop3A_791], %parallel_loop3A_794 {strides = array<i32>} : memref<32x1024xf32, #tpu.memory_space<vmem>>, vector<1x16xf32>,
        %parallel_loop3A_795 = arith.index_cast %parallel_loop3A_754 : i32 to index
        %parallel_loop3A_796 = arith.constant 448 : index
        %parallel_loop3A_797 = tpu.vector_load %arg6[%parallel_loop3A_795, %parallel_loop3A_796] {strides = array<i32>} : memref<32x1024xf32, #tpu.memory_space<vmem>>, vector<1x16xf32>,
        %parallel_loop3A_798 = vector.shape_cast %parallel_loop3A_797 : vector<1x16xf32> to vector<16xf32>
        %parallel_loop3A_799 = arith.addf %parallel_loop3A_798, %get3A_186 : vector<16xf32>
        %parallel_loop3A_800 = arith.index_cast %parallel_loop3A_754 : i32 to index
        %parallel_loop3A_801 = arith.constant 448 : index
        %parallel_loop3A_802 = tpu.vector_load %arg6[%parallel_loop3A_800, %parallel_loop3A_801] {strides = array<i32>} : memref<32x1024xf32, #tpu.memory_space<vmem>>, vector<1x16xf32>,
        %parallel_loop3A_803 = vector.shape_cast %parallel_loop3A_802 : vector<1x16xf32> to vector<16xf32>
        %parallel_loop3A_804 = vector.shape_cast %parallel_loop3A_799 : vector<16xf32> to vector<1x16xf32>
        tpu.vector_store %arg6[%parallel_loop3A_800, %parallel_loop3A_801], %parallel_loop3A_804 {strides = array<i32>} : memref<32x1024xf32, #tpu.memory_space<vmem>>, vector<1x16xf32>,
        %parallel_loop3A_805 = arith.index_cast %parallel_loop3A_754 : i32 to index
        %parallel_loop3A_806 = arith.constant 464 : index
        %parallel_loop3A_807 = tpu.vector_load %arg6[%parallel_loop3A_805, %parallel_loop3A_806] {strides = array<i32>} : memref<32x1024xf32, #tpu.memory_space<vmem>>, vector<1x16xf32>,
        %parallel_loop3A_808 = vector.shape_cast %parallel_loop3A_807 : vector<1x16xf32> to vector<16xf32>
        %parallel_loop3A_809 = arith.addf %parallel_loop3A_808, %get3A_191 : vector<16xf32>
        %parallel_loop3A_810 = arith.index_cast %parallel_loop3A_754 : i32 to index
        %parallel_loop3A_811 = arith.constant 464 : index
        %parallel_loop3A_812 = tpu.vector_load %arg6[%parallel_loop3A_810, %parallel_loop3A_811] {strides = array<i32>} : memref<32x1024xf32, #tpu.memory_space<vmem>>, vector<1x16xf32>,
        %parallel_loop3A_813 = vector.shape_cast %parallel_loop3A_812 : vector<1x16xf32> to vector<16xf32>
        %parallel_loop3A_814 = vector.shape_cast %parallel_loop3A_809 : vector<16xf32> to vector<1x16xf32>
        tpu.vector_store %arg6[%parallel_loop3A_810, %parallel_loop3A_811], %parallel_loop3A_814 {strides = array<i32>} : memref<32x1024xf32, #tpu.memory_space<vmem>>, vector<1x16xf32>,
        %parallel_loop3A_815 = arith.index_cast %parallel_loop3A_754 : i32 to index
        %parallel_loop3A_816 = arith.constant 480 : index
        %parallel_loop3A_817 = tpu.vector_load %arg6[%parallel_loop3A_815, %parallel_loop3A_816] {strides = array<i32>} : memref<32x1024xf32, #tpu.memory_space<vmem>>, vector<1x16xf32>,
        %parallel_loop3A_818 = vector.shape_cast %parallel_loop3A_817 : vector<1x16xf32> to vector<16xf32>
        %parallel_loop3A_819 = arith.addf %parallel_loop3A_818, %get3A_196 : vector<16xf32>
        %parallel_loop3A_820 = arith.index_cast %parallel_loop3A_754 : i32 to index
        %parallel_loop3A_821 = arith.constant 480 : index
        %parallel_loop3A_822 = tpu.vector_load %arg6[%parallel_loop3A_820, %parallel_loop3A_821] {strides = array<i32>} : memref<32x1024xf32, #tpu.memory_space<vmem>>, vector<1x16xf32>,
        %parallel_loop3A_823 = vector.shape_cast %parallel_loop3A_822 : vector<1x16xf32> to vector<16xf32>
        %parallel_loop3A_824 = vector.shape_cast %parallel_loop3A_819 : vector<16xf32> to vector<1x16xf32>
        tpu.vector_store %arg6[%parallel_loop3A_820, %parallel_loop3A_821], %parallel_loop3A_824 {strides = array<i32>} : memref<32x1024xf32, #tpu.memory_space<vmem>>, vector<1x16xf32>,
        %parallel_loop3A_825 = arith.index_cast %parallel_loop3A_754 : i32 to index
        %parallel_loop3A_826 = arith.constant 496 : index
        %parallel_loop3A_827 = tpu.vector_load %arg6[%parallel_loop3A_825, %parallel_loop3A_826] {strides = array<i32>} : memref<32x1024xf32, #tpu.memory_space<vmem>>, vector<1x16xf32>,
        %parallel_loop3A_828 = vector.shape_cast %parallel_loop3A_827 : vector<1x16xf32> to vector<16xf32>
        %parallel_loop3A_829 = arith.addf %parallel_loop3A_828, %get3A_201 : vector<16xf32>
        %parallel_loop3A_830 = arith.index_cast %parallel_loop3A_754 : i32 to index
        %parallel_loop3A_831 = arith.constant 496 : index
        %parallel_loop3A_832 = tpu.vector_load %arg6[%parallel_loop3A_830, %parallel_loop3A_831] {strides = array<i32>} : memref<32x1024xf32, #tpu.memory_space<vmem>>, vector<1x16xf32>,
        %parallel_loop3A_833 = vector.shape_cast %parallel_loop3A_832 : vector<1x16xf32> to vector<16xf32>
        %parallel_loop3A_834 = vector.shape_cast %parallel_loop3A_829 : vector<16xf32> to vector<1x16xf32>
        tpu.vector_store %arg6[%parallel_loop3A_830, %parallel_loop3A_831], %parallel_loop3A_834 {strides = array<i32>} : memref<32x1024xf32, #tpu.memory_space<vmem>>, vector<1x16xf32>,
      } {sc.loop_unroll_factor = 2 : i64, sc.parallel_access}
      %get3A_205 = arith.constant 2 : i32
      %get3A_206 = arith.index_cast %get3A_205 : i32 to index
      %get3A_207 = arith.constant 512 : index
      %get3A_208 = tpu.vector_load %arg5[%get3A_206, %get3A_207] {strides = array<i32>} : memref<3x1024xf32, #tpu.memory_space<vmem>>, vector<1x16xf32>,
      %get3A_209 = vector.shape_cast %get3A_208 : vector<1x16xf32> to vector<16xf32>
      %get3A_210 = arith.constant 2 : i32
      %get3A_211 = arith.index_cast %get3A_210 : i32 to index
      %get3A_212 = arith.constant 528 : index
      %get3A_213 = tpu.vector_load %arg5[%get3A_211, %get3A_212] {strides = array<i32>} : memref<3x1024xf32, #tpu.memory_space<vmem>>, vector<1x16xf32>,
      %get3A_214 = vector.shape_cast %get3A_213 : vector<1x16xf32> to vector<16xf32>
      %get3A_215 = arith.constant 2 : i32
      %get3A_216 = arith.index_cast %get3A_215 : i32 to index
      %get3A_217 = arith.constant 544 : index
      %get3A_218 = tpu.vector_load %arg5[%get3A_216, %get3A_217] {strides = array<i32>} : memref<3x1024xf32, #tpu.memory_space<vmem>>, vector<1x16xf32>,
      %get3A_219 = vector.shape_cast %get3A_218 : vector<1x16xf32> to vector<16xf32>
      %get3A_220 = arith.constant 2 : i32
      %get3A_221 = arith.index_cast %get3A_220 : i32 to index
      %get3A_222 = arith.constant 560 : index
      %get3A_223 = tpu.vector_load %arg5[%get3A_221, %get3A_222] {strides = array<i32>} : memref<3x1024xf32, #tpu.memory_space<vmem>>, vector<1x16xf32>,
      %get3A_224 = vector.shape_cast %get3A_223 : vector<1x16xf32> to vector<16xf32>
      %get3A_225 = arith.constant 2 : i32
      %get3A_226 = arith.index_cast %get3A_225 : i32 to index
      %get3A_227 = arith.constant 576 : index
      %get3A_228 = tpu.vector_load %arg5[%get3A_226, %get3A_227] {strides = array<i32>} : memref<3x1024xf32, #tpu.memory_space<vmem>>, vector<1x16xf32>,
      %get3A_229 = vector.shape_cast %get3A_228 : vector<1x16xf32> to vector<16xf32>
      %get3A_230 = arith.constant 2 : i32
      %get3A_231 = arith.index_cast %get3A_230 : i32 to index
      %get3A_232 = arith.constant 592 : index
      %get3A_233 = tpu.vector_load %arg5[%get3A_231, %get3A_232] {strides = array<i32>} : memref<3x1024xf32, #tpu.memory_space<vmem>>, vector<1x16xf32>,
      %get3A_234 = vector.shape_cast %get3A_233 : vector<1x16xf32> to vector<16xf32>
      %get3A_235 = arith.constant 2 : i32
      %get3A_236 = arith.index_cast %get3A_235 : i32 to index
      %get3A_237 = arith.constant 608 : index
      %get3A_238 = tpu.vector_load %arg5[%get3A_236, %get3A_237] {strides = array<i32>} : memref<3x1024xf32, #tpu.memory_space<vmem>>, vector<1x16xf32>,
      %get3A_239 = vector.shape_cast %get3A_238 : vector<1x16xf32> to vector<16xf32>
      %get3A_240 = arith.constant 2 : i32
      %get3A_241 = arith.index_cast %get3A_240 : i32 to index
      %get3A_242 = arith.constant 624 : index
      %get3A_243 = tpu.vector_load %arg5[%get3A_241, %get3A_242] {strides = array<i32>} : memref<3x1024xf32, #tpu.memory_space<vmem>>, vector<1x16xf32>,
      %get3A_244 = vector.shape_cast %get3A_243 : vector<1x16xf32> to vector<16xf32>
      %parallel_loop3A_245 = arith.constant 0 : i32
      %parallel_loop3A_246 = arith.constant 32 : i32
      %parallel_loop3A_247 = arith.constant 1 : i32
      scf.for %parallel_loop3A_754 = %parallel_loop3A_245 to %parallel_loop3A_246 step %parallel_loop3A_247  : i32 {
        %parallel_loop3A_755 = arith.index_cast %parallel_loop3A_754 : i32 to index
        %parallel_loop3A_756 = arith.constant 512 : index
        %parallel_loop3A_757 = tpu.vector_load %arg6[%parallel_loop3A_755, %parallel_loop3A_756] {strides = array<i32>} : memref<32x1024xf32, #tpu.memory_space<vmem>>, vector<1x16xf32>,
        %parallel_loop3A_758 = vector.shape_cast %parallel_loop3A_757 : vector<1x16xf32> to vector<16xf32>
        %parallel_loop3A_759 = arith.addf %parallel_loop3A_758, %get3A_209 : vector<16xf32>
        %parallel_loop3A_760 = arith.index_cast %parallel_loop3A_754 : i32 to index
        %parallel_loop3A_761 = arith.constant 512 : index
        %parallel_loop3A_762 = tpu.vector_load %arg6[%parallel_loop3A_760, %parallel_loop3A_761] {strides = array<i32>} : memref<32x1024xf32, #tpu.memory_space<vmem>>, vector<1x16xf32>,
        %parallel_loop3A_763 = vector.shape_cast %parallel_loop3A_762 : vector<1x16xf32> to vector<16xf32>
        %parallel_loop3A_764 = vector.shape_cast %parallel_loop3A_759 : vector<16xf32> to vector<1x16xf32>
        tpu.vector_store %arg6[%parallel_loop3A_760, %parallel_loop3A_761], %parallel_loop3A_764 {strides = array<i32>} : memref<32x1024xf32, #tpu.memory_space<vmem>>, vector<1x16xf32>,
        %parallel_loop3A_765 = arith.index_cast %parallel_loop3A_754 : i32 to index
        %parallel_loop3A_766 = arith.constant 528 : index
        %parallel_loop3A_767 = tpu.vector_load %arg6[%parallel_loop3A_765, %parallel_loop3A_766] {strides = array<i32>} : memref<32x1024xf32, #tpu.memory_space<vmem>>, vector<1x16xf32>,
        %parallel_loop3A_768 = vector.shape_cast %parallel_loop3A_767 : vector<1x16xf32> to vector<16xf32>
        %parallel_loop3A_769 = arith.addf %parallel_loop3A_768, %get3A_214 : vector<16xf32>
        %parallel_loop3A_770 = arith.index_cast %parallel_loop3A_754 : i32 to index
        %parallel_loop3A_771 = arith.constant 528 : index
        %parallel_loop3A_772 = tpu.vector_load %arg6[%parallel_loop3A_770, %parallel_loop3A_771] {strides = array<i32>} : memref<32x1024xf32, #tpu.memory_space<vmem>>, vector<1x16xf32>,
        %parallel_loop3A_773 = vector.shape_cast %parallel_loop3A_772 : vector<1x16xf32> to vector<16xf32>
        %parallel_loop3A_774 = vector.shape_cast %parallel_loop3A_769 : vector<16xf32> to vector<1x16xf32>
        tpu.vector_store %arg6[%parallel_loop3A_770, %parallel_loop3A_771], %parallel_loop3A_774 {strides = array<i32>} : memref<32x1024xf32, #tpu.memory_space<vmem>>, vector<1x16xf32>,
        %parallel_loop3A_775 = arith.index_cast %parallel_loop3A_754 : i32 to index
        %parallel_loop3A_776 = arith.constant 544 : index
        %parallel_loop3A_777 = tpu.vector_load %arg6[%parallel_loop3A_775, %parallel_loop3A_776] {strides = array<i32>} : memref<32x1024xf32, #tpu.memory_space<vmem>>, vector<1x16xf32>,
        %parallel_loop3A_778 = vector.shape_cast %parallel_loop3A_777 : vector<1x16xf32> to vector<16xf32>
        %parallel_loop3A_779 = arith.addf %parallel_loop3A_778, %get3A_219 : vector<16xf32>
        %parallel_loop3A_780 = arith.index_cast %parallel_loop3A_754 : i32 to index
        %parallel_loop3A_781 = arith.constant 544 : index
        %parallel_loop3A_782 = tpu.vector_load %arg6[%parallel_loop3A_780, %parallel_loop3A_781] {strides = array<i32>} : memref<32x1024xf32, #tpu.memory_space<vmem>>, vector<1x16xf32>,
        %parallel_loop3A_783 = vector.shape_cast %parallel_loop3A_782 : vector<1x16xf32> to vector<16xf32>
        %parallel_loop3A_784 = vector.shape_cast %parallel_loop3A_779 : vector<16xf32> to vector<1x16xf32>
        tpu.vector_store %arg6[%parallel_loop3A_780, %parallel_loop3A_781], %parallel_loop3A_784 {strides = array<i32>} : memref<32x1024xf32, #tpu.memory_space<vmem>>, vector<1x16xf32>,
        %parallel_loop3A_785 = arith.index_cast %parallel_loop3A_754 : i32 to index
        %parallel_loop3A_786 = arith.constant 560 : index
        %parallel_loop3A_787 = tpu.vector_load %arg6[%parallel_loop3A_785, %parallel_loop3A_786] {strides = array<i32>} : memref<32x1024xf32, #tpu.memory_space<vmem>>, vector<1x16xf32>,
        %parallel_loop3A_788 = vector.shape_cast %parallel_loop3A_787 : vector<1x16xf32> to vector<16xf32>
        %parallel_loop3A_789 = arith.addf %parallel_loop3A_788, %get3A_224 : vector<16xf32>
        %parallel_loop3A_790 = arith.index_cast %parallel_loop3A_754 : i32 to index
        %parallel_loop3A_791 = arith.constant 560 : index
        %parallel_loop3A_792 = tpu.vector_load %arg6[%parallel_loop3A_790, %parallel_loop3A_791] {strides = array<i32>} : memref<32x1024xf32, #tpu.memory_space<vmem>>, vector<1x16xf32>,
        %parallel_loop3A_793 = vector.shape_cast %parallel_loop3A_792 : vector<1x16xf32> to vector<16xf32>
        %parallel_loop3A_794 = vector.shape_cast %parallel_loop3A_789 : vector<16xf32> to vector<1x16xf32>
        tpu.vector_store %arg6[%parallel_loop3A_790, %parallel_loop3A_791], %parallel_loop3A_794 {strides = array<i32>} : memref<32x1024xf32, #tpu.memory_space<vmem>>, vector<1x16xf32>,
        %parallel_loop3A_795 = arith.index_cast %parallel_loop3A_754 : i32 to index
        %parallel_loop3A_796 = arith.constant 576 : index
        %parallel_loop3A_797 = tpu.vector_load %arg6[%parallel_loop3A_795, %parallel_loop3A_796] {strides = array<i32>} : memref<32x1024xf32, #tpu.memory_space<vmem>>, vector<1x16xf32>,
        %parallel_loop3A_798 = vector.shape_cast %parallel_loop3A_797 : vector<1x16xf32> to vector<16xf32>
        %parallel_loop3A_799 = arith.addf %parallel_loop3A_798, %get3A_229 : vector<16xf32>
        %parallel_loop3A_800 = arith.index_cast %parallel_loop3A_754 : i32 to index
        %parallel_loop3A_801 = arith.constant 576 : index
        %parallel_loop3A_802 = tpu.vector_load %arg6[%parallel_loop3A_800, %parallel_loop3A_801] {strides = array<i32>} : memref<32x1024xf32, #tpu.memory_space<vmem>>, vector<1x16xf32>,
        %parallel_loop3A_803 = vector.shape_cast %parallel_loop3A_802 : vector<1x16xf32> to vector<16xf32>
        %parallel_loop3A_804 = vector.shape_cast %parallel_loop3A_799 : vector<16xf32> to vector<1x16xf32>
        tpu.vector_store %arg6[%parallel_loop3A_800, %parallel_loop3A_801], %parallel_loop3A_804 {strides = array<i32>} : memref<32x1024xf32, #tpu.memory_space<vmem>>, vector<1x16xf32>,
        %parallel_loop3A_805 = arith.index_cast %parallel_loop3A_754 : i32 to index
        %parallel_loop3A_806 = arith.constant 592 : index
        %parallel_loop3A_807 = tpu.vector_load %arg6[%parallel_loop3A_805, %parallel_loop3A_806] {strides = array<i32>} : memref<32x1024xf32, #tpu.memory_space<vmem>>, vector<1x16xf32>,
        %parallel_loop3A_808 = vector.shape_cast %parallel_loop3A_807 : vector<1x16xf32> to vector<16xf32>
        %parallel_loop3A_809 = arith.addf %parallel_loop3A_808, %get3A_234 : vector<16xf32>
        %parallel_loop3A_810 = arith.index_cast %parallel_loop3A_754 : i32 to index
        %parallel_loop3A_811 = arith.constant 592 : index
        %parallel_loop3A_812 = tpu.vector_load %arg6[%parallel_loop3A_810, %parallel_loop3A_811] {strides = array<i32>} : memref<32x1024xf32, #tpu.memory_space<vmem>>, vector<1x16xf32>,
        %parallel_loop3A_813 = vector.shape_cast %parallel_loop3A_812 : vector<1x16xf32> to vector<16xf32>
        %parallel_loop3A_814 = vector.shape_cast %parallel_loop3A_809 : vector<16xf32> to vector<1x16xf32>
        tpu.vector_store %arg6[%parallel_loop3A_810, %parallel_loop3A_811], %parallel_loop3A_814 {strides = array<i32>} : memref<32x1024xf32, #tpu.memory_space<vmem>>, vector<1x16xf32>,
        %parallel_loop3A_815 = arith.index_cast %parallel_loop3A_754 : i32 to index
        %parallel_loop3A_816 = arith.constant 608 : index
        %parallel_loop3A_817 = tpu.vector_load %arg6[%parallel_loop3A_815, %parallel_loop3A_816] {strides = array<i32>} : memref<32x1024xf32, #tpu.memory_space<vmem>>, vector<1x16xf32>,
        %parallel_loop3A_818 = vector.shape_cast %parallel_loop3A_817 : vector<1x16xf32> to vector<16xf32>
        %parallel_loop3A_819 = arith.addf %parallel_loop3A_818, %get3A_239 : vector<16xf32>
        %parallel_loop3A_820 = arith.index_cast %parallel_loop3A_754 : i32 to index
        %parallel_loop3A_821 = arith.constant 608 : index
        %parallel_loop3A_822 = tpu.vector_load %arg6[%parallel_loop3A_820, %parallel_loop3A_821] {strides = array<i32>} : memref<32x1024xf32, #tpu.memory_space<vmem>>, vector<1x16xf32>,
        %parallel_loop3A_823 = vector.shape_cast %parallel_loop3A_822 : vector<1x16xf32> to vector<16xf32>
        %parallel_loop3A_824 = vector.shape_cast %parallel_loop3A_819 : vector<16xf32> to vector<1x16xf32>
        tpu.vector_store %arg6[%parallel_loop3A_820, %parallel_loop3A_821], %parallel_loop3A_824 {strides = array<i32>} : memref<32x1024xf32, #tpu.memory_space<vmem>>, vector<1x16xf32>,
        %parallel_loop3A_825 = arith.index_cast %parallel_loop3A_754 : i32 to index
        %parallel_loop3A_826 = arith.constant 624 : index
        %parallel_loop3A_827 = tpu.vector_load %arg6[%parallel_loop3A_825, %parallel_loop3A_826] {strides = array<i32>} : memref<32x1024xf32, #tpu.memory_space<vmem>>, vector<1x16xf32>,
        %parallel_loop3A_828 = vector.shape_cast %parallel_loop3A_827 : vector<1x16xf32> to vector<16xf32>
        %parallel_loop3A_829 = arith.addf %parallel_loop3A_828, %get3A_244 : vector<16xf32>
        %parallel_loop3A_830 = arith.index_cast %parallel_loop3A_754 : i32 to index
        %parallel_loop3A_831 = arith.constant 624 : index
        %parallel_loop3A_832 = tpu.vector_load %arg6[%parallel_loop3A_830, %parallel_loop3A_831] {strides = array<i32>} : memref<32x1024xf32, #tpu.memory_space<vmem>>, vector<1x16xf32>,
        %parallel_loop3A_833 = vector.shape_cast %parallel_loop3A_832 : vector<1x16xf32> to vector<16xf32>
        %parallel_loop3A_834 = vector.shape_cast %parallel_loop3A_829 : vector<16xf32> to vector<1x16xf32>
        tpu.vector_store %arg6[%parallel_loop3A_830, %parallel_loop3A_831], %parallel_loop3A_834 {strides = array<i32>} : memref<32x1024xf32, #tpu.memory_space<vmem>>, vector<1x16xf32>,
      } {sc.loop_unroll_factor = 2 : i64, sc.parallel_access}
      %get3A_248 = arith.constant 2 : i32
      %get3A_249 = arith.index_cast %get3A_248 : i32 to index
      %get3A_250 = arith.constant 640 : index
      %get3A_251 = tpu.vector_load %arg5[%get3A_249, %get3A_250] {strides = array<i32>} : memref<3x1024xf32, #tpu.memory_space<vmem>>, vector<1x16xf32>,
      %get3A_252 = vector.shape_cast %get3A_251 : vector<1x16xf32> to vector<16xf32>
      %get3A_253 = arith.constant 2 : i32
      %get3A_254 = arith.index_cast %get3A_253 : i32 to index
      %get3A_255 = arith.constant 656 : index
      %get3A_256 = tpu.vector_load %arg5[%get3A_254, %get3A_255] {strides = array<i32>} : memref<3x1024xf32, #tpu.memory_space<vmem>>, vector<1x16xf32>,
      %get3A_257 = vector.shape_cast %get3A_256 : vector<1x16xf32> to vector<16xf32>
      %get3A_258 = arith.constant 2 : i32
      %get3A_259 = arith.index_cast %get3A_258 : i32 to index
      %get3A_260 = arith.constant 672 : index
      %get3A_261 = tpu.vector_load %arg5[%get3A_259, %get3A_260] {strides = array<i32>} : memref<3x1024xf32, #tpu.memory_space<vmem>>, vector<1x16xf32>,
      %get3A_262 = vector.shape_cast %get3A_261 : vector<1x16xf32> to vector<16xf32>
      %get3A_263 = arith.constant 2 : i32
      %get3A_264 = arith.index_cast %get3A_263 : i32 to index
      %get3A_265 = arith.constant 688 : index
      %get3A_266 = tpu.vector_load %arg5[%get3A_264, %get3A_265] {strides = array<i32>} : memref<3x1024xf32, #tpu.memory_space<vmem>>, vector<1x16xf32>,
      %get3A_267 = vector.shape_cast %get3A_266 : vector<1x16xf32> to vector<16xf32>
      %get3A_268 = arith.constant 2 : i32
      %get3A_269 = arith.index_cast %get3A_268 : i32 to index
      %get3A_270 = arith.constant 704 : index
      %get3A_271 = tpu.vector_load %arg5[%get3A_269, %get3A_270] {strides = array<i32>} : memref<3x1024xf32, #tpu.memory_space<vmem>>, vector<1x16xf32>,
      %get3A_272 = vector.shape_cast %get3A_271 : vector<1x16xf32> to vector<16xf32>
      %get3A_273 = arith.constant 2 : i32
      %get3A_274 = arith.index_cast %get3A_273 : i32 to index
      %get3A_275 = arith.constant 720 : index
      %get3A_276 = tpu.vector_load %arg5[%get3A_274, %get3A_275] {strides = array<i32>} : memref<3x1024xf32, #tpu.memory_space<vmem>>, vector<1x16xf32>,
      %get3A_277 = vector.shape_cast %get3A_276 : vector<1x16xf32> to vector<16xf32>
      %get3A_278 = arith.constant 2 : i32
      %get3A_279 = arith.index_cast %get3A_278 : i32 to index
      %get3A_280 = arith.constant 736 : index
      %get3A_281 = tpu.vector_load %arg5[%get3A_279, %get3A_280] {strides = array<i32>} : memref<3x1024xf32, #tpu.memory_space<vmem>>, vector<1x16xf32>,
      %get3A_282 = vector.shape_cast %get3A_281 : vector<1x16xf32> to vector<16xf32>
      %get3A_283 = arith.constant 2 : i32
      %get3A_284 = arith.index_cast %get3A_283 : i32 to index
      %get3A_285 = arith.constant 752 : index
      %get3A_286 = tpu.vector_load %arg5[%get3A_284, %get3A_285] {strides = array<i32>} : memref<3x1024xf32, #tpu.memory_space<vmem>>, vector<1x16xf32>,
      %get3A_287 = vector.shape_cast %get3A_286 : vector<1x16xf32> to vector<16xf32>
      %parallel_loop3A_288 = arith.constant 0 : i32
      %parallel_loop3A_289 = arith.constant 32 : i32
      %parallel_loop3A_290 = arith.constant 1 : i32
      scf.for %parallel_loop3A_754 = %parallel_loop3A_288 to %parallel_loop3A_289 step %parallel_loop3A_290  : i32 {
        %parallel_loop3A_755 = arith.index_cast %parallel_loop3A_754 : i32 to index
        %parallel_loop3A_756 = arith.constant 640 : index
        %parallel_loop3A_757 = tpu.vector_load %arg6[%parallel_loop3A_755, %parallel_loop3A_756] {strides = array<i32>} : memref<32x1024xf32, #tpu.memory_space<vmem>>, vector<1x16xf32>,
        %parallel_loop3A_758 = vector.shape_cast %parallel_loop3A_757 : vector<1x16xf32> to vector<16xf32>
        %parallel_loop3A_759 = arith.addf %parallel_loop3A_758, %get3A_252 : vector<16xf32>
        %parallel_loop3A_760 = arith.index_cast %parallel_loop3A_754 : i32 to index
        %parallel_loop3A_761 = arith.constant 640 : index
        %parallel_loop3A_762 = tpu.vector_load %arg6[%parallel_loop3A_760, %parallel_loop3A_761] {strides = array<i32>} : memref<32x1024xf32, #tpu.memory_space<vmem>>, vector<1x16xf32>,
        %parallel_loop3A_763 = vector.shape_cast %parallel_loop3A_762 : vector<1x16xf32> to vector<16xf32>
        %parallel_loop3A_764 = vector.shape_cast %parallel_loop3A_759 : vector<16xf32> to vector<1x16xf32>
        tpu.vector_store %arg6[%parallel_loop3A_760, %parallel_loop3A_761], %parallel_loop3A_764 {strides = array<i32>} : memref<32x1024xf32, #tpu.memory_space<vmem>>, vector<1x16xf32>,
        %parallel_loop3A_765 = arith.index_cast %parallel_loop3A_754 : i32 to index
        %parallel_loop3A_766 = arith.constant 656 : index
        %parallel_loop3A_767 = tpu.vector_load %arg6[%parallel_loop3A_765, %parallel_loop3A_766] {strides = array<i32>} : memref<32x1024xf32, #tpu.memory_space<vmem>>, vector<1x16xf32>,
        %parallel_loop3A_768 = vector.shape_cast %parallel_loop3A_767 : vector<1x16xf32> to vector<16xf32>
        %parallel_loop3A_769 = arith.addf %parallel_loop3A_768, %get3A_257 : vector<16xf32>
        %parallel_loop3A_770 = arith.index_cast %parallel_loop3A_754 : i32 to index
        %parallel_loop3A_771 = arith.constant 656 : index
        %parallel_loop3A_772 = tpu.vector_load %arg6[%parallel_loop3A_770, %parallel_loop3A_771] {strides = array<i32>} : memref<32x1024xf32, #tpu.memory_space<vmem>>, vector<1x16xf32>,
        %parallel_loop3A_773 = vector.shape_cast %parallel_loop3A_772 : vector<1x16xf32> to vector<16xf32>
        %parallel_loop3A_774 = vector.shape_cast %parallel_loop3A_769 : vector<16xf32> to vector<1x16xf32>
        tpu.vector_store %arg6[%parallel_loop3A_770, %parallel_loop3A_771], %parallel_loop3A_774 {strides = array<i32>} : memref<32x1024xf32, #tpu.memory_space<vmem>>, vector<1x16xf32>,
        %parallel_loop3A_775 = arith.index_cast %parallel_loop3A_754 : i32 to index
        %parallel_loop3A_776 = arith.constant 672 : index
        %parallel_loop3A_777 = tpu.vector_load %arg6[%parallel_loop3A_775, %parallel_loop3A_776] {strides = array<i32>} : memref<32x1024xf32, #tpu.memory_space<vmem>>, vector<1x16xf32>,
        %parallel_loop3A_778 = vector.shape_cast %parallel_loop3A_777 : vector<1x16xf32> to vector<16xf32>
        %parallel_loop3A_779 = arith.addf %parallel_loop3A_778, %get3A_262 : vector<16xf32>
        %parallel_loop3A_780 = arith.index_cast %parallel_loop3A_754 : i32 to index
        %parallel_loop3A_781 = arith.constant 672 : index
        %parallel_loop3A_782 = tpu.vector_load %arg6[%parallel_loop3A_780, %parallel_loop3A_781] {strides = array<i32>} : memref<32x1024xf32, #tpu.memory_space<vmem>>, vector<1x16xf32>,
        %parallel_loop3A_783 = vector.shape_cast %parallel_loop3A_782 : vector<1x16xf32> to vector<16xf32>
        %parallel_loop3A_784 = vector.shape_cast %parallel_loop3A_779 : vector<16xf32> to vector<1x16xf32>
        tpu.vector_store %arg6[%parallel_loop3A_780, %parallel_loop3A_781], %parallel_loop3A_784 {strides = array<i32>} : memref<32x1024xf32, #tpu.memory_space<vmem>>, vector<1x16xf32>,
        %parallel_loop3A_785 = arith.index_cast %parallel_loop3A_754 : i32 to index
        %parallel_loop3A_786 = arith.constant 688 : index
        %parallel_loop3A_787 = tpu.vector_load %arg6[%parallel_loop3A_785, %parallel_loop3A_786] {strides = array<i32>} : memref<32x1024xf32, #tpu.memory_space<vmem>>, vector<1x16xf32>,
        %parallel_loop3A_788 = vector.shape_cast %parallel_loop3A_787 : vector<1x16xf32> to vector<16xf32>
        %parallel_loop3A_789 = arith.addf %parallel_loop3A_788, %get3A_267 : vector<16xf32>
        %parallel_loop3A_790 = arith.index_cast %parallel_loop3A_754 : i32 to index
        %parallel_loop3A_791 = arith.constant 688 : index
        %parallel_loop3A_792 = tpu.vector_load %arg6[%parallel_loop3A_790, %parallel_loop3A_791] {strides = array<i32>} : memref<32x1024xf32, #tpu.memory_space<vmem>>, vector<1x16xf32>,
        %parallel_loop3A_793 = vector.shape_cast %parallel_loop3A_792 : vector<1x16xf32> to vector<16xf32>
        %parallel_loop3A_794 = vector.shape_cast %parallel_loop3A_789 : vector<16xf32> to vector<1x16xf32>
        tpu.vector_store %arg6[%parallel_loop3A_790, %parallel_loop3A_791], %parallel_loop3A_794 {strides = array<i32>} : memref<32x1024xf32, #tpu.memory_space<vmem>>, vector<1x16xf32>,
        %parallel_loop3A_795 = arith.index_cast %parallel_loop3A_754 : i32 to index
        %parallel_loop3A_796 = arith.constant 704 : index
        %parallel_loop3A_797 = tpu.vector_load %arg6[%parallel_loop3A_795, %parallel_loop3A_796] {strides = array<i32>} : memref<32x1024xf32, #tpu.memory_space<vmem>>, vector<1x16xf32>,
        %parallel_loop3A_798 = vector.shape_cast %parallel_loop3A_797 : vector<1x16xf32> to vector<16xf32>
        %parallel_loop3A_799 = arith.addf %parallel_loop3A_798, %get3A_272 : vector<16xf32>
        %parallel_loop3A_800 = arith.index_cast %parallel_loop3A_754 : i32 to index
        %parallel_loop3A_801 = arith.constant 704 : index
        %parallel_loop3A_802 = tpu.vector_load %arg6[%parallel_loop3A_800, %parallel_loop3A_801] {strides = array<i32>} : memref<32x1024xf32, #tpu.memory_space<vmem>>, vector<1x16xf32>,
        %parallel_loop3A_803 = vector.shape_cast %parallel_loop3A_802 : vector<1x16xf32> to vector<16xf32>
        %parallel_loop3A_804 = vector.shape_cast %parallel_loop3A_799 : vector<16xf32> to vector<1x16xf32>
        tpu.vector_store %arg6[%parallel_loop3A_800, %parallel_loop3A_801], %parallel_loop3A_804 {strides = array<i32>} : memref<32x1024xf32, #tpu.memory_space<vmem>>, vector<1x16xf32>,
        %parallel_loop3A_805 = arith.index_cast %parallel_loop3A_754 : i32 to index
        %parallel_loop3A_806 = arith.constant 720 : index
        %parallel_loop3A_807 = tpu.vector_load %arg6[%parallel_loop3A_805, %parallel_loop3A_806] {strides = array<i32>} : memref<32x1024xf32, #tpu.memory_space<vmem>>, vector<1x16xf32>,
        %parallel_loop3A_808 = vector.shape_cast %parallel_loop3A_807 : vector<1x16xf32> to vector<16xf32>
        %parallel_loop3A_809 = arith.addf %parallel_loop3A_808, %get3A_277 : vector<16xf32>
        %parallel_loop3A_810 = arith.index_cast %parallel_loop3A_754 : i32 to index
        %parallel_loop3A_811 = arith.constant 720 : index
        %parallel_loop3A_812 = tpu.vector_load %arg6[%parallel_loop3A_810, %parallel_loop3A_811] {strides = array<i32>} : memref<32x1024xf32, #tpu.memory_space<vmem>>, vector<1x16xf32>,
        %parallel_loop3A_813 = vector.shape_cast %parallel_loop3A_812 : vector<1x16xf32> to vector<16xf32>
        %parallel_loop3A_814 = vector.shape_cast %parallel_loop3A_809 : vector<16xf32> to vector<1x16xf32>
        tpu.vector_store %arg6[%parallel_loop3A_810, %parallel_loop3A_811], %parallel_loop3A_814 {strides = array<i32>} : memref<32x1024xf32, #tpu.memory_space<vmem>>, vector<1x16xf32>,
        %parallel_loop3A_815 = arith.index_cast %parallel_loop3A_754 : i32 to index
        %parallel_loop3A_816 = arith.constant 736 : index
        %parallel_loop3A_817 = tpu.vector_load %arg6[%parallel_loop3A_815, %parallel_loop3A_816] {strides = array<i32>} : memref<32x1024xf32, #tpu.memory_space<vmem>>, vector<1x16xf32>,
        %parallel_loop3A_818 = vector.shape_cast %parallel_loop3A_817 : vector<1x16xf32> to vector<16xf32>
        %parallel_loop3A_819 = arith.addf %parallel_loop3A_818, %get3A_282 : vector<16xf32>
        %parallel_loop3A_820 = arith.index_cast %parallel_loop3A_754 : i32 to index
        %parallel_loop3A_821 = arith.constant 736 : index
        %parallel_loop3A_822 = tpu.vector_load %arg6[%parallel_loop3A_820, %parallel_loop3A_821] {strides = array<i32>} : memref<32x1024xf32, #tpu.memory_space<vmem>>, vector<1x16xf32>,
        %parallel_loop3A_823 = vector.shape_cast %parallel_loop3A_822 : vector<1x16xf32> to vector<16xf32>
        %parallel_loop3A_824 = vector.shape_cast %parallel_loop3A_819 : vector<16xf32> to vector<1x16xf32>
        tpu.vector_store %arg6[%parallel_loop3A_820, %parallel_loop3A_821], %parallel_loop3A_824 {strides = array<i32>} : memref<32x1024xf32, #tpu.memory_space<vmem>>, vector<1x16xf32>,
        %parallel_loop3A_825 = arith.index_cast %parallel_loop3A_754 : i32 to index
        %parallel_loop3A_826 = arith.constant 752 : index
        %parallel_loop3A_827 = tpu.vector_load %arg6[%parallel_loop3A_825, %parallel_loop3A_826] {strides = array<i32>} : memref<32x1024xf32, #tpu.memory_space<vmem>>, vector<1x16xf32>,
        %parallel_loop3A_828 = vector.shape_cast %parallel_loop3A_827 : vector<1x16xf32> to vector<16xf32>
        %parallel_loop3A_829 = arith.addf %parallel_loop3A_828, %get3A_287 : vector<16xf32>
        %parallel_loop3A_830 = arith.index_cast %parallel_loop3A_754 : i32 to index
        %parallel_loop3A_831 = arith.constant 752 : index
        %parallel_loop3A_832 = tpu.vector_load %arg6[%parallel_loop3A_830, %parallel_loop3A_831] {strides = array<i32>} : memref<32x1024xf32, #tpu.memory_space<vmem>>, vector<1x16xf32>,
        %parallel_loop3A_833 = vector.shape_cast %parallel_loop3A_832 : vector<1x16xf32> to vector<16xf32>
        %parallel_loop3A_834 = vector.shape_cast %parallel_loop3A_829 : vector<16xf32> to vector<1x16xf32>
        tpu.vector_store %arg6[%parallel_loop3A_830, %parallel_loop3A_831], %parallel_loop3A_834 {strides = array<i32>} : memref<32x1024xf32, #tpu.memory_space<vmem>>, vector<1x16xf32>,
      } {sc.loop_unroll_factor = 2 : i64, sc.parallel_access}
      %get3A_291 = arith.constant 2 : i32
      %get3A_292 = arith.index_cast %get3A_291 : i32 to index
      %get3A_293 = arith.constant 768 : index
      %get3A_294 = tpu.vector_load %arg5[%get3A_292, %get3A_293] {strides = array<i32>} : memref<3x1024xf32, #tpu.memory_space<vmem>>, vector<1x16xf32>,
      %get3A_295 = vector.shape_cast %get3A_294 : vector<1x16xf32> to vector<16xf32>
      %get3A_296 = arith.constant 2 : i32
      %get3A_297 = arith.index_cast %get3A_296 : i32 to index
      %get3A_298 = arith.constant 784 : index
      %get3A_299 = tpu.vector_load %arg5[%get3A_297, %get3A_298] {strides = array<i32>} : memref<3x1024xf32, #tpu.memory_space<vmem>>, vector<1x16xf32>,
      %get3A_300 = vector.shape_cast %get3A_299 : vector<1x16xf32> to vector<16xf32>
      %get3A_301 = arith.constant 2 : i32
      %get3A_302 = arith.index_cast %get3A_301 : i32 to index
      %get3A_303 = arith.constant 800 : index
      %get3A_304 = tpu.vector_load %arg5[%get3A_302, %get3A_303] {strides = array<i32>} : memref<3x1024xf32, #tpu.memory_space<vmem>>, vector<1x16xf32>,
      %get3A_305 = vector.shape_cast %get3A_304 : vector<1x16xf32> to vector<16xf32>
      %get3A_306 = arith.constant 2 : i32
      %get3A_307 = arith.index_cast %get3A_306 : i32 to index
      %get3A_308 = arith.constant 816 : index
      %get3A_309 = tpu.vector_load %arg5[%get3A_307, %get3A_308] {strides = array<i32>} : memref<3x1024xf32, #tpu.memory_space<vmem>>, vector<1x16xf32>,
      %get3A_310 = vector.shape_cast %get3A_309 : vector<1x16xf32> to vector<16xf32>
      %get3A_311 = arith.constant 2 : i32
      %get3A_312 = arith.index_cast %get3A_311 : i32 to index
      %get3A_313 = arith.constant 832 : index
      %get3A_314 = tpu.vector_load %arg5[%get3A_312, %get3A_313] {strides = array<i32>} : memref<3x1024xf32, #tpu.memory_space<vmem>>, vector<1x16xf32>,
      %get3A_315 = vector.shape_cast %get3A_314 : vector<1x16xf32> to vector<16xf32>
      %get3A_316 = arith.constant 2 : i32
      %get3A_317 = arith.index_cast %get3A_316 : i32 to index
      %get3A_318 = arith.constant 848 : index
      %get3A_319 = tpu.vector_load %arg5[%get3A_317, %get3A_318] {strides = array<i32>} : memref<3x1024xf32, #tpu.memory_space<vmem>>, vector<1x16xf32>,
      %get3A_320 = vector.shape_cast %get3A_319 : vector<1x16xf32> to vector<16xf32>
      %get3A_321 = arith.constant 2 : i32
      %get3A_322 = arith.index_cast %get3A_321 : i32 to index
      %get3A_323 = arith.constant 864 : index
      %get3A_324 = tpu.vector_load %arg5[%get3A_322, %get3A_323] {strides = array<i32>} : memref<3x1024xf32, #tpu.memory_space<vmem>>, vector<1x16xf32>,
      %get3A_325 = vector.shape_cast %get3A_324 : vector<1x16xf32> to vector<16xf32>
      %get3A_326 = arith.constant 2 : i32
      %get3A_327 = arith.index_cast %get3A_326 : i32 to index
      %get3A_328 = arith.constant 880 : index
      %get3A_329 = tpu.vector_load %arg5[%get3A_327, %get3A_328] {strides = array<i32>} : memref<3x1024xf32, #tpu.memory_space<vmem>>, vector<1x16xf32>,
      %get3A_330 = vector.shape_cast %get3A_329 : vector<1x16xf32> to vector<16xf32>
      %parallel_loop3A_331 = arith.constant 0 : i32
      %parallel_loop3A_332 = arith.constant 32 : i32
      %parallel_loop3A_333 = arith.constant 1 : i32
      scf.for %parallel_loop3A_754 = %parallel_loop3A_331 to %parallel_loop3A_332 step %parallel_loop3A_333  : i32 {
        %parallel_loop3A_755 = arith.index_cast %parallel_loop3A_754 : i32 to index
        %parallel_loop3A_756 = arith.constant 768 : index
        %parallel_loop3A_757 = tpu.vector_load %arg6[%parallel_loop3A_755, %parallel_loop3A_756] {strides = array<i32>} : memref<32x1024xf32, #tpu.memory_space<vmem>>, vector<1x16xf32>,
        %parallel_loop3A_758 = vector.shape_cast %parallel_loop3A_757 : vector<1x16xf32> to vector<16xf32>
        %parallel_loop3A_759 = arith.addf %parallel_loop3A_758, %get3A_295 : vector<16xf32>
        %parallel_loop3A_760 = arith.index_cast %parallel_loop3A_754 : i32 to index
        %parallel_loop3A_761 = arith.constant 768 : index
        %parallel_loop3A_762 = tpu.vector_load %arg6[%parallel_loop3A_760, %parallel_loop3A_761] {strides = array<i32>} : memref<32x1024xf32, #tpu.memory_space<vmem>>, vector<1x16xf32>,
        %parallel_loop3A_763 = vector.shape_cast %parallel_loop3A_762 : vector<1x16xf32> to vector<16xf32>
        %parallel_loop3A_764 = vector.shape_cast %parallel_loop3A_759 : vector<16xf32> to vector<1x16xf32>
        tpu.vector_store %arg6[%parallel_loop3A_760, %parallel_loop3A_761], %parallel_loop3A_764 {strides = array<i32>} : memref<32x1024xf32, #tpu.memory_space<vmem>>, vector<1x16xf32>,
        %parallel_loop3A_765 = arith.index_cast %parallel_loop3A_754 : i32 to index
        %parallel_loop3A_766 = arith.constant 784 : index
        %parallel_loop3A_767 = tpu.vector_load %arg6[%parallel_loop3A_765, %parallel_loop3A_766] {strides = array<i32>} : memref<32x1024xf32, #tpu.memory_space<vmem>>, vector<1x16xf32>,
        %parallel_loop3A_768 = vector.shape_cast %parallel_loop3A_767 : vector<1x16xf32> to vector<16xf32>
        %parallel_loop3A_769 = arith.addf %parallel_loop3A_768, %get3A_300 : vector<16xf32>
        %parallel_loop3A_770 = arith.index_cast %parallel_loop3A_754 : i32 to index
        %parallel_loop3A_771 = arith.constant 784 : index
        %parallel_loop3A_772 = tpu.vector_load %arg6[%parallel_loop3A_770, %parallel_loop3A_771] {strides = array<i32>} : memref<32x1024xf32, #tpu.memory_space<vmem>>, vector<1x16xf32>,
        %parallel_loop3A_773 = vector.shape_cast %parallel_loop3A_772 : vector<1x16xf32> to vector<16xf32>
        %parallel_loop3A_774 = vector.shape_cast %parallel_loop3A_769 : vector<16xf32> to vector<1x16xf32>
        tpu.vector_store %arg6[%parallel_loop3A_770, %parallel_loop3A_771], %parallel_loop3A_774 {strides = array<i32>} : memref<32x1024xf32, #tpu.memory_space<vmem>>, vector<1x16xf32>,
        %parallel_loop3A_775 = arith.index_cast %parallel_loop3A_754 : i32 to index
        %parallel_loop3A_776 = arith.constant 800 : index
        %parallel_loop3A_777 = tpu.vector_load %arg6[%parallel_loop3A_775, %parallel_loop3A_776] {strides = array<i32>} : memref<32x1024xf32, #tpu.memory_space<vmem>>, vector<1x16xf32>,
        %parallel_loop3A_778 = vector.shape_cast %parallel_loop3A_777 : vector<1x16xf32> to vector<16xf32>
        %parallel_loop3A_779 = arith.addf %parallel_loop3A_778, %get3A_305 : vector<16xf32>
        %parallel_loop3A_780 = arith.index_cast %parallel_loop3A_754 : i32 to index
        %parallel_loop3A_781 = arith.constant 800 : index
        %parallel_loop3A_782 = tpu.vector_load %arg6[%parallel_loop3A_780, %parallel_loop3A_781] {strides = array<i32>} : memref<32x1024xf32, #tpu.memory_space<vmem>>, vector<1x16xf32>,
        %parallel_loop3A_783 = vector.shape_cast %parallel_loop3A_782 : vector<1x16xf32> to vector<16xf32>
        %parallel_loop3A_784 = vector.shape_cast %parallel_loop3A_779 : vector<16xf32> to vector<1x16xf32>
        tpu.vector_store %arg6[%parallel_loop3A_780, %parallel_loop3A_781], %parallel_loop3A_784 {strides = array<i32>} : memref<32x1024xf32, #tpu.memory_space<vmem>>, vector<1x16xf32>,
        %parallel_loop3A_785 = arith.index_cast %parallel_loop3A_754 : i32 to index
        %parallel_loop3A_786 = arith.constant 816 : index
        %parallel_loop3A_787 = tpu.vector_load %arg6[%parallel_loop3A_785, %parallel_loop3A_786] {strides = array<i32>} : memref<32x1024xf32, #tpu.memory_space<vmem>>, vector<1x16xf32>,
        %parallel_loop3A_788 = vector.shape_cast %parallel_loop3A_787 : vector<1x16xf32> to vector<16xf32>
        %parallel_loop3A_789 = arith.addf %parallel_loop3A_788, %get3A_310 : vector<16xf32>
        %parallel_loop3A_790 = arith.index_cast %parallel_loop3A_754 : i32 to index
        %parallel_loop3A_791 = arith.constant 816 : index
        %parallel_loop3A_792 = tpu.vector_load %arg6[%parallel_loop3A_790, %parallel_loop3A_791] {strides = array<i32>} : memref<32x1024xf32, #tpu.memory_space<vmem>>, vector<1x16xf32>,
        %parallel_loop3A_793 = vector.shape_cast %parallel_loop3A_792 : vector<1x16xf32> to vector<16xf32>
        %parallel_loop3A_794 = vector.shape_cast %parallel_loop3A_789 : vector<16xf32> to vector<1x16xf32>
        tpu.vector_store %arg6[%parallel_loop3A_790, %parallel_loop3A_791], %parallel_loop3A_794 {strides = array<i32>} : memref<32x1024xf32, #tpu.memory_space<vmem>>, vector<1x16xf32>,
        %parallel_loop3A_795 = arith.index_cast %parallel_loop3A_754 : i32 to index
        %parallel_loop3A_796 = arith.constant 832 : index
        %parallel_loop3A_797 = tpu.vector_load %arg6[%parallel_loop3A_795, %parallel_loop3A_796] {strides = array<i32>} : memref<32x1024xf32, #tpu.memory_space<vmem>>, vector<1x16xf32>,
        %parallel_loop3A_798 = vector.shape_cast %parallel_loop3A_797 : vector<1x16xf32> to vector<16xf32>
        %parallel_loop3A_799 = arith.addf %parallel_loop3A_798, %get3A_315 : vector<16xf32>
        %parallel_loop3A_800 = arith.index_cast %parallel_loop3A_754 : i32 to index
        %parallel_loop3A_801 = arith.constant 832 : index
        %parallel_loop3A_802 = tpu.vector_load %arg6[%parallel_loop3A_800, %parallel_loop3A_801] {strides = array<i32>} : memref<32x1024xf32, #tpu.memory_space<vmem>>, vector<1x16xf32>,
        %parallel_loop3A_803 = vector.shape_cast %parallel_loop3A_802 : vector<1x16xf32> to vector<16xf32>
        %parallel_loop3A_804 = vector.shape_cast %parallel_loop3A_799 : vector<16xf32> to vector<1x16xf32>
        tpu.vector_store %arg6[%parallel_loop3A_800, %parallel_loop3A_801], %parallel_loop3A_804 {strides = array<i32>} : memref<32x1024xf32, #tpu.memory_space<vmem>>, vector<1x16xf32>,
        %parallel_loop3A_805 = arith.index_cast %parallel_loop3A_754 : i32 to index
        %parallel_loop3A_806 = arith.constant 848 : index
        %parallel_loop3A_807 = tpu.vector_load %arg6[%parallel_loop3A_805, %parallel_loop3A_806] {strides = array<i32>} : memref<32x1024xf32, #tpu.memory_space<vmem>>, vector<1x16xf32>,
        %parallel_loop3A_808 = vector.shape_cast %parallel_loop3A_807 : vector<1x16xf32> to vector<16xf32>
        %parallel_loop3A_809 = arith.addf %parallel_loop3A_808, %get3A_320 : vector<16xf32>
        %parallel_loop3A_810 = arith.index_cast %parallel_loop3A_754 : i32 to index
        %parallel_loop3A_811 = arith.constant 848 : index
        %parallel_loop3A_812 = tpu.vector_load %arg6[%parallel_loop3A_810, %parallel_loop3A_811] {strides = array<i32>} : memref<32x1024xf32, #tpu.memory_space<vmem>>, vector<1x16xf32>,
        %parallel_loop3A_813 = vector.shape_cast %parallel_loop3A_812 : vector<1x16xf32> to vector<16xf32>
        %parallel_loop3A_814 = vector.shape_cast %parallel_loop3A_809 : vector<16xf32> to vector<1x16xf32>
        tpu.vector_store %arg6[%parallel_loop3A_810, %parallel_loop3A_811], %parallel_loop3A_814 {strides = array<i32>} : memref<32x1024xf32, #tpu.memory_space<vmem>>, vector<1x16xf32>,
        %parallel_loop3A_815 = arith.index_cast %parallel_loop3A_754 : i32 to index
        %parallel_loop3A_816 = arith.constant 864 : index
        %parallel_loop3A_817 = tpu.vector_load %arg6[%parallel_loop3A_815, %parallel_loop3A_816] {strides = array<i32>} : memref<32x1024xf32, #tpu.memory_space<vmem>>, vector<1x16xf32>,
        %parallel_loop3A_818 = vector.shape_cast %parallel_loop3A_817 : vector<1x16xf32> to vector<16xf32>
        %parallel_loop3A_819 = arith.addf %parallel_loop3A_818, %get3A_325 : vector<16xf32>
        %parallel_loop3A_820 = arith.index_cast %parallel_loop3A_754 : i32 to index
        %parallel_loop3A_821 = arith.constant 864 : index
        %parallel_loop3A_822 = tpu.vector_load %arg6[%parallel_loop3A_820, %parallel_loop3A_821] {strides = array<i32>} : memref<32x1024xf32, #tpu.memory_space<vmem>>, vector<1x16xf32>,
        %parallel_loop3A_823 = vector.shape_cast %parallel_loop3A_822 : vector<1x16xf32> to vector<16xf32>
        %parallel_loop3A_824 = vector.shape_cast %parallel_loop3A_819 : vector<16xf32> to vector<1x16xf32>
        tpu.vector_store %arg6[%parallel_loop3A_820, %parallel_loop3A_821], %parallel_loop3A_824 {strides = array<i32>} : memref<32x1024xf32, #tpu.memory_space<vmem>>, vector<1x16xf32>,
        %parallel_loop3A_825 = arith.index_cast %parallel_loop3A_754 : i32 to index
        %parallel_loop3A_826 = arith.constant 880 : index
        %parallel_loop3A_827 = tpu.vector_load %arg6[%parallel_loop3A_825, %parallel_loop3A_826] {strides = array<i32>} : memref<32x1024xf32, #tpu.memory_space<vmem>>, vector<1x16xf32>,
        %parallel_loop3A_828 = vector.shape_cast %parallel_loop3A_827 : vector<1x16xf32> to vector<16xf32>
        %parallel_loop3A_829 = arith.addf %parallel_loop3A_828, %get3A_330 : vector<16xf32>
        %parallel_loop3A_830 = arith.index_cast %parallel_loop3A_754 : i32 to index
        %parallel_loop3A_831 = arith.constant 880 : index
        %parallel_loop3A_832 = tpu.vector_load %arg6[%parallel_loop3A_830, %parallel_loop3A_831] {strides = array<i32>} : memref<32x1024xf32, #tpu.memory_space<vmem>>, vector<1x16xf32>,
        %parallel_loop3A_833 = vector.shape_cast %parallel_loop3A_832 : vector<1x16xf32> to vector<16xf32>
        %parallel_loop3A_834 = vector.shape_cast %parallel_loop3A_829 : vector<16xf32> to vector<1x16xf32>
        tpu.vector_store %arg6[%parallel_loop3A_830, %parallel_loop3A_831], %parallel_loop3A_834 {strides = array<i32>} : memref<32x1024xf32, #tpu.memory_space<vmem>>, vector<1x16xf32>,
      } {sc.loop_unroll_factor = 2 : i64, sc.parallel_access}
      %get3A_334 = arith.constant 2 : i32
      %get3A_335 = arith.index_cast %get3A_334 : i32 to index
      %get3A_336 = arith.constant 896 : index
      %get3A_337 = tpu.vector_load %arg5[%get3A_335, %get3A_336] {strides = array<i32>} : memref<3x1024xf32, #tpu.memory_space<vmem>>, vector<1x16xf32>,
      %get3A_338 = vector.shape_cast %get3A_337 : vector<1x16xf32> to vector<16xf32>
      %get3A_339 = arith.constant 2 : i32
      %get3A_340 = arith.index_cast %get3A_339 : i32 to index
      %get3A_341 = arith.constant 912 : index
      %get3A_342 = tpu.vector_load %arg5[%get3A_340, %get3A_341] {strides = array<i32>} : memref<3x1024xf32, #tpu.memory_space<vmem>>, vector<1x16xf32>,
      %get3A_343 = vector.shape_cast %get3A_342 : vector<1x16xf32> to vector<16xf32>
      %get3A_344 = arith.constant 2 : i32
      %get3A_345 = arith.index_cast %get3A_344 : i32 to index
      %get3A_346 = arith.constant 928 : index
      %get3A_347 = tpu.vector_load %arg5[%get3A_345, %get3A_346] {strides = array<i32>} : memref<3x1024xf32, #tpu.memory_space<vmem>>, vector<1x16xf32>,
      %get3A_348 = vector.shape_cast %get3A_347 : vector<1x16xf32> to vector<16xf32>
      %get3A_349 = arith.constant 2 : i32
      %get3A_350 = arith.index_cast %get3A_349 : i32 to index
      %get3A_351 = arith.constant 944 : index
      %get3A_352 = tpu.vector_load %arg5[%get3A_350, %get3A_351] {strides = array<i32>} : memref<3x1024xf32, #tpu.memory_space<vmem>>, vector<1x16xf32>,
      %get3A_353 = vector.shape_cast %get3A_352 : vector<1x16xf32> to vector<16xf32>
      %get3A_354 = arith.constant 2 : i32
      %get3A_355 = arith.index_cast %get3A_354 : i32 to index
      %get3A_356 = arith.constant 960 : index
      %get3A_357 = tpu.vector_load %arg5[%get3A_355, %get3A_356] {strides = array<i32>} : memref<3x1024xf32, #tpu.memory_space<vmem>>, vector<1x16xf32>,
      %get3A_358 = vector.shape_cast %get3A_357 : vector<1x16xf32> to vector<16xf32>
      %get3A_359 = arith.constant 2 : i32
      %get3A_360 = arith.index_cast %get3A_359 : i32 to index
      %get3A_361 = arith.constant 976 : index
      %get3A_362 = tpu.vector_load %arg5[%get3A_360, %get3A_361] {strides = array<i32>} : memref<3x1024xf32, #tpu.memory_space<vmem>>, vector<1x16xf32>,
      %get3A_363 = vector.shape_cast %get3A_362 : vector<1x16xf32> to vector<16xf32>
      %get3A_364 = arith.constant 2 : i32
      %get3A_365 = arith.index_cast %get3A_364 : i32 to index
      %get3A_366 = arith.constant 992 : index
      %get3A_367 = tpu.vector_load %arg5[%get3A_365, %get3A_366] {strides = array<i32>} : memref<3x1024xf32, #tpu.memory_space<vmem>>, vector<1x16xf32>,
      %get3A_368 = vector.shape_cast %get3A_367 : vector<1x16xf32> to vector<16xf32>
      %get3A_369 = arith.constant 2 : i32
      %get3A_370 = arith.index_cast %get3A_369 : i32 to index
      %get3A_371 = arith.constant 1008 : index
      %get3A_372 = tpu.vector_load %arg5[%get3A_370, %get3A_371] {strides = array<i32>} : memref<3x1024xf32, #tpu.memory_space<vmem>>, vector<1x16xf32>,
      %get3A_373 = vector.shape_cast %get3A_372 : vector<1x16xf32> to vector<16xf32>
      %parallel_loop3A_374 = arith.constant 0 : i32
      %parallel_loop3A_375 = arith.constant 32 : i32
      %parallel_loop3A_376 = arith.constant 1 : i32
      scf.for %parallel_loop3A_754 = %parallel_loop3A_374 to %parallel_loop3A_375 step %parallel_loop3A_376  : i32 {
        %parallel_loop3A_755 = arith.index_cast %parallel_loop3A_754 : i32 to index
        %parallel_loop3A_756 = arith.constant 896 : index
        %parallel_loop3A_757 = tpu.vector_load %arg6[%parallel_loop3A_755, %parallel_loop3A_756] {strides = array<i32>} : memref<32x1024xf32, #tpu.memory_space<vmem>>, vector<1x16xf32>,
        %parallel_loop3A_758 = vector.shape_cast %parallel_loop3A_757 : vector<1x16xf32> to vector<16xf32>
        %parallel_loop3A_759 = arith.addf %parallel_loop3A_758, %get3A_338 : vector<16xf32>
        %parallel_loop3A_760 = arith.index_cast %parallel_loop3A_754 : i32 to index
        %parallel_loop3A_761 = arith.constant 896 : index
        %parallel_loop3A_762 = tpu.vector_load %arg6[%parallel_loop3A_760, %parallel_loop3A_761] {strides = array<i32>} : memref<32x1024xf32, #tpu.memory_space<vmem>>, vector<1x16xf32>,
        %parallel_loop3A_763 = vector.shape_cast %parallel_loop3A_762 : vector<1x16xf32> to vector<16xf32>
        %parallel_loop3A_764 = vector.shape_cast %parallel_loop3A_759 : vector<16xf32> to vector<1x16xf32>
        tpu.vector_store %arg6[%parallel_loop3A_760, %parallel_loop3A_761], %parallel_loop3A_764 {strides = array<i32>} : memref<32x1024xf32, #tpu.memory_space<vmem>>, vector<1x16xf32>,
        %parallel_loop3A_765 = arith.index_cast %parallel_loop3A_754 : i32 to index
        %parallel_loop3A_766 = arith.constant 912 : index
        %parallel_loop3A_767 = tpu.vector_load %arg6[%parallel_loop3A_765, %parallel_loop3A_766] {strides = array<i32>} : memref<32x1024xf32, #tpu.memory_space<vmem>>, vector<1x16xf32>,
        %parallel_loop3A_768 = vector.shape_cast %parallel_loop3A_767 : vector<1x16xf32> to vector<16xf32>
        %parallel_loop3A_769 = arith.addf %parallel_loop3A_768, %get3A_343 : vector<16xf32>
        %parallel_loop3A_770 = arith.index_cast %parallel_loop3A_754 : i32 to index
        %parallel_loop3A_771 = arith.constant 912 : index
        %parallel_loop3A_772 = tpu.vector_load %arg6[%parallel_loop3A_770, %parallel_loop3A_771] {strides = array<i32>} : memref<32x1024xf32, #tpu.memory_space<vmem>>, vector<1x16xf32>,
        %parallel_loop3A_773 = vector.shape_cast %parallel_loop3A_772 : vector<1x16xf32> to vector<16xf32>
        %parallel_loop3A_774 = vector.shape_cast %parallel_loop3A_769 : vector<16xf32> to vector<1x16xf32>
        tpu.vector_store %arg6[%parallel_loop3A_770, %parallel_loop3A_771], %parallel_loop3A_774 {strides = array<i32>} : memref<32x1024xf32, #tpu.memory_space<vmem>>, vector<1x16xf32>,
        %parallel_loop3A_775 = arith.index_cast %parallel_loop3A_754 : i32 to index
        %parallel_loop3A_776 = arith.constant 928 : index
        %parallel_loop3A_777 = tpu.vector_load %arg6[%parallel_loop3A_775, %parallel_loop3A_776] {strides = array<i32>} : memref<32x1024xf32, #tpu.memory_space<vmem>>, vector<1x16xf32>,
        %parallel_loop3A_778 = vector.shape_cast %parallel_loop3A_777 : vector<1x16xf32> to vector<16xf32>
        %parallel_loop3A_779 = arith.addf %parallel_loop3A_778, %get3A_348 : vector<16xf32>
        %parallel_loop3A_780 = arith.index_cast %parallel_loop3A_754 : i32 to index
        %parallel_loop3A_781 = arith.constant 928 : index
        %parallel_loop3A_782 = tpu.vector_load %arg6[%parallel_loop3A_780, %parallel_loop3A_781] {strides = array<i32>} : memref<32x1024xf32, #tpu.memory_space<vmem>>, vector<1x16xf32>,
        %parallel_loop3A_783 = vector.shape_cast %parallel_loop3A_782 : vector<1x16xf32> to vector<16xf32>
        %parallel_loop3A_784 = vector.shape_cast %parallel_loop3A_779 : vector<16xf32> to vector<1x16xf32>
        tpu.vector_store %arg6[%parallel_loop3A_780, %parallel_loop3A_781], %parallel_loop3A_784 {strides = array<i32>} : memref<32x1024xf32, #tpu.memory_space<vmem>>, vector<1x16xf32>,
        %parallel_loop3A_785 = arith.index_cast %parallel_loop3A_754 : i32 to index
        %parallel_loop3A_786 = arith.constant 944 : index
        %parallel_loop3A_787 = tpu.vector_load %arg6[%parallel_loop3A_785, %parallel_loop3A_786] {strides = array<i32>} : memref<32x1024xf32, #tpu.memory_space<vmem>>, vector<1x16xf32>,
        %parallel_loop3A_788 = vector.shape_cast %parallel_loop3A_787 : vector<1x16xf32> to vector<16xf32>
        %parallel_loop3A_789 = arith.addf %parallel_loop3A_788, %get3A_353 : vector<16xf32>
        %parallel_loop3A_790 = arith.index_cast %parallel_loop3A_754 : i32 to index
        %parallel_loop3A_791 = arith.constant 944 : index
        %parallel_loop3A_792 = tpu.vector_load %arg6[%parallel_loop3A_790, %parallel_loop3A_791] {strides = array<i32>} : memref<32x1024xf32, #tpu.memory_space<vmem>>, vector<1x16xf32>,
        %parallel_loop3A_793 = vector.shape_cast %parallel_loop3A_792 : vector<1x16xf32> to vector<16xf32>
        %parallel_loop3A_794 = vector.shape_cast %parallel_loop3A_789 : vector<16xf32> to vector<1x16xf32>
        tpu.vector_store %arg6[%parallel_loop3A_790, %parallel_loop3A_791], %parallel_loop3A_794 {strides = array<i32>} : memref<32x1024xf32, #tpu.memory_space<vmem>>, vector<1x16xf32>,
        %parallel_loop3A_795 = arith.index_cast %parallel_loop3A_754 : i32 to index
        %parallel_loop3A_796 = arith.constant 960 : index
        %parallel_loop3A_797 = tpu.vector_load %arg6[%parallel_loop3A_795, %parallel_loop3A_796] {strides = array<i32>} : memref<32x1024xf32, #tpu.memory_space<vmem>>, vector<1x16xf32>,
        %parallel_loop3A_798 = vector.shape_cast %parallel_loop3A_797 : vector<1x16xf32> to vector<16xf32>
        %parallel_loop3A_799 = arith.addf %parallel_loop3A_798, %get3A_358 : vector<16xf32>
        %parallel_loop3A_800 = arith.index_cast %parallel_loop3A_754 : i32 to index
        %parallel_loop3A_801 = arith.constant 960 : index
        %parallel_loop3A_802 = tpu.vector_load %arg6[%parallel_loop3A_800, %parallel_loop3A_801] {strides = array<i32>} : memref<32x1024xf32, #tpu.memory_space<vmem>>, vector<1x16xf32>,
        %parallel_loop3A_803 = vector.shape_cast %parallel_loop3A_802 : vector<1x16xf32> to vector<16xf32>
        %parallel_loop3A_804 = vector.shape_cast %parallel_loop3A_799 : vector<16xf32> to vector<1x16xf32>
        tpu.vector_store %arg6[%parallel_loop3A_800, %parallel_loop3A_801], %parallel_loop3A_804 {strides = array<i32>} : memref<32x1024xf32, #tpu.memory_space<vmem>>, vector<1x16xf32>,
        %parallel_loop3A_805 = arith.index_cast %parallel_loop3A_754 : i32 to index
        %parallel_loop3A_806 = arith.constant 976 : index
        %parallel_loop3A_807 = tpu.vector_load %arg6[%parallel_loop3A_805, %parallel_loop3A_806] {strides = array<i32>} : memref<32x1024xf32, #tpu.memory_space<vmem>>, vector<1x16xf32>,
        %parallel_loop3A_808 = vector.shape_cast %parallel_loop3A_807 : vector<1x16xf32> to vector<16xf32>
        %parallel_loop3A_809 = arith.addf %parallel_loop3A_808, %get3A_363 : vector<16xf32>
        %parallel_loop3A_810 = arith.index_cast %parallel_loop3A_754 : i32 to index
        %parallel_loop3A_811 = arith.constant 976 : index
        %parallel_loop3A_812 = tpu.vector_load %arg6[%parallel_loop3A_810, %parallel_loop3A_811] {strides = array<i32>} : memref<32x1024xf32, #tpu.memory_space<vmem>>, vector<1x16xf32>,
        %parallel_loop3A_813 = vector.shape_cast %parallel_loop3A_812 : vector<1x16xf32> to vector<16xf32>
        %parallel_loop3A_814 = vector.shape_cast %parallel_loop3A_809 : vector<16xf32> to vector<1x16xf32>
        tpu.vector_store %arg6[%parallel_loop3A_810, %parallel_loop3A_811], %parallel_loop3A_814 {strides = array<i32>} : memref<32x1024xf32, #tpu.memory_space<vmem>>, vector<1x16xf32>,
        %parallel_loop3A_815 = arith.index_cast %parallel_loop3A_754 : i32 to index
        %parallel_loop3A_816 = arith.constant 992 : index
        %parallel_loop3A_817 = tpu.vector_load %arg6[%parallel_loop3A_815, %parallel_loop3A_816] {strides = array<i32>} : memref<32x1024xf32, #tpu.memory_space<vmem>>, vector<1x16xf32>,
        %parallel_loop3A_818 = vector.shape_cast %parallel_loop3A_817 : vector<1x16xf32> to vector<16xf32>
        %parallel_loop3A_819 = arith.addf %parallel_loop3A_818, %get3A_368 : vector<16xf32>
        %parallel_loop3A_820 = arith.index_cast %parallel_loop3A_754 : i32 to index
        %parallel_loop3A_821 = arith.constant 992 : index
        %parallel_loop3A_822 = tpu.vector_load %arg6[%parallel_loop3A_820, %parallel_loop3A_821] {strides = array<i32>} : memref<32x1024xf32, #tpu.memory_space<vmem>>, vector<1x16xf32>,
        %parallel_loop3A_823 = vector.shape_cast %parallel_loop3A_822 : vector<1x16xf32> to vector<16xf32>
        %parallel_loop3A_824 = vector.shape_cast %parallel_loop3A_819 : vector<16xf32> to vector<1x16xf32>
        tpu.vector_store %arg6[%parallel_loop3A_820, %parallel_loop3A_821], %parallel_loop3A_824 {strides = array<i32>} : memref<32x1024xf32, #tpu.memory_space<vmem>>, vector<1x16xf32>,
        %parallel_loop3A_825 = arith.index_cast %parallel_loop3A_754 : i32 to index
        %parallel_loop3A_826 = arith.constant 1008 : index
        %parallel_loop3A_827 = tpu.vector_load %arg6[%parallel_loop3A_825, %parallel_loop3A_826] {strides = array<i32>} : memref<32x1024xf32, #tpu.memory_space<vmem>>, vector<1x16xf32>,
        %parallel_loop3A_828 = vector.shape_cast %parallel_loop3A_827 : vector<1x16xf32> to vector<16xf32>
        %parallel_loop3A_829 = arith.addf %parallel_loop3A_828, %get3A_373 : vector<16xf32>
        %parallel_loop3A_830 = arith.index_cast %parallel_loop3A_754 : i32 to index
        %parallel_loop3A_831 = arith.constant 1008 : index
        %parallel_loop3A_832 = tpu.vector_load %arg6[%parallel_loop3A_830, %parallel_loop3A_831] {strides = array<i32>} : memref<32x1024xf32, #tpu.memory_space<vmem>>, vector<1x16xf32>,
        %parallel_loop3A_833 = vector.shape_cast %parallel_loop3A_832 : vector<1x16xf32> to vector<16xf32>
        %parallel_loop3A_834 = vector.shape_cast %parallel_loop3A_829 : vector<16xf32> to vector<1x16xf32>
        tpu.vector_store %arg6[%parallel_loop3A_830, %parallel_loop3A_831], %parallel_loop3A_834 {strides = array<i32>} : memref<32x1024xf32, #tpu.memory_space<vmem>>, vector<1x16xf32>,
      } {sc.loop_unroll_factor = 2 : i64, sc.parallel_access}
      %mul3A_377 = arith.constant 32 : i32
      %mul3A_378 = arith.muli %add3A_30, %mul3A_377 : i32
      %add3A_379 = arith.addi %mul3A_2, %mul3A_378 : i32
      %dma_start3A_380 = arith.constant 0 : i32
      %dma_start3A_381 = tpu.memref_slice %arg4[%add3A_379, %dma_start3A_380] : memref<8192x1024xf32, #tpu.memory_space<hbm>> -> memref<32x1024xf32, #tpu.memory_space<hbm>>
      %dma_start3A_382 = arith.constant 0 : i32
      %dma_start3A_383 = tpu.memref_slice %arg4[%add3A_379, %dma_start3A_382] : memref<8192x1024xf32, #tpu.memory_space<hbm>> -> memref<32x1024xf32, #tpu.memory_space<hbm>>
      tpu.enqueue_dma source(%arg6 : memref<32x1024xf32, #tpu.memory_space<vmem>>) target(%dma_start3A_383 : memref<32x1024xf32, #tpu.memory_space<hbm>>) target_semaphore(%arg10 : memref<!tpu.dma_semaphore, #tpu.memory_space<semaphore_mem>>)
      %add3A_384 = arith.constant 1 : i32
      %add3A_385 = arith.addi %scan3A_26, %add3A_384 : i32
      %lt3A = arith.constant 4 : i32
      %lt3A_386 = arith.cmpi slt, %add3A_385, %lt3A : i32
      %convert_element_type3A = arith.extui %lt3A_386 : i1 to i32
      %cond3A = arith.constant 0 : i32
      %cond3A_387 = arith.cmpi ne, %convert_element_type3A, %cond3A : i32
      scf.if %cond3A_387 {
        %dma_wait3A_754 = arith.constant 0 : i32
        %dma_wait3A_755 = tpu.memref_slice %arg4[%mul3A_2, %dma_wait3A_754] : memref<8192x1024xf32, #tpu.memory_space<hbm>> -> memref<32x1024xf32, #tpu.memory_space<hbm>>
        %dma_wait3A_756 = arith.constant 0 : i32
        %dma_wait3A_757 = tpu.memref_slice %arg4[%mul3A_2, %dma_wait3A_756] : memref<8192x1024xf32, #tpu.memory_space<hbm>> -> memref<32x1024xf32, #tpu.memory_space<hbm>>
        tpu.wait_dma2 semaphore(%arg10 : memref<!tpu.dma_semaphore, #tpu.memory_space<semaphore_mem>>) src(%arg6 : memref<32x1024xf32, #tpu.memory_space<vmem>>) dst(%dma_wait3A_757 : memref<32x1024xf32, #tpu.memory_space<hbm>>)
        %add3A_758 = arith.constant 2 : i32
        %add3A_759 = arith.addi %add3A_30, %add3A_758 : i32
        %mul3A_760 = arith.constant 32 : i32
        %mul3A_761 = arith.muli %add3A_759, %mul3A_760 : i32
        %add3A_762 = arith.addi %mul3A_2, %mul3A_761 : i32
        %dma_start3A_763 = arith.constant 0 : i32
        %dma_start3A_764 = tpu.memref_slice %arg2[%add3A_762, %dma_start3A_763] : memref<8192x1024xf32, #tpu.memory_space<hbm>> -> memref<32x1024xf32, #tpu.memory_space<hbm>>
        %dma_start3A_765 = arith.constant 0 : i32
        %dma_start3A_766 = tpu.memref_slice %arg2[%add3A_762, %dma_start3A_765] : memref<8192x1024xf32, #tpu.memory_space<hbm>> -> memref<32x1024xf32, #tpu.memory_space<hbm>>
        tpu.enqueue_dma source(%dma_start3A_766 : memref<32x1024xf32, #tpu.memory_space<hbm>>) target(%arg6 : memref<32x1024xf32, #tpu.memory_space<vmem>>) target_semaphore(%arg8 : memref<!tpu.dma_semaphore, #tpu.memory_space<semaphore_mem>>)
      } else {
      }
      %mul3A_388 = arith.constant 2 : i32
      %mul3A_389 = arith.muli %mul3A_388, %scan3A_26 : i32
      %add3A_390 = arith.constant 1 : i32
      %add3A_391 = arith.addi %mul3A_389, %add3A_390 : i32
      %dma_wait3A_392 = arith.constant 0 : i32
      %dma_wait3A_393 = tpu.memref_slice %arg2[%mul3A_2, %dma_wait3A_392] : memref<8192x1024xf32, #tpu.memory_space<hbm>> -> memref<32x1024xf32, #tpu.memory_space<hbm>>
      %dma_wait3A_394 = arith.constant 0 : i32
      %dma_wait3A_395 = tpu.memref_slice %arg2[%mul3A_2, %dma_wait3A_394] : memref<8192x1024xf32, #tpu.memory_space<hbm>> -> memref<32x1024xf32, #tpu.memory_space<hbm>>
      tpu.wait_dma2 semaphore(%arg9 : memref<!tpu.dma_semaphore, #tpu.memory_space<semaphore_mem>>) src(%dma_wait3A_395 : memref<32x1024xf32, #tpu.memory_space<hbm>>) dst(%arg7 : memref<32x1024xf32, #tpu.memory_space<vmem>>)
      %get3A_396 = arith.constant 2 : i32
      %get3A_397 = arith.index_cast %get3A_396 : i32 to index
      %get3A_398 = arith.constant 0 : index
      %get3A_399 = tpu.vector_load %arg5[%get3A_397, %get3A_398] {strides = array<i32>} : memref<3x1024xf32, #tpu.memory_space<vmem>>, vector<1x16xf32>,
      %get3A_400 = vector.shape_cast %get3A_399 : vector<1x16xf32> to vector<16xf32>
      %get3A_401 = arith.constant 2 : i32
      %get3A_402 = arith.index_cast %get3A_401 : i32 to index
      %get3A_403 = arith.constant 16 : index
      %get3A_404 = tpu.vector_load %arg5[%get3A_402, %get3A_403] {strides = array<i32>} : memref<3x1024xf32, #tpu.memory_space<vmem>>, vector<1x16xf32>,
      %get3A_405 = vector.shape_cast %get3A_404 : vector<1x16xf32> to vector<16xf32>
      %get3A_406 = arith.constant 2 : i32
      %get3A_407 = arith.index_cast %get3A_406 : i32 to index
      %get3A_408 = arith.constant 32 : index
      %get3A_409 = tpu.vector_load %arg5[%get3A_407, %get3A_408] {strides = array<i32>} : memref<3x1024xf32, #tpu.memory_space<vmem>>, vector<1x16xf32>,
      %get3A_410 = vector.shape_cast %get3A_409 : vector<1x16xf32> to vector<16xf32>
      %get3A_411 = arith.constant 2 : i32
      %get3A_412 = arith.index_cast %get3A_411 : i32 to index
      %get3A_413 = arith.constant 48 : index
      %get3A_414 = tpu.vector_load %arg5[%get3A_412, %get3A_413] {strides = array<i32>} : memref<3x1024xf32, #tpu.memory_space<vmem>>, vector<1x16xf32>,
      %get3A_415 = vector.shape_cast %get3A_414 : vector<1x16xf32> to vector<16xf32>
      %get3A_416 = arith.constant 2 : i32
      %get3A_417 = arith.index_cast %get3A_416 : i32 to index
      %get3A_418 = arith.constant 64 : index
      %get3A_419 = tpu.vector_load %arg5[%get3A_417, %get3A_418] {strides = array<i32>} : memref<3x1024xf32, #tpu.memory_space<vmem>>, vector<1x16xf32>,
      %get3A_420 = vector.shape_cast %get3A_419 : vector<1x16xf32> to vector<16xf32>
      %get3A_421 = arith.constant 2 : i32
      %get3A_422 = arith.index_cast %get3A_421 : i32 to index
      %get3A_423 = arith.constant 80 : index
      %get3A_424 = tpu.vector_load %arg5[%get3A_422, %get3A_423] {strides = array<i32>} : memref<3x1024xf32, #tpu.memory_space<vmem>>, vector<1x16xf32>,
      %get3A_425 = vector.shape_cast %get3A_424 : vector<1x16xf32> to vector<16xf32>
      %get3A_426 = arith.constant 2 : i32
      %get3A_427 = arith.index_cast %get3A_426 : i32 to index
      %get3A_428 = arith.constant 96 : index
      %get3A_429 = tpu.vector_load %arg5[%get3A_427, %get3A_428] {strides = array<i32>} : memref<3x1024xf32, #tpu.memory_space<vmem>>, vector<1x16xf32>,
      %get3A_430 = vector.shape_cast %get3A_429 : vector<1x16xf32> to vector<16xf32>
      %get3A_431 = arith.constant 2 : i32
      %get3A_432 = arith.index_cast %get3A_431 : i32 to index
      %get3A_433 = arith.constant 112 : index
      %get3A_434 = tpu.vector_load %arg5[%get3A_432, %get3A_433] {strides = array<i32>} : memref<3x1024xf32, #tpu.memory_space<vmem>>, vector<1x16xf32>,
      %get3A_435 = vector.shape_cast %get3A_434 : vector<1x16xf32> to vector<16xf32>
      %parallel_loop3A_436 = arith.constant 0 : i32
      %parallel_loop3A_437 = arith.constant 32 : i32
      %parallel_loop3A_438 = arith.constant 1 : i32
      scf.for %parallel_loop3A_754 = %parallel_loop3A_436 to %parallel_loop3A_437 step %parallel_loop3A_438  : i32 {
        %parallel_loop3A_755 = arith.index_cast %parallel_loop3A_754 : i32 to index
        %parallel_loop3A_756 = arith.constant 0 : index
        %parallel_loop3A_757 = tpu.vector_load %arg7[%parallel_loop3A_755, %parallel_loop3A_756] {strides = array<i32>} : memref<32x1024xf32, #tpu.memory_space<vmem>>, vector<1x16xf32>,
        %parallel_loop3A_758 = vector.shape_cast %parallel_loop3A_757 : vector<1x16xf32> to vector<16xf32>
        %parallel_loop3A_759 = arith.addf %parallel_loop3A_758, %get3A_400 : vector<16xf32>
        %parallel_loop3A_760 = arith.index_cast %parallel_loop3A_754 : i32 to index
        %parallel_loop3A_761 = arith.constant 0 : index
        %parallel_loop3A_762 = tpu.vector_load %arg7[%parallel_loop3A_760, %parallel_loop3A_761] {strides = array<i32>} : memref<32x1024xf32, #tpu.memory_space<vmem>>, vector<1x16xf32>,
        %parallel_loop3A_763 = vector.shape_cast %parallel_loop3A_762 : vector<1x16xf32> to vector<16xf32>
        %parallel_loop3A_764 = vector.shape_cast %parallel_loop3A_759 : vector<16xf32> to vector<1x16xf32>
        tpu.vector_store %arg7[%parallel_loop3A_760, %parallel_loop3A_761], %parallel_loop3A_764 {strides = array<i32>} : memref<32x1024xf32, #tpu.memory_space<vmem>>, vector<1x16xf32>,
        %parallel_loop3A_765 = arith.index_cast %parallel_loop3A_754 : i32 to index
        %parallel_loop3A_766 = arith.constant 16 : index
        %parallel_loop3A_767 = tpu.vector_load %arg7[%parallel_loop3A_765, %parallel_loop3A_766] {strides = array<i32>} : memref<32x1024xf32, #tpu.memory_space<vmem>>, vector<1x16xf32>,
        %parallel_loop3A_768 = vector.shape_cast %parallel_loop3A_767 : vector<1x16xf32> to vector<16xf32>
        %parallel_loop3A_769 = arith.addf %parallel_loop3A_768, %get3A_405 : vector<16xf32>
        %parallel_loop3A_770 = arith.index_cast %parallel_loop3A_754 : i32 to index
        %parallel_loop3A_771 = arith.constant 16 : index
        %parallel_loop3A_772 = tpu.vector_load %arg7[%parallel_loop3A_770, %parallel_loop3A_771] {strides = array<i32>} : memref<32x1024xf32, #tpu.memory_space<vmem>>, vector<1x16xf32>,
        %parallel_loop3A_773 = vector.shape_cast %parallel_loop3A_772 : vector<1x16xf32> to vector<16xf32>
        %parallel_loop3A_774 = vector.shape_cast %parallel_loop3A_769 : vector<16xf32> to vector<1x16xf32>
        tpu.vector_store %arg7[%parallel_loop3A_770, %parallel_loop3A_771], %parallel_loop3A_774 {strides = array<i32>} : memref<32x1024xf32, #tpu.memory_space<vmem>>, vector<1x16xf32>,
        %parallel_loop3A_775 = arith.index_cast %parallel_loop3A_754 : i32 to index
        %parallel_loop3A_776 = arith.constant 32 : index
        %parallel_loop3A_777 = tpu.vector_load %arg7[%parallel_loop3A_775, %parallel_loop3A_776] {strides = array<i32>} : memref<32x1024xf32, #tpu.memory_space<vmem>>, vector<1x16xf32>,
        %parallel_loop3A_778 = vector.shape_cast %parallel_loop3A_777 : vector<1x16xf32> to vector<16xf32>
        %parallel_loop3A_779 = arith.addf %parallel_loop3A_778, %get3A_410 : vector<16xf32>
        %parallel_loop3A_780 = arith.index_cast %parallel_loop3A_754 : i32 to index
        %parallel_loop3A_781 = arith.constant 32 : index
        %parallel_loop3A_782 = tpu.vector_load %arg7[%parallel_loop3A_780, %parallel_loop3A_781] {strides = array<i32>} : memref<32x1024xf32, #tpu.memory_space<vmem>>, vector<1x16xf32>,
        %parallel_loop3A_783 = vector.shape_cast %parallel_loop3A_782 : vector<1x16xf32> to vector<16xf32>
        %parallel_loop3A_784 = vector.shape_cast %parallel_loop3A_779 : vector<16xf32> to vector<1x16xf32>
        tpu.vector_store %arg7[%parallel_loop3A_780, %parallel_loop3A_781], %parallel_loop3A_784 {strides = array<i32>} : memref<32x1024xf32, #tpu.memory_space<vmem>>, vector<1x16xf32>,
        %parallel_loop3A_785 = arith.index_cast %parallel_loop3A_754 : i32 to index
        %parallel_loop3A_786 = arith.constant 48 : index
        %parallel_loop3A_787 = tpu.vector_load %arg7[%parallel_loop3A_785, %parallel_loop3A_786] {strides = array<i32>} : memref<32x1024xf32, #tpu.memory_space<vmem>>, vector<1x16xf32>,
        %parallel_loop3A_788 = vector.shape_cast %parallel_loop3A_787 : vector<1x16xf32> to vector<16xf32>
        %parallel_loop3A_789 = arith.addf %parallel_loop3A_788, %get3A_415 : vector<16xf32>
        %parallel_loop3A_790 = arith.index_cast %parallel_loop3A_754 : i32 to index
        %parallel_loop3A_791 = arith.constant 48 : index
        %parallel_loop3A_792 = tpu.vector_load %arg7[%parallel_loop3A_790, %parallel_loop3A_791] {strides = array<i32>} : memref<32x1024xf32, #tpu.memory_space<vmem>>, vector<1x16xf32>,
        %parallel_loop3A_793 = vector.shape_cast %parallel_loop3A_792 : vector<1x16xf32> to vector<16xf32>
        %parallel_loop3A_794 = vector.shape_cast %parallel_loop3A_789 : vector<16xf32> to vector<1x16xf32>
        tpu.vector_store %arg7[%parallel_loop3A_790, %parallel_loop3A_791], %parallel_loop3A_794 {strides = array<i32>} : memref<32x1024xf32, #tpu.memory_space<vmem>>, vector<1x16xf32>,
        %parallel_loop3A_795 = arith.index_cast %parallel_loop3A_754 : i32 to index
        %parallel_loop3A_796 = arith.constant 64 : index
        %parallel_loop3A_797 = tpu.vector_load %arg7[%parallel_loop3A_795, %parallel_loop3A_796] {strides = array<i32>} : memref<32x1024xf32, #tpu.memory_space<vmem>>, vector<1x16xf32>,
        %parallel_loop3A_798 = vector.shape_cast %parallel_loop3A_797 : vector<1x16xf32> to vector<16xf32>
        %parallel_loop3A_799 = arith.addf %parallel_loop3A_798, %get3A_420 : vector<16xf32>
        %parallel_loop3A_800 = arith.index_cast %parallel_loop3A_754 : i32 to index
        %parallel_loop3A_801 = arith.constant 64 : index
        %parallel_loop3A_802 = tpu.vector_load %arg7[%parallel_loop3A_800, %parallel_loop3A_801] {strides = array<i32>} : memref<32x1024xf32, #tpu.memory_space<vmem>>, vector<1x16xf32>,
        %parallel_loop3A_803 = vector.shape_cast %parallel_loop3A_802 : vector<1x16xf32> to vector<16xf32>
        %parallel_loop3A_804 = vector.shape_cast %parallel_loop3A_799 : vector<16xf32> to vector<1x16xf32>
        tpu.vector_store %arg7[%parallel_loop3A_800, %parallel_loop3A_801], %parallel_loop3A_804 {strides = array<i32>} : memref<32x1024xf32, #tpu.memory_space<vmem>>, vector<1x16xf32>,
        %parallel_loop3A_805 = arith.index_cast %parallel_loop3A_754 : i32 to index
        %parallel_loop3A_806 = arith.constant 80 : index
        %parallel_loop3A_807 = tpu.vector_load %arg7[%parallel_loop3A_805, %parallel_loop3A_806] {strides = array<i32>} : memref<32x1024xf32, #tpu.memory_space<vmem>>, vector<1x16xf32>,
        %parallel_loop3A_808 = vector.shape_cast %parallel_loop3A_807 : vector<1x16xf32> to vector<16xf32>
        %parallel_loop3A_809 = arith.addf %parallel_loop3A_808, %get3A_425 : vector<16xf32>
        %parallel_loop3A_810 = arith.index_cast %parallel_loop3A_754 : i32 to index
        %parallel_loop3A_811 = arith.constant 80 : index
        %parallel_loop3A_812 = tpu.vector_load %arg7[%parallel_loop3A_810, %parallel_loop3A_811] {strides = array<i32>} : memref<32x1024xf32, #tpu.memory_space<vmem>>, vector<1x16xf32>,
        %parallel_loop3A_813 = vector.shape_cast %parallel_loop3A_812 : vector<1x16xf32> to vector<16xf32>
        %parallel_loop3A_814 = vector.shape_cast %parallel_loop3A_809 : vector<16xf32> to vector<1x16xf32>
        tpu.vector_store %arg7[%parallel_loop3A_810, %parallel_loop3A_811], %parallel_loop3A_814 {strides = array<i32>} : memref<32x1024xf32, #tpu.memory_space<vmem>>, vector<1x16xf32>,
        %parallel_loop3A_815 = arith.index_cast %parallel_loop3A_754 : i32 to index
        %parallel_loop3A_816 = arith.constant 96 : index
        %parallel_loop3A_817 = tpu.vector_load %arg7[%parallel_loop3A_815, %parallel_loop3A_816] {strides = array<i32>} : memref<32x1024xf32, #tpu.memory_space<vmem>>, vector<1x16xf32>,
        %parallel_loop3A_818 = vector.shape_cast %parallel_loop3A_817 : vector<1x16xf32> to vector<16xf32>
        %parallel_loop3A_819 = arith.addf %parallel_loop3A_818, %get3A_430 : vector<16xf32>
        %parallel_loop3A_820 = arith.index_cast %parallel_loop3A_754 : i32 to index
        %parallel_loop3A_821 = arith.constant 96 : index
        %parallel_loop3A_822 = tpu.vector_load %arg7[%parallel_loop3A_820, %parallel_loop3A_821] {strides = array<i32>} : memref<32x1024xf32, #tpu.memory_space<vmem>>, vector<1x16xf32>,
        %parallel_loop3A_823 = vector.shape_cast %parallel_loop3A_822 : vector<1x16xf32> to vector<16xf32>
        %parallel_loop3A_824 = vector.shape_cast %parallel_loop3A_819 : vector<16xf32> to vector<1x16xf32>
        tpu.vector_store %arg7[%parallel_loop3A_820, %parallel_loop3A_821], %parallel_loop3A_824 {strides = array<i32>} : memref<32x1024xf32, #tpu.memory_space<vmem>>, vector<1x16xf32>,
        %parallel_loop3A_825 = arith.index_cast %parallel_loop3A_754 : i32 to index
        %parallel_loop3A_826 = arith.constant 112 : index
        %parallel_loop3A_827 = tpu.vector_load %arg7[%parallel_loop3A_825, %parallel_loop3A_826] {strides = array<i32>} : memref<32x1024xf32, #tpu.memory_space<vmem>>, vector<1x16xf32>,
        %parallel_loop3A_828 = vector.shape_cast %parallel_loop3A_827 : vector<1x16xf32> to vector<16xf32>
        %parallel_loop3A_829 = arith.addf %parallel_loop3A_828, %get3A_435 : vector<16xf32>
        %parallel_loop3A_830 = arith.index_cast %parallel_loop3A_754 : i32 to index
        %parallel_loop3A_831 = arith.constant 112 : index
        %parallel_loop3A_832 = tpu.vector_load %arg7[%parallel_loop3A_830, %parallel_loop3A_831] {strides = array<i32>} : memref<32x1024xf32, #tpu.memory_space<vmem>>, vector<1x16xf32>,
        %parallel_loop3A_833 = vector.shape_cast %parallel_loop3A_832 : vector<1x16xf32> to vector<16xf32>
        %parallel_loop3A_834 = vector.shape_cast %parallel_loop3A_829 : vector<16xf32> to vector<1x16xf32>
        tpu.vector_store %arg7[%parallel_loop3A_830, %parallel_loop3A_831], %parallel_loop3A_834 {strides = array<i32>} : memref<32x1024xf32, #tpu.memory_space<vmem>>, vector<1x16xf32>,
      } {sc.loop_unroll_factor = 2 : i64, sc.parallel_access}
      %get3A_439 = arith.constant 2 : i32
      %get3A_440 = arith.index_cast %get3A_439 : i32 to index
      %get3A_441 = arith.constant 128 : index
      %get3A_442 = tpu.vector_load %arg5[%get3A_440, %get3A_441] {strides = array<i32>} : memref<3x1024xf32, #tpu.memory_space<vmem>>, vector<1x16xf32>,
      %get3A_443 = vector.shape_cast %get3A_442 : vector<1x16xf32> to vector<16xf32>
      %get3A_444 = arith.constant 2 : i32
      %get3A_445 = arith.index_cast %get3A_444 : i32 to index
      %get3A_446 = arith.constant 144 : index
      %get3A_447 = tpu.vector_load %arg5[%get3A_445, %get3A_446] {strides = array<i32>} : memref<3x1024xf32, #tpu.memory_space<vmem>>, vector<1x16xf32>,
      %get3A_448 = vector.shape_cast %get3A_447 : vector<1x16xf32> to vector<16xf32>
      %get3A_449 = arith.constant 2 : i32
      %get3A_450 = arith.index_cast %get3A_449 : i32 to index
      %get3A_451 = arith.constant 160 : index
      %get3A_452 = tpu.vector_load %arg5[%get3A_450, %get3A_451] {strides = array<i32>} : memref<3x1024xf32, #tpu.memory_space<vmem>>, vector<1x16xf32>,
      %get3A_453 = vector.shape_cast %get3A_452 : vector<1x16xf32> to vector<16xf32>
      %get3A_454 = arith.constant 2 : i32
      %get3A_455 = arith.index_cast %get3A_454 : i32 to index
      %get3A_456 = arith.constant 176 : index
      %get3A_457 = tpu.vector_load %arg5[%get3A_455, %get3A_456] {strides = array<i32>} : memref<3x1024xf32, #tpu.memory_space<vmem>>, vector<1x16xf32>,
      %get3A_458 = vector.shape_cast %get3A_457 : vector<1x16xf32> to vector<16xf32>
      %get3A_459 = arith.constant 2 : i32
      %get3A_460 = arith.index_cast %get3A_459 : i32 to index
      %get3A_461 = arith.constant 192 : index
      %get3A_462 = tpu.vector_load %arg5[%get3A_460, %get3A_461] {strides = array<i32>} : memref<3x1024xf32, #tpu.memory_space<vmem>>, vector<1x16xf32>,
      %get3A_463 = vector.shape_cast %get3A_462 : vector<1x16xf32> to vector<16xf32>
      %get3A_464 = arith.constant 2 : i32
      %get3A_465 = arith.index_cast %get3A_464 : i32 to index
      %get3A_466 = arith.constant 208 : index
      %get3A_467 = tpu.vector_load %arg5[%get3A_465, %get3A_466] {strides = array<i32>} : memref<3x1024xf32, #tpu.memory_space<vmem>>, vector<1x16xf32>,
      %get3A_468 = vector.shape_cast %get3A_467 : vector<1x16xf32> to vector<16xf32>
      %get3A_469 = arith.constant 2 : i32
      %get3A_470 = arith.index_cast %get3A_469 : i32 to index
      %get3A_471 = arith.constant 224 : index
      %get3A_472 = tpu.vector_load %arg5[%get3A_470, %get3A_471] {strides = array<i32>} : memref<3x1024xf32, #tpu.memory_space<vmem>>, vector<1x16xf32>,
      %get3A_473 = vector.shape_cast %get3A_472 : vector<1x16xf32> to vector<16xf32>
      %get3A_474 = arith.constant 2 : i32
      %get3A_475 = arith.index_cast %get3A_474 : i32 to index
      %get3A_476 = arith.constant 240 : index
      %get3A_477 = tpu.vector_load %arg5[%get3A_475, %get3A_476] {strides = array<i32>} : memref<3x1024xf32, #tpu.memory_space<vmem>>, vector<1x16xf32>,
      %get3A_478 = vector.shape_cast %get3A_477 : vector<1x16xf32> to vector<16xf32>
      %parallel_loop3A_479 = arith.constant 0 : i32
      %parallel_loop3A_480 = arith.constant 32 : i32
      %parallel_loop3A_481 = arith.constant 1 : i32
      scf.for %parallel_loop3A_754 = %parallel_loop3A_479 to %parallel_loop3A_480 step %parallel_loop3A_481  : i32 {
        %parallel_loop3A_755 = arith.index_cast %parallel_loop3A_754 : i32 to index
        %parallel_loop3A_756 = arith.constant 128 : index
        %parallel_loop3A_757 = tpu.vector_load %arg7[%parallel_loop3A_755, %parallel_loop3A_756] {strides = array<i32>} : memref<32x1024xf32, #tpu.memory_space<vmem>>, vector<1x16xf32>,
        %parallel_loop3A_758 = vector.shape_cast %parallel_loop3A_757 : vector<1x16xf32> to vector<16xf32>
        %parallel_loop3A_759 = arith.addf %parallel_loop3A_758, %get3A_443 : vector<16xf32>
        %parallel_loop3A_760 = arith.index_cast %parallel_loop3A_754 : i32 to index
        %parallel_loop3A_761 = arith.constant 128 : index
        %parallel_loop3A_762 = tpu.vector_load %arg7[%parallel_loop3A_760, %parallel_loop3A_761] {strides = array<i32>} : memref<32x1024xf32, #tpu.memory_space<vmem>>, vector<1x16xf32>,
        %parallel_loop3A_763 = vector.shape_cast %parallel_loop3A_762 : vector<1x16xf32> to vector<16xf32>
        %parallel_loop3A_764 = vector.shape_cast %parallel_loop3A_759 : vector<16xf32> to vector<1x16xf32>
        tpu.vector_store %arg7[%parallel_loop3A_760, %parallel_loop3A_761], %parallel_loop3A_764 {strides = array<i32>} : memref<32x1024xf32, #tpu.memory_space<vmem>>, vector<1x16xf32>,
        %parallel_loop3A_765 = arith.index_cast %parallel_loop3A_754 : i32 to index
        %parallel_loop3A_766 = arith.constant 144 : index
        %parallel_loop3A_767 = tpu.vector_load %arg7[%parallel_loop3A_765, %parallel_loop3A_766] {strides = array<i32>} : memref<32x1024xf32, #tpu.memory_space<vmem>>, vector<1x16xf32>,
        %parallel_loop3A_768 = vector.shape_cast %parallel_loop3A_767 : vector<1x16xf32> to vector<16xf32>
        %parallel_loop3A_769 = arith.addf %parallel_loop3A_768, %get3A_448 : vector<16xf32>
        %parallel_loop3A_770 = arith.index_cast %parallel_loop3A_754 : i32 to index
        %parallel_loop3A_771 = arith.constant 144 : index
        %parallel_loop3A_772 = tpu.vector_load %arg7[%parallel_loop3A_770, %parallel_loop3A_771] {strides = array<i32>} : memref<32x1024xf32, #tpu.memory_space<vmem>>, vector<1x16xf32>,
        %parallel_loop3A_773 = vector.shape_cast %parallel_loop3A_772 : vector<1x16xf32> to vector<16xf32>
        %parallel_loop3A_774 = vector.shape_cast %parallel_loop3A_769 : vector<16xf32> to vector<1x16xf32>
        tpu.vector_store %arg7[%parallel_loop3A_770, %parallel_loop3A_771], %parallel_loop3A_774 {strides = array<i32>} : memref<32x1024xf32, #tpu.memory_space<vmem>>, vector<1x16xf32>,
        %parallel_loop3A_775 = arith.index_cast %parallel_loop3A_754 : i32 to index
        %parallel_loop3A_776 = arith.constant 160 : index
        %parallel_loop3A_777 = tpu.vector_load %arg7[%parallel_loop3A_775, %parallel_loop3A_776] {strides = array<i32>} : memref<32x1024xf32, #tpu.memory_space<vmem>>, vector<1x16xf32>,
        %parallel_loop3A_778 = vector.shape_cast %parallel_loop3A_777 : vector<1x16xf32> to vector<16xf32>
        %parallel_loop3A_779 = arith.addf %parallel_loop3A_778, %get3A_453 : vector<16xf32>
        %parallel_loop3A_780 = arith.index_cast %parallel_loop3A_754 : i32 to index
        %parallel_loop3A_781 = arith.constant 160 : index
        %parallel_loop3A_782 = tpu.vector_load %arg7[%parallel_loop3A_780, %parallel_loop3A_781] {strides = array<i32>} : memref<32x1024xf32, #tpu.memory_space<vmem>>, vector<1x16xf32>,
        %parallel_loop3A_783 = vector.shape_cast %parallel_loop3A_782 : vector<1x16xf32> to vector<16xf32>
        %parallel_loop3A_784 = vector.shape_cast %parallel_loop3A_779 : vector<16xf32> to vector<1x16xf32>
        tpu.vector_store %arg7[%parallel_loop3A_780, %parallel_loop3A_781], %parallel_loop3A_784 {strides = array<i32>} : memref<32x1024xf32, #tpu.memory_space<vmem>>, vector<1x16xf32>,
        %parallel_loop3A_785 = arith.index_cast %parallel_loop3A_754 : i32 to index
        %parallel_loop3A_786 = arith.constant 176 : index
        %parallel_loop3A_787 = tpu.vector_load %arg7[%parallel_loop3A_785, %parallel_loop3A_786] {strides = array<i32>} : memref<32x1024xf32, #tpu.memory_space<vmem>>, vector<1x16xf32>,
        %parallel_loop3A_788 = vector.shape_cast %parallel_loop3A_787 : vector<1x16xf32> to vector<16xf32>
        %parallel_loop3A_789 = arith.addf %parallel_loop3A_788, %get3A_458 : vector<16xf32>
        %parallel_loop3A_790 = arith.index_cast %parallel_loop3A_754 : i32 to index
        %parallel_loop3A_791 = arith.constant 176 : index
        %parallel_loop3A_792 = tpu.vector_load %arg7[%parallel_loop3A_790, %parallel_loop3A_791] {strides = array<i32>} : memref<32x1024xf32, #tpu.memory_space<vmem>>, vector<1x16xf32>,
        %parallel_loop3A_793 = vector.shape_cast %parallel_loop3A_792 : vector<1x16xf32> to vector<16xf32>
        %parallel_loop3A_794 = vector.shape_cast %parallel_loop3A_789 : vector<16xf32> to vector<1x16xf32>
        tpu.vector_store %arg7[%parallel_loop3A_790, %parallel_loop3A_791], %parallel_loop3A_794 {strides = array<i32>} : memref<32x1024xf32, #tpu.memory_space<vmem>>, vector<1x16xf32>,
        %parallel_loop3A_795 = arith.index_cast %parallel_loop3A_754 : i32 to index
        %parallel_loop3A_796 = arith.constant 192 : index
        %parallel_loop3A_797 = tpu.vector_load %arg7[%parallel_loop3A_795, %parallel_loop3A_796] {strides = array<i32>} : memref<32x1024xf32, #tpu.memory_space<vmem>>, vector<1x16xf32>,
        %parallel_loop3A_798 = vector.shape_cast %parallel_loop3A_797 : vector<1x16xf32> to vector<16xf32>
        %parallel_loop3A_799 = arith.addf %parallel_loop3A_798, %get3A_463 : vector<16xf32>
        %parallel_loop3A_800 = arith.index_cast %parallel_loop3A_754 : i32 to index
        %parallel_loop3A_801 = arith.constant 192 : index
        %parallel_loop3A_802 = tpu.vector_load %arg7[%parallel_loop3A_800, %parallel_loop3A_801] {strides = array<i32>} : memref<32x1024xf32, #tpu.memory_space<vmem>>, vector<1x16xf32>,
        %parallel_loop3A_803 = vector.shape_cast %parallel_loop3A_802 : vector<1x16xf32> to vector<16xf32>
        %parallel_loop3A_804 = vector.shape_cast %parallel_loop3A_799 : vector<16xf32> to vector<1x16xf32>
        tpu.vector_store %arg7[%parallel_loop3A_800, %parallel_loop3A_801], %parallel_loop3A_804 {strides = array<i32>} : memref<32x1024xf32, #tpu.memory_space<vmem>>, vector<1x16xf32>,
        %parallel_loop3A_805 = arith.index_cast %parallel_loop3A_754 : i32 to index
        %parallel_loop3A_806 = arith.constant 208 : index
        %parallel_loop3A_807 = tpu.vector_load %arg7[%parallel_loop3A_805, %parallel_loop3A_806] {strides = array<i32>} : memref<32x1024xf32, #tpu.memory_space<vmem>>, vector<1x16xf32>,
        %parallel_loop3A_808 = vector.shape_cast %parallel_loop3A_807 : vector<1x16xf32> to vector<16xf32>
        %parallel_loop3A_809 = arith.addf %parallel_loop3A_808, %get3A_468 : vector<16xf32>
        %parallel_loop3A_810 = arith.index_cast %parallel_loop3A_754 : i32 to index
        %parallel_loop3A_811 = arith.constant 208 : index
        %parallel_loop3A_812 = tpu.vector_load %arg7[%parallel_loop3A_810, %parallel_loop3A_811] {strides = array<i32>} : memref<32x1024xf32, #tpu.memory_space<vmem>>, vector<1x16xf32>,
        %parallel_loop3A_813 = vector.shape_cast %parallel_loop3A_812 : vector<1x16xf32> to vector<16xf32>
        %parallel_loop3A_814 = vector.shape_cast %parallel_loop3A_809 : vector<16xf32> to vector<1x16xf32>
        tpu.vector_store %arg7[%parallel_loop3A_810, %parallel_loop3A_811], %parallel_loop3A_814 {strides = array<i32>} : memref<32x1024xf32, #tpu.memory_space<vmem>>, vector<1x16xf32>,
        %parallel_loop3A_815 = arith.index_cast %parallel_loop3A_754 : i32 to index
        %parallel_loop3A_816 = arith.constant 224 : index
        %parallel_loop3A_817 = tpu.vector_load %arg7[%parallel_loop3A_815, %parallel_loop3A_816] {strides = array<i32>} : memref<32x1024xf32, #tpu.memory_space<vmem>>, vector<1x16xf32>,
        %parallel_loop3A_818 = vector.shape_cast %parallel_loop3A_817 : vector<1x16xf32> to vector<16xf32>
        %parallel_loop3A_819 = arith.addf %parallel_loop3A_818, %get3A_473 : vector<16xf32>
        %parallel_loop3A_820 = arith.index_cast %parallel_loop3A_754 : i32 to index
        %parallel_loop3A_821 = arith.constant 224 : index
        %parallel_loop3A_822 = tpu.vector_load %arg7[%parallel_loop3A_820, %parallel_loop3A_821] {strides = array<i32>} : memref<32x1024xf32, #tpu.memory_space<vmem>>, vector<1x16xf32>,
        %parallel_loop3A_823 = vector.shape_cast %parallel_loop3A_822 : vector<1x16xf32> to vector<16xf32>
        %parallel_loop3A_824 = vector.shape_cast %parallel_loop3A_819 : vector<16xf32> to vector<1x16xf32>
        tpu.vector_store %arg7[%parallel_loop3A_820, %parallel_loop3A_821], %parallel_loop3A_824 {strides = array<i32>} : memref<32x1024xf32, #tpu.memory_space<vmem>>, vector<1x16xf32>,
        %parallel_loop3A_825 = arith.index_cast %parallel_loop3A_754 : i32 to index
        %parallel_loop3A_826 = arith.constant 240 : index
        %parallel_loop3A_827 = tpu.vector_load %arg7[%parallel_loop3A_825, %parallel_loop3A_826] {strides = array<i32>} : memref<32x1024xf32, #tpu.memory_space<vmem>>, vector<1x16xf32>,
        %parallel_loop3A_828 = vector.shape_cast %parallel_loop3A_827 : vector<1x16xf32> to vector<16xf32>
        %parallel_loop3A_829 = arith.addf %parallel_loop3A_828, %get3A_478 : vector<16xf32>
        %parallel_loop3A_830 = arith.index_cast %parallel_loop3A_754 : i32 to index
        %parallel_loop3A_831 = arith.constant 240 : index
        %parallel_loop3A_832 = tpu.vector_load %arg7[%parallel_loop3A_830, %parallel_loop3A_831] {strides = array<i32>} : memref<32x1024xf32, #tpu.memory_space<vmem>>, vector<1x16xf32>,
        %parallel_loop3A_833 = vector.shape_cast %parallel_loop3A_832 : vector<1x16xf32> to vector<16xf32>
        %parallel_loop3A_834 = vector.shape_cast %parallel_loop3A_829 : vector<16xf32> to vector<1x16xf32>
        tpu.vector_store %arg7[%parallel_loop3A_830, %parallel_loop3A_831], %parallel_loop3A_834 {strides = array<i32>} : memref<32x1024xf32, #tpu.memory_space<vmem>>, vector<1x16xf32>,
      } {sc.loop_unroll_factor = 2 : i64, sc.parallel_access}
      %get3A_482 = arith.constant 2 : i32
      %get3A_483 = arith.index_cast %get3A_482 : i32 to index
      %get3A_484 = arith.constant 256 : index
      %get3A_485 = tpu.vector_load %arg5[%get3A_483, %get3A_484] {strides = array<i32>} : memref<3x1024xf32, #tpu.memory_space<vmem>>, vector<1x16xf32>,
      %get3A_486 = vector.shape_cast %get3A_485 : vector<1x16xf32> to vector<16xf32>
      %get3A_487 = arith.constant 2 : i32
      %get3A_488 = arith.index_cast %get3A_487 : i32 to index
      %get3A_489 = arith.constant 272 : index
      %get3A_490 = tpu.vector_load %arg5[%get3A_488, %get3A_489] {strides = array<i32>} : memref<3x1024xf32, #tpu.memory_space<vmem>>, vector<1x16xf32>,
      %get3A_491 = vector.shape_cast %get3A_490 : vector<1x16xf32> to vector<16xf32>
      %get3A_492 = arith.constant 2 : i32
      %get3A_493 = arith.index_cast %get3A_492 : i32 to index
      %get3A_494 = arith.constant 288 : index
      %get3A_495 = tpu.vector_load %arg5[%get3A_493, %get3A_494] {strides = array<i32>} : memref<3x1024xf32, #tpu.memory_space<vmem>>, vector<1x16xf32>,
      %get3A_496 = vector.shape_cast %get3A_495 : vector<1x16xf32> to vector<16xf32>
      %get3A_497 = arith.constant 2 : i32
      %get3A_498 = arith.index_cast %get3A_497 : i32 to index
      %get3A_499 = arith.constant 304 : index
      %get3A_500 = tpu.vector_load %arg5[%get3A_498, %get3A_499] {strides = array<i32>} : memref<3x1024xf32, #tpu.memory_space<vmem>>, vector<1x16xf32>,
      %get3A_501 = vector.shape_cast %get3A_500 : vector<1x16xf32> to vector<16xf32>
      %get3A_502 = arith.constant 2 : i32
      %get3A_503 = arith.index_cast %get3A_502 : i32 to index
      %get3A_504 = arith.constant 320 : index
      %get3A_505 = tpu.vector_load %arg5[%get3A_503, %get3A_504] {strides = array<i32>} : memref<3x1024xf32, #tpu.memory_space<vmem>>, vector<1x16xf32>,
      %get3A_506 = vector.shape_cast %get3A_505 : vector<1x16xf32> to vector<16xf32>
      %get3A_507 = arith.constant 2 : i32
      %get3A_508 = arith.index_cast %get3A_507 : i32 to index
      %get3A_509 = arith.constant 336 : index
      %get3A_510 = tpu.vector_load %arg5[%get3A_508, %get3A_509] {strides = array<i32>} : memref<3x1024xf32, #tpu.memory_space<vmem>>, vector<1x16xf32>,
      %get3A_511 = vector.shape_cast %get3A_510 : vector<1x16xf32> to vector<16xf32>
      %get3A_512 = arith.constant 2 : i32
      %get3A_513 = arith.index_cast %get3A_512 : i32 to index
      %get3A_514 = arith.constant 352 : index
      %get3A_515 = tpu.vector_load %arg5[%get3A_513, %get3A_514] {strides = array<i32>} : memref<3x1024xf32, #tpu.memory_space<vmem>>, vector<1x16xf32>,
      %get3A_516 = vector.shape_cast %get3A_515 : vector<1x16xf32> to vector<16xf32>
      %get3A_517 = arith.constant 2 : i32
      %get3A_518 = arith.index_cast %get3A_517 : i32 to index
      %get3A_519 = arith.constant 368 : index
      %get3A_520 = tpu.vector_load %arg5[%get3A_518, %get3A_519] {strides = array<i32>} : memref<3x1024xf32, #tpu.memory_space<vmem>>, vector<1x16xf32>,
      %get3A_521 = vector.shape_cast %get3A_520 : vector<1x16xf32> to vector<16xf32>
      %parallel_loop3A_522 = arith.constant 0 : i32
      %parallel_loop3A_523 = arith.constant 32 : i32
      %parallel_loop3A_524 = arith.constant 1 : i32
      scf.for %parallel_loop3A_754 = %parallel_loop3A_522 to %parallel_loop3A_523 step %parallel_loop3A_524  : i32 {
        %parallel_loop3A_755 = arith.index_cast %parallel_loop3A_754 : i32 to index
        %parallel_loop3A_756 = arith.constant 256 : index
        %parallel_loop3A_757 = tpu.vector_load %arg7[%parallel_loop3A_755, %parallel_loop3A_756] {strides = array<i32>} : memref<32x1024xf32, #tpu.memory_space<vmem>>, vector<1x16xf32>,
        %parallel_loop3A_758 = vector.shape_cast %parallel_loop3A_757 : vector<1x16xf32> to vector<16xf32>
        %parallel_loop3A_759 = arith.addf %parallel_loop3A_758, %get3A_486 : vector<16xf32>
        %parallel_loop3A_760 = arith.index_cast %parallel_loop3A_754 : i32 to index
        %parallel_loop3A_761 = arith.constant 256 : index
        %parallel_loop3A_762 = tpu.vector_load %arg7[%parallel_loop3A_760, %parallel_loop3A_761] {strides = array<i32>} : memref<32x1024xf32, #tpu.memory_space<vmem>>, vector<1x16xf32>,
        %parallel_loop3A_763 = vector.shape_cast %parallel_loop3A_762 : vector<1x16xf32> to vector<16xf32>
        %parallel_loop3A_764 = vector.shape_cast %parallel_loop3A_759 : vector<16xf32> to vector<1x16xf32>
        tpu.vector_store %arg7[%parallel_loop3A_760, %parallel_loop3A_761], %parallel_loop3A_764 {strides = array<i32>} : memref<32x1024xf32, #tpu.memory_space<vmem>>, vector<1x16xf32>,
        %parallel_loop3A_765 = arith.index_cast %parallel_loop3A_754 : i32 to index
        %parallel_loop3A_766 = arith.constant 272 : index
        %parallel_loop3A_767 = tpu.vector_load %arg7[%parallel_loop3A_765, %parallel_loop3A_766] {strides = array<i32>} : memref<32x1024xf32, #tpu.memory_space<vmem>>, vector<1x16xf32>,
        %parallel_loop3A_768 = vector.shape_cast %parallel_loop3A_767 : vector<1x16xf32> to vector<16xf32>
        %parallel_loop3A_769 = arith.addf %parallel_loop3A_768, %get3A_491 : vector<16xf32>
        %parallel_loop3A_770 = arith.index_cast %parallel_loop3A_754 : i32 to index
        %parallel_loop3A_771 = arith.constant 272 : index
        %parallel_loop3A_772 = tpu.vector_load %arg7[%parallel_loop3A_770, %parallel_loop3A_771] {strides = array<i32>} : memref<32x1024xf32, #tpu.memory_space<vmem>>, vector<1x16xf32>,
        %parallel_loop3A_773 = vector.shape_cast %parallel_loop3A_772 : vector<1x16xf32> to vector<16xf32>
        %parallel_loop3A_774 = vector.shape_cast %parallel_loop3A_769 : vector<16xf32> to vector<1x16xf32>
        tpu.vector_store %arg7[%parallel_loop3A_770, %parallel_loop3A_771], %parallel_loop3A_774 {strides = array<i32>} : memref<32x1024xf32, #tpu.memory_space<vmem>>, vector<1x16xf32>,
        %parallel_loop3A_775 = arith.index_cast %parallel_loop3A_754 : i32 to index
        %parallel_loop3A_776 = arith.constant 288 : index
        %parallel_loop3A_777 = tpu.vector_load %arg7[%parallel_loop3A_775, %parallel_loop3A_776] {strides = array<i32>} : memref<32x1024xf32, #tpu.memory_space<vmem>>, vector<1x16xf32>,
        %parallel_loop3A_778 = vector.shape_cast %parallel_loop3A_777 : vector<1x16xf32> to vector<16xf32>
        %parallel_loop3A_779 = arith.addf %parallel_loop3A_778, %get3A_496 : vector<16xf32>
        %parallel_loop3A_780 = arith.index_cast %parallel_loop3A_754 : i32 to index
        %parallel_loop3A_781 = arith.constant 288 : index
        %parallel_loop3A_782 = tpu.vector_load %arg7[%parallel_loop3A_780, %parallel_loop3A_781] {strides = array<i32>} : memref<32x1024xf32, #tpu.memory_space<vmem>>, vector<1x16xf32>,
        %parallel_loop3A_783 = vector.shape_cast %parallel_loop3A_782 : vector<1x16xf32> to vector<16xf32>
        %parallel_loop3A_784 = vector.shape_cast %parallel_loop3A_779 : vector<16xf32> to vector<1x16xf32>
        tpu.vector_store %arg7[%parallel_loop3A_780, %parallel_loop3A_781], %parallel_loop3A_784 {strides = array<i32>} : memref<32x1024xf32, #tpu.memory_space<vmem>>, vector<1x16xf32>,
        %parallel_loop3A_785 = arith.index_cast %parallel_loop3A_754 : i32 to index
        %parallel_loop3A_786 = arith.constant 304 : index
        %parallel_loop3A_787 = tpu.vector_load %arg7[%parallel_loop3A_785, %parallel_loop3A_786] {strides = array<i32>} : memref<32x1024xf32, #tpu.memory_space<vmem>>, vector<1x16xf32>,
        %parallel_loop3A_788 = vector.shape_cast %parallel_loop3A_787 : vector<1x16xf32> to vector<16xf32>
        %parallel_loop3A_789 = arith.addf %parallel_loop3A_788, %get3A_501 : vector<16xf32>
        %parallel_loop3A_790 = arith.index_cast %parallel_loop3A_754 : i32 to index
        %parallel_loop3A_791 = arith.constant 304 : index
        %parallel_loop3A_792 = tpu.vector_load %arg7[%parallel_loop3A_790, %parallel_loop3A_791] {strides = array<i32>} : memref<32x1024xf32, #tpu.memory_space<vmem>>, vector<1x16xf32>,
        %parallel_loop3A_793 = vector.shape_cast %parallel_loop3A_792 : vector<1x16xf32> to vector<16xf32>
        %parallel_loop3A_794 = vector.shape_cast %parallel_loop3A_789 : vector<16xf32> to vector<1x16xf32>
        tpu.vector_store %arg7[%parallel_loop3A_790, %parallel_loop3A_791], %parallel_loop3A_794 {strides = array<i32>} : memref<32x1024xf32, #tpu.memory_space<vmem>>, vector<1x16xf32>,
        %parallel_loop3A_795 = arith.index_cast %parallel_loop3A_754 : i32 to index
        %parallel_loop3A_796 = arith.constant 320 : index
        %parallel_loop3A_797 = tpu.vector_load %arg7[%parallel_loop3A_795, %parallel_loop3A_796] {strides = array<i32>} : memref<32x1024xf32, #tpu.memory_space<vmem>>, vector<1x16xf32>,
        %parallel_loop3A_798 = vector.shape_cast %parallel_loop3A_797 : vector<1x16xf32> to vector<16xf32>
        %parallel_loop3A_799 = arith.addf %parallel_loop3A_798, %get3A_506 : vector<16xf32>
        %parallel_loop3A_800 = arith.index_cast %parallel_loop3A_754 : i32 to index
        %parallel_loop3A_801 = arith.constant 320 : index
        %parallel_loop3A_802 = tpu.vector_load %arg7[%parallel_loop3A_800, %parallel_loop3A_801] {strides = array<i32>} : memref<32x1024xf32, #tpu.memory_space<vmem>>, vector<1x16xf32>,
        %parallel_loop3A_803 = vector.shape_cast %parallel_loop3A_802 : vector<1x16xf32> to vector<16xf32>
        %parallel_loop3A_804 = vector.shape_cast %parallel_loop3A_799 : vector<16xf32> to vector<1x16xf32>
        tpu.vector_store %arg7[%parallel_loop3A_800, %parallel_loop3A_801], %parallel_loop3A_804 {strides = array<i32>} : memref<32x1024xf32, #tpu.memory_space<vmem>>, vector<1x16xf32>,
        %parallel_loop3A_805 = arith.index_cast %parallel_loop3A_754 : i32 to index
        %parallel_loop3A_806 = arith.constant 336 : index
        %parallel_loop3A_807 = tpu.vector_load %arg7[%parallel_loop3A_805, %parallel_loop3A_806] {strides = array<i32>} : memref<32x1024xf32, #tpu.memory_space<vmem>>, vector<1x16xf32>,
        %parallel_loop3A_808 = vector.shape_cast %parallel_loop3A_807 : vector<1x16xf32> to vector<16xf32>
        %parallel_loop3A_809 = arith.addf %parallel_loop3A_808, %get3A_511 : vector<16xf32>
        %parallel_loop3A_810 = arith.index_cast %parallel_loop3A_754 : i32 to index
        %parallel_loop3A_811 = arith.constant 336 : index
        %parallel_loop3A_812 = tpu.vector_load %arg7[%parallel_loop3A_810, %parallel_loop3A_811] {strides = array<i32>} : memref<32x1024xf32, #tpu.memory_space<vmem>>, vector<1x16xf32>,
        %parallel_loop3A_813 = vector.shape_cast %parallel_loop3A_812 : vector<1x16xf32> to vector<16xf32>
        %parallel_loop3A_814 = vector.shape_cast %parallel_loop3A_809 : vector<16xf32> to vector<1x16xf32>
        tpu.vector_store %arg7[%parallel_loop3A_810, %parallel_loop3A_811], %parallel_loop3A_814 {strides = array<i32>} : memref<32x1024xf32, #tpu.memory_space<vmem>>, vector<1x16xf32>,
        %parallel_loop3A_815 = arith.index_cast %parallel_loop3A_754 : i32 to index
        %parallel_loop3A_816 = arith.constant 352 : index
        %parallel_loop3A_817 = tpu.vector_load %arg7[%parallel_loop3A_815, %parallel_loop3A_816] {strides = array<i32>} : memref<32x1024xf32, #tpu.memory_space<vmem>>, vector<1x16xf32>,
        %parallel_loop3A_818 = vector.shape_cast %parallel_loop3A_817 : vector<1x16xf32> to vector<16xf32>
        %parallel_loop3A_819 = arith.addf %parallel_loop3A_818, %get3A_516 : vector<16xf32>
        %parallel_loop3A_820 = arith.index_cast %parallel_loop3A_754 : i32 to index
        %parallel_loop3A_821 = arith.constant 352 : index
        %parallel_loop3A_822 = tpu.vector_load %arg7[%parallel_loop3A_820, %parallel_loop3A_821] {strides = array<i32>} : memref<32x1024xf32, #tpu.memory_space<vmem>>, vector<1x16xf32>,
        %parallel_loop3A_823 = vector.shape_cast %parallel_loop3A_822 : vector<1x16xf32> to vector<16xf32>
        %parallel_loop3A_824 = vector.shape_cast %parallel_loop3A_819 : vector<16xf32> to vector<1x16xf32>
        tpu.vector_store %arg7[%parallel_loop3A_820, %parallel_loop3A_821], %parallel_loop3A_824 {strides = array<i32>} : memref<32x1024xf32, #tpu.memory_space<vmem>>, vector<1x16xf32>,
        %parallel_loop3A_825 = arith.index_cast %parallel_loop3A_754 : i32 to index
        %parallel_loop3A_826 = arith.constant 368 : index
        %parallel_loop3A_827 = tpu.vector_load %arg7[%parallel_loop3A_825, %parallel_loop3A_826] {strides = array<i32>} : memref<32x1024xf32, #tpu.memory_space<vmem>>, vector<1x16xf32>,
        %parallel_loop3A_828 = vector.shape_cast %parallel_loop3A_827 : vector<1x16xf32> to vector<16xf32>
        %parallel_loop3A_829 = arith.addf %parallel_loop3A_828, %get3A_521 : vector<16xf32>
        %parallel_loop3A_830 = arith.index_cast %parallel_loop3A_754 : i32 to index
        %parallel_loop3A_831 = arith.constant 368 : index
        %parallel_loop3A_832 = tpu.vector_load %arg7[%parallel_loop3A_830, %parallel_loop3A_831] {strides = array<i32>} : memref<32x1024xf32, #tpu.memory_space<vmem>>, vector<1x16xf32>,
        %parallel_loop3A_833 = vector.shape_cast %parallel_loop3A_832 : vector<1x16xf32> to vector<16xf32>
        %parallel_loop3A_834 = vector.shape_cast %parallel_loop3A_829 : vector<16xf32> to vector<1x16xf32>
        tpu.vector_store %arg7[%parallel_loop3A_830, %parallel_loop3A_831], %parallel_loop3A_834 {strides = array<i32>} : memref<32x1024xf32, #tpu.memory_space<vmem>>, vector<1x16xf32>,
      } {sc.loop_unroll_factor = 2 : i64, sc.parallel_access}
      %get3A_525 = arith.constant 2 : i32
      %get3A_526 = arith.index_cast %get3A_525 : i32 to index
      %get3A_527 = arith.constant 384 : index
      %get3A_528 = tpu.vector_load %arg5[%get3A_526, %get3A_527] {strides = array<i32>} : memref<3x1024xf32, #tpu.memory_space<vmem>>, vector<1x16xf32>,
      %get3A_529 = vector.shape_cast %get3A_528 : vector<1x16xf32> to vector<16xf32>
      %get3A_530 = arith.constant 2 : i32
      %get3A_531 = arith.index_cast %get3A_530 : i32 to index
      %get3A_532 = arith.constant 400 : index
      %get3A_533 = tpu.vector_load %arg5[%get3A_531, %get3A_532] {strides = array<i32>} : memref<3x1024xf32, #tpu.memory_space<vmem>>, vector<1x16xf32>,
      %get3A_534 = vector.shape_cast %get3A_533 : vector<1x16xf32> to vector<16xf32>
      %get3A_535 = arith.constant 2 : i32
      %get3A_536 = arith.index_cast %get3A_535 : i32 to index
      %get3A_537 = arith.constant 416 : index
      %get3A_538 = tpu.vector_load %arg5[%get3A_536, %get3A_537] {strides = array<i32>} : memref<3x1024xf32, #tpu.memory_space<vmem>>, vector<1x16xf32>,
      %get3A_539 = vector.shape_cast %get3A_538 : vector<1x16xf32> to vector<16xf32>
      %get3A_540 = arith.constant 2 : i32
      %get3A_541 = arith.index_cast %get3A_540 : i32 to index
      %get3A_542 = arith.constant 432 : index
      %get3A_543 = tpu.vector_load %arg5[%get3A_541, %get3A_542] {strides = array<i32>} : memref<3x1024xf32, #tpu.memory_space<vmem>>, vector<1x16xf32>,
      %get3A_544 = vector.shape_cast %get3A_543 : vector<1x16xf32> to vector<16xf32>
      %get3A_545 = arith.constant 2 : i32
      %get3A_546 = arith.index_cast %get3A_545 : i32 to index
      %get3A_547 = arith.constant 448 : index
      %get3A_548 = tpu.vector_load %arg5[%get3A_546, %get3A_547] {strides = array<i32>} : memref<3x1024xf32, #tpu.memory_space<vmem>>, vector<1x16xf32>,
      %get3A_549 = vector.shape_cast %get3A_548 : vector<1x16xf32> to vector<16xf32>
      %get3A_550 = arith.constant 2 : i32
      %get3A_551 = arith.index_cast %get3A_550 : i32 to index
      %get3A_552 = arith.constant 464 : index
      %get3A_553 = tpu.vector_load %arg5[%get3A_551, %get3A_552] {strides = array<i32>} : memref<3x1024xf32, #tpu.memory_space<vmem>>, vector<1x16xf32>,
      %get3A_554 = vector.shape_cast %get3A_553 : vector<1x16xf32> to vector<16xf32>
      %get3A_555 = arith.constant 2 : i32
      %get3A_556 = arith.index_cast %get3A_555 : i32 to index
      %get3A_557 = arith.constant 480 : index
      %get3A_558 = tpu.vector_load %arg5[%get3A_556, %get3A_557] {strides = array<i32>} : memref<3x1024xf32, #tpu.memory_space<vmem>>, vector<1x16xf32>,
      %get3A_559 = vector.shape_cast %get3A_558 : vector<1x16xf32> to vector<16xf32>
      %get3A_560 = arith.constant 2 : i32
      %get3A_561 = arith.index_cast %get3A_560 : i32 to index
      %get3A_562 = arith.constant 496 : index
      %get3A_563 = tpu.vector_load %arg5[%get3A_561, %get3A_562] {strides = array<i32>} : memref<3x1024xf32, #tpu.memory_space<vmem>>, vector<1x16xf32>,
      %get3A_564 = vector.shape_cast %get3A_563 : vector<1x16xf32> to vector<16xf32>
      %parallel_loop3A_565 = arith.constant 0 : i32
      %parallel_loop3A_566 = arith.constant 32 : i32
      %parallel_loop3A_567 = arith.constant 1 : i32
      scf.for %parallel_loop3A_754 = %parallel_loop3A_565 to %parallel_loop3A_566 step %parallel_loop3A_567  : i32 {
        %parallel_loop3A_755 = arith.index_cast %parallel_loop3A_754 : i32 to index
        %parallel_loop3A_756 = arith.constant 384 : index
        %parallel_loop3A_757 = tpu.vector_load %arg7[%parallel_loop3A_755, %parallel_loop3A_756] {strides = array<i32>} : memref<32x1024xf32, #tpu.memory_space<vmem>>, vector<1x16xf32>,
        %parallel_loop3A_758 = vector.shape_cast %parallel_loop3A_757 : vector<1x16xf32> to vector<16xf32>
        %parallel_loop3A_759 = arith.addf %parallel_loop3A_758, %get3A_529 : vector<16xf32>
        %parallel_loop3A_760 = arith.index_cast %parallel_loop3A_754 : i32 to index
        %parallel_loop3A_761 = arith.constant 384 : index
        %parallel_loop3A_762 = tpu.vector_load %arg7[%parallel_loop3A_760, %parallel_loop3A_761] {strides = array<i32>} : memref<32x1024xf32, #tpu.memory_space<vmem>>, vector<1x16xf32>,
        %parallel_loop3A_763 = vector.shape_cast %parallel_loop3A_762 : vector<1x16xf32> to vector<16xf32>
        %parallel_loop3A_764 = vector.shape_cast %parallel_loop3A_759 : vector<16xf32> to vector<1x16xf32>
        tpu.vector_store %arg7[%parallel_loop3A_760, %parallel_loop3A_761], %parallel_loop3A_764 {strides = array<i32>} : memref<32x1024xf32, #tpu.memory_space<vmem>>, vector<1x16xf32>,
        %parallel_loop3A_765 = arith.index_cast %parallel_loop3A_754 : i32 to index
        %parallel_loop3A_766 = arith.constant 400 : index
        %parallel_loop3A_767 = tpu.vector_load %arg7[%parallel_loop3A_765, %parallel_loop3A_766] {strides = array<i32>} : memref<32x1024xf32, #tpu.memory_space<vmem>>, vector<1x16xf32>,
        %parallel_loop3A_768 = vector.shape_cast %parallel_loop3A_767 : vector<1x16xf32> to vector<16xf32>
        %parallel_loop3A_769 = arith.addf %parallel_loop3A_768, %get3A_534 : vector<16xf32>
        %parallel_loop3A_770 = arith.index_cast %parallel_loop3A_754 : i32 to index
        %parallel_loop3A_771 = arith.constant 400 : index
        %parallel_loop3A_772 = tpu.vector_load %arg7[%parallel_loop3A_770, %parallel_loop3A_771] {strides = array<i32>} : memref<32x1024xf32, #tpu.memory_space<vmem>>, vector<1x16xf32>,
        %parallel_loop3A_773 = vector.shape_cast %parallel_loop3A_772 : vector<1x16xf32> to vector<16xf32>
        %parallel_loop3A_774 = vector.shape_cast %parallel_loop3A_769 : vector<16xf32> to vector<1x16xf32>
        tpu.vector_store %arg7[%parallel_loop3A_770, %parallel_loop3A_771], %parallel_loop3A_774 {strides = array<i32>} : memref<32x1024xf32, #tpu.memory_space<vmem>>, vector<1x16xf32>,
        %parallel_loop3A_775 = arith.index_cast %parallel_loop3A_754 : i32 to index
        %parallel_loop3A_776 = arith.constant 416 : index
        %parallel_loop3A_777 = tpu.vector_load %arg7[%parallel_loop3A_775, %parallel_loop3A_776] {strides = array<i32>} : memref<32x1024xf32, #tpu.memory_space<vmem>>, vector<1x16xf32>,
        %parallel_loop3A_778 = vector.shape_cast %parallel_loop3A_777 : vector<1x16xf32> to vector<16xf32>
        %parallel_loop3A_779 = arith.addf %parallel_loop3A_778, %get3A_539 : vector<16xf32>
        %parallel_loop3A_780 = arith.index_cast %parallel_loop3A_754 : i32 to index
        %parallel_loop3A_781 = arith.constant 416 : index
        %parallel_loop3A_782 = tpu.vector_load %arg7[%parallel_loop3A_780, %parallel_loop3A_781] {strides = array<i32>} : memref<32x1024xf32, #tpu.memory_space<vmem>>, vector<1x16xf32>,
        %parallel_loop3A_783 = vector.shape_cast %parallel_loop3A_782 : vector<1x16xf32> to vector<16xf32>
        %parallel_loop3A_784 = vector.shape_cast %parallel_loop3A_779 : vector<16xf32> to vector<1x16xf32>
        tpu.vector_store %arg7[%parallel_loop3A_780, %parallel_loop3A_781], %parallel_loop3A_784 {strides = array<i32>} : memref<32x1024xf32, #tpu.memory_space<vmem>>, vector<1x16xf32>,
        %parallel_loop3A_785 = arith.index_cast %parallel_loop3A_754 : i32 to index
        %parallel_loop3A_786 = arith.constant 432 : index
        %parallel_loop3A_787 = tpu.vector_load %arg7[%parallel_loop3A_785, %parallel_loop3A_786] {strides = array<i32>} : memref<32x1024xf32, #tpu.memory_space<vmem>>, vector<1x16xf32>,
        %parallel_loop3A_788 = vector.shape_cast %parallel_loop3A_787 : vector<1x16xf32> to vector<16xf32>
        %parallel_loop3A_789 = arith.addf %parallel_loop3A_788, %get3A_544 : vector<16xf32>
        %parallel_loop3A_790 = arith.index_cast %parallel_loop3A_754 : i32 to index
        %parallel_loop3A_791 = arith.constant 432 : index
        %parallel_loop3A_792 = tpu.vector_load %arg7[%parallel_loop3A_790, %parallel_loop3A_791] {strides = array<i32>} : memref<32x1024xf32, #tpu.memory_space<vmem>>, vector<1x16xf32>,
        %parallel_loop3A_793 = vector.shape_cast %parallel_loop3A_792 : vector<1x16xf32> to vector<16xf32>
        %parallel_loop3A_794 = vector.shape_cast %parallel_loop3A_789 : vector<16xf32> to vector<1x16xf32>
        tpu.vector_store %arg7[%parallel_loop3A_790, %parallel_loop3A_791], %parallel_loop3A_794 {strides = array<i32>} : memref<32x1024xf32, #tpu.memory_space<vmem>>, vector<1x16xf32>,
        %parallel_loop3A_795 = arith.index_cast %parallel_loop3A_754 : i32 to index
        %parallel_loop3A_796 = arith.constant 448 : index
        %parallel_loop3A_797 = tpu.vector_load %arg7[%parallel_loop3A_795, %parallel_loop3A_796] {strides = array<i32>} : memref<32x1024xf32, #tpu.memory_space<vmem>>, vector<1x16xf32>,
        %parallel_loop3A_798 = vector.shape_cast %parallel_loop3A_797 : vector<1x16xf32> to vector<16xf32>
        %parallel_loop3A_799 = arith.addf %parallel_loop3A_798, %get3A_549 : vector<16xf32>
        %parallel_loop3A_800 = arith.index_cast %parallel_loop3A_754 : i32 to index
        %parallel_loop3A_801 = arith.constant 448 : index
        %parallel_loop3A_802 = tpu.vector_load %arg7[%parallel_loop3A_800, %parallel_loop3A_801] {strides = array<i32>} : memref<32x1024xf32, #tpu.memory_space<vmem>>, vector<1x16xf32>,
        %parallel_loop3A_803 = vector.shape_cast %parallel_loop3A_802 : vector<1x16xf32> to vector<16xf32>
        %parallel_loop3A_804 = vector.shape_cast %parallel_loop3A_799 : vector<16xf32> to vector<1x16xf32>
        tpu.vector_store %arg7[%parallel_loop3A_800, %parallel_loop3A_801], %parallel_loop3A_804 {strides = array<i32>} : memref<32x1024xf32, #tpu.memory_space<vmem>>, vector<1x16xf32>,
        %parallel_loop3A_805 = arith.index_cast %parallel_loop3A_754 : i32 to index
        %parallel_loop3A_806 = arith.constant 464 : index
        %parallel_loop3A_807 = tpu.vector_load %arg7[%parallel_loop3A_805, %parallel_loop3A_806] {strides = array<i32>} : memref<32x1024xf32, #tpu.memory_space<vmem>>, vector<1x16xf32>,
        %parallel_loop3A_808 = vector.shape_cast %parallel_loop3A_807 : vector<1x16xf32> to vector<16xf32>
        %parallel_loop3A_809 = arith.addf %parallel_loop3A_808, %get3A_554 : vector<16xf32>
        %parallel_loop3A_810 = arith.index_cast %parallel_loop3A_754 : i32 to index
        %parallel_loop3A_811 = arith.constant 464 : index
        %parallel_loop3A_812 = tpu.vector_load %arg7[%parallel_loop3A_810, %parallel_loop3A_811] {strides = array<i32>} : memref<32x1024xf32, #tpu.memory_space<vmem>>, vector<1x16xf32>,
        %parallel_loop3A_813 = vector.shape_cast %parallel_loop3A_812 : vector<1x16xf32> to vector<16xf32>
        %parallel_loop3A_814 = vector.shape_cast %parallel_loop3A_809 : vector<16xf32> to vector<1x16xf32>
        tpu.vector_store %arg7[%parallel_loop3A_810, %parallel_loop3A_811], %parallel_loop3A_814 {strides = array<i32>} : memref<32x1024xf32, #tpu.memory_space<vmem>>, vector<1x16xf32>,
        %parallel_loop3A_815 = arith.index_cast %parallel_loop3A_754 : i32 to index
        %parallel_loop3A_816 = arith.constant 480 : index
        %parallel_loop3A_817 = tpu.vector_load %arg7[%parallel_loop3A_815, %parallel_loop3A_816] {strides = array<i32>} : memref<32x1024xf32, #tpu.memory_space<vmem>>, vector<1x16xf32>,
        %parallel_loop3A_818 = vector.shape_cast %parallel_loop3A_817 : vector<1x16xf32> to vector<16xf32>
        %parallel_loop3A_819 = arith.addf %parallel_loop3A_818, %get3A_559 : vector<16xf32>
        %parallel_loop3A_820 = arith.index_cast %parallel_loop3A_754 : i32 to index
        %parallel_loop3A_821 = arith.constant 480 : index
        %parallel_loop3A_822 = tpu.vector_load %arg7[%parallel_loop3A_820, %parallel_loop3A_821] {strides = array<i32>} : memref<32x1024xf32, #tpu.memory_space<vmem>>, vector<1x16xf32>,
        %parallel_loop3A_823 = vector.shape_cast %parallel_loop3A_822 : vector<1x16xf32> to vector<16xf32>
        %parallel_loop3A_824 = vector.shape_cast %parallel_loop3A_819 : vector<16xf32> to vector<1x16xf32>
        tpu.vector_store %arg7[%parallel_loop3A_820, %parallel_loop3A_821], %parallel_loop3A_824 {strides = array<i32>} : memref<32x1024xf32, #tpu.memory_space<vmem>>, vector<1x16xf32>,
        %parallel_loop3A_825 = arith.index_cast %parallel_loop3A_754 : i32 to index
        %parallel_loop3A_826 = arith.constant 496 : index
        %parallel_loop3A_827 = tpu.vector_load %arg7[%parallel_loop3A_825, %parallel_loop3A_826] {strides = array<i32>} : memref<32x1024xf32, #tpu.memory_space<vmem>>, vector<1x16xf32>,
        %parallel_loop3A_828 = vector.shape_cast %parallel_loop3A_827 : vector<1x16xf32> to vector<16xf32>
        %parallel_loop3A_829 = arith.addf %parallel_loop3A_828, %get3A_564 : vector<16xf32>
        %parallel_loop3A_830 = arith.index_cast %parallel_loop3A_754 : i32 to index
        %parallel_loop3A_831 = arith.constant 496 : index
        %parallel_loop3A_832 = tpu.vector_load %arg7[%parallel_loop3A_830, %parallel_loop3A_831] {strides = array<i32>} : memref<32x1024xf32, #tpu.memory_space<vmem>>, vector<1x16xf32>,
        %parallel_loop3A_833 = vector.shape_cast %parallel_loop3A_832 : vector<1x16xf32> to vector<16xf32>
        %parallel_loop3A_834 = vector.shape_cast %parallel_loop3A_829 : vector<16xf32> to vector<1x16xf32>
        tpu.vector_store %arg7[%parallel_loop3A_830, %parallel_loop3A_831], %parallel_loop3A_834 {strides = array<i32>} : memref<32x1024xf32, #tpu.memory_space<vmem>>, vector<1x16xf32>,
      } {sc.loop_unroll_factor = 2 : i64, sc.parallel_access}
      %get3A_568 = arith.constant 2 : i32
      %get3A_569 = arith.index_cast %get3A_568 : i32 to index
      %get3A_570 = arith.constant 512 : index
      %get3A_571 = tpu.vector_load %arg5[%get3A_569, %get3A_570] {strides = array<i32>} : memref<3x1024xf32, #tpu.memory_space<vmem>>, vector<1x16xf32>,
      %get3A_572 = vector.shape_cast %get3A_571 : vector<1x16xf32> to vector<16xf32>
      %get3A_573 = arith.constant 2 : i32
      %get3A_574 = arith.index_cast %get3A_573 : i32 to index
      %get3A_575 = arith.constant 528 : index
      %get3A_576 = tpu.vector_load %arg5[%get3A_574, %get3A_575] {strides = array<i32>} : memref<3x1024xf32, #tpu.memory_space<vmem>>, vector<1x16xf32>,
      %get3A_577 = vector.shape_cast %get3A_576 : vector<1x16xf32> to vector<16xf32>
      %get3A_578 = arith.constant 2 : i32
      %get3A_579 = arith.index_cast %get3A_578 : i32 to index
      %get3A_580 = arith.constant 544 : index
      %get3A_581 = tpu.vector_load %arg5[%get3A_579, %get3A_580] {strides = array<i32>} : memref<3x1024xf32, #tpu.memory_space<vmem>>, vector<1x16xf32>,
      %get3A_582 = vector.shape_cast %get3A_581 : vector<1x16xf32> to vector<16xf32>
      %get3A_583 = arith.constant 2 : i32
      %get3A_584 = arith.index_cast %get3A_583 : i32 to index
      %get3A_585 = arith.constant 560 : index
      %get3A_586 = tpu.vector_load %arg5[%get3A_584, %get3A_585] {strides = array<i32>} : memref<3x1024xf32, #tpu.memory_space<vmem>>, vector<1x16xf32>,
      %get3A_587 = vector.shape_cast %get3A_586 : vector<1x16xf32> to vector<16xf32>
      %get3A_588 = arith.constant 2 : i32
      %get3A_589 = arith.index_cast %get3A_588 : i32 to index
      %get3A_590 = arith.constant 576 : index
      %get3A_591 = tpu.vector_load %arg5[%get3A_589, %get3A_590] {strides = array<i32>} : memref<3x1024xf32, #tpu.memory_space<vmem>>, vector<1x16xf32>,
      %get3A_592 = vector.shape_cast %get3A_591 : vector<1x16xf32> to vector<16xf32>
      %get3A_593 = arith.constant 2 : i32
      %get3A_594 = arith.index_cast %get3A_593 : i32 to index
      %get3A_595 = arith.constant 592 : index
      %get3A_596 = tpu.vector_load %arg5[%get3A_594, %get3A_595] {strides = array<i32>} : memref<3x1024xf32, #tpu.memory_space<vmem>>, vector<1x16xf32>,
      %get3A_597 = vector.shape_cast %get3A_596 : vector<1x16xf32> to vector<16xf32>
      %get3A_598 = arith.constant 2 : i32
      %get3A_599 = arith.index_cast %get3A_598 : i32 to index
      %get3A_600 = arith.constant 608 : index
      %get3A_601 = tpu.vector_load %arg5[%get3A_599, %get3A_600] {strides = array<i32>} : memref<3x1024xf32, #tpu.memory_space<vmem>>, vector<1x16xf32>,
      %get3A_602 = vector.shape_cast %get3A_601 : vector<1x16xf32> to vector<16xf32>
      %get3A_603 = arith.constant 2 : i32
      %get3A_604 = arith.index_cast %get3A_603 : i32 to index
      %get3A_605 = arith.constant 624 : index
      %get3A_606 = tpu.vector_load %arg5[%get3A_604, %get3A_605] {strides = array<i32>} : memref<3x1024xf32, #tpu.memory_space<vmem>>, vector<1x16xf32>,
      %get3A_607 = vector.shape_cast %get3A_606 : vector<1x16xf32> to vector<16xf32>
      %parallel_loop3A_608 = arith.constant 0 : i32
      %parallel_loop3A_609 = arith.constant 32 : i32
      %parallel_loop3A_610 = arith.constant 1 : i32
      scf.for %parallel_loop3A_754 = %parallel_loop3A_608 to %parallel_loop3A_609 step %parallel_loop3A_610  : i32 {
        %parallel_loop3A_755 = arith.index_cast %parallel_loop3A_754 : i32 to index
        %parallel_loop3A_756 = arith.constant 512 : index
        %parallel_loop3A_757 = tpu.vector_load %arg7[%parallel_loop3A_755, %parallel_loop3A_756] {strides = array<i32>} : memref<32x1024xf32, #tpu.memory_space<vmem>>, vector<1x16xf32>,
        %parallel_loop3A_758 = vector.shape_cast %parallel_loop3A_757 : vector<1x16xf32> to vector<16xf32>
        %parallel_loop3A_759 = arith.addf %parallel_loop3A_758, %get3A_572 : vector<16xf32>
        %parallel_loop3A_760 = arith.index_cast %parallel_loop3A_754 : i32 to index
        %parallel_loop3A_761 = arith.constant 512 : index
        %parallel_loop3A_762 = tpu.vector_load %arg7[%parallel_loop3A_760, %parallel_loop3A_761] {strides = array<i32>} : memref<32x1024xf32, #tpu.memory_space<vmem>>, vector<1x16xf32>,
        %parallel_loop3A_763 = vector.shape_cast %parallel_loop3A_762 : vector<1x16xf32> to vector<16xf32>
        %parallel_loop3A_764 = vector.shape_cast %parallel_loop3A_759 : vector<16xf32> to vector<1x16xf32>
        tpu.vector_store %arg7[%parallel_loop3A_760, %parallel_loop3A_761], %parallel_loop3A_764 {strides = array<i32>} : memref<32x1024xf32, #tpu.memory_space<vmem>>, vector<1x16xf32>,
        %parallel_loop3A_765 = arith.index_cast %parallel_loop3A_754 : i32 to index
        %parallel_loop3A_766 = arith.constant 528 : index
        %parallel_loop3A_767 = tpu.vector_load %arg7[%parallel_loop3A_765, %parallel_loop3A_766] {strides = array<i32>} : memref<32x1024xf32, #tpu.memory_space<vmem>>, vector<1x16xf32>,
        %parallel_loop3A_768 = vector.shape_cast %parallel_loop3A_767 : vector<1x16xf32> to vector<16xf32>
        %parallel_loop3A_769 = arith.addf %parallel_loop3A_768, %get3A_577 : vector<16xf32>
        %parallel_loop3A_770 = arith.index_cast %parallel_loop3A_754 : i32 to index
        %parallel_loop3A_771 = arith.constant 528 : index
        %parallel_loop3A_772 = tpu.vector_load %arg7[%parallel_loop3A_770, %parallel_loop3A_771] {strides = array<i32>} : memref<32x1024xf32, #tpu.memory_space<vmem>>, vector<1x16xf32>,
        %parallel_loop3A_773 = vector.shape_cast %parallel_loop3A_772 : vector<1x16xf32> to vector<16xf32>
        %parallel_loop3A_774 = vector.shape_cast %parallel_loop3A_769 : vector<16xf32> to vector<1x16xf32>
        tpu.vector_store %arg7[%parallel_loop3A_770, %parallel_loop3A_771], %parallel_loop3A_774 {strides = array<i32>} : memref<32x1024xf32, #tpu.memory_space<vmem>>, vector<1x16xf32>,
        %parallel_loop3A_775 = arith.index_cast %parallel_loop3A_754 : i32 to index
        %parallel_loop3A_776 = arith.constant 544 : index
        %parallel_loop3A_777 = tpu.vector_load %arg7[%parallel_loop3A_775, %parallel_loop3A_776] {strides = array<i32>} : memref<32x1024xf32, #tpu.memory_space<vmem>>, vector<1x16xf32>,
        %parallel_loop3A_778 = vector.shape_cast %parallel_loop3A_777 : vector<1x16xf32> to vector<16xf32>
        %parallel_loop3A_779 = arith.addf %parallel_loop3A_778, %get3A_582 : vector<16xf32>
        %parallel_loop3A_780 = arith.index_cast %parallel_loop3A_754 : i32 to index
        %parallel_loop3A_781 = arith.constant 544 : index
        %parallel_loop3A_782 = tpu.vector_load %arg7[%parallel_loop3A_780, %parallel_loop3A_781] {strides = array<i32>} : memref<32x1024xf32, #tpu.memory_space<vmem>>, vector<1x16xf32>,
        %parallel_loop3A_783 = vector.shape_cast %parallel_loop3A_782 : vector<1x16xf32> to vector<16xf32>
        %parallel_loop3A_784 = vector.shape_cast %parallel_loop3A_779 : vector<16xf32> to vector<1x16xf32>
        tpu.vector_store %arg7[%parallel_loop3A_780, %parallel_loop3A_781], %parallel_loop3A_784 {strides = array<i32>} : memref<32x1024xf32, #tpu.memory_space<vmem>>, vector<1x16xf32>,
        %parallel_loop3A_785 = arith.index_cast %parallel_loop3A_754 : i32 to index
        %parallel_loop3A_786 = arith.constant 560 : index
        %parallel_loop3A_787 = tpu.vector_load %arg7[%parallel_loop3A_785, %parallel_loop3A_786] {strides = array<i32>} : memref<32x1024xf32, #tpu.memory_space<vmem>>, vector<1x16xf32>,
        %parallel_loop3A_788 = vector.shape_cast %parallel_loop3A_787 : vector<1x16xf32> to vector<16xf32>
        %parallel_loop3A_789 = arith.addf %parallel_loop3A_788, %get3A_587 : vector<16xf32>
        %parallel_loop3A_790 = arith.index_cast %parallel_loop3A_754 : i32 to index
        %parallel_loop3A_791 = arith.constant 560 : index
        %parallel_loop3A_792 = tpu.vector_load %arg7[%parallel_loop3A_790, %parallel_loop3A_791] {strides = array<i32>} : memref<32x1024xf32, #tpu.memory_space<vmem>>, vector<1x16xf32>,
        %parallel_loop3A_793 = vector.shape_cast %parallel_loop3A_792 : vector<1x16xf32> to vector<16xf32>
        %parallel_loop3A_794 = vector.shape_cast %parallel_loop3A_789 : vector<16xf32> to vector<1x16xf32>
        tpu.vector_store %arg7[%parallel_loop3A_790, %parallel_loop3A_791], %parallel_loop3A_794 {strides = array<i32>} : memref<32x1024xf32, #tpu.memory_space<vmem>>, vector<1x16xf32>,
        %parallel_loop3A_795 = arith.index_cast %parallel_loop3A_754 : i32 to index
        %parallel_loop3A_796 = arith.constant 576 : index
        %parallel_loop3A_797 = tpu.vector_load %arg7[%parallel_loop3A_795, %parallel_loop3A_796] {strides = array<i32>} : memref<32x1024xf32, #tpu.memory_space<vmem>>, vector<1x16xf32>,
        %parallel_loop3A_798 = vector.shape_cast %parallel_loop3A_797 : vector<1x16xf32> to vector<16xf32>
        %parallel_loop3A_799 = arith.addf %parallel_loop3A_798, %get3A_592 : vector<16xf32>
        %parallel_loop3A_800 = arith.index_cast %parallel_loop3A_754 : i32 to index
        %parallel_loop3A_801 = arith.constant 576 : index
        %parallel_loop3A_802 = tpu.vector_load %arg7[%parallel_loop3A_800, %parallel_loop3A_801] {strides = array<i32>} : memref<32x1024xf32, #tpu.memory_space<vmem>>, vector<1x16xf32>,
        %parallel_loop3A_803 = vector.shape_cast %parallel_loop3A_802 : vector<1x16xf32> to vector<16xf32>
        %parallel_loop3A_804 = vector.shape_cast %parallel_loop3A_799 : vector<16xf32> to vector<1x16xf32>
        tpu.vector_store %arg7[%parallel_loop3A_800, %parallel_loop3A_801], %parallel_loop3A_804 {strides = array<i32>} : memref<32x1024xf32, #tpu.memory_space<vmem>>, vector<1x16xf32>,
        %parallel_loop3A_805 = arith.index_cast %parallel_loop3A_754 : i32 to index
        %parallel_loop3A_806 = arith.constant 592 : index
        %parallel_loop3A_807 = tpu.vector_load %arg7[%parallel_loop3A_805, %parallel_loop3A_806] {strides = array<i32>} : memref<32x1024xf32, #tpu.memory_space<vmem>>, vector<1x16xf32>,
        %parallel_loop3A_808 = vector.shape_cast %parallel_loop3A_807 : vector<1x16xf32> to vector<16xf32>
        %parallel_loop3A_809 = arith.addf %parallel_loop3A_808, %get3A_597 : vector<16xf32>
        %parallel_loop3A_810 = arith.index_cast %parallel_loop3A_754 : i32 to index
        %parallel_loop3A_811 = arith.constant 592 : index
        %parallel_loop3A_812 = tpu.vector_load %arg7[%parallel_loop3A_810, %parallel_loop3A_811] {strides = array<i32>} : memref<32x1024xf32, #tpu.memory_space<vmem>>, vector<1x16xf32>,
        %parallel_loop3A_813 = vector.shape_cast %parallel_loop3A_812 : vector<1x16xf32> to vector<16xf32>
        %parallel_loop3A_814 = vector.shape_cast %parallel_loop3A_809 : vector<16xf32> to vector<1x16xf32>
        tpu.vector_store %arg7[%parallel_loop3A_810, %parallel_loop3A_811], %parallel_loop3A_814 {strides = array<i32>} : memref<32x1024xf32, #tpu.memory_space<vmem>>, vector<1x16xf32>,
        %parallel_loop3A_815 = arith.index_cast %parallel_loop3A_754 : i32 to index
        %parallel_loop3A_816 = arith.constant 608 : index
        %parallel_loop3A_817 = tpu.vector_load %arg7[%parallel_loop3A_815, %parallel_loop3A_816] {strides = array<i32>} : memref<32x1024xf32, #tpu.memory_space<vmem>>, vector<1x16xf32>,
        %parallel_loop3A_818 = vector.shape_cast %parallel_loop3A_817 : vector<1x16xf32> to vector<16xf32>
        %parallel_loop3A_819 = arith.addf %parallel_loop3A_818, %get3A_602 : vector<16xf32>
        %parallel_loop3A_820 = arith.index_cast %parallel_loop3A_754 : i32 to index
        %parallel_loop3A_821 = arith.constant 608 : index
        %parallel_loop3A_822 = tpu.vector_load %arg7[%parallel_loop3A_820, %parallel_loop3A_821] {strides = array<i32>} : memref<32x1024xf32, #tpu.memory_space<vmem>>, vector<1x16xf32>,
        %parallel_loop3A_823 = vector.shape_cast %parallel_loop3A_822 : vector<1x16xf32> to vector<16xf32>
        %parallel_loop3A_824 = vector.shape_cast %parallel_loop3A_819 : vector<16xf32> to vector<1x16xf32>
        tpu.vector_store %arg7[%parallel_loop3A_820, %parallel_loop3A_821], %parallel_loop3A_824 {strides = array<i32>} : memref<32x1024xf32, #tpu.memory_space<vmem>>, vector<1x16xf32>,
        %parallel_loop3A_825 = arith.index_cast %parallel_loop3A_754 : i32 to index
        %parallel_loop3A_826 = arith.constant 624 : index
        %parallel_loop3A_827 = tpu.vector_load %arg7[%parallel_loop3A_825, %parallel_loop3A_826] {strides = array<i32>} : memref<32x1024xf32, #tpu.memory_space<vmem>>, vector<1x16xf32>,
        %parallel_loop3A_828 = vector.shape_cast %parallel_loop3A_827 : vector<1x16xf32> to vector<16xf32>
        %parallel_loop3A_829 = arith.addf %parallel_loop3A_828, %get3A_607 : vector<16xf32>
        %parallel_loop3A_830 = arith.index_cast %parallel_loop3A_754 : i32 to index
        %parallel_loop3A_831 = arith.constant 624 : index
        %parallel_loop3A_832 = tpu.vector_load %arg7[%parallel_loop3A_830, %parallel_loop3A_831] {strides = array<i32>} : memref<32x1024xf32, #tpu.memory_space<vmem>>, vector<1x16xf32>,
        %parallel_loop3A_833 = vector.shape_cast %parallel_loop3A_832 : vector<1x16xf32> to vector<16xf32>
        %parallel_loop3A_834 = vector.shape_cast %parallel_loop3A_829 : vector<16xf32> to vector<1x16xf32>
        tpu.vector_store %arg7[%parallel_loop3A_830, %parallel_loop3A_831], %parallel_loop3A_834 {strides = array<i32>} : memref<32x1024xf32, #tpu.memory_space<vmem>>, vector<1x16xf32>,
      } {sc.loop_unroll_factor = 2 : i64, sc.parallel_access}
      %get3A_611 = arith.constant 2 : i32
      %get3A_612 = arith.index_cast %get3A_611 : i32 to index
      %get3A_613 = arith.constant 640 : index
      %get3A_614 = tpu.vector_load %arg5[%get3A_612, %get3A_613] {strides = array<i32>} : memref<3x1024xf32, #tpu.memory_space<vmem>>, vector<1x16xf32>,
      %get3A_615 = vector.shape_cast %get3A_614 : vector<1x16xf32> to vector<16xf32>
      %get3A_616 = arith.constant 2 : i32
      %get3A_617 = arith.index_cast %get3A_616 : i32 to index
      %get3A_618 = arith.constant 656 : index
      %get3A_619 = tpu.vector_load %arg5[%get3A_617, %get3A_618] {strides = array<i32>} : memref<3x1024xf32, #tpu.memory_space<vmem>>, vector<1x16xf32>,
      %get3A_620 = vector.shape_cast %get3A_619 : vector<1x16xf32> to vector<16xf32>
      %get3A_621 = arith.constant 2 : i32
      %get3A_622 = arith.index_cast %get3A_621 : i32 to index
      %get3A_623 = arith.constant 672 : index
      %get3A_624 = tpu.vector_load %arg5[%get3A_622, %get3A_623] {strides = array<i32>} : memref<3x1024xf32, #tpu.memory_space<vmem>>, vector<1x16xf32>,
      %get3A_625 = vector.shape_cast %get3A_624 : vector<1x16xf32> to vector<16xf32>
      %get3A_626 = arith.constant 2 : i32
      %get3A_627 = arith.index_cast %get3A_626 : i32 to index
      %get3A_628 = arith.constant 688 : index
      %get3A_629 = tpu.vector_load %arg5[%get3A_627, %get3A_628] {strides = array<i32>} : memref<3x1024xf32, #tpu.memory_space<vmem>>, vector<1x16xf32>,
      %get3A_630 = vector.shape_cast %get3A_629 : vector<1x16xf32> to vector<16xf32>
      %get3A_631 = arith.constant 2 : i32
      %get3A_632 = arith.index_cast %get3A_631 : i32 to index
      %get3A_633 = arith.constant 704 : index
      %get3A_634 = tpu.vector_load %arg5[%get3A_632, %get3A_633] {strides = array<i32>} : memref<3x1024xf32, #tpu.memory_space<vmem>>, vector<1x16xf32>,
      %get3A_635 = vector.shape_cast %get3A_634 : vector<1x16xf32> to vector<16xf32>
      %get3A_636 = arith.constant 2 : i32
      %get3A_637 = arith.index_cast %get3A_636 : i32 to index
      %get3A_638 = arith.constant 720 : index
      %get3A_639 = tpu.vector_load %arg5[%get3A_637, %get3A_638] {strides = array<i32>} : memref<3x1024xf32, #tpu.memory_space<vmem>>, vector<1x16xf32>,
      %get3A_640 = vector.shape_cast %get3A_639 : vector<1x16xf32> to vector<16xf32>
      %get3A_641 = arith.constant 2 : i32
      %get3A_642 = arith.index_cast %get3A_641 : i32 to index
      %get3A_643 = arith.constant 736 : index
      %get3A_644 = tpu.vector_load %arg5[%get3A_642, %get3A_643] {strides = array<i32>} : memref<3x1024xf32, #tpu.memory_space<vmem>>, vector<1x16xf32>,
      %get3A_645 = vector.shape_cast %get3A_644 : vector<1x16xf32> to vector<16xf32>
      %get3A_646 = arith.constant 2 : i32
      %get3A_647 = arith.index_cast %get3A_646 : i32 to index
      %get3A_648 = arith.constant 752 : index
      %get3A_649 = tpu.vector_load %arg5[%get3A_647, %get3A_648] {strides = array<i32>} : memref<3x1024xf32, #tpu.memory_space<vmem>>, vector<1x16xf32>,
      %get3A_650 = vector.shape_cast %get3A_649 : vector<1x16xf32> to vector<16xf32>
      %parallel_loop3A_651 = arith.constant 0 : i32
      %parallel_loop3A_652 = arith.constant 32 : i32
      %parallel_loop3A_653 = arith.constant 1 : i32
      scf.for %parallel_loop3A_754 = %parallel_loop3A_651 to %parallel_loop3A_652 step %parallel_loop3A_653  : i32 {
        %parallel_loop3A_755 = arith.index_cast %parallel_loop3A_754 : i32 to index
        %parallel_loop3A_756 = arith.constant 640 : index
        %parallel_loop3A_757 = tpu.vector_load %arg7[%parallel_loop3A_755, %parallel_loop3A_756] {strides = array<i32>} : memref<32x1024xf32, #tpu.memory_space<vmem>>, vector<1x16xf32>,
        %parallel_loop3A_758 = vector.shape_cast %parallel_loop3A_757 : vector<1x16xf32> to vector<16xf32>
        %parallel_loop3A_759 = arith.addf %parallel_loop3A_758, %get3A_615 : vector<16xf32>
        %parallel_loop3A_760 = arith.index_cast %parallel_loop3A_754 : i32 to index
        %parallel_loop3A_761 = arith.constant 640 : index
        %parallel_loop3A_762 = tpu.vector_load %arg7[%parallel_loop3A_760, %parallel_loop3A_761] {strides = array<i32>} : memref<32x1024xf32, #tpu.memory_space<vmem>>, vector<1x16xf32>,
        %parallel_loop3A_763 = vector.shape_cast %parallel_loop3A_762 : vector<1x16xf32> to vector<16xf32>
        %parallel_loop3A_764 = vector.shape_cast %parallel_loop3A_759 : vector<16xf32> to vector<1x16xf32>
        tpu.vector_store %arg7[%parallel_loop3A_760, %parallel_loop3A_761], %parallel_loop3A_764 {strides = array<i32>} : memref<32x1024xf32, #tpu.memory_space<vmem>>, vector<1x16xf32>,
        %parallel_loop3A_765 = arith.index_cast %parallel_loop3A_754 : i32 to index
        %parallel_loop3A_766 = arith.constant 656 : index
        %parallel_loop3A_767 = tpu.vector_load %arg7[%parallel_loop3A_765, %parallel_loop3A_766] {strides = array<i32>} : memref<32x1024xf32, #tpu.memory_space<vmem>>, vector<1x16xf32>,
        %parallel_loop3A_768 = vector.shape_cast %parallel_loop3A_767 : vector<1x16xf32> to vector<16xf32>
        %parallel_loop3A_769 = arith.addf %parallel_loop3A_768, %get3A_620 : vector<16xf32>
        %parallel_loop3A_770 = arith.index_cast %parallel_loop3A_754 : i32 to index
        %parallel_loop3A_771 = arith.constant 656 : index
        %parallel_loop3A_772 = tpu.vector_load %arg7[%parallel_loop3A_770, %parallel_loop3A_771] {strides = array<i32>} : memref<32x1024xf32, #tpu.memory_space<vmem>>, vector<1x16xf32>,
        %parallel_loop3A_773 = vector.shape_cast %parallel_loop3A_772 : vector<1x16xf32> to vector<16xf32>
        %parallel_loop3A_774 = vector.shape_cast %parallel_loop3A_769 : vector<16xf32> to vector<1x16xf32>
        tpu.vector_store %arg7[%parallel_loop3A_770, %parallel_loop3A_771], %parallel_loop3A_774 {strides = array<i32>} : memref<32x1024xf32, #tpu.memory_space<vmem>>, vector<1x16xf32>,
        %parallel_loop3A_775 = arith.index_cast %parallel_loop3A_754 : i32 to index
        %parallel_loop3A_776 = arith.constant 672 : index
        %parallel_loop3A_777 = tpu.vector_load %arg7[%parallel_loop3A_775, %parallel_loop3A_776] {strides = array<i32>} : memref<32x1024xf32, #tpu.memory_space<vmem>>, vector<1x16xf32>,
        %parallel_loop3A_778 = vector.shape_cast %parallel_loop3A_777 : vector<1x16xf32> to vector<16xf32>
        %parallel_loop3A_779 = arith.addf %parallel_loop3A_778, %get3A_625 : vector<16xf32>
        %parallel_loop3A_780 = arith.index_cast %parallel_loop3A_754 : i32 to index
        %parallel_loop3A_781 = arith.constant 672 : index
        %parallel_loop3A_782 = tpu.vector_load %arg7[%parallel_loop3A_780, %parallel_loop3A_781] {strides = array<i32>} : memref<32x1024xf32, #tpu.memory_space<vmem>>, vector<1x16xf32>,
        %parallel_loop3A_783 = vector.shape_cast %parallel_loop3A_782 : vector<1x16xf32> to vector<16xf32>
        %parallel_loop3A_784 = vector.shape_cast %parallel_loop3A_779 : vector<16xf32> to vector<1x16xf32>
        tpu.vector_store %arg7[%parallel_loop3A_780, %parallel_loop3A_781], %parallel_loop3A_784 {strides = array<i32>} : memref<32x1024xf32, #tpu.memory_space<vmem>>, vector<1x16xf32>,
        %parallel_loop3A_785 = arith.index_cast %parallel_loop3A_754 : i32 to index
        %parallel_loop3A_786 = arith.constant 688 : index
        %parallel_loop3A_787 = tpu.vector_load %arg7[%parallel_loop3A_785, %parallel_loop3A_786] {strides = array<i32>} : memref<32x1024xf32, #tpu.memory_space<vmem>>, vector<1x16xf32>,
        %parallel_loop3A_788 = vector.shape_cast %parallel_loop3A_787 : vector<1x16xf32> to vector<16xf32>
        %parallel_loop3A_789 = arith.addf %parallel_loop3A_788, %get3A_630 : vector<16xf32>
        %parallel_loop3A_790 = arith.index_cast %parallel_loop3A_754 : i32 to index
        %parallel_loop3A_791 = arith.constant 688 : index
        %parallel_loop3A_792 = tpu.vector_load %arg7[%parallel_loop3A_790, %parallel_loop3A_791] {strides = array<i32>} : memref<32x1024xf32, #tpu.memory_space<vmem>>, vector<1x16xf32>,
        %parallel_loop3A_793 = vector.shape_cast %parallel_loop3A_792 : vector<1x16xf32> to vector<16xf32>
        %parallel_loop3A_794 = vector.shape_cast %parallel_loop3A_789 : vector<16xf32> to vector<1x16xf32>
        tpu.vector_store %arg7[%parallel_loop3A_790, %parallel_loop3A_791], %parallel_loop3A_794 {strides = array<i32>} : memref<32x1024xf32, #tpu.memory_space<vmem>>, vector<1x16xf32>,
        %parallel_loop3A_795 = arith.index_cast %parallel_loop3A_754 : i32 to index
        %parallel_loop3A_796 = arith.constant 704 : index
        %parallel_loop3A_797 = tpu.vector_load %arg7[%parallel_loop3A_795, %parallel_loop3A_796] {strides = array<i32>} : memref<32x1024xf32, #tpu.memory_space<vmem>>, vector<1x16xf32>,
        %parallel_loop3A_798 = vector.shape_cast %parallel_loop3A_797 : vector<1x16xf32> to vector<16xf32>
        %parallel_loop3A_799 = arith.addf %parallel_loop3A_798, %get3A_635 : vector<16xf32>
        %parallel_loop3A_800 = arith.index_cast %parallel_loop3A_754 : i32 to index
        %parallel_loop3A_801 = arith.constant 704 : index
        %parallel_loop3A_802 = tpu.vector_load %arg7[%parallel_loop3A_800, %parallel_loop3A_801] {strides = array<i32>} : memref<32x1024xf32, #tpu.memory_space<vmem>>, vector<1x16xf32>,
        %parallel_loop3A_803 = vector.shape_cast %parallel_loop3A_802 : vector<1x16xf32> to vector<16xf32>
        %parallel_loop3A_804 = vector.shape_cast %parallel_loop3A_799 : vector<16xf32> to vector<1x16xf32>
        tpu.vector_store %arg7[%parallel_loop3A_800, %parallel_loop3A_801], %parallel_loop3A_804 {strides = array<i32>} : memref<32x1024xf32, #tpu.memory_space<vmem>>, vector<1x16xf32>,
        %parallel_loop3A_805 = arith.index_cast %parallel_loop3A_754 : i32 to index
        %parallel_loop3A_806 = arith.constant 720 : index
        %parallel_loop3A_807 = tpu.vector_load %arg7[%parallel_loop3A_805, %parallel_loop3A_806] {strides = array<i32>} : memref<32x1024xf32, #tpu.memory_space<vmem>>, vector<1x16xf32>,
        %parallel_loop3A_808 = vector.shape_cast %parallel_loop3A_807 : vector<1x16xf32> to vector<16xf32>
        %parallel_loop3A_809 = arith.addf %parallel_loop3A_808, %get3A_640 : vector<16xf32>
        %parallel_loop3A_810 = arith.index_cast %parallel_loop3A_754 : i32 to index
        %parallel_loop3A_811 = arith.constant 720 : index
        %parallel_loop3A_812 = tpu.vector_load %arg7[%parallel_loop3A_810, %parallel_loop3A_811] {strides = array<i32>} : memref<32x1024xf32, #tpu.memory_space<vmem>>, vector<1x16xf32>,
        %parallel_loop3A_813 = vector.shape_cast %parallel_loop3A_812 : vector<1x16xf32> to vector<16xf32>
        %parallel_loop3A_814 = vector.shape_cast %parallel_loop3A_809 : vector<16xf32> to vector<1x16xf32>
        tpu.vector_store %arg7[%parallel_loop3A_810, %parallel_loop3A_811], %parallel_loop3A_814 {strides = array<i32>} : memref<32x1024xf32, #tpu.memory_space<vmem>>, vector<1x16xf32>,
        %parallel_loop3A_815 = arith.index_cast %parallel_loop3A_754 : i32 to index
        %parallel_loop3A_816 = arith.constant 736 : index
        %parallel_loop3A_817 = tpu.vector_load %arg7[%parallel_loop3A_815, %parallel_loop3A_816] {strides = array<i32>} : memref<32x1024xf32, #tpu.memory_space<vmem>>, vector<1x16xf32>,
        %parallel_loop3A_818 = vector.shape_cast %parallel_loop3A_817 : vector<1x16xf32> to vector<16xf32>
        %parallel_loop3A_819 = arith.addf %parallel_loop3A_818, %get3A_645 : vector<16xf32>
        %parallel_loop3A_820 = arith.index_cast %parallel_loop3A_754 : i32 to index
        %parallel_loop3A_821 = arith.constant 736 : index
        %parallel_loop3A_822 = tpu.vector_load %arg7[%parallel_loop3A_820, %parallel_loop3A_821] {strides = array<i32>} : memref<32x1024xf32, #tpu.memory_space<vmem>>, vector<1x16xf32>,
        %parallel_loop3A_823 = vector.shape_cast %parallel_loop3A_822 : vector<1x16xf32> to vector<16xf32>
        %parallel_loop3A_824 = vector.shape_cast %parallel_loop3A_819 : vector<16xf32> to vector<1x16xf32>
        tpu.vector_store %arg7[%parallel_loop3A_820, %parallel_loop3A_821], %parallel_loop3A_824 {strides = array<i32>} : memref<32x1024xf32, #tpu.memory_space<vmem>>, vector<1x16xf32>,
        %parallel_loop3A_825 = arith.index_cast %parallel_loop3A_754 : i32 to index
        %parallel_loop3A_826 = arith.constant 752 : index
        %parallel_loop3A_827 = tpu.vector_load %arg7[%parallel_loop3A_825, %parallel_loop3A_826] {strides = array<i32>} : memref<32x1024xf32, #tpu.memory_space<vmem>>, vector<1x16xf32>,
        %parallel_loop3A_828 = vector.shape_cast %parallel_loop3A_827 : vector<1x16xf32> to vector<16xf32>
        %parallel_loop3A_829 = arith.addf %parallel_loop3A_828, %get3A_650 : vector<16xf32>
        %parallel_loop3A_830 = arith.index_cast %parallel_loop3A_754 : i32 to index
        %parallel_loop3A_831 = arith.constant 752 : index
        %parallel_loop3A_832 = tpu.vector_load %arg7[%parallel_loop3A_830, %parallel_loop3A_831] {strides = array<i32>} : memref<32x1024xf32, #tpu.memory_space<vmem>>, vector<1x16xf32>,
        %parallel_loop3A_833 = vector.shape_cast %parallel_loop3A_832 : vector<1x16xf32> to vector<16xf32>
        %parallel_loop3A_834 = vector.shape_cast %parallel_loop3A_829 : vector<16xf32> to vector<1x16xf32>
        tpu.vector_store %arg7[%parallel_loop3A_830, %parallel_loop3A_831], %parallel_loop3A_834 {strides = array<i32>} : memref<32x1024xf32, #tpu.memory_space<vmem>>, vector<1x16xf32>,
      } {sc.loop_unroll_factor = 2 : i64, sc.parallel_access}
      %get3A_654 = arith.constant 2 : i32
      %get3A_655 = arith.index_cast %get3A_654 : i32 to index
      %get3A_656 = arith.constant 768 : index
      %get3A_657 = tpu.vector_load %arg5[%get3A_655, %get3A_656] {strides = array<i32>} : memref<3x1024xf32, #tpu.memory_space<vmem>>, vector<1x16xf32>,
      %get3A_658 = vector.shape_cast %get3A_657 : vector<1x16xf32> to vector<16xf32>
      %get3A_659 = arith.constant 2 : i32
      %get3A_660 = arith.index_cast %get3A_659 : i32 to index
      %get3A_661 = arith.constant 784 : index
      %get3A_662 = tpu.vector_load %arg5[%get3A_660, %get3A_661] {strides = array<i32>} : memref<3x1024xf32, #tpu.memory_space<vmem>>, vector<1x16xf32>,
      %get3A_663 = vector.shape_cast %get3A_662 : vector<1x16xf32> to vector<16xf32>
      %get3A_664 = arith.constant 2 : i32
      %get3A_665 = arith.index_cast %get3A_664 : i32 to index
      %get3A_666 = arith.constant 800 : index
      %get3A_667 = tpu.vector_load %arg5[%get3A_665, %get3A_666] {strides = array<i32>} : memref<3x1024xf32, #tpu.memory_space<vmem>>, vector<1x16xf32>,
      %get3A_668 = vector.shape_cast %get3A_667 : vector<1x16xf32> to vector<16xf32>
      %get3A_669 = arith.constant 2 : i32
      %get3A_670 = arith.index_cast %get3A_669 : i32 to index
      %get3A_671 = arith.constant 816 : index
      %get3A_672 = tpu.vector_load %arg5[%get3A_670, %get3A_671] {strides = array<i32>} : memref<3x1024xf32, #tpu.memory_space<vmem>>, vector<1x16xf32>,
      %get3A_673 = vector.shape_cast %get3A_672 : vector<1x16xf32> to vector<16xf32>
      %get3A_674 = arith.constant 2 : i32
      %get3A_675 = arith.index_cast %get3A_674 : i32 to index
      %get3A_676 = arith.constant 832 : index
      %get3A_677 = tpu.vector_load %arg5[%get3A_675, %get3A_676] {strides = array<i32>} : memref<3x1024xf32, #tpu.memory_space<vmem>>, vector<1x16xf32>,
      %get3A_678 = vector.shape_cast %get3A_677 : vector<1x16xf32> to vector<16xf32>
      %get3A_679 = arith.constant 2 : i32
      %get3A_680 = arith.index_cast %get3A_679 : i32 to index
      %get3A_681 = arith.constant 848 : index
      %get3A_682 = tpu.vector_load %arg5[%get3A_680, %get3A_681] {strides = array<i32>} : memref<3x1024xf32, #tpu.memory_space<vmem>>, vector<1x16xf32>,
      %get3A_683 = vector.shape_cast %get3A_682 : vector<1x16xf32> to vector<16xf32>
      %get3A_684 = arith.constant 2 : i32
      %get3A_685 = arith.index_cast %get3A_684 : i32 to index
      %get3A_686 = arith.constant 864 : index
      %get3A_687 = tpu.vector_load %arg5[%get3A_685, %get3A_686] {strides = array<i32>} : memref<3x1024xf32, #tpu.memory_space<vmem>>, vector<1x16xf32>,
      %get3A_688 = vector.shape_cast %get3A_687 : vector<1x16xf32> to vector<16xf32>
      %get3A_689 = arith.constant 2 : i32
      %get3A_690 = arith.index_cast %get3A_689 : i32 to index
      %get3A_691 = arith.constant 880 : index
      %get3A_692 = tpu.vector_load %arg5[%get3A_690, %get3A_691] {strides = array<i32>} : memref<3x1024xf32, #tpu.memory_space<vmem>>, vector<1x16xf32>,
      %get3A_693 = vector.shape_cast %get3A_692 : vector<1x16xf32> to vector<16xf32>
      %parallel_loop3A_694 = arith.constant 0 : i32
      %parallel_loop3A_695 = arith.constant 32 : i32
      %parallel_loop3A_696 = arith.constant 1 : i32
      scf.for %parallel_loop3A_754 = %parallel_loop3A_694 to %parallel_loop3A_695 step %parallel_loop3A_696  : i32 {
        %parallel_loop3A_755 = arith.index_cast %parallel_loop3A_754 : i32 to index
        %parallel_loop3A_756 = arith.constant 768 : index
        %parallel_loop3A_757 = tpu.vector_load %arg7[%parallel_loop3A_755, %parallel_loop3A_756] {strides = array<i32>} : memref<32x1024xf32, #tpu.memory_space<vmem>>, vector<1x16xf32>,
        %parallel_loop3A_758 = vector.shape_cast %parallel_loop3A_757 : vector<1x16xf32> to vector<16xf32>
        %parallel_loop3A_759 = arith.addf %parallel_loop3A_758, %get3A_658 : vector<16xf32>
        %parallel_loop3A_760 = arith.index_cast %parallel_loop3A_754 : i32 to index
        %parallel_loop3A_761 = arith.constant 768 : index
        %parallel_loop3A_762 = tpu.vector_load %arg7[%parallel_loop3A_760, %parallel_loop3A_761] {strides = array<i32>} : memref<32x1024xf32, #tpu.memory_space<vmem>>, vector<1x16xf32>,
        %parallel_loop3A_763 = vector.shape_cast %parallel_loop3A_762 : vector<1x16xf32> to vector<16xf32>
        %parallel_loop3A_764 = vector.shape_cast %parallel_loop3A_759 : vector<16xf32> to vector<1x16xf32>
        tpu.vector_store %arg7[%parallel_loop3A_760, %parallel_loop3A_761], %parallel_loop3A_764 {strides = array<i32>} : memref<32x1024xf32, #tpu.memory_space<vmem>>, vector<1x16xf32>,
        %parallel_loop3A_765 = arith.index_cast %parallel_loop3A_754 : i32 to index
        %parallel_loop3A_766 = arith.constant 784 : index
        %parallel_loop3A_767 = tpu.vector_load %arg7[%parallel_loop3A_765, %parallel_loop3A_766] {strides = array<i32>} : memref<32x1024xf32, #tpu.memory_space<vmem>>, vector<1x16xf32>,
        %parallel_loop3A_768 = vector.shape_cast %parallel_loop3A_767 : vector<1x16xf32> to vector<16xf32>
        %parallel_loop3A_769 = arith.addf %parallel_loop3A_768, %get3A_663 : vector<16xf32>
        %parallel_loop3A_770 = arith.index_cast %parallel_loop3A_754 : i32 to index
        %parallel_loop3A_771 = arith.constant 784 : index
        %parallel_loop3A_772 = tpu.vector_load %arg7[%parallel_loop3A_770, %parallel_loop3A_771] {strides = array<i32>} : memref<32x1024xf32, #tpu.memory_space<vmem>>, vector<1x16xf32>,
        %parallel_loop3A_773 = vector.shape_cast %parallel_loop3A_772 : vector<1x16xf32> to vector<16xf32>
        %parallel_loop3A_774 = vector.shape_cast %parallel_loop3A_769 : vector<16xf32> to vector<1x16xf32>
        tpu.vector_store %arg7[%parallel_loop3A_770, %parallel_loop3A_771], %parallel_loop3A_774 {strides = array<i32>} : memref<32x1024xf32, #tpu.memory_space<vmem>>, vector<1x16xf32>,
        %parallel_loop3A_775 = arith.index_cast %parallel_loop3A_754 : i32 to index
        %parallel_loop3A_776 = arith.constant 800 : index
        %parallel_loop3A_777 = tpu.vector_load %arg7[%parallel_loop3A_775, %parallel_loop3A_776] {strides = array<i32>} : memref<32x1024xf32, #tpu.memory_space<vmem>>, vector<1x16xf32>,
        %parallel_loop3A_778 = vector.shape_cast %parallel_loop3A_777 : vector<1x16xf32> to vector<16xf32>
        %parallel_loop3A_779 = arith.addf %parallel_loop3A_778, %get3A_668 : vector<16xf32>
        %parallel_loop3A_780 = arith.index_cast %parallel_loop3A_754 : i32 to index
        %parallel_loop3A_781 = arith.constant 800 : index
        %parallel_loop3A_782 = tpu.vector_load %arg7[%parallel_loop3A_780, %parallel_loop3A_781] {strides = array<i32>} : memref<32x1024xf32, #tpu.memory_space<vmem>>, vector<1x16xf32>,
        %parallel_loop3A_783 = vector.shape_cast %parallel_loop3A_782 : vector<1x16xf32> to vector<16xf32>
        %parallel_loop3A_784 = vector.shape_cast %parallel_loop3A_779 : vector<16xf32> to vector<1x16xf32>
        tpu.vector_store %arg7[%parallel_loop3A_780, %parallel_loop3A_781], %parallel_loop3A_784 {strides = array<i32>} : memref<32x1024xf32, #tpu.memory_space<vmem>>, vector<1x16xf32>,
        %parallel_loop3A_785 = arith.index_cast %parallel_loop3A_754 : i32 to index
        %parallel_loop3A_786 = arith.constant 816 : index
        %parallel_loop3A_787 = tpu.vector_load %arg7[%parallel_loop3A_785, %parallel_loop3A_786] {strides = array<i32>} : memref<32x1024xf32, #tpu.memory_space<vmem>>, vector<1x16xf32>,
        %parallel_loop3A_788 = vector.shape_cast %parallel_loop3A_787 : vector<1x16xf32> to vector<16xf32>
        %parallel_loop3A_789 = arith.addf %parallel_loop3A_788, %get3A_673 : vector<16xf32>
        %parallel_loop3A_790 = arith.index_cast %parallel_loop3A_754 : i32 to index
        %parallel_loop3A_791 = arith.constant 816 : index
        %parallel_loop3A_792 = tpu.vector_load %arg7[%parallel_loop3A_790, %parallel_loop3A_791] {strides = array<i32>} : memref<32x1024xf32, #tpu.memory_space<vmem>>, vector<1x16xf32>,
        %parallel_loop3A_793 = vector.shape_cast %parallel_loop3A_792 : vector<1x16xf32> to vector<16xf32>
        %parallel_loop3A_794 = vector.shape_cast %parallel_loop3A_789 : vector<16xf32> to vector<1x16xf32>
        tpu.vector_store %arg7[%parallel_loop3A_790, %parallel_loop3A_791], %parallel_loop3A_794 {strides = array<i32>} : memref<32x1024xf32, #tpu.memory_space<vmem>>, vector<1x16xf32>,
        %parallel_loop3A_795 = arith.index_cast %parallel_loop3A_754 : i32 to index
        %parallel_loop3A_796 = arith.constant 832 : index
        %parallel_loop3A_797 = tpu.vector_load %arg7[%parallel_loop3A_795, %parallel_loop3A_796] {strides = array<i32>} : memref<32x1024xf32, #tpu.memory_space<vmem>>, vector<1x16xf32>,
        %parallel_loop3A_798 = vector.shape_cast %parallel_loop3A_797 : vector<1x16xf32> to vector<16xf32>
        %parallel_loop3A_799 = arith.addf %parallel_loop3A_798, %get3A_678 : vector<16xf32>
        %parallel_loop3A_800 = arith.index_cast %parallel_loop3A_754 : i32 to index
        %parallel_loop3A_801 = arith.constant 832 : index
        %parallel_loop3A_802 = tpu.vector_load %arg7[%parallel_loop3A_800, %parallel_loop3A_801] {strides = array<i32>} : memref<32x1024xf32, #tpu.memory_space<vmem>>, vector<1x16xf32>,
        %parallel_loop3A_803 = vector.shape_cast %parallel_loop3A_802 : vector<1x16xf32> to vector<16xf32>
        %parallel_loop3A_804 = vector.shape_cast %parallel_loop3A_799 : vector<16xf32> to vector<1x16xf32>
        tpu.vector_store %arg7[%parallel_loop3A_800, %parallel_loop3A_801], %parallel_loop3A_804 {strides = array<i32>} : memref<32x1024xf32, #tpu.memory_space<vmem>>, vector<1x16xf32>,
        %parallel_loop3A_805 = arith.index_cast %parallel_loop3A_754 : i32 to index
        %parallel_loop3A_806 = arith.constant 848 : index
        %parallel_loop3A_807 = tpu.vector_load %arg7[%parallel_loop3A_805, %parallel_loop3A_806] {strides = array<i32>} : memref<32x1024xf32, #tpu.memory_space<vmem>>, vector<1x16xf32>,
        %parallel_loop3A_808 = vector.shape_cast %parallel_loop3A_807 : vector<1x16xf32> to vector<16xf32>
        %parallel_loop3A_809 = arith.addf %parallel_loop3A_808, %get3A_683 : vector<16xf32>
        %parallel_loop3A_810 = arith.index_cast %parallel_loop3A_754 : i32 to index
        %parallel_loop3A_811 = arith.constant 848 : index
        %parallel_loop3A_812 = tpu.vector_load %arg7[%parallel_loop3A_810, %parallel_loop3A_811] {strides = array<i32>} : memref<32x1024xf32, #tpu.memory_space<vmem>>, vector<1x16xf32>,
        %parallel_loop3A_813 = vector.shape_cast %parallel_loop3A_812 : vector<1x16xf32> to vector<16xf32>
        %parallel_loop3A_814 = vector.shape_cast %parallel_loop3A_809 : vector<16xf32> to vector<1x16xf32>
        tpu.vector_store %arg7[%parallel_loop3A_810, %parallel_loop3A_811], %parallel_loop3A_814 {strides = array<i32>} : memref<32x1024xf32, #tpu.memory_space<vmem>>, vector<1x16xf32>,
        %parallel_loop3A_815 = arith.index_cast %parallel_loop3A_754 : i32 to index
        %parallel_loop3A_816 = arith.constant 864 : index
        %parallel_loop3A_817 = tpu.vector_load %arg7[%parallel_loop3A_815, %parallel_loop3A_816] {strides = array<i32>} : memref<32x1024xf32, #tpu.memory_space<vmem>>, vector<1x16xf32>,
        %parallel_loop3A_818 = vector.shape_cast %parallel_loop3A_817 : vector<1x16xf32> to vector<16xf32>
        %parallel_loop3A_819 = arith.addf %parallel_loop3A_818, %get3A_688 : vector<16xf32>
        %parallel_loop3A_820 = arith.index_cast %parallel_loop3A_754 : i32 to index
        %parallel_loop3A_821 = arith.constant 864 : index
        %parallel_loop3A_822 = tpu.vector_load %arg7[%parallel_loop3A_820, %parallel_loop3A_821] {strides = array<i32>} : memref<32x1024xf32, #tpu.memory_space<vmem>>, vector<1x16xf32>,
        %parallel_loop3A_823 = vector.shape_cast %parallel_loop3A_822 : vector<1x16xf32> to vector<16xf32>
        %parallel_loop3A_824 = vector.shape_cast %parallel_loop3A_819 : vector<16xf32> to vector<1x16xf32>
        tpu.vector_store %arg7[%parallel_loop3A_820, %parallel_loop3A_821], %parallel_loop3A_824 {strides = array<i32>} : memref<32x1024xf32, #tpu.memory_space<vmem>>, vector<1x16xf32>,
        %parallel_loop3A_825 = arith.index_cast %parallel_loop3A_754 : i32 to index
        %parallel_loop3A_826 = arith.constant 880 : index
        %parallel_loop3A_827 = tpu.vector_load %arg7[%parallel_loop3A_825, %parallel_loop3A_826] {strides = array<i32>} : memref<32x1024xf32, #tpu.memory_space<vmem>>, vector<1x16xf32>,
        %parallel_loop3A_828 = vector.shape_cast %parallel_loop3A_827 : vector<1x16xf32> to vector<16xf32>
        %parallel_loop3A_829 = arith.addf %parallel_loop3A_828, %get3A_693 : vector<16xf32>
        %parallel_loop3A_830 = arith.index_cast %parallel_loop3A_754 : i32 to index
        %parallel_loop3A_831 = arith.constant 880 : index
        %parallel_loop3A_832 = tpu.vector_load %arg7[%parallel_loop3A_830, %parallel_loop3A_831] {strides = array<i32>} : memref<32x1024xf32, #tpu.memory_space<vmem>>, vector<1x16xf32>,
        %parallel_loop3A_833 = vector.shape_cast %parallel_loop3A_832 : vector<1x16xf32> to vector<16xf32>
        %parallel_loop3A_834 = vector.shape_cast %parallel_loop3A_829 : vector<16xf32> to vector<1x16xf32>
        tpu.vector_store %arg7[%parallel_loop3A_830, %parallel_loop3A_831], %parallel_loop3A_834 {strides = array<i32>} : memref<32x1024xf32, #tpu.memory_space<vmem>>, vector<1x16xf32>,
      } {sc.loop_unroll_factor = 2 : i64, sc.parallel_access}
      %get3A_697 = arith.constant 2 : i32
      %get3A_698 = arith.index_cast %get3A_697 : i32 to index
      %get3A_699 = arith.constant 896 : index
      %get3A_700 = tpu.vector_load %arg5[%get3A_698, %get3A_699] {strides = array<i32>} : memref<3x1024xf32, #tpu.memory_space<vmem>>, vector<1x16xf32>,
      %get3A_701 = vector.shape_cast %get3A_700 : vector<1x16xf32> to vector<16xf32>
      %get3A_702 = arith.constant 2 : i32
      %get3A_703 = arith.index_cast %get3A_702 : i32 to index
      %get3A_704 = arith.constant 912 : index
      %get3A_705 = tpu.vector_load %arg5[%get3A_703, %get3A_704] {strides = array<i32>} : memref<3x1024xf32, #tpu.memory_space<vmem>>, vector<1x16xf32>,
      %get3A_706 = vector.shape_cast %get3A_705 : vector<1x16xf32> to vector<16xf32>
      %get3A_707 = arith.constant 2 : i32
      %get3A_708 = arith.index_cast %get3A_707 : i32 to index
      %get3A_709 = arith.constant 928 : index
      %get3A_710 = tpu.vector_load %arg5[%get3A_708, %get3A_709] {strides = array<i32>} : memref<3x1024xf32, #tpu.memory_space<vmem>>, vector<1x16xf32>,
      %get3A_711 = vector.shape_cast %get3A_710 : vector<1x16xf32> to vector<16xf32>
      %get3A_712 = arith.constant 2 : i32
      %get3A_713 = arith.index_cast %get3A_712 : i32 to index
      %get3A_714 = arith.constant 944 : index
      %get3A_715 = tpu.vector_load %arg5[%get3A_713, %get3A_714] {strides = array<i32>} : memref<3x1024xf32, #tpu.memory_space<vmem>>, vector<1x16xf32>,
      %get3A_716 = vector.shape_cast %get3A_715 : vector<1x16xf32> to vector<16xf32>
      %get3A_717 = arith.constant 2 : i32
      %get3A_718 = arith.index_cast %get3A_717 : i32 to index
      %get3A_719 = arith.constant 960 : index
      %get3A_720 = tpu.vector_load %arg5[%get3A_718, %get3A_719] {strides = array<i32>} : memref<3x1024xf32, #tpu.memory_space<vmem>>, vector<1x16xf32>,
      %get3A_721 = vector.shape_cast %get3A_720 : vector<1x16xf32> to vector<16xf32>
      %get3A_722 = arith.constant 2 : i32
      %get3A_723 = arith.index_cast %get3A_722 : i32 to index
      %get3A_724 = arith.constant 976 : index
      %get3A_725 = tpu.vector_load %arg5[%get3A_723, %get3A_724] {strides = array<i32>} : memref<3x1024xf32, #tpu.memory_space<vmem>>, vector<1x16xf32>,
      %get3A_726 = vector.shape_cast %get3A_725 : vector<1x16xf32> to vector<16xf32>
      %get3A_727 = arith.constant 2 : i32
      %get3A_728 = arith.index_cast %get3A_727 : i32 to index
      %get3A_729 = arith.constant 992 : index
      %get3A_730 = tpu.vector_load %arg5[%get3A_728, %get3A_729] {strides = array<i32>} : memref<3x1024xf32, #tpu.memory_space<vmem>>, vector<1x16xf32>,
      %get3A_731 = vector.shape_cast %get3A_730 : vector<1x16xf32> to vector<16xf32>
      %get3A_732 = arith.constant 2 : i32
      %get3A_733 = arith.index_cast %get3A_732 : i32 to index
      %get3A_734 = arith.constant 1008 : index
      %get3A_735 = tpu.vector_load %arg5[%get3A_733, %get3A_734] {strides = array<i32>} : memref<3x1024xf32, #tpu.memory_space<vmem>>, vector<1x16xf32>,
      %get3A_736 = vector.shape_cast %get3A_735 : vector<1x16xf32> to vector<16xf32>
      %parallel_loop3A_737 = arith.constant 0 : i32
      %parallel_loop3A_738 = arith.constant 32 : i32
      %parallel_loop3A_739 = arith.constant 1 : i32
      scf.for %parallel_loop3A_754 = %parallel_loop3A_737 to %parallel_loop3A_738 step %parallel_loop3A_739  : i32 {
        %parallel_loop3A_755 = arith.index_cast %parallel_loop3A_754 : i32 to index
        %parallel_loop3A_756 = arith.constant 896 : index
        %parallel_loop3A_757 = tpu.vector_load %arg7[%parallel_loop3A_755, %parallel_loop3A_756] {strides = array<i32>} : memref<32x1024xf32, #tpu.memory_space<vmem>>, vector<1x16xf32>,
        %parallel_loop3A_758 = vector.shape_cast %parallel_loop3A_757 : vector<1x16xf32> to vector<16xf32>
        %parallel_loop3A_759 = arith.addf %parallel_loop3A_758, %get3A_701 : vector<16xf32>
        %parallel_loop3A_760 = arith.index_cast %parallel_loop3A_754 : i32 to index
        %parallel_loop3A_761 = arith.constant 896 : index
        %parallel_loop3A_762 = tpu.vector_load %arg7[%parallel_loop3A_760, %parallel_loop3A_761] {strides = array<i32>} : memref<32x1024xf32, #tpu.memory_space<vmem>>, vector<1x16xf32>,
        %parallel_loop3A_763 = vector.shape_cast %parallel_loop3A_762 : vector<1x16xf32> to vector<16xf32>
        %parallel_loop3A_764 = vector.shape_cast %parallel_loop3A_759 : vector<16xf32> to vector<1x16xf32>
        tpu.vector_store %arg7[%parallel_loop3A_760, %parallel_loop3A_761], %parallel_loop3A_764 {strides = array<i32>} : memref<32x1024xf32, #tpu.memory_space<vmem>>, vector<1x16xf32>,
        %parallel_loop3A_765 = arith.index_cast %parallel_loop3A_754 : i32 to index
        %parallel_loop3A_766 = arith.constant 912 : index
        %parallel_loop3A_767 = tpu.vector_load %arg7[%parallel_loop3A_765, %parallel_loop3A_766] {strides = array<i32>} : memref<32x1024xf32, #tpu.memory_space<vmem>>, vector<1x16xf32>,
        %parallel_loop3A_768 = vector.shape_cast %parallel_loop3A_767 : vector<1x16xf32> to vector<16xf32>
        %parallel_loop3A_769 = arith.addf %parallel_loop3A_768, %get3A_706 : vector<16xf32>
        %parallel_loop3A_770 = arith.index_cast %parallel_loop3A_754 : i32 to index
        %parallel_loop3A_771 = arith.constant 912 : index
        %parallel_loop3A_772 = tpu.vector_load %arg7[%parallel_loop3A_770, %parallel_loop3A_771] {strides = array<i32>} : memref<32x1024xf32, #tpu.memory_space<vmem>>, vector<1x16xf32>,
        %parallel_loop3A_773 = vector.shape_cast %parallel_loop3A_772 : vector<1x16xf32> to vector<16xf32>
        %parallel_loop3A_774 = vector.shape_cast %parallel_loop3A_769 : vector<16xf32> to vector<1x16xf32>
        tpu.vector_store %arg7[%parallel_loop3A_770, %parallel_loop3A_771], %parallel_loop3A_774 {strides = array<i32>} : memref<32x1024xf32, #tpu.memory_space<vmem>>, vector<1x16xf32>,
        %parallel_loop3A_775 = arith.index_cast %parallel_loop3A_754 : i32 to index
        %parallel_loop3A_776 = arith.constant 928 : index
        %parallel_loop3A_777 = tpu.vector_load %arg7[%parallel_loop3A_775, %parallel_loop3A_776] {strides = array<i32>} : memref<32x1024xf32, #tpu.memory_space<vmem>>, vector<1x16xf32>,
        %parallel_loop3A_778 = vector.shape_cast %parallel_loop3A_777 : vector<1x16xf32> to vector<16xf32>
        %parallel_loop3A_779 = arith.addf %parallel_loop3A_778, %get3A_711 : vector<16xf32>
        %parallel_loop3A_780 = arith.index_cast %parallel_loop3A_754 : i32 to index
        %parallel_loop3A_781 = arith.constant 928 : index
        %parallel_loop3A_782 = tpu.vector_load %arg7[%parallel_loop3A_780, %parallel_loop3A_781] {strides = array<i32>} : memref<32x1024xf32, #tpu.memory_space<vmem>>, vector<1x16xf32>,
        %parallel_loop3A_783 = vector.shape_cast %parallel_loop3A_782 : vector<1x16xf32> to vector<16xf32>
        %parallel_loop3A_784 = vector.shape_cast %parallel_loop3A_779 : vector<16xf32> to vector<1x16xf32>
        tpu.vector_store %arg7[%parallel_loop3A_780, %parallel_loop3A_781], %parallel_loop3A_784 {strides = array<i32>} : memref<32x1024xf32, #tpu.memory_space<vmem>>, vector<1x16xf32>,
        %parallel_loop3A_785 = arith.index_cast %parallel_loop3A_754 : i32 to index
        %parallel_loop3A_786 = arith.constant 944 : index
        %parallel_loop3A_787 = tpu.vector_load %arg7[%parallel_loop3A_785, %parallel_loop3A_786] {strides = array<i32>} : memref<32x1024xf32, #tpu.memory_space<vmem>>, vector<1x16xf32>,
        %parallel_loop3A_788 = vector.shape_cast %parallel_loop3A_787 : vector<1x16xf32> to vector<16xf32>
        %parallel_loop3A_789 = arith.addf %parallel_loop3A_788, %get3A_716 : vector<16xf32>
        %parallel_loop3A_790 = arith.index_cast %parallel_loop3A_754 : i32 to index
        %parallel_loop3A_791 = arith.constant 944 : index
        %parallel_loop3A_792 = tpu.vector_load %arg7[%parallel_loop3A_790, %parallel_loop3A_791] {strides = array<i32>} : memref<32x1024xf32, #tpu.memory_space<vmem>>, vector<1x16xf32>,
        %parallel_loop3A_793 = vector.shape_cast %parallel_loop3A_792 : vector<1x16xf32> to vector<16xf32>
        %parallel_loop3A_794 = vector.shape_cast %parallel_loop3A_789 : vector<16xf32> to vector<1x16xf32>
        tpu.vector_store %arg7[%parallel_loop3A_790, %parallel_loop3A_791], %parallel_loop3A_794 {strides = array<i32>} : memref<32x1024xf32, #tpu.memory_space<vmem>>, vector<1x16xf32>,
        %parallel_loop3A_795 = arith.index_cast %parallel_loop3A_754 : i32 to index
        %parallel_loop3A_796 = arith.constant 960 : index
        %parallel_loop3A_797 = tpu.vector_load %arg7[%parallel_loop3A_795, %parallel_loop3A_796] {strides = array<i32>} : memref<32x1024xf32, #tpu.memory_space<vmem>>, vector<1x16xf32>,
        %parallel_loop3A_798 = vector.shape_cast %parallel_loop3A_797 : vector<1x16xf32> to vector<16xf32>
        %parallel_loop3A_799 = arith.addf %parallel_loop3A_798, %get3A_721 : vector<16xf32>
        %parallel_loop3A_800 = arith.index_cast %parallel_loop3A_754 : i32 to index
        %parallel_loop3A_801 = arith.constant 960 : index
        %parallel_loop3A_802 = tpu.vector_load %arg7[%parallel_loop3A_800, %parallel_loop3A_801] {strides = array<i32>} : memref<32x1024xf32, #tpu.memory_space<vmem>>, vector<1x16xf32>,
        %parallel_loop3A_803 = vector.shape_cast %parallel_loop3A_802 : vector<1x16xf32> to vector<16xf32>
        %parallel_loop3A_804 = vector.shape_cast %parallel_loop3A_799 : vector<16xf32> to vector<1x16xf32>
        tpu.vector_store %arg7[%parallel_loop3A_800, %parallel_loop3A_801], %parallel_loop3A_804 {strides = array<i32>} : memref<32x1024xf32, #tpu.memory_space<vmem>>, vector<1x16xf32>,
        %parallel_loop3A_805 = arith.index_cast %parallel_loop3A_754 : i32 to index
        %parallel_loop3A_806 = arith.constant 976 : index
        %parallel_loop3A_807 = tpu.vector_load %arg7[%parallel_loop3A_805, %parallel_loop3A_806] {strides = array<i32>} : memref<32x1024xf32, #tpu.memory_space<vmem>>, vector<1x16xf32>,
        %parallel_loop3A_808 = vector.shape_cast %parallel_loop3A_807 : vector<1x16xf32> to vector<16xf32>
        %parallel_loop3A_809 = arith.addf %parallel_loop3A_808, %get3A_726 : vector<16xf32>
        %parallel_loop3A_810 = arith.index_cast %parallel_loop3A_754 : i32 to index
        %parallel_loop3A_811 = arith.constant 976 : index
        %parallel_loop3A_812 = tpu.vector_load %arg7[%parallel_loop3A_810, %parallel_loop3A_811] {strides = array<i32>} : memref<32x1024xf32, #tpu.memory_space<vmem>>, vector<1x16xf32>,
        %parallel_loop3A_813 = vector.shape_cast %parallel_loop3A_812 : vector<1x16xf32> to vector<16xf32>
        %parallel_loop3A_814 = vector.shape_cast %parallel_loop3A_809 : vector<16xf32> to vector<1x16xf32>
        tpu.vector_store %arg7[%parallel_loop3A_810, %parallel_loop3A_811], %parallel_loop3A_814 {strides = array<i32>} : memref<32x1024xf32, #tpu.memory_space<vmem>>, vector<1x16xf32>,
        %parallel_loop3A_815 = arith.index_cast %parallel_loop3A_754 : i32 to index
        %parallel_loop3A_816 = arith.constant 992 : index
        %parallel_loop3A_817 = tpu.vector_load %arg7[%parallel_loop3A_815, %parallel_loop3A_816] {strides = array<i32>} : memref<32x1024xf32, #tpu.memory_space<vmem>>, vector<1x16xf32>,
        %parallel_loop3A_818 = vector.shape_cast %parallel_loop3A_817 : vector<1x16xf32> to vector<16xf32>
        %parallel_loop3A_819 = arith.addf %parallel_loop3A_818, %get3A_731 : vector<16xf32>
        %parallel_loop3A_820 = arith.index_cast %parallel_loop3A_754 : i32 to index
        %parallel_loop3A_821 = arith.constant 992 : index
        %parallel_loop3A_822 = tpu.vector_load %arg7[%parallel_loop3A_820, %parallel_loop3A_821] {strides = array<i32>} : memref<32x1024xf32, #tpu.memory_space<vmem>>, vector<1x16xf32>,
        %parallel_loop3A_823 = vector.shape_cast %parallel_loop3A_822 : vector<1x16xf32> to vector<16xf32>
        %parallel_loop3A_824 = vector.shape_cast %parallel_loop3A_819 : vector<16xf32> to vector<1x16xf32>
        tpu.vector_store %arg7[%parallel_loop3A_820, %parallel_loop3A_821], %parallel_loop3A_824 {strides = array<i32>} : memref<32x1024xf32, #tpu.memory_space<vmem>>, vector<1x16xf32>,
        %parallel_loop3A_825 = arith.index_cast %parallel_loop3A_754 : i32 to index
        %parallel_loop3A_826 = arith.constant 1008 : index
        %parallel_loop3A_827 = tpu.vector_load %arg7[%parallel_loop3A_825, %parallel_loop3A_826] {strides = array<i32>} : memref<32x1024xf32, #tpu.memory_space<vmem>>, vector<1x16xf32>,
        %parallel_loop3A_828 = vector.shape_cast %parallel_loop3A_827 : vector<1x16xf32> to vector<16xf32>
        %parallel_loop3A_829 = arith.addf %parallel_loop3A_828, %get3A_736 : vector<16xf32>
        %parallel_loop3A_830 = arith.index_cast %parallel_loop3A_754 : i32 to index
        %parallel_loop3A_831 = arith.constant 1008 : index
        %parallel_loop3A_832 = tpu.vector_load %arg7[%parallel_loop3A_830, %parallel_loop3A_831] {strides = array<i32>} : memref<32x1024xf32, #tpu.memory_space<vmem>>, vector<1x16xf32>,
        %parallel_loop3A_833 = vector.shape_cast %parallel_loop3A_832 : vector<1x16xf32> to vector<16xf32>
        %parallel_loop3A_834 = vector.shape_cast %parallel_loop3A_829 : vector<16xf32> to vector<1x16xf32>
        tpu.vector_store %arg7[%parallel_loop3A_830, %parallel_loop3A_831], %parallel_loop3A_834 {strides = array<i32>} : memref<32x1024xf32, #tpu.memory_space<vmem>>, vector<1x16xf32>,
      } {sc.loop_unroll_factor = 2 : i64, sc.parallel_access}
      %mul3A_740 = arith.constant 32 : i32
      %mul3A_741 = arith.muli %add3A_391, %mul3A_740 : i32
      %add3A_742 = arith.addi %mul3A_2, %mul3A_741 : i32
      %dma_start3A_743 = arith.constant 0 : i32
      %dma_start3A_744 = tpu.memref_slice %arg4[%add3A_742, %dma_start3A_743] : memref<8192x1024xf32, #tpu.memory_space<hbm>> -> memref<32x1024xf32, #tpu.memory_space<hbm>>
      %dma_start3A_745 = arith.constant 0 : i32
      %dma_start3A_746 = tpu.memref_slice %arg4[%add3A_742, %dma_start3A_745] : memref<8192x1024xf32, #tpu.memory_space<hbm>> -> memref<32x1024xf32, #tpu.memory_space<hbm>>
      tpu.enqueue_dma source(%arg7 : memref<32x1024xf32, #tpu.memory_space<vmem>>) target(%dma_start3A_746 : memref<32x1024xf32, #tpu.memory_space<hbm>>) target_semaphore(%arg11 : memref<!tpu.dma_semaphore, #tpu.memory_space<semaphore_mem>>)
      %add3A_747 = arith.constant 1 : i32
      %add3A_748 = arith.addi %scan3A_26, %add3A_747 : i32
      %lt3A_749 = arith.constant 4 : i32
      %lt3A_750 = arith.cmpi slt, %add3A_748, %lt3A_749 : i32
      %convert_element_type3A_751 = arith.extui %lt3A_750 : i1 to i32
      %cond3A_752 = arith.constant 0 : i32
      %cond3A_753 = arith.cmpi ne, %convert_element_type3A_751, %cond3A_752 : i32
      scf.if %cond3A_753 {
        %dma_wait3A_754 = arith.constant 0 : i32
        %dma_wait3A_755 = tpu.memref_slice %arg4[%mul3A_2, %dma_wait3A_754] : memref<8192x1024xf32, #tpu.memory_space<hbm>> -> memref<32x1024xf32, #tpu.memory_space<hbm>>
        %dma_wait3A_756 = arith.constant 0 : i32
        %dma_wait3A_757 = tpu.memref_slice %arg4[%mul3A_2, %dma_wait3A_756] : memref<8192x1024xf32, #tpu.memory_space<hbm>> -> memref<32x1024xf32, #tpu.memory_space<hbm>>
        tpu.wait_dma2 semaphore(%arg11 : memref<!tpu.dma_semaphore, #tpu.memory_space<semaphore_mem>>) src(%arg7 : memref<32x1024xf32, #tpu.memory_space<vmem>>) dst(%dma_wait3A_757 : memref<32x1024xf32, #tpu.memory_space<hbm>>)
        %add3A_758 = arith.constant 2 : i32
        %add3A_759 = arith.addi %add3A_391, %add3A_758 : i32
        %mul3A_760 = arith.constant 32 : i32
        %mul3A_761 = arith.muli %add3A_759, %mul3A_760 : i32
        %add3A_762 = arith.addi %mul3A_2, %mul3A_761 : i32
        %dma_start3A_763 = arith.constant 0 : i32
        %dma_start3A_764 = tpu.memref_slice %arg2[%add3A_762, %dma_start3A_763] : memref<8192x1024xf32, #tpu.memory_space<hbm>> -> memref<32x1024xf32, #tpu.memory_space<hbm>>
        %dma_start3A_765 = arith.constant 0 : i32
        %dma_start3A_766 = tpu.memref_slice %arg2[%add3A_762, %dma_start3A_765] : memref<8192x1024xf32, #tpu.memory_space<hbm>> -> memref<32x1024xf32, #tpu.memory_space<hbm>>
        tpu.enqueue_dma source(%dma_start3A_766 : memref<32x1024xf32, #tpu.memory_space<hbm>>) target(%arg7 : memref<32x1024xf32, #tpu.memory_space<vmem>>) target_semaphore(%arg9 : memref<!tpu.dma_semaphore, #tpu.memory_space<semaphore_mem>>)
      } else {
      }
    }
    %scan3A_18 = arith.constant 4 : i32
    %dma_wait3A = arith.constant 0 : i32
    %dma_wait3A_19 = tpu.memref_slice %arg4[%mul3A_2, %dma_wait3A] : memref<8192x1024xf32, #tpu.memory_space<hbm>> -> memref<32x1024xf32, #tpu.memory_space<hbm>>
    %dma_wait3A_20 = arith.constant 0 : i32
    %dma_wait3A_21 = tpu.memref_slice %arg4[%mul3A_2, %dma_wait3A_20] : memref<8192x1024xf32, #tpu.memory_space<hbm>> -> memref<32x1024xf32, #tpu.memory_space<hbm>>
    tpu.wait_dma2 semaphore(%arg10 : memref<!tpu.dma_semaphore, #tpu.memory_space<semaphore_mem>>) src(%arg6 : memref<32x1024xf32, #tpu.memory_space<vmem>>) dst(%dma_wait3A_21 : memref<32x1024xf32, #tpu.memory_space<hbm>>)
    %dma_wait3A_22 = arith.constant 0 : i32
    %dma_wait3A_23 = tpu.memref_slice %arg4[%mul3A_2, %dma_wait3A_22] : memref<8192x1024xf32, #tpu.memory_space<hbm>> -> memref<32x1024xf32, #tpu.memory_space<hbm>>
    %dma_wait3A_24 = arith.constant 0 : i32
    %dma_wait3A_25 = tpu.memref_slice %arg4[%mul3A_2, %dma_wait3A_24] : memref<8192x1024xf32, #tpu.memory_space<hbm>> -> memref<32x1024xf32, #tpu.memory_space<hbm>>
    tpu.wait_dma2 semaphore(%arg11 : memref<!tpu.dma_semaphore, #tpu.memory_space<semaphore_mem>>) src(%arg7 : memref<32x1024xf32, #tpu.memory_space<vmem>>) dst(%dma_wait3A_25 : memref<32x1024xf32, #tpu.memory_space<hbm>>)
    return
  }
}

module attributes {stable_mosaic.version = 14 : i64} {
  func.func @_tc_body(%arg0: i32, %arg1: memref<1024x1024xf32, #tpu.memory_space<vmem>>, %arg2: memref<1024x1024xf32, #tpu.memory_space<vmem>>, %arg3: memref<3x1024xf32, #tpu.memory_space<vmem>>, %arg4: memref<1024x1024xf32, #tpu.memory_space<vmem>>, %arg5: memref<1024x1024xf32, #tpu.memory_space<vmem>>) attributes {dimension_semantics = [#tpu.dimension_semantics<arbitrary>], iteration_bounds = array<i64: 8>, scalar_prefetch = 0 : i64, scratch_operands = 0 : i64, tpu.core_type = #tpu.core_type<tc>, window_params = [{transform_indices = @transform_0, window_bounds = array<i64: 1024, 1024>}, {transform_indices = @transform_1, window_bounds = array<i64: 1024, 1024>}, {pipeline_mode = #tpu.pipeline_mode<synchronous>, transform_indices = @transform_2, window_bounds = array<i64: 3, 1024>}, {transform_indices = @transform_3, window_bounds = array<i64: 1024, 1024>}, {transform_indices = @transform_4, window_bounds = array<i64: 1024, 1024>}]} {
    %get3A = arith.constant 0 : index
    %get3A_0 = arith.constant 0 : index
    %get3A_1 = vector.load %arg1[%get3A, %get3A_0] : memref<1024x1024xf32, #tpu.memory_space<vmem>>, vector<1024x1024xf32>
    %get3A_2 = arith.constant 0 : index
    %get3A_3 = arith.constant 0 : index
    %get3A_4 = vector.load %arg3[%get3A_2, %get3A_3] : memref<3x1024xf32, #tpu.memory_space<vmem>>, vector<1x1024xf32>
    %get3A_5 = vector.shape_cast %get3A_4 : vector<1x1024xf32> to vector<1024xf32>
    %broadcast_in_dim3A = vector.shape_cast %get3A_5 : vector<1024xf32> to vector<1x1024xf32>
    %add3A = vector.broadcast %broadcast_in_dim3A : vector<1x1024xf32> to vector<1024x1024xf32>
    %add3A_6 = arith.addf %get3A_1, %add3A : vector<1024x1024xf32>
    %swap3A = arith.constant 0 : index
    %swap3A_7 = arith.constant 0 : index
    %swap3A_8 = vector.load %arg4[%swap3A, %swap3A_7] : memref<1024x1024xf32, #tpu.memory_space<vmem>>, vector<1024x1024xf32>
    tpu.vector_store %arg4[%swap3A, %swap3A_7], %add3A_6 {strides = array<i32>} : memref<1024x1024xf32, #tpu.memory_space<vmem>>, vector<1024x1024xf32>,
    %get3A_9 = arith.constant 0 : index
    %get3A_10 = arith.constant 0 : index
    %get3A_11 = vector.load %arg2[%get3A_9, %get3A_10] : memref<1024x1024xf32, #tpu.memory_space<vmem>>, vector<1024x1024xf32>
    %get3A_12 = arith.constant 1 : index
    %get3A_13 = arith.constant 0 : index
    %get3A_14 = vector.load %arg3[%get3A_12, %get3A_13] : memref<3x1024xf32, #tpu.memory_space<vmem>>, vector<1x1024xf32>
    %get3A_15 = vector.shape_cast %get3A_14 : vector<1x1024xf32> to vector<1024xf32>
    %broadcast_in_dim3A_16 = vector.shape_cast %get3A_15 : vector<1024xf32> to vector<1x1024xf32>
    %add3A_17 = vector.broadcast %broadcast_in_dim3A_16 : vector<1x1024xf32> to vector<1024x1024xf32>
    %add3A_18 = arith.addf %get3A_11, %add3A_17 : vector<1024x1024xf32>
    %swap3A_19 = arith.constant 0 : index
    %swap3A_20 = arith.constant 0 : index
    %swap3A_21 = vector.load %arg5[%swap3A_19, %swap3A_20] : memref<1024x1024xf32, #tpu.memory_space<vmem>>, vector<1024x1024xf32>
    tpu.vector_store %arg5[%swap3A_19, %swap3A_20], %add3A_18 {strides = array<i32>} : memref<1024x1024xf32, #tpu.memory_space<vmem>>, vector<1024x1024xf32>,
    return
  }
  func.func @transform_0(%arg0: i32) -> (i32, i32) {
    %c0_i32 = arith.constant 0 : i32
    %c0_i32_0 = arith.constant 0 : i32
    return %arg0, %c0_i32 : i32, i32
  }
  func.func @transform_1(%arg0: i32) -> (i32, i32) {
    %c0_i32 = arith.constant 0 : i32
    %c0_i32_0 = arith.constant 0 : i32
    return %arg0, %c0_i32 : i32, i32
  }
  func.func @transform_2(%arg0: i32) -> (i32, i32) {
    %c0_i32 = arith.constant 0 : i32
    %c0_i32_0 = arith.constant 0 : i32
    %c0_i32_1 = arith.constant 0 : i32
    return %c0_i32, %c0_i32_0 : i32, i32
  }
  func.func @transform_3(%arg0: i32) -> (i32, i32) {
    %c0_i32 = arith.constant 0 : i32
    %c0_i32_0 = arith.constant 0 : i32
    return %arg0, %c0_i32 : i32, i32
  }
  func.func @transform_4(%arg0: i32) -> (i32, i32) {
    %c0_i32 = arith.constant 0 : i32
    %c0_i32_0 = arith.constant 0 : i32
    return %arg0, %c0_i32 : i32, i32
  }
}

</mosaic_0001>

<sc_bundles>
// kernel: kernel.4.cloned.1.call-start
scs
__scs_entry_jumppad:
0x0: {  	(pc) =	sbr.rel $0x88, $3  }
0x1: {  	(tag) =	ssettag $0x0;
	lr =	simm.s32 $0x1  }
0x2: {  	[smem:$0x3F9D] =	sst lr;
	_ =	strace $0xD0000000  }
0x3: {  	_ = 	snop  }
0x4: {  	_ = 	snop  }
0x5: {  	_ = 	snop  }
0x6: {  	_ = 	snop  }
0x7: {  	_ = 	snop  }
__scs_overlays_trampoline_lowered:
0x8: {  	[smem:$0x3FAC] =	sst s0  }
0x9: {  	[smem:$0x3FAD] =	sst s1  }
0xa: {  	[smem:$0x3FAE] =	sst s2  }
0xb: {  	[smem:$0x3FAF] =	sst s3  }
0xc: {  	[smem:$0x3FB0] =	sst s4  }
0xd: {  	[smem:$0x3FB1] =	sst s5  }
0xe: {  	[smem:$0x3FB2] =	sst s6  }
0xf: {  	[smem:$0x3FB3] =	sst s7  }
0x10: {  	[smem:$0x3FB4] =	sst s8  }
0x11: {  	[smem:$0x3FB5] =	sst s9;
	s0 =	simm.s32 @!p0 $0x0  }
0x12: {  	s1 =	sld [smem:$0x3F9B];
	s0 =	simm.s32 @p0 $0x1  }
0x13: {  	[smem:$0x3FB6] =	sst s0;
	s0 =	simm.s32 @!p1 $0x0  }
0x14: {  	s2 =	sld [smem:$0x3F9A];
	s0 =	simm.s32 @p1 $0x1  }
0x15: {  	[smem:$0x3FB7] =	sst s0;
	s0 =	simm.s32 @!p2 $0x0  }
0x16: {  	s3 =	sld [smem:$0x3FDB];
	s0 =	simm.s32 @p2 $0x1  }
0x17: {  	s4 =	simm.s32 $0x1BF5;
	[smem:$0x3FB9] =	sst s0  }
0x18: {  	s0 =	sld [smem:$0x3F9C];
	_ =	swait.ge [sflag:s4], $0x0  }
0x19: {  	s7 =	sld [smem:$0x3F9D]  }
0x1a: {  	s8 =	sadd.s32 $0xFFFFE003, lr  }
0x1b: {  	s9 =	sadd.s32 $0xFFFFFEF7, lr;
	s5 =	simm.s32 $0xFFFFFFFF;
	p2 =	slt.u32 s8, $0xFFFFF086  }
0x1c: {  	p1 =	slt.u32 s9, $0xF7A;
	s5 =	simm.s32 @!p2 $0x0  }
0x1d: {  	s5 =	simm.s32 @p1 $0x1;
	p0 =	seq.s32 s7, s2  }
0x1e: {  	s7 =	smul.u32 @!p0 $0xF7A, s2;
	p2 =	seq.s32 @!p0 s5, $0x0  }
0x1f: {  	s9 =	smul.u32 $0xF7A, s1;
	s8 =	simm.s32 @!p0 $0x1BF5;
	p2 =	por !p2, p0  }
0x20: {  	[sflag:s8] =	ssyncset.s32 @!p0 $0xFFFFF086;
	s6 =	sadd.s32 @!p0 s3, s7;
	s7 =	simm.s32 @!p0 $0x108  }
0x21: {  	s3 =	sadd.s32 s3, s9;
	s6 =	sadd.s32 @!p0 $0x88, s6;
	s7 =	simm.s32 @p2 $0x1082  }
0x22: {  	[simem:s7], [sflag:s8] =	dma.local @!p0 [hbm:s6], $0xF7A  }
0x23: {  	s9 =	sor.u32 $0xD0000000, s2;
	s6 =	simm.s32 $0x108;
	_ =	swait.ge @!p0 [sflag:s8], $0x0  }
0x24: {  	s3 =	sadd.s32 $0x88, s3;
	s6 =	simm.s32 @!p1 $0x1082;
	[sflag:s4] =	ssyncset.s32 $0xFFFFF086  }
0x25: {  	[simem:s6], [sflag:s4] =	dma.local [hbm:s3], $0xF7A  }
0x26: {  	[smem:$0x3F9D] =	sst s1;
	(tag) =	ssettag s2;
	_ =	strace s9  }
0x27: {  	s1 =	sld [smem:$0x3FAD]  }
0x28: {  	s2 =	sld [smem:$0x3FAE]  }
0x29: {  	s4 =	sld [smem:$0x3FB0]  }
0x2a: {  	p0 =	seq.s32 s5, $0x0;
	s5 =	sld [smem:$0x3FB1]  }
0x2b: {  	s6 =	sld [smem:$0x3FB2]  }
0x2c: {  	s7 =	sld [smem:$0x3FB3]  }
0x2d: {  	s3 =	simm.s32 $0x108;
	s8 =	sld [smem:$0x3FB4]  }
0x2e: {  	s3 =	simm.s32 @!p0 $0x1082;
	s9 =	sld [smem:$0x3FB5]  }
0x2f: {  	lr =	sadd.s32 s0, s3;
	s0 =	sld [smem:$0x3FAC]  }
0x30: {  	s3 =	sld [smem:$0x3FAF]  }
0x31: {  	[smem:$0x3FB8] =	sst s10  }
0x32: {  	s10 =	sld [smem:$0x3FB6];
	_ =	sdelay $0x3  }
0x33: {  	p0 =	seq.s32 s10, $0x1;
	s10 =	sld [smem:$0x3FB8];
	_ =	sdelay $0x3  }
0x34: {  	[smem:$0x3FB8] =	sst s10  }
0x35: {  	s10 =	sld [smem:$0x3FB7];
	_ =	sdelay $0x3  }
0x36: {  	p1 =	seq.s32 s10, $0x1;
	s10 =	sld [smem:$0x3FB8];
	_ =	sdelay $0x3  }
0x37: {  	[smem:$0x3FB8] =	sst s10  }
0x38: {  	s10 =	sld [smem:$0x3FB9]  }
0x39: {  	_ = 	snop;
	(pc) =	sbr.ind lr, $3  }
0x3a: {  	_ = 	snop  }
0x3b: {  	_ = 	snop  }
0x3c: {  	p2 =	seq.s32 s10, $0x1;
	s10 =	sld [smem:$0x3FB8]  }
0x3d: {  	_ =	shalt  }
0x3e: {  	_ =	shalt  }
0x3f: {  	_ =	shalt  }
0x40: {  	_ =	shalt  }
0x41: {  	_ =	shalt  }
0x42: {  	_ =	shalt  }
0x43: {  	_ =	shalt  }
0x44: {  	_ =	shalt  }
0x45: {  	_ =	shalt  }
0x46: {  	_ =	shalt  }
0x47: {  	_ =	shalt  }
0x48: {  	_ =	shalt  }
0x49: {  	_ =	shalt  }
0x4a: {  	_ =	shalt  }
0x4b: {  	_ =	shalt  }
0x4c: {  	_ =	shalt  }
0x4d: {  	_ =	shalt  }
0x4e: {  	_ =	shalt  }
0x4f: {  	_ =	shalt  }
0x50: {  	_ =	shalt  }
0x51: {  	_ =	shalt  }
0x52: {  	_ =	shalt  }
0x53: {  	_ =	shalt  }
0x54: {  	_ =	shalt  }
0x55: {  	_ =	shalt  }
0x56: {  	_ =	shalt  }
0x57: {  	_ =	shalt  }
0x58: {  	_ =	shalt  }
0x59: {  	_ =	shalt  }
0x5a: {  	_ =	shalt  }
0x5b: {  	_ =	shalt  }
0x5c: {  	_ =	shalt  }
0x5d: {  	_ =	shalt  }
0x5e: {  	_ =	shalt  }
0x5f: {  	_ =	shalt  }
0x60: {  	_ =	shalt  }
0x61: {  	_ =	shalt  }
0x62: {  	_ =	shalt  }
0x63: {  	_ =	shalt  }
0x64: {  	_ =	shalt  }
0x65: {  	_ =	shalt  }
0x66: {  	_ =	shalt  }
0x67: {  	_ =	shalt  }
0x68: {  	_ =	shalt  }
0x69: {  	_ =	shalt  }
0x6a: {  	_ =	shalt  }
0x6b: {  	_ =	shalt  }
0x6c: {  	_ =	shalt  }
0x6d: {  	_ =	shalt  }
0x6e: {  	_ =	shalt  }
0x6f: {  	_ =	shalt  }
0x70: {  	_ =	shalt  }
0x71: {  	_ =	shalt  }
0x72: {  	_ =	shalt  }
0x73: {  	_ =	shalt  }
0x74: {  	_ =	shalt  }
0x75: {  	_ =	shalt  }
0x76: {  	_ =	shalt  }
0x77: {  	_ =	shalt  }
0x78: {  	_ =	shalt  }
0x79: {  	_ =	shalt  }
0x7a: {  	_ =	shalt  }
0x7b: {  	_ =	shalt  }
0x7c: {  	_ =	shalt  }
0x7d: {  	_ =	shalt  }
0x7e: {  	_ =	shalt  }
0x7f: {  	_ =	shalt  }
0x80: {  	_ =	shalt  }
0x81: {  	_ =	shalt  }
0x82: {  	_ =	shalt  }
0x83: {  	_ =	shalt  }
0x84: {  	_ =	shalt  }
0x85: {  	_ =	shalt  }
0x86: {  	_ =	shalt  }
0x87: {  	_ =	shalt  }
.Lfunc_end0:
.L_simem_size_0:
called_computation_lowered:
.L_overlay_start_0:
0x88: {  	s2 =	sld [smem:$0x3FD9]  }
0x89: {  	s3 =	sld [smem:$0x3FFE];
	_ =	sdelay $0x1  }
0x8a: {  	s1 =	srdreg.scid  }
0x8b: {  	s0 =	sand.u32 $0x1, s1  }
0x8c: {  	s15 =	sshll.u32 s0, $0xA;
	s2 =	sadd.s32 s3, s2  }
0x8d: {  	s2 =	sadd.s32 s2, s15  }
0x8e: {  	[smem:$0x3FC4] =	sst s2  }
0x8f: {  	_ = 	snop  }
0x90: {  	s2 =	sld [smem:$0x3FD0];
	_ =	sdelay $0x1  }
0x91: {  	s16 =	sld [smem:$0x3FC7]  }
0x92: {  	s5 =	simm.s32 $0xA;
	s6 =	simm.s32 $0x10;
	s4 =	sld [smem:$0x3FC6]  }
0x93: {  	[smem:s6], [sflag:s5] =	dma.local [hbm:s2], $0x1  }
0x94: {  	_ =	swait.eq [sflag:s5], $0x1  }
0x95: {  	[sflag:s5] =	ssyncset.done $0x0  }
0x96: {  	[sflag:s5] =	ssyncadd.s32 $0xFFFFFFFF  }
0x97: {  	s17 =	sld [smem:$0x12];
	(tm) =	ssettm $0x1  }
0x98: {  	s18 =	sld [smem:$0x3FFB];
	_ =	sdelay $0x3  }
0x99: {  	_ =	strace s18  }
0x9a: {  	s5 =	sld [smem:$0x3FFC];
	_ =	sdelay $0x3  }
0x9b: {  	_ =	strace s5  }
0x9c: {  	s5 =	sld [smem:$0x3FFD];
	_ =	sdelay $0x3  }
0x9d: {  	_ =	strace s5  }
0x9e: {  	_ =	strace $0x8FFFFFFF  }
0x9f: {  	s19 =	sld [smem:$0x3FDB];
	_ =	sdelay $0x1  }
0xa0: {  	s20 =	simm.s32 $_scs_section_size  }
0xa1: {  	s7 =	simm.s32 $_size__tile_overlayer_lowered;
	s8 =	simm.s32 $_tile_overlayer_lowered  }
0xa2: {  	s23 =	simm.s32 $0x1BFF;
	s22 =	sshll.u32 s8, $0x1;
	s5 =	sadd.s32 s20, s19  }
0xa3: {  	s9 =	simm.s32 $0x0;
	s21 =	sshll.u32 s7, $0x1;
	s7 =	sadd.s32 s22, s5  }
0xa4: {  	[timem:s9], [sflag:s23] =	dma.local [hbm:s7], s21  }
0xa5: {  	_ =	swait.ge [sflag:s23], s21  }
0xa6: {  	s6 =	ssub.s32 $0x0, s21;
	[sflag:s23] =	ssyncset.done $0x0  }
0xa7: {  	[sflag:s23] =	ssyncadd.s32 s6;
	_ =	sdelay $0x1  }
0xa8: {  	s24 =	simm.s32 $0x1B8B  }
0xa9: {  	_ =	swait.ge [sflag:s24], $0x1  }
0xaa: {  	[sflag:s24] =	ssyncset.done $0x0  }
0xab: {  	s25 =	simm.s32 $0x1B8E;
	[sflag:s24] =	ssyncadd.s32 $0xFFFFFFFF  }
0xac: {  	s26 =	simm.s32 $execute0_lowered;
	[smem:$0x3FD2] =	sst s25  }
0xad: {  	s6 =	sshll.u32 s26, $0x1;
	_ =	strace $0x80000046;
	[dreg:$0x1] =	wrdreg $0xFFFFFFFF  }
0xae: {  	s28 =	simm.s32 $_size_execute0_lowered;
	s5 =	sadd.s32 s5, s6;
	[dreg:$0x0] =	wrdreg $0x0  }
0xaf: {  	s6 =	sshll.u32 s28, $0x1;
	[dreg:$0x2] =	wrdreg s5  }
0xb0: {  	[dreg:$0x3] =	wrdreg s6  }
0xb1: {  	[dreg:$0x4] =	wrdreg $0xC0  }
0xb2: {  	_ =	task [dreg:s9], $0x5FFFF  }
0xb3: {  	[dreg:$0x1] =	wrdreg $0xFFFFFFFF  }
0xb4: {  	[dreg:$0x0] =	wrdreg $0x60  }
0xb5: {  	[dreg:$0x2] =	wrdreg s16  }
0xb6: {  	[dreg:$0x3] =	wrdreg s4  }
0xb7: {  	[dreg:$0x4] =	wrdreg s17  }
0xb8: {  	[dreg:$0x5] =	wrdreg $0x9  }
0xb9: {  	_ =	task.clear_ibuf [dreg:s9], $0x6FFFF;
	_ =	strace $0x90000046  }
0xba: {  	s29 =	simm.s32 $0x9;
	_ =	strace $0x80000048  }
0xbb: {  	_ =	swait.ge [sflag:s29], $0x1  }
0xbc: {  	[sflag:s29] =	ssyncadd.s32 $0xFFFFFFFF  }
0xbd: {  	_ =	strace $0x90000048  }
0xbe: {  	_ =	sfence  }
0xbf: {  	s30 =	sld [smem:$0x0];
	_ =	sdelay $0x2  }
0xc0: {  	s31 =	sshll.u32 s1, $0xD;
	s1 =	sshrl.u32 s1, $0x2  }
0xc1: {  	s3 =	sand.u32 $0x4000, s31;
	s1 =	sadd.s32 s1, s30  }
0xc2: {  	s0 =	sor.u32 s3, s0;
	s1 =	sshll.u32 s1, $0x11  }
0xc3: {  	s0 =	sor.u32 s1, s0  }
0xc4: {  	s0 =	sadd.s32 $0x8F2B, s0  }
0xc5: {  	[sflag:s0] =	ssyncadd.remote.s32 $0x1  }
0xc6: {  	_ =	sfence.sel $0xFFFF  }
0xc7: {  	[dreg:$0x0] =	wrdreg $0xFFFFFFFF;
	(pc) =	sbr.abs _section_cstart, $3  }
0xc8: {  	[dreg:$0x1] =	wrdreg $0xFFFFFFFF  }
0xc9: {  	_ =	task.clear_ibuf [dreg:s9], $0x2FFFF;
	_ =	strace $0x9FFFFFFF  }
0xca: {  	(tm) =	ssettm $0x7FFFFFFF  }
0xcb: {  	_ =	shalt  }
tec
execute0_lowered:
.L_overlay_start_1:
0x0: {  	(tag) =	ssettag $0x1  }
0x1: {  	s3 =	rddreg [dreg:$0x0];
	s0 =	srdreg.scid  }
0x2: {  	s1 =	stileid.u32;
	s4 =	rddreg [dreg:$0x2];
	s0 =	sand.u32 $0x1, s0  }
0x3: {  	s26 =	simm.s32 $0x0;
	s1 =	sshll.u32 s1, $0x9;
	s2 =	sshll.u32 s0, $0x8  }
0x4: {  	[smem:$0x7FF] =	sst s26;
	s0 =	ssub.s32 $0x2, s0;
	s5 =	sor.u32 s2, s1  }
0x5: {  	_ =	strace $0x80000047;
	s30 =	sor.u32 $0x40, s5;
	[dreg:$0x18] =	wrdreg s5  }
0x6: {  	s1 =	sshll.u32 s5, $0x7;
	s31 =	sor.u32 $0x60, s5;
	[dreg:$0x1c] =	wrdreg s30  }
0x7: {  	s28 =	sshrl.u32 s0, $0x1;
	s3 =	sadd.s32 s3, s1;
	[dreg:$0x1d] =	wrdreg s31  }
0x8: {  	s0 =	ssub.s32 s0, s28;
	s1 =	sadd.s32 s4, s1;
	[dreg:$0x19] =	wrdreg s3  }
0x9: {  	s0 =	smax.u32 s0, $0x1;
	[dreg:$0x1b] =	wrdreg s1  }
0xa: {  	s29 =	sadd.s32 $0x1000, s3;
	[dreg:$0x1e] =	wrdreg s0  }
0xb: {  	s2 =	simm.s32 $0x0;
	[dreg:$0x1a] =	wrdreg s29  }
.LBB2_1:
0xc: {  	[dreg:$0x1f] =	wrdreg s2  }
0xd: {  	s0 =	rddreg [dreg:$0x1];
	s1 =	simm.s32 $0x0;
	s26 =	simm.s32 $0x5  }
0xe: {  	[tilespmem:s1], [sflag:$0x5] =	stream.linear.gather [hbm4b:s0+s1], $0x1000, $0x38;
	[tilespmem:$0x11000] =	vst v63  }
0xf: {  	_ =	swait.ge [sflag:s26], $0x1000  }
0x10: {  	[sflag:s26] =	ssyncset.done $0x0  }
0x11: {  	s29 =	simm.s32 $0x1000;
	s28 =	rddreg [dreg:$0x19];
	[sflag:s26] =	ssyncadd.s32 $0xFFFFF000  }
0x12: {  	[tilespmem:s29], [sflag:$0x1] =	stream.linear.gather [hbm4b:s28+s1], $0x8000, $0x38;
	[tilespmem:$0x11000] =	vst v63  }
0x13: {  	s31 =	simm.s32 $0x9000;
	s0 =	simm.s32 $0x0;
	s30 =	rddreg [dreg:$0x1a]  }
0x14: {  	[tilespmem:s31], [sflag:$0x2] =	stream.linear.gather [hbm4b:s30+s1], $0x8000, $0x38;
	[tilespmem:$0x11000] =	vst v63  }
.LBB2_2:
0x15: {  	[smem:$0x7FD] =	sst s0;
	s30 =	simm.s32 $0x1  }
0x16: {  	_ =	swait.ge [sflag:s30], $0x8000  }
0x17: {  	[sflag:s30] =	ssyncset.done $0x0  }
0x18: {  	[sflag:s30] =	ssyncadd.s32 $0xFFFF8000  }
0x19: {  	v6 =	vld [tilespmem:$0x100]  }
0x1a: {  	v5 =	vld [tilespmem:$0x110]  }
0x1b: {  	v4 =	vld [tilespmem:$0x120]  }
0x1c: {  	v3 =	vld [tilespmem:$0x130]  }
0x1d: {  	v2 =	vld [tilespmem:$0x140]  }
0x1e: {  	s31 =	simm.s32 $0x0;
	v0 =	vld [tilespmem:$0x150]  }
0x1f: {  	s1 =	sand.u32 $0x6000, s31;
	s0 =	sand.u32 $0x300, s31;
	v1 =	vld [tilespmem:$0x160]  }
0x20: {  	s0 =	sor.u32 s0, s1;
	v7 =	vld [tilespmem:$0x170]  }
0x21: {  	v9 =	vld [tilespmem:s0+$0x1000]  }
0x22: {  	v8 =	vld [tilespmem:s0+$0x10F0]  }
0x23: {  	v10 =	vld [tilespmem:s0+$0x1010]  }
0x24: {  	v11 =	vld [tilespmem:s0+$0x1020]  }
0x25: {  	v12 =	vld [tilespmem:s0+$0x1030]  }
0x26: {  	v13 =	vld [tilespmem:s0+$0x1040];
	v9 =	vadd.f32 v9, v6  }
0x27: {  	v14 =	vld [tilespmem:s0+$0x1050];
	v8 =	vadd.f32 v8, v7  }
0x28: {  	v15 =	vld [tilespmem:s0+$0x1060];
	v10 =	vadd.f32 v10, v5;
	[tilespmem:s0+$0x1000] =	vst v9  }
0x29: {  	v16 =	vld [tilespmem:s0+$0x1070];
	[tilespmem:s0+$0x10F0] =	vst v8;
	v8 =	vadd.f32 v11, v4  }
0x2a: {  	[tilespmem:s0+$0x1010] =	vst v10;
	v9 =	vadd.f32 v12, v3;
	v11 =	vld [tilespmem:s0+$0x1080]  }
0x2b: {  	v12 =	vadd.f32 v13, v2;
	v10 =	vld [tilespmem:s0+$0x1090];
	[tilespmem:s0+$0x1020] =	vst v8  }
0x2c: {  	v13 =	vadd.f32 v14, v0;
	[tilespmem:s0+$0x1030] =	vst v9;
	v8 =	vld [tilespmem:s0+$0x10A0]  }
0x2d: {  	v14 =	vadd.f32 v15, v1;
	[tilespmem:s0+$0x1040] =	vst v12;
	v9 =	vld [tilespmem:s0+$0x10B0]  }
0x2e: {  	s2 =	simm.s32 $0x100;
	s3 =	simm.s32 $0x800;
	s1 =	simm.s32 $0x0;
	[tilespmem:s0+$0x1050] =	vst v13;
	v13 =	vadd.f32 v16, v7;
	v12 =	vld [tilespmem:s0+$0x10C0]  }
.LBB2_3:
0x2f: {  	s4 =	sand.u32 $0x6000, s3;
	s5 =	sand.u32 $0x300, s2;
	s1 =	sadd.s32 $0x2, s1;
	[tilespmem:s0+$0x1060] =	vst v14;
	v11 =	vadd.f32 v11, v6;
	v14 =	vld [tilespmem:s0+$0x10D0]  }
0x30: {  	s4 =	sor.u32 s5, s4;
	p0 =	slt.u32 s1, $0x1E;
	[tilespmem:s0+$0x1070] =	vst v13;
	v10 =	vadd.f32 v10, v5;
	v13 =	vld [tilespmem:s0+$0x10E0]  }
0x31: {  	v15 =	vld [tilespmem:s4+$0x10F0];
	[tilespmem:s0+$0x1080] =	vst v11;
	v8 =	vadd.f32 v8, v4  }
0x32: {  	v11 =	vld [tilespmem:s4+$0x1000];
	[tilespmem:s0+$0x1090] =	vst v10;
	v9 =	vadd.f32 v9, v3  }
0x33: {  	v10 =	vld [tilespmem:s4+$0x1010];
	[tilespmem:s0+$0x10A0] =	vst v8;
	v8 =	vadd.f32 v12, v2  }
0x34: {  	v12 =	vld [tilespmem:s4+$0x1020];
	[tilespmem:s0+$0x10B0] =	vst v9;
	v9 =	vadd.f32 v14, v0  }
0x35: {  	v14 =	vld [tilespmem:s4+$0x1030];
	[tilespmem:s0+$0x10C0] =	vst v8;
	v8 =	vadd.f32 v13, v1  }
0x36: {  	v13 =	vld [tilespmem:s4+$0x1040];
	v15 =	vadd.f32 v15, v7;
	[tilespmem:s0+$0x10D0] =	vst v9  }
0x37: {  	v9 =	vadd.f32 v11, v6;
	v16 =	vld [tilespmem:s4+$0x1050];
	[tilespmem:s0+$0x10E0] =	vst v8;
	s0 =	smov.u32 s4  }
0x38: {  	v8 =	vadd.f32 v10, v5;
	v17 =	vld [tilespmem:s0+$0x1060];
	[tilespmem:s0+$0x10F0] =	vst v15  }
0x39: {  	[tilespmem:s0+$0x1000] =	vst v9;
	v9 =	vadd.f32 v12, v4;
	v12 =	vld [tilespmem:s0+$0x1070]  }
.Ltmp0:
0x3a: {  	[tilespmem:s0+$0x1010] =	vst v8;
	v8 =	vadd.f32 v14, v3;
	v11 =	vld [tilespmem:s0+$0x1080];
	(pc) =	sbr.rel @p0 .LBB2_3-.Ltmp0, $4  }
0x3b: {  	[tilespmem:s0+$0x1020] =	vst v9;
	v9 =	vadd.f32 v13, v2;
	v10 =	vld [tilespmem:s0+$0x1090]  }
0x3c: {  	[tilespmem:s0+$0x1030] =	vst v8;
	v13 =	vadd.f32 v16, v0;
	v8 =	vld [tilespmem:s0+$0x10A0]  }
0x3d: {  	[tilespmem:s0+$0x1040] =	vst v9;
	v14 =	vadd.f32 v17, v1;
	v9 =	vld [tilespmem:s0+$0x10B0]  }
0x3e: {  	s2 =	sadd.s32 $0x100, s2;
	s3 =	sadd.s32 $0x800, s3;
	[tilespmem:s0+$0x1050] =	vst v13;
	v13 =	vadd.f32 v12, v7;
	v12 =	vld [tilespmem:s0+$0x10C0]  }
0x3f: {  	[tilespmem:s0+$0x1060] =	vst v14;
	v6 =	vadd.f32 v11, v6;
	v7 =	vld [tilespmem:s0+$0x10D0]  }
0x40: {  	[tilespmem:s0+$0x1070] =	vst v13;
	v5 =	vadd.f32 v10, v5;
	v10 =	vld [tilespmem:s0+$0x10E0]  }
0x41: {  	[tilespmem:s0+$0x1080] =	vst v6;
	v4 =	vadd.f32 v8, v4  }
0x42: {  	[tilespmem:s0+$0x1090] =	vst v5;
	v3 =	vadd.f32 v9, v3  }
0x43: {  	[tilespmem:s0+$0x10A0] =	vst v4;
	v2 =	vadd.f32 v12, v2  }
0x44: {  	[tilespmem:s0+$0x10B0] =	vst v3;
	v0 =	vadd.f32 v7, v0  }
0x45: {  	[tilespmem:s0+$0x10C0] =	vst v2;
	v1 =	vadd.f32 v10, v1  }
0x46: {  	[tilespmem:s0+$0x10D0] =	vst v0  }
0x47: {  	[tilespmem:s0+$0x10E0] =	vst v1  }
0x48: {  	v6 =	vld [tilespmem:$0x300]  }
0x49: {  	v5 =	vld [tilespmem:$0x310]  }
0x4a: {  	v4 =	vld [tilespmem:$0x320]  }
0x4b: {  	v3 =	vld [tilespmem:$0x330]  }
0x4c: {  	v2 =	vld [tilespmem:$0x340]  }
0x4d: {  	s31 =	simm.s32 $0x0;
	v0 =	vld [tilespmem:$0x350]  }
0x4e: {  	s1 =	sand.u32 $0x6000, s31;
	s0 =	sand.u32 $0x300, s31;
	v1 =	vld [tilespmem:$0x360]  }
0x4f: {  	v7 =	vld [tilespmem:$0x370];
	s0 =	sor.u32 s0, s1  }
0x50: {  	v9 =	vld [tilespmem:s0+$0x1400]  }
0x51: {  	v8 =	vld [tilespmem:s0+$0x14F0]  }
0x52: {  	v10 =	vld [tilespmem:s0+$0x1410]  }
0x53: {  	v11 =	vld [tilespmem:s0+$0x1420]  }
0x54: {  	v12 =	vld [tilespmem:s0+$0x1430]  }
0x55: {  	v13 =	vld [tilespmem:s0+$0x1440];
	v9 =	vadd.f32 v9, v6  }
0x56: {  	v14 =	vld [tilespmem:s0+$0x1450];
	v8 =	vadd.f32 v8, v7  }
0x57: {  	v15 =	vld [tilespmem:s0+$0x1460];
	v10 =	vadd.f32 v10, v5;
	[tilespmem:s0+$0x1400] =	vst v9  }
0x58: {  	v16 =	vld [tilespmem:s0+$0x1470];
	[tilespmem:s0+$0x14F0] =	vst v8;
	v8 =	vadd.f32 v11, v4  }
0x59: {  	[tilespmem:s0+$0x1410] =	vst v10;
	v9 =	vadd.f32 v12, v3;
	v11 =	vld [tilespmem:s0+$0x1480]  }
0x5a: {  	v12 =	vadd.f32 v13, v2;
	v10 =	vld [tilespmem:s0+$0x1490];
	[tilespmem:s0+$0x1420] =	vst v8  }
0x5b: {  	v13 =	vadd.f32 v14, v0;
	[tilespmem:s0+$0x1430] =	vst v9;
	v8 =	vld [tilespmem:s0+$0x14A0]  }
0x5c: {  	v14 =	vadd.f32 v15, v1;
	[tilespmem:s0+$0x1440] =	vst v12;
	v9 =	vld [tilespmem:s0+$0x14B0]  }
0x5d: {  	s2 =	simm.s32 $0x100;
	s3 =	simm.s32 $0x800;
	s1 =	simm.s32 $0x0;
	[tilespmem:s0+$0x1450] =	vst v13;
	v13 =	vadd.f32 v16, v7;
	v12 =	vld [tilespmem:s0+$0x14C0]  }
.LBB2_5:
0x5e: {  	s4 =	sand.u32 $0x6000, s3;
	s5 =	sand.u32 $0x300, s2;
	s1 =	sadd.s32 $0x2, s1;
	[tilespmem:s0+$0x1460] =	vst v14;
	v11 =	vadd.f32 v11, v6;
	v14 =	vld [tilespmem:s0+$0x14D0]  }
0x5f: {  	s4 =	sor.u32 s5, s4;
	p0 =	slt.u32 s1, $0x1E;
	[tilespmem:s0+$0x1470] =	vst v13;
	v10 =	vadd.f32 v10, v5;
	v13 =	vld [tilespmem:s0+$0x14E0]  }
0x60: {  	v15 =	vld [tilespmem:s4+$0x14F0];
	[tilespmem:s0+$0x1480] =	vst v11;
	v8 =	vadd.f32 v8, v4  }
0x61: {  	v11 =	vld [tilespmem:s4+$0x1400];
	[tilespmem:s0+$0x1490] =	vst v10;
	v9 =	vadd.f32 v9, v3  }
0x62: {  	v10 =	vld [tilespmem:s4+$0x1410];
	[tilespmem:s0+$0x14A0] =	vst v8;
	v8 =	vadd.f32 v12, v2  }
0x63: {  	v12 =	vld [tilespmem:s4+$0x1420];
	[tilespmem:s0+$0x14B0] =	vst v9;
	v9 =	vadd.f32 v14, v0  }
0x64: {  	v14 =	vld [tilespmem:s4+$0x1430];
	[tilespmem:s0+$0x14C0] =	vst v8;
	v8 =	vadd.f32 v13, v1  }
0x65: {  	v13 =	vld [tilespmem:s4+$0x1440];
	v15 =	vadd.f32 v15, v7;
	[tilespmem:s0+$0x14D0] =	vst v9  }
0x66: {  	v9 =	vadd.f32 v11, v6;
	v16 =	vld [tilespmem:s4+$0x1450];
	[tilespmem:s0+$0x14E0] =	vst v8;
	s0 =	smov.u32 s4  }
0x67: {  	v8 =	vadd.f32 v10, v5;
	v17 =	vld [tilespmem:s0+$0x1460];
	[tilespmem:s0+$0x14F0] =	vst v15  }
0x68: {  	[tilespmem:s0+$0x1400] =	vst v9;
	v9 =	vadd.f32 v12, v4;
	v12 =	vld [tilespmem:s0+$0x1470]  }
.Ltmp1:
0x69: {  	[tilespmem:s0+$0x1410] =	vst v8;
	v8 =	vadd.f32 v14, v3;
	v11 =	vld [tilespmem:s0+$0x1480];
	(pc) =	sbr.rel @p0 .LBB2_5-.Ltmp1, $4  }
0x6a: {  	[tilespmem:s0+$0x1420] =	vst v9;
	v9 =	vadd.f32 v13, v2;
	v10 =	vld [tilespmem:s0+$0x1490]  }
0x6b: {  	[tilespmem:s0+$0x1430] =	vst v8;
	v13 =	vadd.f32 v16, v0;
	v8 =	vld [tilespmem:s0+$0x14A0]  }
0x6c: {  	[tilespmem:s0+$0x1440] =	vst v9;
	v14 =	vadd.f32 v17, v1;
	v9 =	vld [tilespmem:s0+$0x14B0]  }
0x6d: {  	s2 =	sadd.s32 $0x100, s2;
	s3 =	sadd.s32 $0x800, s3;
	[tilespmem:s0+$0x1450] =	vst v13;
	v13 =	vadd.f32 v12, v7;
	v12 =	vld [tilespmem:s0+$0x14C0]  }
0x6e: {  	[tilespmem:s0+$0x1460] =	vst v14;
	v6 =	vadd.f32 v11, v6;
	v7 =	vld [tilespmem:s0+$0x14D0]  }
0x6f: {  	[tilespmem:s0+$0x1470] =	vst v13;
	v5 =	vadd.f32 v10, v5;
	v10 =	vld [tilespmem:s0+$0x14E0]  }
0x70: {  	[tilespmem:s0+$0x1480] =	vst v6;
	v4 =	vadd.f32 v8, v4  }
0x71: {  	[tilespmem:s0+$0x1490] =	vst v5;
	v3 =	vadd.f32 v9, v3  }
0x72: {  	[tilespmem:s0+$0x14A0] =	vst v4;
	v2 =	vadd.f32 v12, v2  }
0x73: {  	[tilespmem:s0+$0x14B0] =	vst v3;
	v0 =	vadd.f32 v7, v0  }
0x74: {  	[tilespmem:s0+$0x14C0] =	vst v2;
	v1 =	vadd.f32 v10, v1  }
0x75: {  	[tilespmem:s0+$0x14D0] =	vst v0  }
0x76: {  	[tilespmem:s0+$0x14E0] =	vst v1  }
0x77: {  	v6 =	vld [tilespmem:$0x500]  }
0x78: {  	v5 =	vld [tilespmem:$0x510]  }
0x79: {  	v4 =	vld [tilespmem:$0x520]  }
0x7a: {  	v3 =	vld [tilespmem:$0x530]  }
0x7b: {  	v2 =	vld [tilespmem:$0x540]  }
0x7c: {  	s31 =	simm.s32 $0x0;
	v0 =	vld [tilespmem:$0x550]  }
0x7d: {  	s1 =	sand.u32 $0x6000, s31;
	s0 =	sand.u32 $0x300, s31;
	v1 =	vld [tilespmem:$0x560]  }
0x7e: {  	v7 =	vld [tilespmem:$0x570];
	s0 =	sor.u32 s0, s1  }
0x7f: {  	v9 =	vld [tilespmem:s0+$0x1800]  }
0x80: {  	v8 =	vld [tilespmem:s0+$0x18F0]  }
0x81: {  	v10 =	vld [tilespmem:s0+$0x1810]  }
0x82: {  	v11 =	vld [tilespmem:s0+$0x1820]  }
0x83: {  	v12 =	vld [tilespmem:s0+$0x1830]  }
0x84: {  	v13 =	vld [tilespmem:s0+$0x1840];
	v9 =	vadd.f32 v9, v6  }
0x85: {  	v14 =	vld [tilespmem:s0+$0x1850];
	v8 =	vadd.f32 v8, v7  }
0x86: {  	v15 =	vld [tilespmem:s0+$0x1860];
	v10 =	vadd.f32 v10, v5;
	[tilespmem:s0+$0x1800] =	vst v9  }
0x87: {  	v16 =	vld [tilespmem:s0+$0x1870];
	[tilespmem:s0+$0x18F0] =	vst v8;
	v8 =	vadd.f32 v11, v4  }
0x88: {  	[tilespmem:s0+$0x1810] =	vst v10;
	v9 =	vadd.f32 v12, v3;
	v11 =	vld [tilespmem:s0+$0x1880]  }
0x89: {  	v12 =	vadd.f32 v13, v2;
	v10 =	vld [tilespmem:s0+$0x1890];
	[tilespmem:s0+$0x1820] =	vst v8  }
0x8a: {  	v13 =	vadd.f32 v14, v0;
	[tilespmem:s0+$0x1830] =	vst v9;
	v8 =	vld [tilespmem:s0+$0x18A0]  }
0x8b: {  	v14 =	vadd.f32 v15, v1;
	[tilespmem:s0+$0x1840] =	vst v12;
	v9 =	vld [tilespmem:s0+$0x18B0]  }
0x8c: {  	s2 =	simm.s32 $0x100;
	s3 =	simm.s32 $0x800;
	s1 =	simm.s32 $0x0;
	[tilespmem:s0+$0x1850] =	vst v13;
	v13 =	vadd.f32 v16, v7;
	v12 =	vld [tilespmem:s0+$0x18C0]  }
.LBB2_7:
0x8d: {  	s4 =	sand.u32 $0x6000, s3;
	s5 =	sand.u32 $0x300, s2;
	s1 =	sadd.s32 $0x2, s1;
	[tilespmem:s0+$0x1860] =	vst v14;
	v11 =	vadd.f32 v11, v6;
	v14 =	vld [tilespmem:s0+$0x18D0]  }
0x8e: {  	s4 =	sor.u32 s5, s4;
	p0 =	slt.u32 s1, $0x1E;
	[tilespmem:s0+$0x1870] =	vst v13;
	v10 =	vadd.f32 v10, v5;
	v13 =	vld [tilespmem:s0+$0x18E0]  }
0x8f: {  	v15 =	vld [tilespmem:s4+$0x18F0];
	[tilespmem:s0+$0x1880] =	vst v11;
	v8 =	vadd.f32 v8, v4  }
0x90: {  	v11 =	vld [tilespmem:s4+$0x1800];
	[tilespmem:s0+$0x1890] =	vst v10;
	v9 =	vadd.f32 v9, v3  }
0x91: {  	v10 =	vld [tilespmem:s4+$0x1810];
	[tilespmem:s0+$0x18A0] =	vst v8;
	v8 =	vadd.f32 v12, v2  }
0x92: {  	v12 =	vld [tilespmem:s4+$0x1820];
	[tilespmem:s0+$0x18B0] =	vst v9;
	v9 =	vadd.f32 v14, v0  }
0x93: {  	v14 =	vld [tilespmem:s4+$0x1830];
	[tilespmem:s0+$0x18C0] =	vst v8;
	v8 =	vadd.f32 v13, v1  }
0x94: {  	v13 =	vld [tilespmem:s4+$0x1840];
	v15 =	vadd.f32 v15, v7;
	[tilespmem:s0+$0x18D0] =	vst v9  }
0x95: {  	v9 =	vadd.f32 v11, v6;
	v16 =	vld [tilespmem:s4+$0x1850];
	[tilespmem:s0+$0x18E0] =	vst v8;
	s0 =	smov.u32 s4  }
0x96: {  	v8 =	vadd.f32 v10, v5;
	v17 =	vld [tilespmem:s0+$0x1860];
	[tilespmem:s0+$0x18F0] =	vst v15  }
0x97: {  	[tilespmem:s0+$0x1800] =	vst v9;
	v9 =	vadd.f32 v12, v4;
	v12 =	vld [tilespmem:s0+$0x1870]  }
.Ltmp2:
0x98: {  	[tilespmem:s0+$0x1810] =	vst v8;
	v8 =	vadd.f32 v14, v3;
	v11 =	vld [tilespmem:s0+$0x1880];
	(pc) =	sbr.rel @p0 .LBB2_7-.Ltmp2, $4  }
0x99: {  	[tilespmem:s0+$0x1820] =	vst v9;
	v9 =	vadd.f32 v13, v2;
	v10 =	vld [tilespmem:s0+$0x1890]  }
0x9a: {  	[tilespmem:s0+$0x1830] =	vst v8;
	v13 =	vadd.f32 v16, v0;
	v8 =	vld [tilespmem:s0+$0x18A0]  }
0x9b: {  	[tilespmem:s0+$0x1840] =	vst v9;
	v14 =	vadd.f32 v17, v1;
	v9 =	vld [tilespmem:s0+$0x18B0]  }
0x9c: {  	s2 =	sadd.s32 $0x100, s2;
	s3 =	sadd.s32 $0x800, s3;
	[tilespmem:s0+$0x1850] =	vst v13;
	v13 =	vadd.f32 v12, v7;
	v12 =	vld [tilespmem:s0+$0x18C0]  }
0x9d: {  	[tilespmem:s0+$0x1860] =	vst v14;
	v6 =	vadd.f32 v11, v6;
	v7 =	vld [tilespmem:s0+$0x18D0]  }
0x9e: {  	[tilespmem:s0+$0x1870] =	vst v13;
	v5 =	vadd.f32 v10, v5;
	v10 =	vld [tilespmem:s0+$0x18E0]  }
0x9f: {  	[tilespmem:s0+$0x1880] =	vst v6;
	v4 =	vadd.f32 v8, v4  }
0xa0: {  	[tilespmem:s0+$0x1890] =	vst v5;
	v3 =	vadd.f32 v9, v3  }
0xa1: {  	[tilespmem:s0+$0x18A0] =	vst v4;
	v2 =	vadd.f32 v12, v2  }
0xa2: {  	[tilespmem:s0+$0x18B0] =	vst v3;
	v0 =	vadd.f32 v7, v0  }
0xa3: {  	[tilespmem:s0+$0x18C0] =	vst v2;
	v1 =	vadd.f32 v10, v1  }
0xa4: {  	[tilespmem:s0+$0x18D0] =	vst v0  }
0xa5: {  	[tilespmem:s0+$0x18E0] =	vst v1  }
0xa6: {  	v6 =	vld [tilespmem:$0x700]  }
0xa7: {  	v5 =	vld [tilespmem:$0x710]  }
0xa8: {  	v4 =	vld [tilespmem:$0x720]  }
0xa9: {  	v3 =	vld [tilespmem:$0x730]  }
0xaa: {  	v2 =	vld [tilespmem:$0x740]  }
0xab: {  	s31 =	simm.s32 $0x0;
	v0 =	vld [tilespmem:$0x750]  }
0xac: {  	s1 =	sand.u32 $0x6000, s31;
	s0 =	sand.u32 $0x300, s31;
	v1 =	vld [tilespmem:$0x760]  }
0xad: {  	v7 =	vld [tilespmem:$0x770];
	s0 =	sor.u32 s0, s1  }
0xae: {  	v9 =	vld [tilespmem:s0+$0x1C00]  }
0xaf: {  	v8 =	vld [tilespmem:s0+$0x1CF0]  }
0xb0: {  	v10 =	vld [tilespmem:s0+$0x1C10]  }
0xb1: {  	v11 =	vld [tilespmem:s0+$0x1C20]  }
0xb2: {  	v12 =	vld [tilespmem:s0+$0x1C30]  }
0xb3: {  	v13 =	vld [tilespmem:s0+$0x1C40];
	v9 =	vadd.f32 v9, v6  }
0xb4: {  	v14 =	vld [tilespmem:s0+$0x1C50];
	v8 =	vadd.f32 v8, v7  }
0xb5: {  	v15 =	vld [tilespmem:s0+$0x1C60];
	v10 =	vadd.f32 v10, v5;
	[tilespmem:s0+$0x1C00] =	vst v9  }
0xb6: {  	v16 =	vld [tilespmem:s0+$0x1C70];
	[tilespmem:s0+$0x1CF0] =	vst v8;
	v8 =	vadd.f32 v11, v4  }
0xb7: {  	[tilespmem:s0+$0x1C10] =	vst v10;
	v9 =	vadd.f32 v12, v3;
	v11 =	vld [tilespmem:s0+$0x1C80]  }
0xb8: {  	v12 =	vadd.f32 v13, v2;
	v10 =	vld [tilespmem:s0+$0x1C90];
	[tilespmem:s0+$0x1C20] =	vst v8  }
0xb9: {  	v13 =	vadd.f32 v14, v0;
	[tilespmem:s0+$0x1C30] =	vst v9;
	v8 =	vld [tilespmem:s0+$0x1CA0]  }
0xba: {  	v14 =	vadd.f32 v15, v1;
	[tilespmem:s0+$0x1C40] =	vst v12;
	v9 =	vld [tilespmem:s0+$0x1CB0]  }
0xbb: {  	s2 =	simm.s32 $0x100;
	s3 =	simm.s32 $0x800;
	s1 =	simm.s32 $0x0;
	[tilespmem:s0+$0x1C50] =	vst v13;
	v13 =	vadd.f32 v16, v7;
	v12 =	vld [tilespmem:s0+$0x1CC0]  }
.LBB2_9:
0xbc: {  	s4 =	sand.u32 $0x6000, s3;
	s5 =	sand.u32 $0x300, s2;
	s1 =	sadd.s32 $0x2, s1;
	[tilespmem:s0+$0x1C60] =	vst v14;
	v11 =	vadd.f32 v11, v6;
	v14 =	vld [tilespmem:s0+$0x1CD0]  }
0xbd: {  	s4 =	sor.u32 s5, s4;
	p0 =	slt.u32 s1, $0x1E;
	[tilespmem:s0+$0x1C70] =	vst v13;
	v10 =	vadd.f32 v10, v5;
	v13 =	vld [tilespmem:s0+$0x1CE0]  }
0xbe: {  	v15 =	vld [tilespmem:s4+$0x1CF0];
	[tilespmem:s0+$0x1C80] =	vst v11;
	v8 =	vadd.f32 v8, v4  }
0xbf: {  	v11 =	vld [tilespmem:s4+$0x1C00];
	[tilespmem:s0+$0x1C90] =	vst v10;
	v9 =	vadd.f32 v9, v3  }
0xc0: {  	v10 =	vld [tilespmem:s4+$0x1C10];
	[tilespmem:s0+$0x1CA0] =	vst v8;
	v8 =	vadd.f32 v12, v2  }
0xc1: {  	v12 =	vld [tilespmem:s4+$0x1C20];
	[tilespmem:s0+$0x1CB0] =	vst v9;
	v9 =	vadd.f32 v14, v0  }
0xc2: {  	v14 =	vld [tilespmem:s4+$0x1C30];
	[tilespmem:s0+$0x1CC0] =	vst v8;
	v8 =	vadd.f32 v13, v1  }
0xc3: {  	v13 =	vld [tilespmem:s4+$0x1C40];
	v15 =	vadd.f32 v15, v7;
	[tilespmem:s0+$0x1CD0] =	vst v9  }
0xc4: {  	v9 =	vadd.f32 v11, v6;
	v16 =	vld [tilespmem:s4+$0x1C50];
	[tilespmem:s0+$0x1CE0] =	vst v8;
	s0 =	smov.u32 s4  }
0xc5: {  	v8 =	vadd.f32 v10, v5;
	v17 =	vld [tilespmem:s0+$0x1C60];
	[tilespmem:s0+$0x1CF0] =	vst v15  }
0xc6: {  	[tilespmem:s0+$0x1C00] =	vst v9;
	v9 =	vadd.f32 v12, v4;
	v12 =	vld [tilespmem:s0+$0x1C70]  }
.Ltmp3:
0xc7: {  	[tilespmem:s0+$0x1C10] =	vst v8;
	v8 =	vadd.f32 v14, v3;
	v11 =	vld [tilespmem:s0+$0x1C80];
	(pc) =	sbr.rel @p0 .LBB2_9-.Ltmp3, $4  }
0xc8: {  	[tilespmem:s0+$0x1C20] =	vst v9;
	v9 =	vadd.f32 v13, v2;
	v10 =	vld [tilespmem:s0+$0x1C90]  }
0xc9: {  	[tilespmem:s0+$0x1C30] =	vst v8;
	v13 =	vadd.f32 v16, v0;
	v8 =	vld [tilespmem:s0+$0x1CA0]  }
0xca: {  	[tilespmem:s0+$0x1C40] =	vst v9;
	v14 =	vadd.f32 v17, v1;
	v9 =	vld [tilespmem:s0+$0x1CB0]  }
0xcb: {  	s2 =	sadd.s32 $0x100, s2;
	s3 =	sadd.s32 $0x800, s3;
	[tilespmem:s0+$0x1C50] =	vst v13;
	v13 =	vadd.f32 v12, v7;
	v12 =	vld [tilespmem:s0+$0x1CC0]  }
0xcc: {  	[tilespmem:s0+$0x1C60] =	vst v14;
	v6 =	vadd.f32 v11, v6;
	v7 =	vld [tilespmem:s0+$0x1CD0]  }
0xcd: {  	[tilespmem:s0+$0x1C70] =	vst v13;
	v5 =	vadd.f32 v10, v5;
	v10 =	vld [tilespmem:s0+$0x1CE0]  }
0xce: {  	[tilespmem:s0+$0x1C80] =	vst v6;
	v4 =	vadd.f32 v8, v4  }
0xcf: {  	[tilespmem:s0+$0x1C90] =	vst v5;
	v3 =	vadd.f32 v9, v3  }
0xd0: {  	[tilespmem:s0+$0x1CA0] =	vst v4;
	v2 =	vadd.f32 v12, v2  }
0xd1: {  	[tilespmem:s0+$0x1CB0] =	vst v3;
	v0 =	vadd.f32 v7, v0  }
0xd2: {  	[tilespmem:s0+$0x1CC0] =	vst v2;
	v1 =	vadd.f32 v10, v1  }
0xd3: {  	[tilespmem:s0+$0x1CD0] =	vst v0  }
0xd4: {  	[tilespmem:s0+$0x1CE0] =	vst v1  }
0xd5: {  	v6 =	vld [tilespmem:$0x900]  }
0xd6: {  	v5 =	vld [tilespmem:$0x910]  }
0xd7: {  	v4 =	vld [tilespmem:$0x920]  }
0xd8: {  	v3 =	vld [tilespmem:$0x930]  }
0xd9: {  	v2 =	vld [tilespmem:$0x940]  }
0xda: {  	s31 =	simm.s32 $0x0;
	v0 =	vld [tilespmem:$0x950]  }
0xdb: {  	s1 =	sand.u32 $0x6000, s31;
	s0 =	sand.u32 $0x300, s31;
	v1 =	vld [tilespmem:$0x960]  }
0xdc: {  	v7 =	vld [tilespmem:$0x970];
	s0 =	sor.u32 s0, s1  }
0xdd: {  	v9 =	vld [tilespmem:s0+$0x2000]  }
0xde: {  	v8 =	vld [tilespmem:s0+$0x20F0]  }
0xdf: {  	v10 =	vld [tilespmem:s0+$0x2010]  }
0xe0: {  	v11 =	vld [tilespmem:s0+$0x2020]  }
0xe1: {  	v12 =	vld [tilespmem:s0+$0x2030]  }
0xe2: {  	v13 =	vld [tilespmem:s0+$0x2040];
	v9 =	vadd.f32 v9, v6  }
0xe3: {  	v14 =	vld [tilespmem:s0+$0x2050];
	v8 =	vadd.f32 v8, v7  }
0xe4: {  	v15 =	vld [tilespmem:s0+$0x2060];
	v10 =	vadd.f32 v10, v5;
	[tilespmem:s0+$0x2000] =	vst v9  }
0xe5: {  	v16 =	vld [tilespmem:s0+$0x2070];
	[tilespmem:s0+$0x20F0] =	vst v8;
	v8 =	vadd.f32 v11, v4  }
0xe6: {  	[tilespmem:s0+$0x2010] =	vst v10;
	v9 =	vadd.f32 v12, v3;
	v11 =	vld [tilespmem:s0+$0x2080]  }
0xe7: {  	v12 =	vadd.f32 v13, v2;
	v10 =	vld [tilespmem:s0+$0x2090];
	[tilespmem:s0+$0x2020] =	vst v8  }
0xe8: {  	v13 =	vadd.f32 v14, v0;
	[tilespmem:s0+$0x2030] =	vst v9;
	v8 =	vld [tilespmem:s0+$0x20A0]  }
0xe9: {  	v14 =	vadd.f32 v15, v1;
	[tilespmem:s0+$0x2040] =	vst v12;
	v9 =	vld [tilespmem:s0+$0x20B0]  }
0xea: {  	s2 =	simm.s32 $0x100;
	s3 =	simm.s32 $0x800;
	s1 =	simm.s32 $0x0;
	[tilespmem:s0+$0x2050] =	vst v13;
	v13 =	vadd.f32 v16, v7;
	v12 =	vld [tilespmem:s0+$0x20C0]  }
.LBB2_11:
0xeb: {  	s4 =	sand.u32 $0x6000, s3;
	s5 =	sand.u32 $0x300, s2;
	s1 =	sadd.s32 $0x2, s1;
	[tilespmem:s0+$0x2060] =	vst v14;
	v11 =	vadd.f32 v11, v6;
	v14 =	vld [tilespmem:s0+$0x20D0]  }
0xec: {  	s4 =	sor.u32 s5, s4;
	p0 =	slt.u32 s1, $0x1E;
	[tilespmem:s0+$0x2070] =	vst v13;
	v10 =	vadd.f32 v10, v5;
	v13 =	vld [tilespmem:s0+$0x20E0]  }
0xed: {  	v15 =	vld [tilespmem:s4+$0x20F0];
	[tilespmem:s0+$0x2080] =	vst v11;
	v8 =	vadd.f32 v8, v4  }
0xee: {  	v11 =	vld [tilespmem:s4+$0x2000];
	[tilespmem:s0+$0x2090] =	vst v10;
	v9 =	vadd.f32 v9, v3  }
0xef: {  	v10 =	vld [tilespmem:s4+$0x2010];
	[tilespmem:s0+$0x20A0] =	vst v8;
	v8 =	vadd.f32 v12, v2  }
0xf0: {  	v12 =	vld [tilespmem:s4+$0x2020];
	[tilespmem:s0+$0x20B0] =	vst v9;
	v9 =	vadd.f32 v14, v0  }
0xf1: {  	v14 =	vld [tilespmem:s4+$0x2030];
	[tilespmem:s0+$0x20C0] =	vst v8;
	v8 =	vadd.f32 v13, v1  }
0xf2: {  	v13 =	vld [tilespmem:s4+$0x2040];
	v15 =	vadd.f32 v15, v7;
	[tilespmem:s0+$0x20D0] =	vst v9  }
0xf3: {  	v9 =	vadd.f32 v11, v6;
	v16 =	vld [tilespmem:s4+$0x2050];
	[tilespmem:s0+$0x20E0] =	vst v8;
	s0 =	smov.u32 s4  }
0xf4: {  	v8 =	vadd.f32 v10, v5;
	v17 =	vld [tilespmem:s0+$0x2060];
	[tilespmem:s0+$0x20F0] =	vst v15  }
0xf5: {  	[tilespmem:s0+$0x2000] =	vst v9;
	v9 =	vadd.f32 v12, v4;
	v12 =	vld [tilespmem:s0+$0x2070]  }
.Ltmp4:
0xf6: {  	[tilespmem:s0+$0x2010] =	vst v8;
	v8 =	vadd.f32 v14, v3;
	v11 =	vld [tilespmem:s0+$0x2080];
	(pc) =	sbr.rel @p0 .LBB2_11-.Ltmp4, $4  }
0xf7: {  	[tilespmem:s0+$0x2020] =	vst v9;
	v9 =	vadd.f32 v13, v2;
	v10 =	vld [tilespmem:s0+$0x2090]  }
0xf8: {  	[tilespmem:s0+$0x2030] =	vst v8;
	v13 =	vadd.f32 v16, v0;
	v8 =	vld [tilespmem:s0+$0x20A0]  }
0xf9: {  	[tilespmem:s0+$0x2040] =	vst v9;
	v14 =	vadd.f32 v17, v1;
	v9 =	vld [tilespmem:s0+$0x20B0]  }
0xfa: {  	s2 =	sadd.s32 $0x100, s2;
	s3 =	sadd.s32 $0x800, s3;
	[tilespmem:s0+$0x2050] =	vst v13;
	v13 =	vadd.f32 v12, v7;
	v12 =	vld [tilespmem:s0+$0x20C0]  }
0xfb: {  	[tilespmem:s0+$0x2060] =	vst v14;
	v6 =	vadd.f32 v11, v6;
	v7 =	vld [tilespmem:s0+$0x20D0]  }
0xfc: {  	[tilespmem:s0+$0x2070] =	vst v13;
	v5 =	vadd.f32 v10, v5;
	v10 =	vld [tilespmem:s0+$0x20E0]  }
0xfd: {  	[tilespmem:s0+$0x2080] =	vst v6;
	v4 =	vadd.f32 v8, v4  }
0xfe: {  	[tilespmem:s0+$0x2090] =	vst v5;
	v3 =	vadd.f32 v9, v3  }
0xff: {  	[tilespmem:s0+$0x20A0] =	vst v4;
	v2 =	vadd.f32 v12, v2  }
0x100: {  	[tilespmem:s0+$0x20B0] =	vst v3;
	v0 =	vadd.f32 v7, v0  }
0x101: {  	[tilespmem:s0+$0x20C0] =	vst v2;
	v1 =	vadd.f32 v10, v1  }
0x102: {  	[tilespmem:s0+$0x20D0] =	vst v0  }
0x103: {  	[tilespmem:s0+$0x20E0] =	vst v1  }
0x104: {  	v6 =	vld [tilespmem:$0xB00]  }
0x105: {  	v5 =	vld [tilespmem:$0xB10]  }
0x106: {  	v4 =	vld [tilespmem:$0xB20]  }
0x107: {  	v3 =	vld [tilespmem:$0xB30]  }
0x108: {  	v2 =	vld [tilespmem:$0xB40]  }
0x109: {  	s31 =	simm.s32 $0x0;
	v0 =	vld [tilespmem:$0xB50]  }
0x10a: {  	s1 =	sand.u32 $0x6000, s31;
	s0 =	sand.u32 $0x300, s31;
	v1 =	vld [tilespmem:$0xB60]  }
0x10b: {  	v7 =	vld [tilespmem:$0xB70];
	s0 =	sor.u32 s0, s1  }
0x10c: {  	v9 =	vld [tilespmem:s0+$0x2400]  }
0x10d: {  	v8 =	vld [tilespmem:s0+$0x24F0]  }
0x10e: {  	v10 =	vld [tilespmem:s0+$0x2410]  }
0x10f: {  	v11 =	vld [tilespmem:s0+$0x2420]  }
0x110: {  	v12 =	vld [tilespmem:s0+$0x2430]  }
0x111: {  	v13 =	vld [tilespmem:s0+$0x2440];
	v9 =	vadd.f32 v9, v6  }
0x112: {  	v14 =	vld [tilespmem:s0+$0x2450];
	v8 =	vadd.f32 v8, v7  }
0x113: {  	v15 =	vld [tilespmem:s0+$0x2460];
	v10 =	vadd.f32 v10, v5;
	[tilespmem:s0+$0x2400] =	vst v9  }
0x114: {  	v16 =	vld [tilespmem:s0+$0x2470];
	[tilespmem:s0+$0x24F0] =	vst v8;
	v8 =	vadd.f32 v11, v4  }
0x115: {  	[tilespmem:s0+$0x2410] =	vst v10;
	v9 =	vadd.f32 v12, v3;
	v11 =	vld [tilespmem:s0+$0x2480]  }
0x116: {  	v12 =	vadd.f32 v13, v2;
	v10 =	vld [tilespmem:s0+$0x2490];
	[tilespmem:s0+$0x2420] =	vst v8  }
0x117: {  	v13 =	vadd.f32 v14, v0;
	[tilespmem:s0+$0x2430] =	vst v9;
	v8 =	vld [tilespmem:s0+$0x24A0]  }
0x118: {  	v14 =	vadd.f32 v15, v1;
	[tilespmem:s0+$0x2440] =	vst v12;
	v9 =	vld [tilespmem:s0+$0x24B0]  }
0x119: {  	s2 =	simm.s32 $0x100;
	s3 =	simm.s32 $0x800;
	s1 =	simm.s32 $0x0;
	[tilespmem:s0+$0x2450] =	vst v13;
	v13 =	vadd.f32 v16, v7;
	v12 =	vld [tilespmem:s0+$0x24C0]  }
.LBB2_13:
0x11a: {  	s4 =	sand.u32 $0x6000, s3;
	s5 =	sand.u32 $0x300, s2;
	s1 =	sadd.s32 $0x2, s1;
	[tilespmem:s0+$0x2460] =	vst v14;
	v11 =	vadd.f32 v11, v6;
	v14 =	vld [tilespmem:s0+$0x24D0]  }
0x11b: {  	s4 =	sor.u32 s5, s4;
	p0 =	slt.u32 s1, $0x1E;
	[tilespmem:s0+$0x2470] =	vst v13;
	v10 =	vadd.f32 v10, v5;
	v13 =	vld [tilespmem:s0+$0x24E0]  }
0x11c: {  	v15 =	vld [tilespmem:s4+$0x24F0];
	[tilespmem:s0+$0x2480] =	vst v11;
	v8 =	vadd.f32 v8, v4  }
0x11d: {  	v11 =	vld [tilespmem:s4+$0x2400];
	[tilespmem:s0+$0x2490] =	vst v10;
	v9 =	vadd.f32 v9, v3  }
0x11e: {  	v10 =	vld [tilespmem:s4+$0x2410];
	[tilespmem:s0+$0x24A0] =	vst v8;
	v8 =	vadd.f32 v12, v2  }
0x11f: {  	v12 =	vld [tilespmem:s4+$0x2420];
	[tilespmem:s0+$0x24B0] =	vst v9;
	v9 =	vadd.f32 v14, v0  }
0x120: {  	v14 =	vld [tilespmem:s4+$0x2430];
	[tilespmem:s0+$0x24C0] =	vst v8;
	v8 =	vadd.f32 v13, v1  }
0x121: {  	v13 =	vld [tilespmem:s4+$0x2440];
	v15 =	vadd.f32 v15, v7;
	[tilespmem:s0+$0x24D0] =	vst v9  }
0x122: {  	v9 =	vadd.f32 v11, v6;
	v16 =	vld [tilespmem:s4+$0x2450];
	[tilespmem:s0+$0x24E0] =	vst v8;
	s0 =	smov.u32 s4  }
0x123: {  	v8 =	vadd.f32 v10, v5;
	v17 =	vld [tilespmem:s0+$0x2460];
	[tilespmem:s0+$0x24F0] =	vst v15  }
0x124: {  	[tilespmem:s0+$0x2400] =	vst v9;
	v9 =	vadd.f32 v12, v4;
	v12 =	vld [tilespmem:s0+$0x2470]  }
.Ltmp5:
0x125: {  	[tilespmem:s0+$0x2410] =	vst v8;
	v8 =	vadd.f32 v14, v3;
	v11 =	vld [tilespmem:s0+$0x2480];
	(pc) =	sbr.rel @p0 .LBB2_13-.Ltmp5, $4  }
0x126: {  	[tilespmem:s0+$0x2420] =	vst v9;
	v9 =	vadd.f32 v13, v2;
	v10 =	vld [tilespmem:s0+$0x2490]  }
0x127: {  	[tilespmem:s0+$0x2430] =	vst v8;
	v13 =	vadd.f32 v16, v0;
	v8 =	vld [tilespmem:s0+$0x24A0]  }
0x128: {  	[tilespmem:s0+$0x2440] =	vst v9;
	v14 =	vadd.f32 v17, v1;
	v9 =	vld [tilespmem:s0+$0x24B0]  }
0x129: {  	s2 =	sadd.s32 $0x100, s2;
	s3 =	sadd.s32 $0x800, s3;
	[tilespmem:s0+$0x2450] =	vst v13;
	v13 =	vadd.f32 v12, v7;
	v12 =	vld [tilespmem:s0+$0x24C0]  }
0x12a: {  	[tilespmem:s0+$0x2460] =	vst v14;
	v6 =	vadd.f32 v11, v6;
	v7 =	vld [tilespmem:s0+$0x24D0]  }
0x12b: {  	[tilespmem:s0+$0x2470] =	vst v13;
	v5 =	vadd.f32 v10, v5;
	v10 =	vld [tilespmem:s0+$0x24E0]  }
0x12c: {  	[tilespmem:s0+$0x2480] =	vst v6;
	v4 =	vadd.f32 v8, v4  }
0x12d: {  	[tilespmem:s0+$0x2490] =	vst v5;
	v3 =	vadd.f32 v9, v3  }
0x12e: {  	[tilespmem:s0+$0x24A0] =	vst v4;
	v2 =	vadd.f32 v12, v2  }
0x12f: {  	[tilespmem:s0+$0x24B0] =	vst v3;
	v0 =	vadd.f32 v7, v0  }
0x130: {  	s1 =	simm.s32 $0x0;
	[tilespmem:s0+$0x24C0] =	vst v2;
	v1 =	vadd.f32 v10, v1  }
0x131: {  	s21 =	sand.u32 $0x3, s1;
	[tilespmem:s0+$0x24D0] =	vst v0  }
0x132: {  	[tilespmem:s0+$0x24E0] =	vst v1;
	s0 =	sshll.u32 s21, $0x8  }
0x133: {  	v7 =	vld [tilespmem:$0xD00];
	s3 =	sadd.s32 $0x0, s0  }
0x134: {  	v6 =	vld [tilespmem:$0xD10];
	s0 =	sor.u32 $0x1880, s3  }
0x135: {  	s22 =	sor.u32 $0x1800, s3;
	v0 =	vld [tilespmem:s0+$0x1000]  }
0x136: {  	v8 =	vld [tilespmem:s22+$0x1000]  }
0x137: {  	v5 =	vld [tilespmem:$0xD20]  }
0x138: {  	v4 =	vld [tilespmem:$0xD30]  }
0x139: {  	v3 =	vld [tilespmem:$0xD40]  }
0x13a: {  	v2 =	vld [tilespmem:$0xD50];
	v9 =	vadd.f32 v0, v7  }
0x13b: {  	v1 =	vld [tilespmem:$0xD60];
	v8 =	vadd.f32 v8, v7  }
0x13c: {  	s23 =	sor.u32 $0x1890, s3;
	v0 =	vld [tilespmem:$0xD70];
	[tilespmem:s0+$0x1000] =	vst v9  }
0x13d: {  	s4 =	sor.u32 $0x1810, s3;
	[tilespmem:s22+$0x1000] =	vst v8;
	v9 =	vld [tilespmem:s23+$0x1000]  }
0x13e: {  	v8 =	vld [tilespmem:s4+$0x1000]  }
0x13f: {  	s2 =	simm.s32 $0x1  }
0x140: {  	s24 =	sand.u32 $0x3, s2  }
0x141: {  	s1 =	sshll.u32 s24, $0x8  }
0x142: {  	s30 =	sadd.s32 $0x800, s1;
	v9 =	vadd.f32 v9, v6  }
0x143: {  	s1 =	sor.u32 $0x1880, s30;
	v8 =	vadd.f32 v8, v6  }
0x144: {  	s26 =	sor.u32 $0x1800, s30;
	[tilespmem:s23+$0x1000] =	vst v9;
	v9 =	vld [tilespmem:s1+$0x1000]  }
0x145: {  	s25 =	sor.u32 $0x18A0, s3;
	[tilespmem:s4+$0x1000] =	vst v8;
	v8 =	vld [tilespmem:s26+$0x1000]  }
0x146: {  	s5 =	sor.u32 $0x1820, s3;
	v10 =	vld [tilespmem:s25+$0x1000]  }
0x147: {  	v11 =	vld [tilespmem:s5+$0x1000];
	_ =	sdelay $0x1  }
0x148: {  	v9 =	vadd.f32 v9, v7  }
0x149: {  	v8 =	vadd.f32 v8, v7  }
0x14a: {  	s7 =	sor.u32 $0x1890, s30;
	v10 =	vadd.f32 v10, v5;
	[tilespmem:s1+$0x1000] =	vst v9  }
0x14b: {  	s6 =	sor.u32 $0x1810, s30;
	v11 =	vadd.f32 v11, v5;
	[tilespmem:s26+$0x1000] =	vst v8;
	v9 =	vld [tilespmem:s7+$0x1000]  }
0x14c: {  	s8 =	sor.u32 $0x18B0, s3;
	[tilespmem:s25+$0x1000] =	vst v10;
	v8 =	vld [tilespmem:s6+$0x1000]  }
0x14d: {  	s9 =	simm.s32 $0x2;
	s11 =	sor.u32 $0x1830, s3;
	[tilespmem:s5+$0x1000] =	vst v11;
	v10 =	vld [tilespmem:s8+$0x1000]  }
0x14e: {  	s10 =	sand.u32 $0x3, s9;
	v11 =	vld [tilespmem:s11+$0x1000]  }
0x14f: {  	s2 =	sshll.u32 s10, $0x8  }
0x150: {  	s28 =	sadd.s32 $0x1000, s2;
	v9 =	vadd.f32 v9, v6  }
0x151: {  	s2 =	sor.u32 $0x1880, s28;
	v8 =	vadd.f32 v8, v6  }
0x152: {  	s14 =	sor.u32 $0x1800, s28;
	v10 =	vadd.f32 v10, v4;
	[tilespmem:s7+$0x1000] =	vst v9;
	v9 =	vld [tilespmem:s2+$0x1000]  }
0x153: {  	s12 =	sor.u32 $0x18A0, s30;
	v11 =	vadd.f32 v11, v4;
	[tilespmem:s6+$0x1000] =	vst v8;
	v8 =	vld [tilespmem:s14+$0x1000]  }
0x154: {  	s13 =	sor.u32 $0x18C0, s3;
	[tilespmem:s8+$0x1000] =	vst v10;
	v10 =	vld [tilespmem:s12+$0x1000]  }
0x155: {  	s15 =	sor.u32 $0x1840, s3;
	[tilespmem:s11+$0x1000] =	vst v11;
	v12 =	vld [tilespmem:s13+$0x1000]  }
0x156: {  	s7 =	sor.u32 $0x1820, s30;
	v13 =	vld [tilespmem:s15+$0x1000]  }
0x157: {  	v11 =	vld [tilespmem:s7+$0x1000];
	v9 =	vadd.f32 v9, v7  }
0x158: {  	v8 =	vadd.f32 v8, v7  }
0x159: {  	s16 =	sor.u32 $0x1890, s28;
	v10 =	vadd.f32 v10, v5;
	[tilespmem:s2+$0x1000] =	vst v9  }
0x15a: {  	s9 =	sor.u32 $0x1810, s28;
	v9 =	vadd.f32 v12, v3;
	[tilespmem:s14+$0x1000] =	vst v8;
	v12 =	vld [tilespmem:s16+$0x1000]  }
0x15b: {  	s17 =	sor.u32 $0x18B0, s30;
	v8 =	vadd.f32 v13, v3;
	[tilespmem:s12+$0x1000] =	vst v10;
	v13 =	vld [tilespmem:s9+$0x1000]  }
0x15c: {  	s18 =	sor.u32 $0x18D0, s3;
	v10 =	vld [tilespmem:s17+$0x1000];
	[tilespmem:s13+$0x1000] =	vst v9;
	v9 =	vadd.f32 v11, v5  }
0x15d: {  	s19 =	simm.s32 $0x3;
	v11 =	vld [tilespmem:s18+$0x1000]  }
0x15e: {  	s20 =	sor.u32 $0x1830, s30;
	s4 =	sand.u32 $0x3, s19;
	[tilespmem:s7+$0x1000] =	vst v9  }
0x15f: {  	s4 =	sshll.u32 s4, $0x8;
	v9 =	vadd.f32 v12, v6;
	v12 =	vld [tilespmem:s20+$0x1000]  }
0x160: {  	s24 =	sor.u32 $0x1850, s3;
	s31 =	sadd.s32 $0x1800, s4;
	[tilespmem:s15+$0x1000] =	vst v8  }
0x161: {  	s4 =	sor.u32 $0x1880, s31;
	v8 =	vadd.f32 v10, v4;
	v10 =	vld [tilespmem:s24+$0x1000]  }
0x162: {  	s25 =	sor.u32 $0x18A0, s28;
	v13 =	vadd.f32 v13, v6;
	[tilespmem:s16+$0x1000] =	vst v9;
	v9 =	vadd.f32 v11, v2;
	v11 =	vld [tilespmem:s4+$0x1000]  }
0x163: {  	s16 =	sor.u32 $0x1800, s31;
	[tilespmem:s17+$0x1000] =	vst v8;
	v8 =	vld [tilespmem:s25+$0x1000]  }
0x164: {  	s19 =	sor.u32 $0x1820, s28;
	[tilespmem:s9+$0x1000] =	vst v13;
	v13 =	vld [tilespmem:s16+$0x1000];
	v12 =	vadd.f32 v12, v4  }
0x165: {  	s11 =	sor.u32 $0x18C0, s30;
	v15 =	vld [tilespmem:s19+$0x1000];
	[tilespmem:s18+$0x1000] =	vst v9  }
0x166: {  	s14 =	sor.u32 $0x18E0, s3;
	s17 =	sor.u32 $0x1850, s28;
	v9 =	vld [tilespmem:s11+$0x1000];
	[tilespmem:s20+$0x1000] =	vst v12  }
0x167: {  	s18 =	sor.u32 $0x1860, s28;
	v14 =	vld [tilespmem:s14+$0x1000];
	v10 =	vadd.f32 v10, v2;
	[dreg:$0x8] =	wrdreg s17  }
0x168: {  	s10 =	sor.u32 $0x1840, s30;
	v11 =	vadd.f32 v11, v7;
	[dreg:$0x4] =	wrdreg s18  }
0x169: {  	s29 =	sor.u32 $0x1830, s28;
	s21 =	sor.u32 $0x1870, s30;
	s22 =	sor.u32 $0x1860, s30;
	v8 =	vadd.f32 v8, v5;
	[tilespmem:s24+$0x1000] =	vst v10  }
0x16a: {  	s23 =	sor.u32 $0x1870, s3;
	s26 =	sor.u32 $0x1870, s28;
	s8 =	sor.u32 $0x1860, s3;
	v16 =	vld [tilespmem:s10+$0x1000];
	[tilespmem:s4+$0x1000] =	vst v11  }
0x16b: {  	s1 =	sor.u32 $0x1810, s31;
	s20 =	sor.u32 $0x1830, s31;
	s17 =	sor.u32 $0x1890, s31;
	v10 =	vadd.f32 v9, v3;
	v9 =	vld [tilespmem:s8+$0x1000];
	[tilespmem:s25+$0x1000] =	vst v8  }
0x16c: {  	s5 =	simm.s32 $0x6;
	s6 =	sor.u32 $0x18B0, s28;
	v12 =	vld [tilespmem:s17+$0x1000];
	v8 =	vadd.f32 v14, v1;
	[dreg:$0x14] =	wrdreg s20  }
0x16d: {  	s0 =	smov.u32 s8;
	s12 =	sor.u32 $0x1850, s30;
	s13 =	sor.u32 $0x1840, s28;
	[tilespmem:s11+$0x1000] =	vst v10  }
0x16e: {  	s15 =	simm.s32 $0x1800;
	s9 =	sor.u32 $0x18D0, s30;
	v13 =	vadd.f32 v13, v7;
	s24 =	sor.u32 $0x1850, s31;
	v11 =	vld [tilespmem:s6+$0x1000];
	[tilespmem:s14+$0x1000] =	vst v8  }
0x16f: {  	s18 =	sor.u32 $0x1840, s31;
	s4 =	smov.u32 s10;
	v10 =	vld [tilespmem:s9+$0x1000];
	[dreg:$0x12] =	wrdreg s24  }
0x170: {  	s10 =	sor.u32 $0x1820, s31;
	s25 =	sor.u32 $0x1860, s31;
	s20 =	sor.u32 $0x18F0, s3;
	[tilespmem:s16+$0x1000] =	vst v13  }
0x171: {  	v14 =	vadd.f32 v15, v5;
	s11 =	simm.s32 $0x4;
	v13 =	vadd.f32 v16, v3;
	v8 =	vld [tilespmem:s20+$0x1000];
	[dreg:$0xf] =	wrdreg s25;
	s25 =	sor.u32 $0x1870, s31  }
.LBB2_15:
0x172: {  	_ = 	snop  }
0x173: {  	s16 =	sand.u32 $0x3, s11;
	v15 =	vld [tilespmem:s1+$0x1000];
	[tilespmem:s19+$0x1000] =	vst v14;
	v12 =	vadd.f32 v12, v6  }
0x174: {  	s15 =	sadd.s32 $0x800, s15;
	s16 =	sshll.u32 s16, $0x8;
	v14 =	vld [tilespmem:s29+$0x1000];
	[tilespmem:s4+$0x1000] =	vst v13;
	v9 =	vadd.f32 v9, v1  }
0x175: {  	s16 =	sadd.s32 s16, s15;
	v11 =	vadd.f32 v11, v4;
	[tilespmem:s17+$0x1000] =	vst v12  }
0x176: {  	s14 =	smov.u32 s13;
	v13 =	vld [tilespmem:s12+$0x1000];
	[tilespmem:s0+$0x1000] =	vst v9;
	s0 =	smov.u32 s21;
	s21 =	sor.u32 $0x1880, s16;
	v9 =	vadd.f32 v10, v2  }
0x177: {  	s8 =	smov.u32 s18;
	s3 =	smov.u32 s26;
	s26 =	sor.u32 $0x18A0, s31;
	v8 =	vadd.f32 v8, v0;
	v12 =	vld [tilespmem:s21+$0x1000];
	[tilespmem:s6+$0x1000] =	vst v11  }
0x178: {  	s13 =	smov.u32 s22;
	s5 =	sadd.s32 $0x2, s5;
	s7 =	sor.u32 $0x18C0, s28;
	v11 =	vadd.f32 v15, v6;
	v15 =	vld [tilespmem:s26+$0x1000];
	[tilespmem:s9+$0x1000] =	vst v9  }
0x179: {  	s2 =	smov.u32 s31;
	s24 =	sor.u32 $0x1800, s16;
	s22 =	sor.u32 $0x1810, s16;
	v9 =	vadd.f32 v14, v4;
	v14 =	vld [tilespmem:s7+$0x1000];
	[tilespmem:s20+$0x1000] =	vst v8  }
0x17a: {  	v10 =	vld [tilespmem:s23+$0x1000];
	s6 =	sor.u32 $0x1830, s16;
	[tilespmem:s1+$0x1000] =	vst v11;
	s1 =	smov.u32 s22;
	s22 =	rddreg [dreg:$0x14]  }
0x17b: {  	s4 =	rddreg [dreg:$0x4];
	v8 =	vadd.f32 v13, v2;
	v13 =	vld [tilespmem:s24+$0x1000];
	[tilespmem:s29+$0x1000] =	vst v9;
	s29 =	smov.u32 s22;
	s22 =	smov.u32 s6  }
0x17c: {  	s31 =	smov.u32 s30;
	s30 =	sor.u32 $0x18E0, s30;
	[dreg:$0x14] =	wrdreg s22  }
0x17d: {  	s19 =	smov.u32 s10;
	s22 =	smov.u32 s4;
	s4 =	rddreg [dreg:$0x8]  }
0x17e: {  	s11 =	sadd.s32 $0x1, s11;
	v16 =	vld [tilespmem:s19+$0x1000];
	[tilespmem:s12+$0x1000] =	vst v8;
	s12 =	smov.u32 s4;
	s4 =	rddreg [dreg:$0x12]  }
0x17f: {  	p0 =	slt.u32 s5, $0x1E;
	s9 =	sor.u32 $0x1850, s16;
	s6 =	smov.u32 s4  }
0x180: {  	s10 =	sor.u32 $0x1820, s16;
	v11 =	vld [tilespmem:s30+$0x1000];
	v9 =	vadd.f32 v10, v0;
	[dreg:$0x8] =	wrdreg s6;
	s6 =	smov.u32 s9  }
0x181: {  	s18 =	sor.u32 $0x1840, s16;
	s17 =	sor.u32 $0x1860, s16;
	v10 =	vadd.f32 v12, v7;
	[dreg:$0x12] =	wrdreg s6  }
0x182: {  	s20 =	sor.u32 $0x1870, s16;
	v8 =	vadd.f32 v15, v5;
	v15 =	vld [tilespmem:s14+$0x1000];
	[tilespmem:s23+$0x1000] =	vst v9;
	s23 =	smov.u32 s17;
	s6 =	rddreg [dreg:$0xf]  }
0x183: {  	s4 =	smov.u32 s14;
	[tilespmem:s21+$0x1000] =	vst v10;
	s17 =	sor.u32 $0x1890, s16;
	[dreg:$0xf] =	wrdreg s23  }
.Ltmp6:
0x184: {  	v10 =	vadd.f32 v14, v3;
	s23 =	smov.u32 s0;
	s0 =	smov.u32 s13;
	v12 =	vld [tilespmem:s17+$0x1000];
	(pc) =	sbr.rel @p0 .LBB2_15-.Ltmp6, $4  }
0x185: {  	s21 =	smov.u32 s3;
	[tilespmem:s26+$0x1000] =	vst v8;
	v8 =	vadd.f32 v11, v1;
	s14 =	smov.u32 s6;
	v9 =	vld [tilespmem:s0+$0x1000];
	s6 =	sor.u32 $0x18B0, s2  }
0x186: {  	s9 =	sor.u32 $0x18D0, s28;
	s13 =	smov.u32 s8;
	s26 =	smov.u32 s25;
	v13 =	vadd.f32 v13, v7;
	v11 =	vld [tilespmem:s6+$0x1000];
	[tilespmem:s7+$0x1000] =	vst v10  }
0x187: {  	s25 =	smov.u32 s20;
	s20 =	sor.u32 $0x18F0, s31;
	s31 =	smov.u32 s16;
	v10 =	vld [tilespmem:s9+$0x1000];
	[tilespmem:s30+$0x1000] =	vst v8  }
0x188: {  	v14 =	vadd.f32 v16, v5;
	[dreg:$0x4] =	wrdreg s14;
	[tilespmem:s24+$0x1000] =	vst v13;
	s30 =	smov.u32 s28;
	s28 =	smov.u32 s2;
	v13 =	vadd.f32 v15, v3;
	v8 =	vld [tilespmem:s20+$0x1000]  }
0x189: {  	v7 =	vld [tilespmem:s1+$0x1000];
	_ =	sdelay $0x3  }
0x18a: {  	v12 =	vadd.f32 v12, v6  }
0x18b: {  	v6 =	vadd.f32 v7, v6  }
0x18c: {  	s5 =	sor.u32 $0x18A0, s31;
	[tilespmem:s17+$0x1000] =	vst v12  }
0x18d: {  	v7 =	vld [tilespmem:s5+$0x1000];
	[tilespmem:s1+$0x1000] =	vst v6  }
0x18e: {  	v6 =	vld [tilespmem:s10+$0x1000];
	_ =	sdelay $0x3  }
0x18f: {  	v7 =	vadd.f32 v7, v5  }
0x190: {  	[tilespmem:s19+$0x1000] =	vst v14;
	v5 =	vadd.f32 v6, v5  }
0x191: {  	[tilespmem:s5+$0x1000] =	vst v7  }
0x192: {  	s7 =	sor.u32 $0x18B0, s31;
	v6 =	vld [tilespmem:s29+$0x1000];
	[tilespmem:s10+$0x1000] =	vst v5  }
0x193: {  	v7 =	vld [tilespmem:s7+$0x1000];
	s8 =	rddreg [dreg:$0x14]  }
0x194: {  	v5 =	vld [tilespmem:s8+$0x1000];
	_ =	sdelay $0x1  }
0x195: {  	v11 =	vadd.f32 v11, v4  }
0x196: {  	v6 =	vadd.f32 v6, v4  }
0x197: {  	s10 =	sor.u32 $0x18C0, s28;
	[tilespmem:s6+$0x1000] =	vst v11;
	v7 =	vadd.f32 v7, v4  }
0x198: {  	v11 =	vld [tilespmem:s10+$0x1000];
	[tilespmem:s29+$0x1000] =	vst v6;
	v4 =	vadd.f32 v5, v4  }
0x199: {  	s11 =	sor.u32 $0x18C0, s31;
	[tilespmem:s7+$0x1000] =	vst v7;
	v5 =	vld [tilespmem:s13+$0x1000]  }
0x19a: {  	v6 =	vld [tilespmem:s11+$0x1000];
	[tilespmem:s8+$0x1000] =	vst v4  }
0x19b: {  	v4 =	vld [tilespmem:s18+$0x1000];
	_ =	sdelay $0x1  }
0x19c: {  	v7 =	vadd.f32 v11, v3  }
0x19d: {  	[tilespmem:s4+$0x1000] =	vst v13;
	v5 =	vadd.f32 v5, v3  }
0x19e: {  	[tilespmem:s10+$0x1000] =	vst v7;
	v6 =	vadd.f32 v6, v3  }
0x19f: {  	s14 =	sor.u32 $0x18D0, s28;
	v11 =	vld [tilespmem:s12+$0x1000];
	[tilespmem:s13+$0x1000] =	vst v5;
	v3 =	vadd.f32 v4, v3  }
0x1a0: {  	v7 =	vld [tilespmem:s14+$0x1000];
	s16 =	rddreg [dreg:$0x8];
	[tilespmem:s11+$0x1000] =	vst v6  }
0x1a1: {  	s17 =	sor.u32 $0x18D0, s31;
	v4 =	vld [tilespmem:s16+$0x1000];
	[tilespmem:s18+$0x1000] =	vst v3  }
0x1a2: {  	v5 =	vld [tilespmem:s17+$0x1000];
	s24 =	rddreg [dreg:$0x12]  }
0x1a3: {  	v3 =	vadd.f32 v10, v2;
	v6 =	vld [tilespmem:s24+$0x1000]  }
0x1a4: {  	v10 =	vadd.f32 v11, v2  }
0x1a5: {  	[tilespmem:s9+$0x1000] =	vst v3;
	v3 =	vadd.f32 v7, v2  }
0x1a6: {  	s19 =	sor.u32 $0x18E0, s30;
	[tilespmem:s12+$0x1000] =	vst v10;
	v4 =	vadd.f32 v4, v2  }
0x1a7: {  	v7 =	vld [tilespmem:s19+$0x1000];
	[tilespmem:s14+$0x1000] =	vst v3;
	v3 =	vadd.f32 v5, v2  }
0x1a8: {  	s2 =	sor.u32 $0x18E0, s28;
	v10 =	vld [tilespmem:s22+$0x1000];
	[tilespmem:s16+$0x1000] =	vst v4;
	v2 =	vadd.f32 v6, v2  }
0x1a9: {  	v5 =	vld [tilespmem:s2+$0x1000];
	s4 =	rddreg [dreg:$0x4];
	[tilespmem:s17+$0x1000] =	vst v3  }
0x1aa: {  	s1 =	sor.u32 $0x18E0, s31;
	v4 =	vld [tilespmem:s4+$0x1000];
	[tilespmem:s24+$0x1000] =	vst v2  }
0x1ab: {  	v3 =	vadd.f32 v9, v1;
	v6 =	vld [tilespmem:s1+$0x1000];
	s7 =	rddreg [dreg:$0xf]  }
0x1ac: {  	s15 =	smov.u32 s0;
	v2 =	vadd.f32 v7, v1;
	v7 =	vld [tilespmem:s7+$0x1000]  }
0x1ad: {  	[tilespmem:s15+$0x1000] =	vst v3;
	v3 =	vadd.f32 v10, v1  }
0x1ae: {  	s3 =	sor.u32 $0x18F0, s30;
	v9 =	vld [tilespmem:s23+$0x1000];
	[tilespmem:s19+$0x1000] =	vst v2;
	v2 =	vadd.f32 v5, v1  }
0x1af: {  	v5 =	vld [tilespmem:s3+$0x1000];
	[tilespmem:s22+$0x1000] =	vst v3;
	v3 =	vadd.f32 v4, v1  }
0x1b0: {  	s5 =	sor.u32 $0x18F0, s28;
	v4 =	vld [tilespmem:s21+$0x1000];
	[tilespmem:s2+$0x1000] =	vst v2;
	v2 =	vadd.f32 v6, v1  }
0x1b1: {  	v6 =	vld [tilespmem:s5+$0x1000];
	[tilespmem:s4+$0x1000] =	vst v3;
	v1 =	vadd.f32 v7, v1  }
0x1b2: {  	s6 =	sor.u32 $0x18F0, s31;
	v3 =	vadd.f32 v8, v0;
	[tilespmem:s1+$0x1000] =	vst v2;
	v7 =	vld [tilespmem:s26+$0x1000]  }
0x1b3: {  	v2 =	vadd.f32 v9, v0;
	v8 =	vld [tilespmem:s6+$0x1000];
	[tilespmem:s7+$0x1000] =	vst v1  }
0x1b4: {  	[tilespmem:s20+$0x1000] =	vst v3;
	v1 =	vadd.f32 v5, v0;
	v3 =	vld [tilespmem:s25+$0x1000]  }
0x1b5: {  	[tilespmem:s23+$0x1000] =	vst v2;
	v2 =	vadd.f32 v4, v0  }
0x1b6: {  	[tilespmem:s3+$0x1000] =	vst v1;
	v1 =	vadd.f32 v6, v0  }
0x1b7: {  	[tilespmem:s21+$0x1000] =	vst v2;
	v2 =	vadd.f32 v7, v0  }
0x1b8: {  	[tilespmem:s5+$0x1000] =	vst v1;
	v1 =	vadd.f32 v8, v0  }
0x1b9: {  	s8 =	simm.s32 $0x0;
	[tilespmem:s26+$0x1000] =	vst v2;
	v0 =	vadd.f32 v3, v0  }
0x1ba: {  	s0 =	sand.u32 $0x3, s8;
	[tilespmem:s6+$0x1000] =	vst v1  }
0x1bb: {  	s0 =	sshll.u32 s0, $0x8;
	[tilespmem:s25+$0x1000] =	vst v0  }
0x1bc: {  	s4 =	sadd.s32 $0x0, s0;
	v7 =	vld [tilespmem:$0xF00]  }
0x1bd: {  	s0 =	sor.u32 $0x1C80, s4;
	v6 =	vld [tilespmem:$0xF10]  }
0x1be: {  	s9 =	sor.u32 $0x1C00, s4;
	v0 =	vld [tilespmem:s0+$0x1000]  }
0x1bf: {  	v8 =	vld [tilespmem:s9+$0x1000]  }
0x1c0: {  	v5 =	vld [tilespmem:$0xF20]  }
0x1c1: {  	v4 =	vld [tilespmem:$0xF30]  }
0x1c2: {  	v3 =	vld [tilespmem:$0xF40]  }
0x1c3: {  	v2 =	vld [tilespmem:$0xF50];
	v9 =	vadd.f32 v0, v7  }
0x1c4: {  	v1 =	vld [tilespmem:$0xF60];
	v8 =	vadd.f32 v8, v7  }
0x1c5: {  	s10 =	sor.u32 $0x1C90, s4;
	v0 =	vld [tilespmem:$0xF70];
	[tilespmem:s0+$0x1000] =	vst v9  }
0x1c6: {  	s3 =	sor.u32 $0x1C10, s4;
	[tilespmem:s9+$0x1000] =	vst v8;
	v9 =	vld [tilespmem:s10+$0x1000]  }
0x1c7: {  	v8 =	vld [tilespmem:s3+$0x1000]  }
0x1c8: {  	s11 =	simm.s32 $0x1  }
0x1c9: {  	s12 =	sand.u32 $0x3, s11  }
0x1ca: {  	s1 =	sshll.u32 s12, $0x8  }
0x1cb: {  	s30 =	sadd.s32 $0x800, s1;
	v9 =	vadd.f32 v9, v6  }
0x1cc: {  	s1 =	sor.u32 $0x1C80, s30;
	v8 =	vadd.f32 v8, v6  }
0x1cd: {  	s14 =	sor.u32 $0x1C00, s30;
	[tilespmem:s10+$0x1000] =	vst v9;
	v9 =	vld [tilespmem:s1+$0x1000]  }
0x1ce: {  	s13 =	sor.u32 $0x1CA0, s4;
	[tilespmem:s3+$0x1000] =	vst v8;
	v8 =	vld [tilespmem:s14+$0x1000]  }
0x1cf: {  	s15 =	sor.u32 $0x1C20, s4;
	v10 =	vld [tilespmem:s13+$0x1000]  }
0x1d0: {  	v11 =	vld [tilespmem:s15+$0x1000];
	_ =	sdelay $0x1  }
0x1d1: {  	v9 =	vadd.f32 v9, v7  }
0x1d2: {  	v8 =	vadd.f32 v8, v7  }
0x1d3: {  	s16 =	sor.u32 $0x1C90, s30;
	v10 =	vadd.f32 v10, v5;
	[tilespmem:s1+$0x1000] =	vst v9  }
0x1d4: {  	s19 =	sor.u32 $0x1C10, s30;
	v11 =	vadd.f32 v11, v5;
	[tilespmem:s14+$0x1000] =	vst v8;
	v9 =	vld [tilespmem:s16+$0x1000]  }
0x1d5: {  	s17 =	sor.u32 $0x1CB0, s4;
	[tilespmem:s13+$0x1000] =	vst v10;
	v8 =	vld [tilespmem:s19+$0x1000]  }
0x1d6: {  	s18 =	simm.s32 $0x2;
	s21 =	sor.u32 $0x1C30, s4;
	[tilespmem:s15+$0x1000] =	vst v11;
	v10 =	vld [tilespmem:s17+$0x1000]  }
0x1d7: {  	s20 =	sand.u32 $0x3, s18;
	v11 =	vld [tilespmem:s21+$0x1000]  }
0x1d8: {  	s2 =	sshll.u32 s20, $0x8  }
0x1d9: {  	s28 =	sadd.s32 $0x1000, s2;
	v9 =	vadd.f32 v9, v6  }
0x1da: {  	s2 =	sor.u32 $0x1C80, s28;
	v8 =	vadd.f32 v8, v6  }
0x1db: {  	s24 =	sor.u32 $0x1C00, s28;
	v10 =	vadd.f32 v10, v4;
	[tilespmem:s16+$0x1000] =	vst v9;
	v9 =	vld [tilespmem:s2+$0x1000]  }
0x1dc: {  	s22 =	sor.u32 $0x1CA0, s30;
	v11 =	vadd.f32 v11, v4;
	[tilespmem:s19+$0x1000] =	vst v8;
	v8 =	vld [tilespmem:s24+$0x1000]  }
0x1dd: {  	s23 =	sor.u32 $0x1CC0, s4;
	[tilespmem:s17+$0x1000] =	vst v10;
	v10 =	vld [tilespmem:s22+$0x1000]  }
0x1de: {  	s26 =	sor.u32 $0x1C40, s4;
	[tilespmem:s21+$0x1000] =	vst v11;
	v12 =	vld [tilespmem:s23+$0x1000]  }
0x1df: {  	s25 =	sor.u32 $0x1C20, s30;
	v13 =	vld [tilespmem:s26+$0x1000]  }
0x1e0: {  	v11 =	vld [tilespmem:s25+$0x1000];
	v9 =	vadd.f32 v9, v7  }
0x1e1: {  	v8 =	vadd.f32 v8, v7  }
0x1e2: {  	s8 =	sor.u32 $0x1C90, s28;
	v10 =	vadd.f32 v10, v5;
	[tilespmem:s2+$0x1000] =	vst v9  }
0x1e3: {  	s12 =	sor.u32 $0x1C10, s28;
	v9 =	vadd.f32 v12, v3;
	[tilespmem:s24+$0x1000] =	vst v8;
	v12 =	vld [tilespmem:s8+$0x1000]  }
0x1e4: {  	s9 =	sor.u32 $0x1CB0, s30;
	v8 =	vadd.f32 v13, v3;
	[tilespmem:s22+$0x1000] =	vst v10;
	v13 =	vld [tilespmem:s12+$0x1000]  }
0x1e5: {  	s10 =	sor.u32 $0x1CD0, s4;
	v10 =	vld [tilespmem:s9+$0x1000];
	[tilespmem:s23+$0x1000] =	vst v9;
	v9 =	vadd.f32 v11, v5  }
0x1e6: {  	s11 =	simm.s32 $0x3;
	v11 =	vld [tilespmem:s10+$0x1000]  }
0x1e7: {  	s3 =	sand.u32 $0x3, s11;
	s13 =	sor.u32 $0x1C30, s30;
	[tilespmem:s25+$0x1000] =	vst v9  }
0x1e8: {  	s3 =	sshll.u32 s3, $0x8;
	v9 =	vadd.f32 v12, v6;
	v12 =	vld [tilespmem:s13+$0x1000]  }
0x1e9: {  	s20 =	sadd.s32 $0x1800, s3;
	s17 =	sor.u32 $0x1C50, s4;
	[tilespmem:s26+$0x1000] =	vst v8  }
0x1ea: {  	s21 =	sor.u32 $0x1C80, s20;
	v13 =	vadd.f32 v13, v6;
	v8 =	vadd.f32 v10, v4;
	v10 =	vld [tilespmem:s17+$0x1000]  }
0x1eb: {  	s16 =	sor.u32 $0x1C00, s20;
	[tilespmem:s8+$0x1000] =	vst v9;
	v9 =	vadd.f32 v11, v2;
	v11 =	vld [tilespmem:s21+$0x1000]  }
0x1ec: {  	s25 =	sor.u32 $0x1CA0, s28;
	[tilespmem:s12+$0x1000] =	vst v13;
	v13 =	vld [tilespmem:s16+$0x1000]  }
0x1ed: {  	s2 =	sor.u32 $0x1CC0, s30;
	[tilespmem:s9+$0x1000] =	vst v8;
	v8 =	vld [tilespmem:s25+$0x1000];
	v12 =	vadd.f32 v12, v4  }
0x1ee: {  	s15 =	sor.u32 $0x1CE0, s4;
	[tilespmem:s10+$0x1000] =	vst v9;
	v9 =	vld [tilespmem:s2+$0x1000]  }
0x1ef: {  	s11 =	sor.u32 $0x1C50, s28;
	s19 =	sor.u32 $0x1C20, s28;
	v14 =	vld [tilespmem:s15+$0x1000];
	[tilespmem:s13+$0x1000] =	vst v12  }
0x1f0: {  	v15 =	vld [tilespmem:s19+$0x1000];
	v10 =	vadd.f32 v10, v2;
	s13 =	sor.u32 $0x1C60, s28;
	[dreg:$0xb] =	wrdreg s11  }
0x1f1: {  	s31 =	sor.u32 $0x1C40, s30;
	s7 =	sor.u32 $0x1C60, s30;
	v11 =	vadd.f32 v11, v7;
	[dreg:$0x6] =	wrdreg s13  }
0x1f2: {  	s18 =	sor.u32 $0x1C30, s28;
	s6 =	sor.u32 $0x1CB0, s28;
	s3 =	sor.u32 $0x1C60, s4;
	v8 =	vadd.f32 v8, v5;
	[tilespmem:s17+$0x1000] =	vst v10  }
0x1f3: {  	s5 =	sor.u32 $0x1C10, s20;
	s29 =	sor.u32 $0x1C30, s20;
	s14 =	sor.u32 $0x1C50, s30;
	v16 =	vld [tilespmem:s31+$0x1000];
	[tilespmem:s21+$0x1000] =	vst v11;
	v10 =	vadd.f32 v9, v3  }
0x1f4: {  	s1 =	simm.s32 $0x1800;
	s24 =	sor.u32 $0x1C40, s28;
	s17 =	sor.u32 $0x1C90, s20;
	v9 =	vld [tilespmem:s3+$0x1000];
	[tilespmem:s25+$0x1000] =	vst v8;
	v8 =	vadd.f32 v14, v1  }
0x1f5: {  	s22 =	sor.u32 $0x1C70, s30;
	s23 =	sor.u32 $0x1C70, s4;
	s12 =	smov.u32 s20;
	v12 =	vld [tilespmem:s17+$0x1000];
	[tilespmem:s2+$0x1000] =	vst v10  }
0x1f6: {  	s26 =	sor.u32 $0x1C70, s28;
	s10 =	sor.u32 $0x1CD0, s30;
	v13 =	vadd.f32 v13, v7;
	v11 =	vld [tilespmem:s6+$0x1000];
	[tilespmem:s15+$0x1000] =	vst v8;
	s15 =	sor.u32 $0x1C50, s12  }
0x1f7: {  	s9 =	simm.s32 $0x6;
	s11 =	sor.u32 $0x1C20, s20;
	v10 =	vld [tilespmem:s10+$0x1000];
	[dreg:$0x13] =	wrdreg s15  }
0x1f8: {  	s21 =	sor.u32 $0x1C40, s20;
	s20 =	sor.u32 $0x1CF0, s4;
	s25 =	sor.u32 $0x1C60, s12;
	[tilespmem:s16+$0x1000] =	vst v13  }
0x1f9: {  	s4 =	simm.s32 $0x4;
	v14 =	vadd.f32 v15, v5;
	v13 =	vadd.f32 v16, v3;
	v8 =	vld [tilespmem:s20+$0x1000];
	[dreg:$0xd] =	wrdreg s25;
	s25 =	sor.u32 $0x1C70, s12  }
.LBB2_17:
0x1fa: {  	s16 =	sand.u32 $0x3, s4;
	s1 =	sadd.s32 $0x800, s1  }
0x1fb: {  	s15 =	smov.u32 s24;
	s24 =	smov.u32 s21;
	s13 =	smov.u32 s7  }
0x1fc: {  	v15 =	vld [tilespmem:s5+$0x1000];
	s9 =	sadd.s32 $0x2, s9;
	s8 =	smov.u32 s26;
	s26 =	sor.u32 $0x1CA0, s12;
	[tilespmem:s19+$0x1000] =	vst v14;
	v9 =	vadd.f32 v9, v1  }
0x1fd: {  	s0 =	smov.u32 s12;
	s12 =	sor.u32 $0x1CC0, s28;
	s2 =	sshll.u32 s16, $0x8;
	v12 =	vadd.f32 v12, v6;
	v14 =	vld [tilespmem:s18+$0x1000];
	[tilespmem:s31+$0x1000] =	vst v13  }
0x1fe: {  	s4 =	sadd.s32 $0x1, s4;
	s19 =	smov.u32 s11;
	s16 =	sadd.s32 s2, s1;
	v11 =	vadd.f32 v11, v4;
	v13 =	vld [tilespmem:s14+$0x1000];
	[tilespmem:s3+$0x1000] =	vst v9  }
0x1ff: {  	p0 =	slt.u32 s9, $0x1E;
	[tilespmem:s17+$0x1000] =	vst v12;
	s3 =	smov.u32 s22;
	s22 =	sor.u32 $0x1C80, s16;
	v9 =	vadd.f32 v10, v2;
	v10 =	vld [tilespmem:s23+$0x1000]  }
0x200: {  	s21 =	sor.u32 $0x1C00, s16;
	s7 =	sor.u32 $0x1C10, s16;
	s2 =	sor.u32 $0x1C40, s16;
	v8 =	vadd.f32 v8, v0;
	v12 =	vld [tilespmem:s22+$0x1000];
	[tilespmem:s6+$0x1000] =	vst v11  }
0x201: {  	s11 =	sor.u32 $0x1C20, s16;
	s17 =	sor.u32 $0x1C60, s16;
	[dreg:$0x17] =	wrdreg s2;
	v11 =	vadd.f32 v15, v6;
	v15 =	vld [tilespmem:s26+$0x1000];
	[tilespmem:s10+$0x1000] =	vst v9  }
0x202: {  	s2 =	smov.u32 s30;
	s30 =	sor.u32 $0x1CE0, s30;
	s6 =	sor.u32 $0x1C30, s16;
	v9 =	vadd.f32 v14, v4;
	v14 =	vld [tilespmem:s12+$0x1000];
	[tilespmem:s20+$0x1000] =	vst v8  }
0x203: {  	s10 =	sor.u32 $0x1C50, s16;
	[tilespmem:s5+$0x1000] =	vst v11;
	v8 =	vadd.f32 v13, v2;
	s5 =	smov.u32 s7;
	s7 =	rddreg [dreg:$0x6]  }
0x204: {  	v13 =	vld [tilespmem:s21+$0x1000];
	[tilespmem:s18+$0x1000] =	vst v9;
	s18 =	smov.u32 s29;
	s29 =	smov.u32 s7;
	s7 =	rddreg [dreg:$0xb]  }
0x205: {  	s31 =	smov.u32 s6;
	v16 =	vld [tilespmem:s19+$0x1000];
	[tilespmem:s14+$0x1000] =	vst v8;
	s14 =	smov.u32 s7;
	s7 =	rddreg [dreg:$0x13]  }
0x206: {  	s20 =	sor.u32 $0x1C70, s16;
	v11 =	vld [tilespmem:s30+$0x1000];
	s6 =	smov.u32 s7;
	s7 =	smov.u32 s29  }
0x207: {  	v9 =	vadd.f32 v10, v0;
	s29 =	smov.u32 s31;
	[dreg:$0xb] =	wrdreg s6;
	s6 =	smov.u32 s10  }
0x208: {  	v10 =	vadd.f32 v12, v7;
	s31 =	smov.u32 s15;
	s10 =	sor.u32 $0x1CD0, s28;
	[dreg:$0x13] =	wrdreg s6  }
0x209: {  	v8 =	vadd.f32 v15, v5;
	v15 =	vld [tilespmem:s15+$0x1000];
	[tilespmem:s23+$0x1000] =	vst v9;
	s6 =	rddreg [dreg:$0xd];
	s23 =	smov.u32 s17;
	s17 =	sor.u32 $0x1C90, s16  }
.Ltmp7:
0x20a: {  	[tilespmem:s22+$0x1000] =	vst v10;
	v10 =	vadd.f32 v14, v3;
	s22 =	smov.u32 s8;
	s15 =	smov.u32 s6;
	v9 =	vld [tilespmem:s13+$0x1000];
	(pc) =	sbr.rel @p0 .LBB2_17-.Ltmp7, $4  }
0x20b: {  	[dreg:$0xd] =	wrdreg s23;
	s23 =	smov.u32 s3;
	v12 =	vld [tilespmem:s17+$0x1000];
	[tilespmem:s26+$0x1000] =	vst v8;
	s6 =	sor.u32 $0x1CB0, s0;
	v8 =	vadd.f32 v11, v1  }
0x20c: {  	s3 =	smov.u32 s13;
	s26 =	smov.u32 s25;
	s25 =	smov.u32 s20;
	v13 =	vadd.f32 v13, v7;
	v11 =	vld [tilespmem:s6+$0x1000];
	[tilespmem:s12+$0x1000] =	vst v10  }
0x20d: {  	s20 =	sor.u32 $0x1CF0, s2;
	[dreg:$0x6] =	wrdreg s15;
	s12 =	smov.u32 s16;
	v10 =	vld [tilespmem:s10+$0x1000];
	[tilespmem:s30+$0x1000] =	vst v8  }
0x20e: {  	v14 =	vadd.f32 v16, v5;
	s30 =	smov.u32 s28;
	s28 =	smov.u32 s0;
	[tilespmem:s21+$0x1000] =	vst v13;
	s21 =	rddreg [dreg:$0x17];
	v13 =	vadd.f32 v15, v3;
	v8 =	vld [tilespmem:s20+$0x1000]  }
0x20f: {  	v7 =	vld [tilespmem:s5+$0x1000];
	_ =	sdelay $0x3  }
0x210: {  	v12 =	vadd.f32 v12, v6  }
0x211: {  	v6 =	vadd.f32 v7, v6  }
0x212: {  	s1 =	sor.u32 $0x1CA0, s12;
	[tilespmem:s17+$0x1000] =	vst v12  }
0x213: {  	[tilespmem:s5+$0x1000] =	vst v6;
	v6 =	vld [tilespmem:s1+$0x1000]  }
0x214: {  	v7 =	vld [tilespmem:s11+$0x1000];
	_ =	sdelay $0x3  }
0x215: {  	v6 =	vadd.f32 v6, v5  }
0x216: {  	[tilespmem:s19+$0x1000] =	vst v14;
	v5 =	vadd.f32 v7, v5  }
0x217: {  	s9 =	sor.u32 $0x1CB0, s12;
	v7 =	vld [tilespmem:s18+$0x1000];
	[tilespmem:s1+$0x1000] =	vst v6  }
0x218: {  	[tilespmem:s11+$0x1000] =	vst v5;
	v5 =	vld [tilespmem:s9+$0x1000]  }
0x219: {  	v6 =	vld [tilespmem:s29+$0x1000];
	_ =	sdelay $0x1  }
0x21a: {  	v11 =	vadd.f32 v11, v4  }
0x21b: {  	v7 =	vadd.f32 v7, v4  }
0x21c: {  	s4 =	sor.u32 $0x1CC0, s28;
	[tilespmem:s6+$0x1000] =	vst v11;
	v5 =	vadd.f32 v5, v4  }
0x21d: {  	[tilespmem:s18+$0x1000] =	vst v7;
	v7 =	vld [tilespmem:s4+$0x1000];
	v4 =	vadd.f32 v6, v4  }
0x21e: {  	s11 =	sor.u32 $0x1CC0, s12;
	v6 =	vld [tilespmem:s24+$0x1000];
	[tilespmem:s9+$0x1000] =	vst v5  }
0x21f: {  	[tilespmem:s29+$0x1000] =	vst v4;
	v4 =	vld [tilespmem:s11+$0x1000]  }
0x220: {  	v5 =	vld [tilespmem:s21+$0x1000];
	_ =	sdelay $0x1  }
0x221: {  	v7 =	vadd.f32 v7, v3  }
0x222: {  	[tilespmem:s31+$0x1000] =	vst v13;
	v6 =	vadd.f32 v6, v3  }
0x223: {  	[tilespmem:s4+$0x1000] =	vst v7;
	v4 =	vadd.f32 v4, v3  }
0x224: {  	s13 =	sor.u32 $0x1CD0, s28;
	v11 =	vld [tilespmem:s14+$0x1000];
	[tilespmem:s24+$0x1000] =	vst v6;
	v3 =	vadd.f32 v5, v3  }
0x225: {  	v6 =	vld [tilespmem:s13+$0x1000];
	s2 =	rddreg [dreg:$0xb];
	[tilespmem:s11+$0x1000] =	vst v4  }
0x226: {  	s15 =	sor.u32 $0x1CD0, s12;
	v5 =	vld [tilespmem:s2+$0x1000];
	[tilespmem:s21+$0x1000] =	vst v3  }
0x227: {  	v3 =	vld [tilespmem:s15+$0x1000];
	s6 =	rddreg [dreg:$0x13]  }
0x228: {  	v4 =	vadd.f32 v10, v2;
	v7 =	vld [tilespmem:s6+$0x1000]  }
0x229: {  	v10 =	vadd.f32 v11, v2  }
0x22a: {  	[tilespmem:s10+$0x1000] =	vst v4;
	v4 =	vadd.f32 v6, v2  }
0x22b: {  	s16 =	sor.u32 $0x1CE0, s30;
	[tilespmem:s14+$0x1000] =	vst v10;
	v5 =	vadd.f32 v5, v2  }
0x22c: {  	v6 =	vld [tilespmem:s16+$0x1000];
	[tilespmem:s13+$0x1000] =	vst v4;
	v3 =	vadd.f32 v3, v2  }
0x22d: {  	s0 =	sor.u32 $0x1CE0, s28;
	v10 =	vld [tilespmem:s7+$0x1000];
	[tilespmem:s2+$0x1000] =	vst v5;
	v2 =	vadd.f32 v7, v2  }
0x22e: {  	v4 =	vld [tilespmem:s0+$0x1000];
	s2 =	rddreg [dreg:$0x6];
	[tilespmem:s15+$0x1000] =	vst v3  }
0x22f: {  	s17 =	sor.u32 $0x1CE0, s12;
	v5 =	vld [tilespmem:s2+$0x1000];
	[tilespmem:s6+$0x1000] =	vst v2  }
0x230: {  	v3 =	vld [tilespmem:s17+$0x1000];
	v2 =	vadd.f32 v9, v1;
	s29 =	rddreg [dreg:$0xd]  }
0x231: {  	v6 =	vadd.f32 v6, v1;
	v7 =	vld [tilespmem:s29+$0x1000]  }
0x232: {  	[tilespmem:s3+$0x1000] =	vst v2;
	v2 =	vadd.f32 v10, v1  }
0x233: {  	s18 =	sor.u32 $0x1CF0, s30;
	[tilespmem:s16+$0x1000] =	vst v6;
	v4 =	vadd.f32 v4, v1;
	v6 =	vld [tilespmem:s23+$0x1000]  }
0x234: {  	[tilespmem:s7+$0x1000] =	vst v2;
	v2 =	vld [tilespmem:s18+$0x1000];
	v5 =	vadd.f32 v5, v1  }
0x235: {  	s19 =	sor.u32 $0x1CF0, s28;
	[tilespmem:s0+$0x1000] =	vst v4;
	v3 =	vadd.f32 v3, v1;
	v4 =	vld [tilespmem:s22+$0x1000]  }
0x236: {  	[tilespmem:s2+$0x1000] =	vst v5;
	v5 =	vld [tilespmem:s19+$0x1000];
	v1 =	vadd.f32 v7, v1  }
0x237: {  	s21 =	sor.u32 $0x1CF0, s12;
	[tilespmem:s17+$0x1000] =	vst v3;
	v3 =	vadd.f32 v8, v0;
	v7 =	vld [tilespmem:s26+$0x1000]  }
0x238: {  	[tilespmem:s29+$0x1000] =	vst v1;
	v1 =	vadd.f32 v6, v0;
	v6 =	vld [tilespmem:s21+$0x1000]  }
0x239: {  	[tilespmem:s20+$0x1000] =	vst v3;
	v2 =	vadd.f32 v2, v0  }
0x23a: {  	[tilespmem:s23+$0x1000] =	vst v1;
	v1 =	vadd.f32 v4, v0  }
0x23b: {  	v3 =	vld [tilespmem:s25+$0x1000];
	[tilespmem:s18+$0x1000] =	vst v2;
	v2 =	vadd.f32 v5, v0  }
0x23c: {  	[tilespmem:s22+$0x1000] =	vst v1;
	v1 =	vadd.f32 v7, v0  }
0x23d: {  	[tilespmem:s19+$0x1000] =	vst v2;
	v2 =	vadd.f32 v6, v0  }
0x23e: {  	[tilespmem:s26+$0x1000] =	vst v1  }
0x23f: {  	[tilespmem:s21+$0x1000] =	vst v2  }
0x240: {  	v0 =	vadd.f32 v3, v0;
	s3 =	sld [smem:$0x7FD];
	_ =	sdelay $0x1  }
0x241: {  	[tilespmem:s25+$0x1000] =	vst v0  }
0x242: {  	s26 =	simm.s32 $0x1000;
	s1 =	rddreg [dreg:$0x1b];
	s24 =	sshll.u32 s3, $0xD  }
0x243: {  	s25 =	simm.s32 $0x0;
	p0 =	seq.s32 s3, $0x3;
	s0 =	sadd.s32 s24, s1  }
0x244: {  	[hbm4b:s0+s25] =	stream.linear.scatter [tilespmem:s26], [sflag:$0x3], $0x8000, $0x38;
	[tilespmem:$0x11000] =	vst v63  }
0x245: {  	s0 =	simm.s32 @!p0 $0x3  }
0x246: {  	_ =	swait.ge @!p0 [sflag:s0], $0x8000  }
0x247: {  	s2 =	sshll.u32 s3, $0x6;
	[sflag:s0] =	ssyncset.done @!p0 $0x0;
	s1 =	rddreg [dreg:$0x1c]  }
0x248: {  	[smem:$0x7FB] =	sst s2;
	s1 =	sadd.s32 @!p0 s2, s1;
	[sflag:s0] =	ssyncadd.s32 @!p0 $0xFFFF8000  }
0x249: {  	s28 =	simm.s32 $0x2;
	s0 =	sshll.u32 @!p0 s1, $0x7;
	s1 =	rddreg [dreg:$0x0]  }
0x24a: {  	s2 =	simm.s32 @!p0 $0x1000;
	s0 =	sadd.s32 @!p0 s1, s0;
	s1 =	simm.s32 @!p0 $0x0  }
0x24b: {  	[tilespmem:s2], [sflag:$0x1] =	stream.linear.gather @!p0 [hbm4b:s0+s1], $0x8000, $0x38;
	[tilespmem:$0x11000] =	vst v63  }
0x24c: {  	_ =	swait.ge [sflag:s28], $0x8000  }
0x24d: {  	[sflag:s28] =	ssyncset.done $0x0  }
0x24e: {  	[sflag:s28] =	ssyncadd.s32 $0xFFFF8000  }
0x24f: {  	v6 =	vld [tilespmem:$0x100]  }
0x250: {  	v5 =	vld [tilespmem:$0x110]  }
0x251: {  	v4 =	vld [tilespmem:$0x120]  }
0x252: {  	v3 =	vld [tilespmem:$0x130]  }
0x253: {  	s29 =	simm.s32 $0x0;
	v2 =	vld [tilespmem:$0x140]  }
0x254: {  	s30 =	sand.u32 $0x6000, s29;
	s0 =	sand.u32 $0x300, s29;
	v0 =	vld [tilespmem:$0x150]  }
0x255: {  	s0 =	sor.u32 s0, s30;
	v7 =	vld [tilespmem:$0x170]  }
0x256: {  	v9 =	vld [tilespmem:s0+$0x9000]  }
0x257: {  	v8 =	vld [tilespmem:s0+$0x90F0]  }
0x258: {  	v10 =	vld [tilespmem:s0+$0x9010]  }
0x259: {  	v11 =	vld [tilespmem:s0+$0x9020]  }
0x25a: {  	v12 =	vld [tilespmem:s0+$0x9030]  }
0x25b: {  	v1 =	vld [tilespmem:$0x160];
	v9 =	vadd.f32 v9, v6  }
0x25c: {  	v13 =	vld [tilespmem:s0+$0x9040];
	v8 =	vadd.f32 v8, v7  }
0x25d: {  	v14 =	vld [tilespmem:s0+$0x9050];
	v10 =	vadd.f32 v10, v5;
	[tilespmem:s0+$0x9000] =	vst v9  }
0x25e: {  	v15 =	vld [tilespmem:s0+$0x9060];
	[tilespmem:s0+$0x90F0] =	vst v8;
	v8 =	vadd.f32 v11, v4  }
0x25f: {  	v16 =	vld [tilespmem:s0+$0x9070];
	[tilespmem:s0+$0x9010] =	vst v10;
	v10 =	vadd.f32 v12, v3  }
0x260: {  	v11 =	vld [tilespmem:s0+$0x9080];
	[tilespmem:s0+$0x9020] =	vst v8  }
0x261: {  	s31 =	sadd.s32 $0x1, s3;
	v12 =	vadd.f32 v13, v2;
	v9 =	vld [tilespmem:s0+$0x9090];
	[tilespmem:s0+$0x9030] =	vst v10  }
0x262: {  	v13 =	vadd.f32 v14, v0;
	v8 =	vld [tilespmem:s0+$0x90A0];
	[smem:$0x7FC] =	sst s31  }
0x263: {  	v14 =	vadd.f32 v15, v1;
	[tilespmem:s0+$0x9040] =	vst v12;
	v10 =	vld [tilespmem:s0+$0x90B0]  }
0x264: {  	s3 =	simm.s32 $0x800;
	s1 =	simm.s32 $0x0;
	s2 =	simm.s32 $0x100;
	[tilespmem:s0+$0x9050] =	vst v13;
	v13 =	vadd.f32 v16, v7;
	v12 =	vld [tilespmem:s0+$0x90C0]  }
.LBB2_19:
0x265: {  	s4 =	sand.u32 $0x6000, s3;
	s5 =	sand.u32 $0x300, s2;
	s1 =	sadd.s32 $0x2, s1;
	[tilespmem:s0+$0x9060] =	vst v14;
	v11 =	vadd.f32 v11, v6;
	v14 =	vld [tilespmem:s0+$0x90D0]  }
0x266: {  	s4 =	sor.u32 s5, s4;
	p1 =	slt.u32 s1, $0x1E;
	[tilespmem:s0+$0x9070] =	vst v13;
	v9 =	vadd.f32 v9, v5;
	v13 =	vld [tilespmem:s0+$0x90E0]  }
0x267: {  	v15 =	vld [tilespmem:s4+$0x90F0];
	[tilespmem:s0+$0x9080] =	vst v11;
	v8 =	vadd.f32 v8, v4  }
0x268: {  	v11 =	vld [tilespmem:s4+$0x9000];
	[tilespmem:s0+$0x9090] =	vst v9;
	v9 =	vadd.f32 v10, v3  }
0x269: {  	v10 =	vld [tilespmem:s4+$0x9010];
	[tilespmem:s0+$0x90A0] =	vst v8;
	v8 =	vadd.f32 v12, v2  }
0x26a: {  	v12 =	vld [tilespmem:s4+$0x9020];
	[tilespmem:s0+$0x90B0] =	vst v9;
	v9 =	vadd.f32 v14, v0  }
0x26b: {  	v14 =	vld [tilespmem:s4+$0x9030];
	[tilespmem:s0+$0x90C0] =	vst v8;
	v8 =	vadd.f32 v13, v1  }
0x26c: {  	v13 =	vld [tilespmem:s4+$0x9040];
	v15 =	vadd.f32 v15, v7;
	[tilespmem:s0+$0x90D0] =	vst v9  }
0x26d: {  	v9 =	vadd.f32 v11, v6;
	v16 =	vld [tilespmem:s4+$0x9050];
	[tilespmem:s0+$0x90E0] =	vst v8;
	s0 =	smov.u32 s4  }
0x26e: {  	v8 =	vadd.f32 v10, v5;
	v10 =	vld [tilespmem:s0+$0x9060];
	[tilespmem:s0+$0x90F0] =	vst v15  }
0x26f: {  	[tilespmem:s0+$0x9000] =	vst v9;
	v9 =	vadd.f32 v12, v4;
	v12 =	vld [tilespmem:s0+$0x9070]  }
.Ltmp8:
0x270: {  	[tilespmem:s0+$0x9010] =	vst v8;
	v8 =	vadd.f32 v14, v3;
	v11 =	vld [tilespmem:s0+$0x9080];
	(pc) =	sbr.rel @p1 .LBB2_19-.Ltmp8, $4  }
0x271: {  	[tilespmem:s0+$0x9020] =	vst v9;
	v13 =	vadd.f32 v13, v2;
	v9 =	vld [tilespmem:s0+$0x9090]  }
0x272: {  	[tilespmem:s0+$0x9030] =	vst v8;
	v15 =	vadd.f32 v16, v0;
	v8 =	vld [tilespmem:s0+$0x90A0]  }
0x273: {  	[tilespmem:s0+$0x9040] =	vst v13;
	v14 =	vadd.f32 v10, v1;
	v10 =	vld [tilespmem:s0+$0x90B0]  }
0x274: {  	s2 =	sadd.s32 $0x100, s2;
	s3 =	sadd.s32 $0x800, s3;
	[tilespmem:s0+$0x9050] =	vst v15;
	v13 =	vadd.f32 v12, v7;
	v12 =	vld [tilespmem:s0+$0x90C0]  }
0x275: {  	[tilespmem:s0+$0x9060] =	vst v14;
	v6 =	vadd.f32 v11, v6;
	v7 =	vld [tilespmem:s0+$0x90D0]  }
0x276: {  	[tilespmem:s0+$0x9070] =	vst v13;
	v5 =	vadd.f32 v9, v5;
	v9 =	vld [tilespmem:s0+$0x90E0]  }
0x277: {  	[tilespmem:s0+$0x9080] =	vst v6;
	v4 =	vadd.f32 v8, v4  }
0x278: {  	[tilespmem:s0+$0x9090] =	vst v5;
	v3 =	vadd.f32 v10, v3  }
0x279: {  	[tilespmem:s0+$0x90A0] =	vst v4;
	v2 =	vadd.f32 v12, v2  }
0x27a: {  	[tilespmem:s0+$0x90B0] =	vst v3;
	v0 =	vadd.f32 v7, v0  }
0x27b: {  	[tilespmem:s0+$0x90C0] =	vst v2;
	v1 =	vadd.f32 v9, v1  }
0x27c: {  	[tilespmem:s0+$0x90D0] =	vst v0  }
0x27d: {  	[tilespmem:s0+$0x90E0] =	vst v1  }
0x27e: {  	v6 =	vld [tilespmem:$0x300]  }
0x27f: {  	v5 =	vld [tilespmem:$0x310]  }
0x280: {  	v4 =	vld [tilespmem:$0x320]  }
0x281: {  	v3 =	vld [tilespmem:$0x330]  }
0x282: {  	v2 =	vld [tilespmem:$0x340]  }
0x283: {  	s31 =	simm.s32 $0x0;
	v0 =	vld [tilespmem:$0x350]  }
0x284: {  	s1 =	sand.u32 $0x6000, s31;
	s0 =	sand.u32 $0x300, s31;
	v1 =	vld [tilespmem:$0x360]  }
0x285: {  	v7 =	vld [tilespmem:$0x370];
	s0 =	sor.u32 s0, s1  }
0x286: {  	v9 =	vld [tilespmem:s0+$0x9400]  }
0x287: {  	v8 =	vld [tilespmem:s0+$0x94F0]  }
0x288: {  	v10 =	vld [tilespmem:s0+$0x9410]  }
0x289: {  	v11 =	vld [tilespmem:s0+$0x9420]  }
0x28a: {  	v12 =	vld [tilespmem:s0+$0x9430]  }
0x28b: {  	v13 =	vld [tilespmem:s0+$0x9440];
	v9 =	vadd.f32 v9, v6  }
0x28c: {  	v14 =	vld [tilespmem:s0+$0x9450];
	v8 =	vadd.f32 v8, v7  }
0x28d: {  	v15 =	vld [tilespmem:s0+$0x9460];
	v10 =	vadd.f32 v10, v5;
	[tilespmem:s0+$0x9400] =	vst v9  }
0x28e: {  	v16 =	vld [tilespmem:s0+$0x9470];
	[tilespmem:s0+$0x94F0] =	vst v8;
	v8 =	vadd.f32 v11, v4  }
0x28f: {  	[tilespmem:s0+$0x9410] =	vst v10;
	v9 =	vadd.f32 v12, v3;
	v11 =	vld [tilespmem:s0+$0x9480]  }
0x290: {  	v12 =	vadd.f32 v13, v2;
	v10 =	vld [tilespmem:s0+$0x9490];
	[tilespmem:s0+$0x9420] =	vst v8  }
0x291: {  	v13 =	vadd.f32 v14, v0;
	[tilespmem:s0+$0x9430] =	vst v9;
	v8 =	vld [tilespmem:s0+$0x94A0]  }
0x292: {  	v14 =	vadd.f32 v15, v1;
	[tilespmem:s0+$0x9440] =	vst v12;
	v9 =	vld [tilespmem:s0+$0x94B0]  }
0x293: {  	s2 =	simm.s32 $0x100;
	s3 =	simm.s32 $0x800;
	s1 =	simm.s32 $0x0;
	[tilespmem:s0+$0x9450] =	vst v13;
	v13 =	vadd.f32 v16, v7;
	v12 =	vld [tilespmem:s0+$0x94C0]  }
.LBB2_21:
0x294: {  	s4 =	sand.u32 $0x6000, s3;
	s5 =	sand.u32 $0x300, s2;
	s1 =	sadd.s32 $0x2, s1;
	[tilespmem:s0+$0x9460] =	vst v14;
	v11 =	vadd.f32 v11, v6;
	v14 =	vld [tilespmem:s0+$0x94D0]  }
0x295: {  	s4 =	sor.u32 s5, s4;
	p1 =	slt.u32 s1, $0x1E;
	[tilespmem:s0+$0x9470] =	vst v13;
	v10 =	vadd.f32 v10, v5;
	v13 =	vld [tilespmem:s0+$0x94E0]  }
0x296: {  	v15 =	vld [tilespmem:s4+$0x94F0];
	[tilespmem:s0+$0x9480] =	vst v11;
	v8 =	vadd.f32 v8, v4  }
0x297: {  	v11 =	vld [tilespmem:s4+$0x9400];
	[tilespmem:s0+$0x9490] =	vst v10;
	v9 =	vadd.f32 v9, v3  }
0x298: {  	v10 =	vld [tilespmem:s4+$0x9410];
	[tilespmem:s0+$0x94A0] =	vst v8;
	v8 =	vadd.f32 v12, v2  }
0x299: {  	v12 =	vld [tilespmem:s4+$0x9420];
	[tilespmem:s0+$0x94B0] =	vst v9;
	v9 =	vadd.f32 v14, v0  }
0x29a: {  	v14 =	vld [tilespmem:s4+$0x9430];
	[tilespmem:s0+$0x94C0] =	vst v8;
	v8 =	vadd.f32 v13, v1  }
0x29b: {  	v13 =	vld [tilespmem:s4+$0x9440];
	v15 =	vadd.f32 v15, v7;
	[tilespmem:s0+$0x94D0] =	vst v9  }
0x29c: {  	v9 =	vadd.f32 v11, v6;
	v16 =	vld [tilespmem:s4+$0x9450];
	[tilespmem:s0+$0x94E0] =	vst v8;
	s0 =	smov.u32 s4  }
0x29d: {  	v8 =	vadd.f32 v10, v5;
	v17 =	vld [tilespmem:s0+$0x9460];
	[tilespmem:s0+$0x94F0] =	vst v15  }
0x29e: {  	[tilespmem:s0+$0x9400] =	vst v9;
	v9 =	vadd.f32 v12, v4;
	v12 =	vld [tilespmem:s0+$0x9470]  }
.Ltmp9:
0x29f: {  	[tilespmem:s0+$0x9410] =	vst v8;
	v8 =	vadd.f32 v14, v3;
	v11 =	vld [tilespmem:s0+$0x9480];
	(pc) =	sbr.rel @p1 .LBB2_21-.Ltmp9, $4  }
0x2a0: {  	[tilespmem:s0+$0x9420] =	vst v9;
	v9 =	vadd.f32 v13, v2;
	v10 =	vld [tilespmem:s0+$0x9490]  }
0x2a1: {  	[tilespmem:s0+$0x9430] =	vst v8;
	v13 =	vadd.f32 v16, v0;
	v8 =	vld [tilespmem:s0+$0x94A0]  }
0x2a2: {  	[tilespmem:s0+$0x9440] =	vst v9;
	v14 =	vadd.f32 v17, v1;
	v9 =	vld [tilespmem:s0+$0x94B0]  }
0x2a3: {  	s2 =	sadd.s32 $0x100, s2;
	s3 =	sadd.s32 $0x800, s3;
	[tilespmem:s0+$0x9450] =	vst v13;
	v13 =	vadd.f32 v12, v7;
	v12 =	vld [tilespmem:s0+$0x94C0]  }
0x2a4: {  	[tilespmem:s0+$0x9460] =	vst v14;
	v6 =	vadd.f32 v11, v6;
	v7 =	vld [tilespmem:s0+$0x94D0]  }
0x2a5: {  	[tilespmem:s0+$0x9470] =	vst v13;
	v5 =	vadd.f32 v10, v5;
	v10 =	vld [tilespmem:s0+$0x94E0]  }
0x2a6: {  	[tilespmem:s0+$0x9480] =	vst v6;
	v4 =	vadd.f32 v8, v4  }
0x2a7: {  	[tilespmem:s0+$0x9490] =	vst v5;
	v3 =	vadd.f32 v9, v3  }
0x2a8: {  	[tilespmem:s0+$0x94A0] =	vst v4;
	v2 =	vadd.f32 v12, v2  }
0x2a9: {  	[tilespmem:s0+$0x94B0] =	vst v3;
	v0 =	vadd.f32 v7, v0  }
0x2aa: {  	[tilespmem:s0+$0x94C0] =	vst v2;
	v1 =	vadd.f32 v10, v1  }
0x2ab: {  	[tilespmem:s0+$0x94D0] =	vst v0  }
0x2ac: {  	[tilespmem:s0+$0x94E0] =	vst v1  }
0x2ad: {  	v6 =	vld [tilespmem:$0x500]  }
0x2ae: {  	v5 =	vld [tilespmem:$0x510]  }
0x2af: {  	v4 =	vld [tilespmem:$0x520]  }
0x2b0: {  	v3 =	vld [tilespmem:$0x530]  }
0x2b1: {  	v2 =	vld [tilespmem:$0x540]  }
0x2b2: {  	s31 =	simm.s32 $0x0;
	v0 =	vld [tilespmem:$0x550]  }
0x2b3: {  	s1 =	sand.u32 $0x6000, s31;
	s0 =	sand.u32 $0x300, s31;
	v1 =	vld [tilespmem:$0x560]  }
0x2b4: {  	v7 =	vld [tilespmem:$0x570];
	s0 =	sor.u32 s0, s1  }
0x2b5: {  	v9 =	vld [tilespmem:s0+$0x9800]  }
0x2b6: {  	v8 =	vld [tilespmem:s0+$0x98F0]  }
0x2b7: {  	v10 =	vld [tilespmem:s0+$0x9810]  }
0x2b8: {  	v11 =	vld [tilespmem:s0+$0x9820]  }
0x2b9: {  	v12 =	vld [tilespmem:s0+$0x9830]  }
0x2ba: {  	v13 =	vld [tilespmem:s0+$0x9840];
	v9 =	vadd.f32 v9, v6  }
0x2bb: {  	v14 =	vld [tilespmem:s0+$0x9850];
	v8 =	vadd.f32 v8, v7  }
0x2bc: {  	v15 =	vld [tilespmem:s0+$0x9860];
	v10 =	vadd.f32 v10, v5;
	[tilespmem:s0+$0x9800] =	vst v9  }
0x2bd: {  	v16 =	vld [tilespmem:s0+$0x9870];
	[tilespmem:s0+$0x98F0] =	vst v8;
	v8 =	vadd.f32 v11, v4  }
0x2be: {  	[tilespmem:s0+$0x9810] =	vst v10;
	v9 =	vadd.f32 v12, v3;
	v11 =	vld [tilespmem:s0+$0x9880]  }
0x2bf: {  	v12 =	vadd.f32 v13, v2;
	v10 =	vld [tilespmem:s0+$0x9890];
	[tilespmem:s0+$0x9820] =	vst v8  }
0x2c0: {  	v13 =	vadd.f32 v14, v0;
	[tilespmem:s0+$0x9830] =	vst v9;
	v8 =	vld [tilespmem:s0+$0x98A0]  }
0x2c1: {  	v14 =	vadd.f32 v15, v1;
	[tilespmem:s0+$0x9840] =	vst v12;
	v9 =	vld [tilespmem:s0+$0x98B0]  }
0x2c2: {  	s2 =	simm.s32 $0x100;
	s3 =	simm.s32 $0x800;
	s1 =	simm.s32 $0x0;
	[tilespmem:s0+$0x9850] =	vst v13;
	v13 =	vadd.f32 v16, v7;
	v12 =	vld [tilespmem:s0+$0x98C0]  }
.LBB2_23:
0x2c3: {  	s4 =	sand.u32 $0x6000, s3;
	s5 =	sand.u32 $0x300, s2;
	s1 =	sadd.s32 $0x2, s1;
	[tilespmem:s0+$0x9860] =	vst v14;
	v11 =	vadd.f32 v11, v6;
	v14 =	vld [tilespmem:s0+$0x98D0]  }
0x2c4: {  	s4 =	sor.u32 s5, s4;
	p1 =	slt.u32 s1, $0x1E;
	[tilespmem:s0+$0x9870] =	vst v13;
	v10 =	vadd.f32 v10, v5;
	v13 =	vld [tilespmem:s0+$0x98E0]  }
0x2c5: {  	v15 =	vld [tilespmem:s4+$0x98F0];
	[tilespmem:s0+$0x9880] =	vst v11;
	v8 =	vadd.f32 v8, v4  }
0x2c6: {  	v11 =	vld [tilespmem:s4+$0x9800];
	[tilespmem:s0+$0x9890] =	vst v10;
	v9 =	vadd.f32 v9, v3  }
0x2c7: {  	v10 =	vld [tilespmem:s4+$0x9810];
	[tilespmem:s0+$0x98A0] =	vst v8;
	v8 =	vadd.f32 v12, v2  }
0x2c8: {  	v12 =	vld [tilespmem:s4+$0x9820];
	[tilespmem:s0+$0x98B0] =	vst v9;
	v9 =	vadd.f32 v14, v0  }
0x2c9: {  	v14 =	vld [tilespmem:s4+$0x9830];
	[tilespmem:s0+$0x98C0] =	vst v8;
	v8 =	vadd.f32 v13, v1  }
0x2ca: {  	v13 =	vld [tilespmem:s4+$0x9840];
	v15 =	vadd.f32 v15, v7;
	[tilespmem:s0+$0x98D0] =	vst v9  }
0x2cb: {  	v9 =	vadd.f32 v11, v6;
	v16 =	vld [tilespmem:s4+$0x9850];
	[tilespmem:s0+$0x98E0] =	vst v8;
	s0 =	smov.u32 s4  }
0x2cc: {  	v8 =	vadd.f32 v10, v5;
	v17 =	vld [tilespmem:s0+$0x9860];
	[tilespmem:s0+$0x98F0] =	vst v15  }
0x2cd: {  	[tilespmem:s0+$0x9800] =	vst v9;
	v9 =	vadd.f32 v12, v4;
	v12 =	vld [tilespmem:s0+$0x9870]  }
.Ltmp10:
0x2ce: {  	[tilespmem:s0+$0x9810] =	vst v8;
	v8 =	vadd.f32 v14, v3;
	v11 =	vld [tilespmem:s0+$0x9880];
	(pc) =	sbr.rel @p1 .LBB2_23-.Ltmp10, $4  }
0x2cf: {  	[tilespmem:s0+$0x9820] =	vst v9;
	v9 =	vadd.f32 v13, v2;
	v10 =	vld [tilespmem:s0+$0x9890]  }
0x2d0: {  	[tilespmem:s0+$0x9830] =	vst v8;
	v13 =	vadd.f32 v16, v0;
	v8 =	vld [tilespmem:s0+$0x98A0]  }
0x2d1: {  	[tilespmem:s0+$0x9840] =	vst v9;
	v14 =	vadd.f32 v17, v1;
	v9 =	vld [tilespmem:s0+$0x98B0]  }
0x2d2: {  	s2 =	sadd.s32 $0x100, s2;
	s3 =	sadd.s32 $0x800, s3;
	[tilespmem:s0+$0x9850] =	vst v13;
	v13 =	vadd.f32 v12, v7;
	v12 =	vld [tilespmem:s0+$0x98C0]  }
0x2d3: {  	[tilespmem:s0+$0x9860] =	vst v14;
	v6 =	vadd.f32 v11, v6;
	v7 =	vld [tilespmem:s0+$0x98D0]  }
0x2d4: {  	[tilespmem:s0+$0x9870] =	vst v13;
	v5 =	vadd.f32 v10, v5;
	v10 =	vld [tilespmem:s0+$0x98E0]  }
0x2d5: {  	[tilespmem:s0+$0x9880] =	vst v6;
	v4 =	vadd.f32 v8, v4  }
0x2d6: {  	[tilespmem:s0+$0x9890] =	vst v5;
	v3 =	vadd.f32 v9, v3  }
0x2d7: {  	[tilespmem:s0+$0x98A0] =	vst v4;
	v2 =	vadd.f32 v12, v2  }
0x2d8: {  	[tilespmem:s0+$0x98B0] =	vst v3;
	v0 =	vadd.f32 v7, v0  }
0x2d9: {  	[tilespmem:s0+$0x98C0] =	vst v2;
	v1 =	vadd.f32 v10, v1  }
0x2da: {  	[tilespmem:s0+$0x98D0] =	vst v0  }
0x2db: {  	[tilespmem:s0+$0x98E0] =	vst v1  }
0x2dc: {  	v6 =	vld [tilespmem:$0x700]  }
0x2dd: {  	v5 =	vld [tilespmem:$0x710]  }
0x2de: {  	v4 =	vld [tilespmem:$0x720]  }
0x2df: {  	v3 =	vld [tilespmem:$0x730]  }
0x2e0: {  	v2 =	vld [tilespmem:$0x740]  }
0x2e1: {  	s31 =	simm.s32 $0x0;
	v0 =	vld [tilespmem:$0x750]  }
0x2e2: {  	s1 =	sand.u32 $0x6000, s31;
	s0 =	sand.u32 $0x300, s31;
	v1 =	vld [tilespmem:$0x760]  }
0x2e3: {  	v7 =	vld [tilespmem:$0x770];
	s0 =	sor.u32 s0, s1  }
0x2e4: {  	v9 =	vld [tilespmem:s0+$0x9C00]  }
0x2e5: {  	v8 =	vld [tilespmem:s0+$0x9CF0]  }
0x2e6: {  	v10 =	vld [tilespmem:s0+$0x9C10]  }
0x2e7: {  	v11 =	vld [tilespmem:s0+$0x9C20]  }
0x2e8: {  	v12 =	vld [tilespmem:s0+$0x9C30]  }
0x2e9: {  	v13 =	vld [tilespmem:s0+$0x9C40];
	v9 =	vadd.f32 v9, v6  }
0x2ea: {  	v14 =	vld [tilespmem:s0+$0x9C50];
	v8 =	vadd.f32 v8, v7  }
0x2eb: {  	v15 =	vld [tilespmem:s0+$0x9C60];
	v10 =	vadd.f32 v10, v5;
	[tilespmem:s0+$0x9C00] =	vst v9  }
0x2ec: {  	v16 =	vld [tilespmem:s0+$0x9C70];
	[tilespmem:s0+$0x9CF0] =	vst v8;
	v8 =	vadd.f32 v11, v4  }
0x2ed: {  	[tilespmem:s0+$0x9C10] =	vst v10;
	v9 =	vadd.f32 v12, v3;
	v11 =	vld [tilespmem:s0+$0x9C80]  }
0x2ee: {  	v12 =	vadd.f32 v13, v2;
	v10 =	vld [tilespmem:s0+$0x9C90];
	[tilespmem:s0+$0x9C20] =	vst v8  }
0x2ef: {  	v13 =	vadd.f32 v14, v0;
	[tilespmem:s0+$0x9C30] =	vst v9;
	v8 =	vld [tilespmem:s0+$0x9CA0]  }
0x2f0: {  	v14 =	vadd.f32 v15, v1;
	[tilespmem:s0+$0x9C40] =	vst v12;
	v9 =	vld [tilespmem:s0+$0x9CB0]  }
0x2f1: {  	s2 =	simm.s32 $0x100;
	s3 =	simm.s32 $0x800;
	s1 =	simm.s32 $0x0;
	[tilespmem:s0+$0x9C50] =	vst v13;
	v13 =	vadd.f32 v16, v7;
	v12 =	vld [tilespmem:s0+$0x9CC0]  }
.LBB2_25:
0x2f2: {  	s4 =	sand.u32 $0x6000, s3;
	s5 =	sand.u32 $0x300, s2;
	s1 =	sadd.s32 $0x2, s1;
	[tilespmem:s0+$0x9C60] =	vst v14;
	v11 =	vadd.f32 v11, v6;
	v14 =	vld [tilespmem:s0+$0x9CD0]  }
0x2f3: {  	s4 =	sor.u32 s5, s4;
	p1 =	slt.u32 s1, $0x1E;
	[tilespmem:s0+$0x9C70] =	vst v13;
	v10 =	vadd.f32 v10, v5;
	v13 =	vld [tilespmem:s0+$0x9CE0]  }
0x2f4: {  	v15 =	vld [tilespmem:s4+$0x9CF0];
	[tilespmem:s0+$0x9C80] =	vst v11;
	v8 =	vadd.f32 v8, v4  }
0x2f5: {  	v11 =	vld [tilespmem:s4+$0x9C00];
	[tilespmem:s0+$0x9C90] =	vst v10;
	v9 =	vadd.f32 v9, v3  }
0x2f6: {  	v10 =	vld [tilespmem:s4+$0x9C10];
	[tilespmem:s0+$0x9CA0] =	vst v8;
	v8 =	vadd.f32 v12, v2  }
0x2f7: {  	v12 =	vld [tilespmem:s4+$0x9C20];
	[tilespmem:s0+$0x9CB0] =	vst v9;
	v9 =	vadd.f32 v14, v0  }
0x2f8: {  	v14 =	vld [tilespmem:s4+$0x9C30];
	[tilespmem:s0+$0x9CC0] =	vst v8;
	v8 =	vadd.f32 v13, v1  }
0x2f9: {  	v13 =	vld [tilespmem:s4+$0x9C40];
	v15 =	vadd.f32 v15, v7;
	[tilespmem:s0+$0x9CD0] =	vst v9  }
0x2fa: {  	v9 =	vadd.f32 v11, v6;
	v16 =	vld [tilespmem:s4+$0x9C50];
	[tilespmem:s0+$0x9CE0] =	vst v8;
	s0 =	smov.u32 s4  }
0x2fb: {  	v8 =	vadd.f32 v10, v5;
	v17 =	vld [tilespmem:s0+$0x9C60];
	[tilespmem:s0+$0x9CF0] =	vst v15  }
0x2fc: {  	[tilespmem:s0+$0x9C00] =	vst v9;
	v9 =	vadd.f32 v12, v4;
	v12 =	vld [tilespmem:s0+$0x9C70]  }
.Ltmp11:
0x2fd: {  	[tilespmem:s0+$0x9C10] =	vst v8;
	v8 =	vadd.f32 v14, v3;
	v11 =	vld [tilespmem:s0+$0x9C80];
	(pc) =	sbr.rel @p1 .LBB2_25-.Ltmp11, $4  }
0x2fe: {  	[tilespmem:s0+$0x9C20] =	vst v9;
	v9 =	vadd.f32 v13, v2;
	v10 =	vld [tilespmem:s0+$0x9C90]  }
0x2ff: {  	[tilespmem:s0+$0x9C30] =	vst v8;
	v13 =	vadd.f32 v16, v0;
	v8 =	vld [tilespmem:s0+$0x9CA0]  }
0x300: {  	[tilespmem:s0+$0x9C40] =	vst v9;
	v14 =	vadd.f32 v17, v1;
	v9 =	vld [tilespmem:s0+$0x9CB0]  }
0x301: {  	s2 =	sadd.s32 $0x100, s2;
	s3 =	sadd.s32 $0x800, s3;
	[tilespmem:s0+$0x9C50] =	vst v13;
	v13 =	vadd.f32 v12, v7;
	v12 =	vld [tilespmem:s0+$0x9CC0]  }
0x302: {  	[tilespmem:s0+$0x9C60] =	vst v14;
	v6 =	vadd.f32 v11, v6;
	v7 =	vld [tilespmem:s0+$0x9CD0]  }
0x303: {  	[tilespmem:s0+$0x9C70] =	vst v13;
	v5 =	vadd.f32 v10, v5;
	v10 =	vld [tilespmem:s0+$0x9CE0]  }
0x304: {  	[tilespmem:s0+$0x9C80] =	vst v6;
	v4 =	vadd.f32 v8, v4  }
0x305: {  	[tilespmem:s0+$0x9C90] =	vst v5;
	v3 =	vadd.f32 v9, v3  }
0x306: {  	[tilespmem:s0+$0x9CA0] =	vst v4;
	v2 =	vadd.f32 v12, v2  }
0x307: {  	[tilespmem:s0+$0x9CB0] =	vst v3;
	v0 =	vadd.f32 v7, v0  }
0x308: {  	[tilespmem:s0+$0x9CC0] =	vst v2;
	v1 =	vadd.f32 v10, v1  }
0x309: {  	[tilespmem:s0+$0x9CD0] =	vst v0  }
0x30a: {  	[tilespmem:s0+$0x9CE0] =	vst v1  }
0x30b: {  	v6 =	vld [tilespmem:$0x900]  }
0x30c: {  	v5 =	vld [tilespmem:$0x910]  }
0x30d: {  	v4 =	vld [tilespmem:$0x920]  }
0x30e: {  	v3 =	vld [tilespmem:$0x930]  }
0x30f: {  	v2 =	vld [tilespmem:$0x940]  }
0x310: {  	s31 =	simm.s32 $0x0;
	v0 =	vld [tilespmem:$0x950]  }
0x311: {  	s1 =	sand.u32 $0x6000, s31;
	s0 =	sand.u32 $0x300, s31;
	v1 =	vld [tilespmem:$0x960]  }
0x312: {  	v7 =	vld [tilespmem:$0x970];
	s0 =	sor.u32 s0, s1  }
0x313: {  	v9 =	vld [tilespmem:s0+$0xA000]  }
0x314: {  	v8 =	vld [tilespmem:s0+$0xA0F0]  }
0x315: {  	v10 =	vld [tilespmem:s0+$0xA010]  }
0x316: {  	v11 =	vld [tilespmem:s0+$0xA020]  }
0x317: {  	v12 =	vld [tilespmem:s0+$0xA030]  }
0x318: {  	v13 =	vld [tilespmem:s0+$0xA040];
	v9 =	vadd.f32 v9, v6  }
0x319: {  	v14 =	vld [tilespmem:s0+$0xA050];
	v8 =	vadd.f32 v8, v7  }
0x31a: {  	v15 =	vld [tilespmem:s0+$0xA060];
	v10 =	vadd.f32 v10, v5;
	[tilespmem:s0+$0xA000] =	vst v9  }
0x31b: {  	v16 =	vld [tilespmem:s0+$0xA070];
	[tilespmem:s0+$0xA0F0] =	vst v8;
	v8 =	vadd.f32 v11, v4  }
0x31c: {  	[tilespmem:s0+$0xA010] =	vst v10;
	v9 =	vadd.f32 v12, v3;
	v11 =	vld [tilespmem:s0+$0xA080]  }
0x31d: {  	v12 =	vadd.f32 v13, v2;
	v10 =	vld [tilespmem:s0+$0xA090];
	[tilespmem:s0+$0xA020] =	vst v8  }
0x31e: {  	v13 =	vadd.f32 v14, v0;
	[tilespmem:s0+$0xA030] =	vst v9;
	v8 =	vld [tilespmem:s0+$0xA0A0]  }
0x31f: {  	v14 =	vadd.f32 v15, v1;
	[tilespmem:s0+$0xA040] =	vst v12;
	v9 =	vld [tilespmem:s0+$0xA0B0]  }
0x320: {  	s2 =	simm.s32 $0x100;
	s3 =	simm.s32 $0x800;
	s1 =	simm.s32 $0x0;
	[tilespmem:s0+$0xA050] =	vst v13;
	v13 =	vadd.f32 v16, v7;
	v12 =	vld [tilespmem:s0+$0xA0C0]  }
.LBB2_27:
0x321: {  	s4 =	sand.u32 $0x6000, s3;
	s5 =	sand.u32 $0x300, s2;
	s1 =	sadd.s32 $0x2, s1;
	[tilespmem:s0+$0xA060] =	vst v14;
	v11 =	vadd.f32 v11, v6;
	v14 =	vld [tilespmem:s0+$0xA0D0]  }
0x322: {  	s4 =	sor.u32 s5, s4;
	p1 =	slt.u32 s1, $0x1E;
	[tilespmem:s0+$0xA070] =	vst v13;
	v10 =	vadd.f32 v10, v5;
	v13 =	vld [tilespmem:s0+$0xA0E0]  }
0x323: {  	v15 =	vld [tilespmem:s4+$0xA0F0];
	[tilespmem:s0+$0xA080] =	vst v11;
	v8 =	vadd.f32 v8, v4  }
0x324: {  	v11 =	vld [tilespmem:s4+$0xA000];
	[tilespmem:s0+$0xA090] =	vst v10;
	v9 =	vadd.f32 v9, v3  }
0x325: {  	v10 =	vld [tilespmem:s4+$0xA010];
	[tilespmem:s0+$0xA0A0] =	vst v8;
	v8 =	vadd.f32 v12, v2  }
0x326: {  	v12 =	vld [tilespmem:s4+$0xA020];
	[tilespmem:s0+$0xA0B0] =	vst v9;
	v9 =	vadd.f32 v14, v0  }
0x327: {  	v14 =	vld [tilespmem:s4+$0xA030];
	[tilespmem:s0+$0xA0C0] =	vst v8;
	v8 =	vadd.f32 v13, v1  }
0x328: {  	v13 =	vld [tilespmem:s4+$0xA040];
	v15 =	vadd.f32 v15, v7;
	[tilespmem:s0+$0xA0D0] =	vst v9  }
0x329: {  	v9 =	vadd.f32 v11, v6;
	v16 =	vld [tilespmem:s4+$0xA050];
	[tilespmem:s0+$0xA0E0] =	vst v8;
	s0 =	smov.u32 s4  }
0x32a: {  	v8 =	vadd.f32 v10, v5;
	v17 =	vld [tilespmem:s0+$0xA060];
	[tilespmem:s0+$0xA0F0] =	vst v15  }
0x32b: {  	[tilespmem:s0+$0xA000] =	vst v9;
	v9 =	vadd.f32 v12, v4;
	v12 =	vld [tilespmem:s0+$0xA070]  }
.Ltmp12:
0x32c: {  	[tilespmem:s0+$0xA010] =	vst v8;
	v8 =	vadd.f32 v14, v3;
	v11 =	vld [tilespmem:s0+$0xA080];
	(pc) =	sbr.rel @p1 .LBB2_27-.Ltmp12, $4  }
0x32d: {  	[tilespmem:s0+$0xA020] =	vst v9;
	v9 =	vadd.f32 v13, v2;
	v10 =	vld [tilespmem:s0+$0xA090]  }
0x32e: {  	[tilespmem:s0+$0xA030] =	vst v8;
	v13 =	vadd.f32 v16, v0;
	v8 =	vld [tilespmem:s0+$0xA0A0]  }
0x32f: {  	[tilespmem:s0+$0xA040] =	vst v9;
	v14 =	vadd.f32 v17, v1;
	v9 =	vld [tilespmem:s0+$0xA0B0]  }
0x330: {  	s2 =	sadd.s32 $0x100, s2;
	s3 =	sadd.s32 $0x800, s3;
	[tilespmem:s0+$0xA050] =	vst v13;
	v13 =	vadd.f32 v12, v7;
	v12 =	vld [tilespmem:s0+$0xA0C0]  }
0x331: {  	[tilespmem:s0+$0xA060] =	vst v14;
	v6 =	vadd.f32 v11, v6;
	v7 =	vld [tilespmem:s0+$0xA0D0]  }
0x332: {  	[tilespmem:s0+$0xA070] =	vst v13;
	v5 =	vadd.f32 v10, v5;
	v10 =	vld [tilespmem:s0+$0xA0E0]  }
0x333: {  	[tilespmem:s0+$0xA080] =	vst v6;
	v4 =	vadd.f32 v8, v4  }
0x334: {  	[tilespmem:s0+$0xA090] =	vst v5;
	v3 =	vadd.f32 v9, v3  }
0x335: {  	[tilespmem:s0+$0xA0A0] =	vst v4;
	v2 =	vadd.f32 v12, v2  }
0x336: {  	[tilespmem:s0+$0xA0B0] =	vst v3;
	v0 =	vadd.f32 v7, v0  }
0x337: {  	[tilespmem:s0+$0xA0C0] =	vst v2;
	v1 =	vadd.f32 v10, v1  }
0x338: {  	[tilespmem:s0+$0xA0D0] =	vst v0  }
0x339: {  	[tilespmem:s0+$0xA0E0] =	vst v1  }
0x33a: {  	v6 =	vld [tilespmem:$0xB00]  }
0x33b: {  	v5 =	vld [tilespmem:$0xB10]  }
0x33c: {  	v4 =	vld [tilespmem:$0xB20]  }
0x33d: {  	v3 =	vld [tilespmem:$0xB30]  }
0x33e: {  	v2 =	vld [tilespmem:$0xB40]  }
0x33f: {  	s31 =	simm.s32 $0x0;
	v0 =	vld [tilespmem:$0xB50]  }
0x340: {  	s1 =	sand.u32 $0x6000, s31;
	s0 =	sand.u32 $0x300, s31;
	v1 =	vld [tilespmem:$0xB60]  }
0x341: {  	v7 =	vld [tilespmem:$0xB70];
	s0 =	sor.u32 s0, s1  }
0x342: {  	v9 =	vld [tilespmem:s0+$0xA400]  }
0x343: {  	v8 =	vld [tilespmem:s0+$0xA4F0]  }
0x344: {  	v10 =	vld [tilespmem:s0+$0xA410]  }
0x345: {  	v11 =	vld [tilespmem:s0+$0xA420]  }
0x346: {  	v12 =	vld [tilespmem:s0+$0xA430]  }
0x347: {  	v13 =	vld [tilespmem:s0+$0xA440];
	v9 =	vadd.f32 v9, v6  }
0x348: {  	v14 =	vld [tilespmem:s0+$0xA450];
	v8 =	vadd.f32 v8, v7  }
0x349: {  	v15 =	vld [tilespmem:s0+$0xA460];
	v10 =	vadd.f32 v10, v5;
	[tilespmem:s0+$0xA400] =	vst v9  }
0x34a: {  	v16 =	vld [tilespmem:s0+$0xA470];
	[tilespmem:s0+$0xA4F0] =	vst v8;
	v8 =	vadd.f32 v11, v4  }
0x34b: {  	[tilespmem:s0+$0xA410] =	vst v10;
	v9 =	vadd.f32 v12, v3;
	v11 =	vld [tilespmem:s0+$0xA480]  }
0x34c: {  	v12 =	vadd.f32 v13, v2;
	v10 =	vld [tilespmem:s0+$0xA490];
	[tilespmem:s0+$0xA420] =	vst v8  }
0x34d: {  	v13 =	vadd.f32 v14, v0;
	[tilespmem:s0+$0xA430] =	vst v9;
	v8 =	vld [tilespmem:s0+$0xA4A0]  }
0x34e: {  	v14 =	vadd.f32 v15, v1;
	[tilespmem:s0+$0xA440] =	vst v12;
	v9 =	vld [tilespmem:s0+$0xA4B0]  }
0x34f: {  	s2 =	simm.s32 $0x100;
	s3 =	simm.s32 $0x800;
	s1 =	simm.s32 $0x0;
	[tilespmem:s0+$0xA450] =	vst v13;
	v13 =	vadd.f32 v16, v7;
	v12 =	vld [tilespmem:s0+$0xA4C0]  }
.LBB2_29:
0x350: {  	s4 =	sand.u32 $0x6000, s3;
	s5 =	sand.u32 $0x300, s2;
	s1 =	sadd.s32 $0x2, s1;
	[tilespmem:s0+$0xA460] =	vst v14;
	v11 =	vadd.f32 v11, v6;
	v14 =	vld [tilespmem:s0+$0xA4D0]  }
0x351: {  	s4 =	sor.u32 s5, s4;
	p1 =	slt.u32 s1, $0x1E;
	[tilespmem:s0+$0xA470] =	vst v13;
	v10 =	vadd.f32 v10, v5;
	v13 =	vld [tilespmem:s0+$0xA4E0]  }
0x352: {  	v15 =	vld [tilespmem:s4+$0xA4F0];
	[tilespmem:s0+$0xA480] =	vst v11;
	v8 =	vadd.f32 v8, v4  }
0x353: {  	v11 =	vld [tilespmem:s4+$0xA400];
	[tilespmem:s0+$0xA490] =	vst v10;
	v9 =	vadd.f32 v9, v3  }
0x354: {  	v10 =	vld [tilespmem:s4+$0xA410];
	[tilespmem:s0+$0xA4A0] =	vst v8;
	v8 =	vadd.f32 v12, v2  }
0x355: {  	v12 =	vld [tilespmem:s4+$0xA420];
	[tilespmem:s0+$0xA4B0] =	vst v9;
	v9 =	vadd.f32 v14, v0  }
0x356: {  	v14 =	vld [tilespmem:s4+$0xA430];
	[tilespmem:s0+$0xA4C0] =	vst v8;
	v8 =	vadd.f32 v13, v1  }
0x357: {  	v13 =	vld [tilespmem:s4+$0xA440];
	v15 =	vadd.f32 v15, v7;
	[tilespmem:s0+$0xA4D0] =	vst v9  }
0x358: {  	v9 =	vadd.f32 v11, v6;
	v16 =	vld [tilespmem:s4+$0xA450];
	[tilespmem:s0+$0xA4E0] =	vst v8;
	s0 =	smov.u32 s4  }
0x359: {  	v8 =	vadd.f32 v10, v5;
	v17 =	vld [tilespmem:s0+$0xA460];
	[tilespmem:s0+$0xA4F0] =	vst v15  }
0x35a: {  	[tilespmem:s0+$0xA400] =	vst v9;
	v9 =	vadd.f32 v12, v4;
	v12 =	vld [tilespmem:s0+$0xA470]  }
.Ltmp13:
0x35b: {  	[tilespmem:s0+$0xA410] =	vst v8;
	v8 =	vadd.f32 v14, v3;
	v11 =	vld [tilespmem:s0+$0xA480];
	(pc) =	sbr.rel @p1 .LBB2_29-.Ltmp13, $4  }
0x35c: {  	[tilespmem:s0+$0xA420] =	vst v9;
	v9 =	vadd.f32 v13, v2;
	v10 =	vld [tilespmem:s0+$0xA490]  }
0x35d: {  	[tilespmem:s0+$0xA430] =	vst v8;
	v13 =	vadd.f32 v16, v0;
	v8 =	vld [tilespmem:s0+$0xA4A0]  }
0x35e: {  	[tilespmem:s0+$0xA440] =	vst v9;
	v14 =	vadd.f32 v17, v1;
	v9 =	vld [tilespmem:s0+$0xA4B0]  }
0x35f: {  	s2 =	sadd.s32 $0x100, s2;
	s3 =	sadd.s32 $0x800, s3;
	[tilespmem:s0+$0xA450] =	vst v13;
	v13 =	vadd.f32 v12, v7;
	v12 =	vld [tilespmem:s0+$0xA4C0]  }
0x360: {  	[tilespmem:s0+$0xA460] =	vst v14;
	v6 =	vadd.f32 v11, v6;
	v7 =	vld [tilespmem:s0+$0xA4D0]  }
0x361: {  	[tilespmem:s0+$0xA470] =	vst v13;
	v5 =	vadd.f32 v10, v5;
	v10 =	vld [tilespmem:s0+$0xA4E0]  }
0x362: {  	[tilespmem:s0+$0xA480] =	vst v6;
	v4 =	vadd.f32 v8, v4  }
0x363: {  	[tilespmem:s0+$0xA490] =	vst v5;
	v3 =	vadd.f32 v9, v3  }
0x364: {  	[tilespmem:s0+$0xA4A0] =	vst v4;
	v2 =	vadd.f32 v12, v2  }
0x365: {  	[tilespmem:s0+$0xA4B0] =	vst v3;
	v0 =	vadd.f32 v7, v0  }
0x366: {  	s1 =	simm.s32 $0x0;
	[tilespmem:s0+$0xA4C0] =	vst v2;
	v1 =	vadd.f32 v10, v1  }
0x367: {  	s7 =	sand.u32 $0x3, s1;
	[tilespmem:s0+$0xA4D0] =	vst v0  }
0x368: {  	[tilespmem:s0+$0xA4E0] =	vst v1;
	s0 =	sshll.u32 s7, $0x8  }
0x369: {  	v7 =	vld [tilespmem:$0xD00];
	s4 =	sadd.s32 $0x0, s0  }
0x36a: {  	v6 =	vld [tilespmem:$0xD10];
	s0 =	sor.u32 $0x1880, s4  }
0x36b: {  	s8 =	sor.u32 $0x1800, s4;
	v0 =	vld [tilespmem:s0+$0x9000]  }
0x36c: {  	v8 =	vld [tilespmem:s8+$0x9000]  }
0x36d: {  	v5 =	vld [tilespmem:$0xD20]  }
0x36e: {  	v4 =	vld [tilespmem:$0xD30]  }
0x36f: {  	v3 =	vld [tilespmem:$0xD40]  }
0x370: {  	v2 =	vld [tilespmem:$0xD50];
	v9 =	vadd.f32 v0, v7  }
0x371: {  	v1 =	vld [tilespmem:$0xD60];
	v8 =	vadd.f32 v8, v7  }
0x372: {  	s9 =	sor.u32 $0x1890, s4;
	v0 =	vld [tilespmem:$0xD70];
	[tilespmem:s0+$0x9000] =	vst v9  }
0x373: {  	s3 =	sor.u32 $0x1810, s4;
	[tilespmem:s8+$0x9000] =	vst v8;
	v9 =	vld [tilespmem:s9+$0x9000]  }
0x374: {  	v8 =	vld [tilespmem:s3+$0x9000]  }
0x375: {  	s2 =	simm.s32 $0x1  }
0x376: {  	s10 =	sand.u32 $0x3, s2  }
0x377: {  	s1 =	sshll.u32 s10, $0x8  }
0x378: {  	s31 =	sadd.s32 $0x800, s1;
	v9 =	vadd.f32 v9, v6  }
0x379: {  	s1 =	sor.u32 $0x1880, s31;
	v8 =	vadd.f32 v8, v6  }
0x37a: {  	s12 =	sor.u32 $0x1800, s31;
	[tilespmem:s9+$0x9000] =	vst v9;
	v9 =	vld [tilespmem:s1+$0x9000]  }
0x37b: {  	s11 =	sor.u32 $0x18A0, s4;
	[tilespmem:s3+$0x9000] =	vst v8;
	v8 =	vld [tilespmem:s12+$0x9000]  }
0x37c: {  	s5 =	sor.u32 $0x1820, s4;
	v10 =	vld [tilespmem:s11+$0x9000]  }
0x37d: {  	v11 =	vld [tilespmem:s5+$0x9000];
	_ =	sdelay $0x1  }
0x37e: {  	v9 =	vadd.f32 v9, v7  }
0x37f: {  	v8 =	vadd.f32 v8, v7  }
0x380: {  	s13 =	sor.u32 $0x1890, s31;
	v10 =	vadd.f32 v10, v5;
	[tilespmem:s1+$0x9000] =	vst v9  }
0x381: {  	s6 =	sor.u32 $0x1810, s31;
	v11 =	vadd.f32 v11, v5;
	[tilespmem:s12+$0x9000] =	vst v8;
	v9 =	vld [tilespmem:s13+$0x9000]  }
0x382: {  	s14 =	sor.u32 $0x18B0, s4;
	[tilespmem:s11+$0x9000] =	vst v10;
	v8 =	vld [tilespmem:s6+$0x9000]  }
0x383: {  	s15 =	simm.s32 $0x2;
	s17 =	sor.u32 $0x1830, s4;
	[tilespmem:s5+$0x9000] =	vst v11;
	v10 =	vld [tilespmem:s14+$0x9000]  }
0x384: {  	s16 =	sand.u32 $0x3, s15;
	v11 =	vld [tilespmem:s17+$0x9000]  }
0x385: {  	s2 =	sshll.u32 s16, $0x8  }
0x386: {  	s29 =	sadd.s32 $0x1000, s2;
	v9 =	vadd.f32 v9, v6  }
0x387: {  	s2 =	sor.u32 $0x1880, s29;
	v8 =	vadd.f32 v8, v6  }
0x388: {  	s20 =	sor.u32 $0x1800, s29;
	v10 =	vadd.f32 v10, v4;
	[tilespmem:s13+$0x9000] =	vst v9;
	v9 =	vld [tilespmem:s2+$0x9000]  }
0x389: {  	s18 =	sor.u32 $0x18A0, s31;
	v11 =	vadd.f32 v11, v4;
	[tilespmem:s6+$0x9000] =	vst v8;
	v8 =	vld [tilespmem:s20+$0x9000]  }
0x38a: {  	s19 =	sor.u32 $0x18C0, s4;
	[tilespmem:s14+$0x9000] =	vst v10;
	v10 =	vld [tilespmem:s18+$0x9000]  }
0x38b: {  	s21 =	sor.u32 $0x1840, s4;
	[tilespmem:s17+$0x9000] =	vst v11;
	v12 =	vld [tilespmem:s19+$0x9000]  }
0x38c: {  	s7 =	sor.u32 $0x1820, s31;
	v13 =	vld [tilespmem:s21+$0x9000]  }
0x38d: {  	v11 =	vld [tilespmem:s7+$0x9000];
	v9 =	vadd.f32 v9, v7  }
0x38e: {  	v8 =	vadd.f32 v8, v7  }
0x38f: {  	s22 =	sor.u32 $0x1890, s29;
	v10 =	vadd.f32 v10, v5;
	[tilespmem:s2+$0x9000] =	vst v9  }
0x390: {  	s8 =	sor.u32 $0x1810, s29;
	v9 =	vadd.f32 v12, v3;
	[tilespmem:s20+$0x9000] =	vst v8;
	v12 =	vld [tilespmem:s22+$0x9000]  }
0x391: {  	s23 =	sor.u32 $0x18B0, s31;
	v8 =	vadd.f32 v13, v3;
	[tilespmem:s18+$0x9000] =	vst v10;
	v13 =	vld [tilespmem:s8+$0x9000]  }
0x392: {  	s24 =	sor.u32 $0x18D0, s4;
	v10 =	vld [tilespmem:s23+$0x9000];
	[tilespmem:s19+$0x9000] =	vst v9;
	v9 =	vadd.f32 v11, v5  }
0x393: {  	s25 =	simm.s32 $0x3;
	v11 =	vld [tilespmem:s24+$0x9000]  }
0x394: {  	s26 =	sor.u32 $0x1830, s31;
	s3 =	sand.u32 $0x3, s25;
	[tilespmem:s7+$0x9000] =	vst v9  }
0x395: {  	s3 =	sshll.u32 s3, $0x8;
	v9 =	vadd.f32 v12, v6;
	v12 =	vld [tilespmem:s26+$0x9000]  }
0x396: {  	s9 =	sor.u32 $0x1850, s4;
	s28 =	sadd.s32 $0x1800, s3;
	[tilespmem:s21+$0x9000] =	vst v8  }
0x397: {  	s3 =	sor.u32 $0x1880, s28;
	v13 =	vadd.f32 v13, v6;
	v8 =	vadd.f32 v10, v4;
	v10 =	vld [tilespmem:s9+$0x9000]  }
0x398: {  	s17 =	sor.u32 $0x1800, s28;
	[tilespmem:s22+$0x9000] =	vst v9;
	v9 =	vadd.f32 v11, v2;
	v11 =	vld [tilespmem:s3+$0x9000]  }
0x399: {  	s10 =	sor.u32 $0x18A0, s29;
	[tilespmem:s8+$0x9000] =	vst v13;
	v13 =	vld [tilespmem:s17+$0x9000]  }
0x39a: {  	s13 =	sor.u32 $0x18C0, s31;
	[tilespmem:s23+$0x9000] =	vst v8;
	v8 =	vld [tilespmem:s10+$0x9000];
	v12 =	vadd.f32 v12, v4  }
0x39b: {  	s15 =	sor.u32 $0x18E0, s4;
	[tilespmem:s24+$0x9000] =	vst v9;
	v9 =	vld [tilespmem:s13+$0x9000]  }
0x39c: {  	s20 =	sor.u32 $0x1820, s29;
	s8 =	sor.u32 $0x1850, s29;
	v14 =	vld [tilespmem:s15+$0x9000];
	[tilespmem:s26+$0x9000] =	vst v12  }
0x39d: {  	s11 =	sor.u32 $0x1860, s29;
	v15 =	vld [tilespmem:s20+$0x9000];
	v10 =	vadd.f32 v10, v2;
	[dreg:$0x9] =	wrdreg s8  }
0x39e: {  	s16 =	sor.u32 $0x18B0, s29;
	v11 =	vadd.f32 v11, v7;
	[dreg:$0x5] =	wrdreg s11  }
0x39f: {  	s25 =	sor.u32 $0x1830, s28;
	s30 =	sor.u32 $0x1870, s28;
	s12 =	sor.u32 $0x1840, s31;
	v8 =	vadd.f32 v8, v5;
	[tilespmem:s9+$0x9000] =	vst v10  }
0x3a0: {  	s1 =	simm.s32 $0x1800;
	s5 =	sor.u32 $0x1810, s28;
	s18 =	sor.u32 $0x1860, s4;
	v16 =	vld [tilespmem:s12+$0x9000];
	[tilespmem:s3+$0x9000] =	vst v11;
	v10 =	vadd.f32 v9, v3  }
0x3a1: {  	s6 =	simm.s32 $0x4;
	s14 =	sor.u32 $0x1840, s29;
	s22 =	sor.u32 $0x1890, s28;
	v9 =	vld [tilespmem:s18+$0x9000];
	[tilespmem:s10+$0x9000] =	vst v8;
	v8 =	vadd.f32 v14, v1  }
0x3a2: {  	s21 =	sor.u32 $0x1860, s31;
	s19 =	sor.u32 $0x1830, s29;
	s7 =	sor.u32 $0x1850, s31;
	v12 =	vld [tilespmem:s22+$0x9000];
	[tilespmem:s13+$0x9000] =	vst v10  }
0x3a3: {  	s23 =	sor.u32 $0x1870, s31;
	v13 =	vadd.f32 v13, v7;
	s10 =	sor.u32 $0x18D0, s31;
	v11 =	vld [tilespmem:s16+$0x9000];
	s13 =	sor.u32 $0x1850, s28;
	[tilespmem:s15+$0x9000] =	vst v8  }
0x3a4: {  	s24 =	sor.u32 $0x1870, s4;
	s4 =	sor.u32 $0x18F0, s4;
	v10 =	vld [tilespmem:s10+$0x9000];
	[dreg:$0x10] =	wrdreg s13  }
0x3a5: {  	s26 =	sor.u32 $0x1860, s28;
	s8 =	sor.u32 $0x1870, s29;
	s11 =	sor.u32 $0x1820, s28;
	[tilespmem:s17+$0x9000] =	vst v13  }
0x3a6: {  	s9 =	simm.s32 $0x6;
	v14 =	vadd.f32 v15, v5;
	s15 =	sor.u32 $0x1840, s28;
	v13 =	vadd.f32 v16, v3;
	v8 =	vld [tilespmem:s4+$0x9000];
	[dreg:$0xa] =	wrdreg s26  }
.LBB2_31:
0x3a7: {  	v15 =	vld [tilespmem:s5+$0x9000]  }
0x3a8: {  	s17 =	sand.u32 $0x3, s6  }
0x3a9: {  	s1 =	sadd.s32 $0x800, s1;
	[tilespmem:s20+$0x9000] =	vst v14;
	s17 =	sshll.u32 s17, $0x8;
	v12 =	vadd.f32 v12, v6  }
0x3aa: {  	s0 =	smov.u32 s15;
	s26 =	smov.u32 s8;
	v14 =	vld [tilespmem:s19+$0x9000];
	[tilespmem:s12+$0x9000] =	vst v13;
	s17 =	sadd.s32 s17, s1;
	v11 =	vadd.f32 v11, v4  }
0x3ab: {  	s8 =	smov.u32 s23;
	s9 =	sadd.s32 $0x2, s9;
	v13 =	vld [tilespmem:s7+$0x9000];
	s23 =	sor.u32 $0x1880, s17;
	[tilespmem:s22+$0x9000] =	vst v12;
	v9 =	vadd.f32 v9, v1  }
0x3ac: {  	s13 =	sor.u32 $0x18C0, s29;
	s3 =	smov.u32 s31;
	s31 =	sor.u32 $0x18E0, s31;
	v12 =	vld [tilespmem:s23+$0x9000];
	[tilespmem:s16+$0x9000] =	vst v11;
	v11 =	vadd.f32 v15, v6  }
0x3ad: {  	s6 =	sadd.s32 $0x1, s6;
	s20 =	smov.u32 s11;
	[dreg:$0x15] =	wrdreg s0;
	[tilespmem:s18+$0x9000] =	vst v9;
	v9 =	vadd.f32 v10, v2  }
0x3ae: {  	p1 =	slt.u32 s9, $0x1E;
	s0 =	sor.u32 $0x18A0, s28;
	s12 =	smov.u32 s14;
	v8 =	vadd.f32 v8, v0;
	v10 =	vld [tilespmem:s24+$0x9000];
	[tilespmem:s5+$0x9000] =	vst v11  }
0x3af: {  	s14 =	sor.u32 $0x1800, s17;
	s22 =	sor.u32 $0x1810, s17;
	s11 =	sor.u32 $0x1820, s17;
	v15 =	vld [tilespmem:s0+$0x9000];
	[tilespmem:s10+$0x9000] =	vst v9;
	v9 =	vadd.f32 v14, v4  }
0x3b0: {  	s15 =	sor.u32 $0x1840, s17;
	s18 =	smov.u32 s21;
	s21 =	sor.u32 $0x1830, s17;
	v14 =	vld [tilespmem:s13+$0x9000];
	[tilespmem:s4+$0x9000] =	vst v8  }
0x3b1: {  	s5 =	smov.u32 s22;
	s22 =	rddreg [dreg:$0x5];
	v8 =	vadd.f32 v13, v2;
	v13 =	vld [tilespmem:s14+$0x9000];
	[tilespmem:s19+$0x9000] =	vst v9;
	s19 =	smov.u32 s25  }
0x3b2: {  	v11 =	vld [tilespmem:s31+$0x9000];
	s25 =	smov.u32 s21;
	s21 =	smov.u32 s22;
	s22 =	rddreg [dreg:$0x9]  }
0x3b3: {  	s10 =	sor.u32 $0x1850, s17;
	v16 =	vld [tilespmem:s20+$0x9000];
	[tilespmem:s7+$0x9000] =	vst v8;
	s7 =	smov.u32 s22;
	s22 =	rddreg [dreg:$0x10];
	v9 =	vadd.f32 v10, v0  }
0x3b4: {  	v10 =	vadd.f32 v12, v7;
	s16 =	smov.u32 s22;
	s22 =	smov.u32 s10;
	s10 =	rddreg [dreg:$0xa]  }
0x3b5: {  	s2 =	sor.u32 $0x1870, s17;
	v8 =	vadd.f32 v15, v5;
	v15 =	vld [tilespmem:s12+$0x9000];
	[dreg:$0x10] =	wrdreg s22;
	s22 =	smov.u32 s10;
	[tilespmem:s24+$0x9000] =	vst v9  }
0x3b6: {  	s4 =	sor.u32 $0x1860, s17;
	[dreg:$0x5] =	wrdreg s22;
	[tilespmem:s23+$0x9000] =	vst v10;
	s22 =	sor.u32 $0x1890, s17;
	v10 =	vadd.f32 v14, v3  }
.Ltmp14:
0x3b7: {  	[dreg:$0x9] =	wrdreg s16;
	s16 =	sor.u32 $0x18B0, s28;
	v13 =	vadd.f32 v13, v7;
	v12 =	vld [tilespmem:s22+$0x9000];
	[tilespmem:s0+$0x9000] =	vst v8;
	(pc) =	sbr.rel @p1 .LBB2_31-.Ltmp14, $4  }
0x3b8: {  	s10 =	sor.u32 $0x18D0, s29;
	s24 =	smov.u32 s4;
	s23 =	smov.u32 s26;
	v8 =	vadd.f32 v11, v1;
	v11 =	vld [tilespmem:s16+$0x9000];
	[tilespmem:s13+$0x9000] =	vst v10  }
0x3b9: {  	s4 =	sor.u32 $0x18F0, s3;
	[dreg:$0xa] =	wrdreg s24;
	s24 =	smov.u32 s8;
	v9 =	vld [tilespmem:s18+$0x9000];
	[tilespmem:s14+$0x9000] =	vst v13  }
0x3ba: {  	s8 =	smov.u32 s30;
	s30 =	smov.u32 s2;
	s14 =	rddreg [dreg:$0x15];
	v10 =	vld [tilespmem:s10+$0x9000];
	[tilespmem:s31+$0x9000] =	vst v8  }
0x3bb: {  	v14 =	vadd.f32 v16, v5;
	s31 =	smov.u32 s29;
	s29 =	smov.u32 s28;
	v13 =	vadd.f32 v15, v3;
	s28 =	smov.u32 s17;
	v8 =	vld [tilespmem:s4+$0x9000]  }
0x3bc: {  	v7 =	vld [tilespmem:s5+$0x9000];
	_ =	sdelay $0x3  }
0x3bd: {  	v12 =	vadd.f32 v12, v6  }
0x3be: {  	v6 =	vadd.f32 v7, v6  }
0x3bf: {  	s1 =	sor.u32 $0x18A0, s28;
	[tilespmem:s22+$0x9000] =	vst v12  }
0x3c0: {  	v7 =	vld [tilespmem:s1+$0x9000];
	[tilespmem:s5+$0x9000] =	vst v6  }
0x3c1: {  	v6 =	vld [tilespmem:s11+$0x9000];
	_ =	sdelay $0x3  }
0x3c2: {  	v7 =	vadd.f32 v7, v5  }
0x3c3: {  	[tilespmem:s20+$0x9000] =	vst v14;
	v5 =	vadd.f32 v6, v5  }
0x3c4: {  	s17 =	sor.u32 $0x18B0, s28;
	[tilespmem:s1+$0x9000] =	vst v7;
	v6 =	vld [tilespmem:s19+$0x9000]  }
0x3c5: {  	v7 =	vld [tilespmem:s17+$0x9000];
	[tilespmem:s11+$0x9000] =	vst v5  }
0x3c6: {  	v5 =	vld [tilespmem:s25+$0x9000];
	_ =	sdelay $0x1  }
0x3c7: {  	v11 =	vadd.f32 v11, v4  }
0x3c8: {  	v6 =	vadd.f32 v6, v4  }
0x3c9: {  	s2 =	sor.u32 $0x18C0, s29;
	[tilespmem:s16+$0x9000] =	vst v11;
	v7 =	vadd.f32 v7, v4  }
0x3ca: {  	v11 =	vld [tilespmem:s2+$0x9000];
	[tilespmem:s19+$0x9000] =	vst v6;
	v4 =	vadd.f32 v5, v4  }
0x3cb: {  	s20 =	sor.u32 $0x18C0, s28;
	[tilespmem:s17+$0x9000] =	vst v7;
	v5 =	vld [tilespmem:s14+$0x9000]  }
0x3cc: {  	v6 =	vld [tilespmem:s20+$0x9000];
	[tilespmem:s25+$0x9000] =	vst v4  }
0x3cd: {  	v4 =	vld [tilespmem:s15+$0x9000];
	_ =	sdelay $0x1  }
0x3ce: {  	v7 =	vadd.f32 v11, v3  }
0x3cf: {  	[tilespmem:s12+$0x9000] =	vst v13;
	v5 =	vadd.f32 v5, v3  }
0x3d0: {  	[tilespmem:s2+$0x9000] =	vst v7;
	v6 =	vadd.f32 v6, v3  }
0x3d1: {  	s22 =	sor.u32 $0x18D0, s29;
	v11 =	vld [tilespmem:s7+$0x9000];
	[tilespmem:s14+$0x9000] =	vst v5;
	v3 =	vadd.f32 v4, v3  }
0x3d2: {  	v7 =	vld [tilespmem:s22+$0x9000];
	s6 =	rddreg [dreg:$0x9];
	[tilespmem:s20+$0x9000] =	vst v6  }
0x3d3: {  	s26 =	sor.u32 $0x18D0, s28;
	v4 =	vld [tilespmem:s6+$0x9000];
	[tilespmem:s15+$0x9000] =	vst v3  }
0x3d4: {  	v5 =	vld [tilespmem:s26+$0x9000];
	s25 =	rddreg [dreg:$0x10]  }
0x3d5: {  	v3 =	vadd.f32 v10, v2;
	v6 =	vld [tilespmem:s25+$0x9000]  }
0x3d6: {  	v10 =	vadd.f32 v11, v2  }
0x3d7: {  	[tilespmem:s10+$0x9000] =	vst v3;
	v3 =	vadd.f32 v7, v2  }
0x3d8: {  	s3 =	sor.u32 $0x18E0, s31;
	[tilespmem:s7+$0x9000] =	vst v10;
	v4 =	vadd.f32 v4, v2  }
0x3d9: {  	v7 =	vld [tilespmem:s3+$0x9000];
	[tilespmem:s22+$0x9000] =	vst v3;
	v3 =	vadd.f32 v5, v2  }
0x3da: {  	s0 =	sor.u32 $0x18E0, s29;
	v10 =	vld [tilespmem:s21+$0x9000];
	[tilespmem:s6+$0x9000] =	vst v4;
	v2 =	vadd.f32 v6, v2  }
0x3db: {  	v5 =	vld [tilespmem:s0+$0x9000];
	s6 =	rddreg [dreg:$0x5];
	[tilespmem:s26+$0x9000] =	vst v3  }
0x3dc: {  	s7 =	sor.u32 $0x18E0, s28;
	v4 =	vld [tilespmem:s6+$0x9000];
	[tilespmem:s25+$0x9000] =	vst v2  }
0x3dd: {  	v3 =	vadd.f32 v9, v1;
	v6 =	vld [tilespmem:s7+$0x9000];
	s9 =	rddreg [dreg:$0xa]  }
0x3de: {  	v2 =	vadd.f32 v7, v1;
	v7 =	vld [tilespmem:s9+$0x9000]  }
0x3df: {  	[tilespmem:s18+$0x9000] =	vst v3;
	v3 =	vadd.f32 v10, v1  }
0x3e0: {  	s10 =	sor.u32 $0x18F0, s31;
	v9 =	vld [tilespmem:s24+$0x9000];
	[tilespmem:s3+$0x9000] =	vst v2;
	v2 =	vadd.f32 v5, v1  }
0x3e1: {  	v5 =	vld [tilespmem:s10+$0x9000];
	[tilespmem:s21+$0x9000] =	vst v3;
	v3 =	vadd.f32 v4, v1  }
0x3e2: {  	s11 =	sor.u32 $0x18F0, s29;
	v4 =	vld [tilespmem:s23+$0x9000];
	[tilespmem:s0+$0x9000] =	vst v2;
	v2 =	vadd.f32 v6, v1  }
0x3e3: {  	v6 =	vld [tilespmem:s11+$0x9000];
	[tilespmem:s6+$0x9000] =	vst v3;
	v1 =	vadd.f32 v7, v1  }
0x3e4: {  	s12 =	sor.u32 $0x18F0, s28;
	v3 =	vadd.f32 v8, v0;
	[tilespmem:s7+$0x9000] =	vst v2;
	v7 =	vld [tilespmem:s8+$0x9000]  }
0x3e5: {  	v2 =	vadd.f32 v9, v0;
	v8 =	vld [tilespmem:s12+$0x9000];
	[tilespmem:s9+$0x9000] =	vst v1  }
0x3e6: {  	[tilespmem:s4+$0x9000] =	vst v3;
	v1 =	vadd.f32 v5, v0;
	v3 =	vld [tilespmem:s30+$0x9000]  }
0x3e7: {  	[tilespmem:s24+$0x9000] =	vst v2;
	v2 =	vadd.f32 v4, v0  }
0x3e8: {  	[tilespmem:s10+$0x9000] =	vst v1;
	v1 =	vadd.f32 v6, v0  }
0x3e9: {  	[tilespmem:s23+$0x9000] =	vst v2;
	v2 =	vadd.f32 v7, v0  }
0x3ea: {  	[tilespmem:s11+$0x9000] =	vst v1;
	v1 =	vadd.f32 v8, v0  }
0x3eb: {  	s13 =	simm.s32 $0x0;
	[tilespmem:s8+$0x9000] =	vst v2;
	v0 =	vadd.f32 v3, v0  }
0x3ec: {  	s0 =	sand.u32 $0x3, s13;
	[tilespmem:s12+$0x9000] =	vst v1  }
0x3ed: {  	s0 =	sshll.u32 s0, $0x8;
	[tilespmem:s30+$0x9000] =	vst v0  }
0x3ee: {  	s4 =	sadd.s32 $0x0, s0;
	v7 =	vld [tilespmem:$0xF00]  }
0x3ef: {  	s0 =	sor.u32 $0x1C80, s4;
	v6 =	vld [tilespmem:$0xF10]  }
0x3f0: {  	s14 =	sor.u32 $0x1C00, s4;
	v0 =	vld [tilespmem:s0+$0x9000]  }
0x3f1: {  	v8 =	vld [tilespmem:s14+$0x9000]  }
0x3f2: {  	v5 =	vld [tilespmem:$0xF20]  }
0x3f3: {  	v4 =	vld [tilespmem:$0xF30]  }
0x3f4: {  	v3 =	vld [tilespmem:$0xF40]  }
0x3f5: {  	v2 =	vld [tilespmem:$0xF50];
	v9 =	vadd.f32 v0, v7  }
0x3f6: {  	v1 =	vld [tilespmem:$0xF60];
	v8 =	vadd.f32 v8, v7  }
0x3f7: {  	s15 =	sor.u32 $0x1C90, s4;
	v0 =	vld [tilespmem:$0xF70];
	[tilespmem:s0+$0x9000] =	vst v9  }
0x3f8: {  	s3 =	sor.u32 $0x1C10, s4;
	[tilespmem:s14+$0x9000] =	vst v8;
	v9 =	vld [tilespmem:s15+$0x9000]  }
0x3f9: {  	v8 =	vld [tilespmem:s3+$0x9000]  }
0x3fa: {  	s16 =	simm.s32 $0x1  }
0x3fb: {  	s17 =	sand.u32 $0x3, s16  }
0x3fc: {  	s1 =	sshll.u32 s17, $0x8  }
0x3fd: {  	s31 =	sadd.s32 $0x800, s1;
	v9 =	vadd.f32 v9, v6  }
0x3fe: {  	s1 =	sor.u32 $0x1C80, s31;
	v8 =	vadd.f32 v8, v6  }
0x3ff: {  	s19 =	sor.u32 $0x1C00, s31;
	[tilespmem:s15+$0x9000] =	vst v9;
	v9 =	vld [tilespmem:s1+$0x9000]  }
0x400: {  	s18 =	sor.u32 $0x1CA0, s4;
	[tilespmem:s3+$0x9000] =	vst v8;
	v8 =	vld [tilespmem:s19+$0x9000]  }
0x401: {  	s20 =	sor.u32 $0x1C20, s4;
	v10 =	vld [tilespmem:s18+$0x9000]  }
0x402: {  	v11 =	vld [tilespmem:s20+$0x9000];
	_ =	sdelay $0x1  }
0x403: {  	v9 =	vadd.f32 v9, v7  }
0x404: {  	v8 =	vadd.f32 v8, v7  }
0x405: {  	s21 =	sor.u32 $0x1C90, s31;
	v10 =	vadd.f32 v10, v5;
	[tilespmem:s1+$0x9000] =	vst v9  }
0x406: {  	s24 =	sor.u32 $0x1C10, s31;
	v11 =	vadd.f32 v11, v5;
	[tilespmem:s19+$0x9000] =	vst v8;
	v9 =	vld [tilespmem:s21+$0x9000]  }
0x407: {  	s22 =	sor.u32 $0x1CB0, s4;
	[tilespmem:s18+$0x9000] =	vst v10;
	v8 =	vld [tilespmem:s24+$0x9000]  }
0x408: {  	s26 =	sor.u32 $0x1C30, s4;
	s23 =	simm.s32 $0x2;
	[tilespmem:s20+$0x9000] =	vst v11;
	v10 =	vld [tilespmem:s22+$0x9000]  }
0x409: {  	s25 =	sand.u32 $0x3, s23;
	v11 =	vld [tilespmem:s26+$0x9000]  }
0x40a: {  	s2 =	sshll.u32 s25, $0x8  }
0x40b: {  	s29 =	sadd.s32 $0x1000, s2;
	v9 =	vadd.f32 v9, v6  }
0x40c: {  	s2 =	sor.u32 $0x1C80, s29;
	v8 =	vadd.f32 v8, v6  }
0x40d: {  	s9 =	sor.u32 $0x1C00, s29;
	v10 =	vadd.f32 v10, v4;
	[tilespmem:s21+$0x9000] =	vst v9;
	v9 =	vld [tilespmem:s2+$0x9000]  }
0x40e: {  	s7 =	sor.u32 $0x1CA0, s31;
	v11 =	vadd.f32 v11, v4;
	[tilespmem:s24+$0x9000] =	vst v8;
	v8 =	vld [tilespmem:s9+$0x9000]  }
0x40f: {  	s8 =	sor.u32 $0x1CC0, s4;
	[tilespmem:s22+$0x9000] =	vst v10;
	v10 =	vld [tilespmem:s7+$0x9000]  }
0x410: {  	s11 =	sor.u32 $0x1C40, s4;
	[tilespmem:s26+$0x9000] =	vst v11;
	v12 =	vld [tilespmem:s8+$0x9000]  }
0x411: {  	s10 =	sor.u32 $0x1C20, s31;
	v13 =	vld [tilespmem:s11+$0x9000]  }
0x412: {  	v11 =	vld [tilespmem:s10+$0x9000];
	v9 =	vadd.f32 v9, v7  }
0x413: {  	v8 =	vadd.f32 v8, v7  }
0x414: {  	s12 =	sor.u32 $0x1C90, s29;
	v10 =	vadd.f32 v10, v5;
	[tilespmem:s2+$0x9000] =	vst v9  }
0x415: {  	s16 =	sor.u32 $0x1C10, s29;
	v9 =	vadd.f32 v12, v3;
	[tilespmem:s9+$0x9000] =	vst v8;
	v12 =	vld [tilespmem:s12+$0x9000]  }
0x416: {  	s13 =	sor.u32 $0x1CB0, s31;
	v8 =	vadd.f32 v13, v3;
	[tilespmem:s7+$0x9000] =	vst v10;
	v13 =	vld [tilespmem:s16+$0x9000]  }
0x417: {  	s14 =	sor.u32 $0x1CD0, s4;
	v10 =	vld [tilespmem:s13+$0x9000];
	[tilespmem:s8+$0x9000] =	vst v9;
	v9 =	vadd.f32 v11, v5  }
0x418: {  	s15 =	simm.s32 $0x3;
	v11 =	vld [tilespmem:s14+$0x9000]  }
0x419: {  	s3 =	sand.u32 $0x3, s15;
	s18 =	sor.u32 $0x1C30, s31;
	[tilespmem:s10+$0x9000] =	vst v9  }
0x41a: {  	s3 =	sshll.u32 s3, $0x8;
	v9 =	vadd.f32 v12, v6;
	v12 =	vld [tilespmem:s18+$0x9000]  }
0x41b: {  	s28 =	sadd.s32 $0x1800, s3;
	s21 =	sor.u32 $0x1C50, s4;
	[tilespmem:s11+$0x9000] =	vst v8  }
0x41c: {  	s22 =	sor.u32 $0x1C80, s28;
	v13 =	vadd.f32 v13, v6;
	v8 =	vadd.f32 v10, v4;
	v10 =	vld [tilespmem:s21+$0x9000]  }
0x41d: {  	s17 =	sor.u32 $0x1C00, s28;
	[tilespmem:s12+$0x9000] =	vst v9;
	v9 =	vadd.f32 v11, v2;
	v11 =	vld [tilespmem:s22+$0x9000]  }
0x41e: {  	s26 =	sor.u32 $0x1CA0, s29;
	[tilespmem:s16+$0x9000] =	vst v13;
	v13 =	vld [tilespmem:s17+$0x9000]  }
0x41f: {  	[tilespmem:s13+$0x9000] =	vst v8;
	v8 =	vld [tilespmem:s26+$0x9000];
	s13 =	sor.u32 $0x1CC0, s31;
	v12 =	vadd.f32 v12, v4  }
0x420: {  	s2 =	sor.u32 $0x1CE0, s4;
	[tilespmem:s14+$0x9000] =	vst v9;
	v9 =	vld [tilespmem:s13+$0x9000]  }
0x421: {  	s20 =	sor.u32 $0x1C20, s29;
	s14 =	sor.u32 $0x1C50, s29;
	v14 =	vld [tilespmem:s2+$0x9000];
	[tilespmem:s18+$0x9000] =	vst v12  }
0x422: {  	s16 =	sor.u32 $0x1C60, s29;
	v15 =	vld [tilespmem:s20+$0x9000];
	v10 =	vadd.f32 v10, v2;
	[dreg:$0xc] =	wrdreg s14  }
0x423: {  	s6 =	simm.s32 $0x4;
	v11 =	vadd.f32 v11, v7;
	[dreg:$0x7] =	wrdreg s16  }
0x424: {  	s23 =	sor.u32 $0x1C70, s31;
	s25 =	sor.u32 $0x1C50, s31;
	s12 =	sor.u32 $0x1C40, s31;
	v8 =	vadd.f32 v8, v5;
	[tilespmem:s21+$0x9000] =	vst v10  }
0x425: {  	s3 =	sor.u32 $0x1C60, s4;
	s5 =	sor.u32 $0x1C10, s28;
	s15 =	sor.u32 $0x1C40, s28;
	v16 =	vld [tilespmem:s12+$0x9000];
	[tilespmem:s22+$0x9000] =	vst v11;
	v10 =	vadd.f32 v9, v3  }
0x426: {  	s30 =	sor.u32 $0x1C70, s28;
	s19 =	sor.u32 $0x1C30, s29;
	s22 =	sor.u32 $0x1C90, s28;
	v9 =	vld [tilespmem:s3+$0x9000];
	[tilespmem:s26+$0x9000] =	vst v8;
	v8 =	vadd.f32 v14, v1  }
0x427: {  	s1 =	simm.s32 $0x1800;
	s24 =	sor.u32 $0x1C70, s4;
	s16 =	sor.u32 $0x1CB0, s29;
	v12 =	vld [tilespmem:s22+$0x9000];
	[tilespmem:s13+$0x9000] =	vst v10  }
0x428: {  	s9 =	simm.s32 $0x6;
	s10 =	sor.u32 $0x1CD0, s31;
	v13 =	vadd.f32 v13, v7;
	s21 =	sor.u32 $0x1C50, s28;
	v11 =	vld [tilespmem:s16+$0x9000];
	[tilespmem:s2+$0x9000] =	vst v8  }
0x429: {  	s4 =	sor.u32 $0x1CF0, s4;
	s7 =	sor.u32 $0x1C60, s31;
	v10 =	vld [tilespmem:s10+$0x9000];
	[dreg:$0x11] =	wrdreg s21  }
0x42a: {  	s8 =	sor.u32 $0x1C70, s29;
	s11 =	sor.u32 $0x1C20, s28;
	s26 =	sor.u32 $0x1C60, s28;
	[tilespmem:s17+$0x9000] =	vst v13  }
0x42b: {  	s18 =	sor.u32 $0x1C40, s29;
	s14 =	sor.u32 $0x1C30, s28;
	v14 =	vadd.f32 v15, v5;
	v13 =	vadd.f32 v16, v3;
	v8 =	vld [tilespmem:s4+$0x9000];
	[dreg:$0xe] =	wrdreg s26  }
.LBB2_33:
0x42c: {  	v15 =	vld [tilespmem:s5+$0x9000]  }
0x42d: {  	s17 =	sand.u32 $0x3, s6  }
0x42e: {  	s1 =	sadd.s32 $0x800, s1;
	[tilespmem:s20+$0x9000] =	vst v14;
	s21 =	sshll.u32 s17, $0x8;
	v12 =	vadd.f32 v12, v6  }
0x42f: {  	v14 =	vld [tilespmem:s19+$0x9000];
	[tilespmem:s12+$0x9000] =	vst v13;
	s17 =	sadd.s32 s21, s1;
	v11 =	vadd.f32 v11, v4  }
0x430: {  	s26 =	smov.u32 s8;
	s8 =	smov.u32 s23;
	v13 =	vld [tilespmem:s25+$0x9000];
	s23 =	sor.u32 $0x1C80, s17;
	[tilespmem:s22+$0x9000] =	vst v12;
	v9 =	vadd.f32 v9, v1  }
0x431: {  	s0 =	smov.u32 s15;
	s9 =	sadd.s32 $0x2, s9;
	s13 =	sor.u32 $0x1CC0, s29;
	v12 =	vld [tilespmem:s23+$0x9000];
	[tilespmem:s16+$0x9000] =	vst v11;
	v11 =	vadd.f32 v15, v6  }
0x432: {  	s6 =	sadd.s32 $0x1, s6;
	s20 =	smov.u32 s11;
	[dreg:$0x16] =	wrdreg s0;
	[tilespmem:s3+$0x9000] =	vst v9;
	v9 =	vadd.f32 v10, v2  }
0x433: {  	p1 =	slt.u32 s9, $0x1E;
	s0 =	sor.u32 $0x1CA0, s28;
	s12 =	smov.u32 s18;
	v8 =	vadd.f32 v8, v0;
	v10 =	vld [tilespmem:s24+$0x9000];
	[tilespmem:s5+$0x9000] =	vst v11  }
0x434: {  	s18 =	smov.u32 s7;
	s21 =	sor.u32 $0x1C00, s17;
	s7 =	sor.u32 $0x1C10, s17;
	v15 =	vld [tilespmem:s0+$0x9000];
	[tilespmem:s10+$0x9000] =	vst v9;
	v9 =	vadd.f32 v14, v4  }
0x435: {  	s22 =	sor.u32 $0x1C30, s17;
	s3 =	smov.u32 s31;
	s31 =	sor.u32 $0x1CE0, s31;
	v14 =	vld [tilespmem:s13+$0x9000];
	[tilespmem:s4+$0x9000] =	vst v8  }
0x436: {  	v8 =	vadd.f32 v13, v2;
	v13 =	vld [tilespmem:s21+$0x9000];
	[tilespmem:s19+$0x9000] =	vst v9;
	s19 =	smov.u32 s14;
	s14 =	smov.u32 s22;
	s22 =	rddreg [dreg:$0x7]  }
0x437: {  	s5 =	smov.u32 s7;
	s7 =	smov.u32 s22;
	s22 =	rddreg [dreg:$0xc]  }
0x438: {  	s10 =	sor.u32 $0x1C50, s17;
	v16 =	vld [tilespmem:s20+$0x9000];
	[tilespmem:s25+$0x9000] =	vst v8;
	s25 =	smov.u32 s22;
	s22 =	rddreg [dreg:$0x11]  }
0x439: {  	v11 =	vld [tilespmem:s31+$0x9000];
	v9 =	vadd.f32 v10, v0;
	s16 =	smov.u32 s22;
	s22 =	smov.u32 s10;
	s10 =	rddreg [dreg:$0xe]  }
0x43a: {  	s11 =	sor.u32 $0x1C20, s17;
	s15 =	sor.u32 $0x1C40, s17;
	v10 =	vadd.f32 v12, v7;
	[dreg:$0xc] =	wrdreg s16  }
0x43b: {  	s2 =	sor.u32 $0x1C70, s17;
	s4 =	sor.u32 $0x1C60, s17;
	v8 =	vadd.f32 v15, v5;
	v15 =	vld [tilespmem:s12+$0x9000];
	[dreg:$0x11] =	wrdreg s22;
	[tilespmem:s24+$0x9000] =	vst v9  }
0x43c: {  	s22 =	smov.u32 s10;
	s24 =	smov.u32 s4;
	[tilespmem:s23+$0x9000] =	vst v10;
	s23 =	smov.u32 s26  }
.Ltmp15:
0x43d: {  	v10 =	vadd.f32 v14, v3;
	[dreg:$0x7] =	wrdreg s22;
	s22 =	sor.u32 $0x1C90, s17;
	v9 =	vld [tilespmem:s18+$0x9000];
	(pc) =	sbr.rel @p1 .LBB2_33-.Ltmp15, $4  }
0x43e: {  	s16 =	sor.u32 $0x1CB0, s28;
	s10 =	sor.u32 $0x1CD0, s29;
	s4 =	sor.u32 $0x1CF0, s3;
	v12 =	vld [tilespmem:s22+$0x9000];
	[tilespmem:s0+$0x9000] =	vst v8;
	v8 =	vadd.f32 v11, v1  }
0x43f: {  	v13 =	vadd.f32 v13, v7;
	s3 =	smov.u32 s18;
	[dreg:$0xe] =	wrdreg s24;
	s24 =	smov.u32 s8;
	v11 =	vld [tilespmem:s16+$0x9000];
	[tilespmem:s13+$0x9000] =	vst v10  }
0x440: {  	s8 =	smov.u32 s30;
	s30 =	smov.u32 s2;
	s18 =	rddreg [dreg:$0x16];
	v10 =	vld [tilespmem:s10+$0x9000];
	[tilespmem:s31+$0x9000] =	vst v8  }
0x441: {  	v14 =	vadd.f32 v16, v5;
	[tilespmem:s21+$0x9000] =	vst v13;
	v13 =	vadd.f32 v15, v3;
	s31 =	smov.u32 s29;
	s29 =	smov.u32 s28;
	s28 =	smov.u32 s17;
	v8 =	vld [tilespmem:s4+$0x9000]  }
0x442: {  	v7 =	vld [tilespmem:s5+$0x9000];
	_ =	sdelay $0x3  }
0x443: {  	v12 =	vadd.f32 v12, v6  }
0x444: {  	v23 =	vadd.f32 v7, v6  }
0x445: {  	s1 =	sor.u32 $0x1CA0, s28;
	[tilespmem:s22+$0x9000] =	vst v12  }
0x446: {  	v24 =	vld [tilespmem:s1+$0x9000];
	[tilespmem:s5+$0x9000] =	vst v23  }
0x447: {  	v25 =	vld [tilespmem:s11+$0x9000];
	_ =	sdelay $0x3  }
0x448: {  	[tilespmem:s20+$0x9000] =	vst v14;
	v6 =	vadd.f32 v24, v5  }
0x449: {  	v27 =	vld [tilespmem:s19+$0x9000];
	v26 =	vadd.f32 v25, v5  }
0x44a: {  	s13 =	sor.u32 $0x1CB0, s28;
	[tilespmem:s1+$0x9000] =	vst v6  }
0x44b: {  	v28 =	vld [tilespmem:s13+$0x9000];
	[tilespmem:s11+$0x9000] =	vst v26  }
0x44c: {  	v29 =	vld [tilespmem:s14+$0x9000]  }
0x44d: {  	v11 =	vadd.f32 v11, v4  }
0x44e: {  	v7 =	vadd.f32 v27, v4  }
0x44f: {  	s2 =	sor.u32 $0x1CC0, s29;
	[tilespmem:s16+$0x9000] =	vst v11  }
0x450: {  	v30 =	vld [tilespmem:s2+$0x9000];
	[tilespmem:s19+$0x9000] =	vst v7;
	v5 =	vadd.f32 v28, v4  }
0x451: {  	v32 =	vld [tilespmem:s18+$0x9000];
	v31 =	vadd.f32 v29, v4  }
0x452: {  	s17 =	sor.u32 $0x1CC0, s28;
	[tilespmem:s13+$0x9000] =	vst v5  }
0x453: {  	v33 =	vld [tilespmem:s17+$0x9000];
	[tilespmem:s14+$0x9000] =	vst v31  }
0x454: {  	v34 =	vld [tilespmem:s15+$0x9000]  }
0x455: {  	v7 =	vadd.f32 v30, v3  }
0x456: {  	[tilespmem:s12+$0x9000] =	vst v13;
	v6 =	vadd.f32 v32, v3  }
0x457: {  	[tilespmem:s2+$0x9000] =	vst v7  }
0x458: {  	v35 =	vld [tilespmem:s25+$0x9000];
	s19 =	sor.u32 $0x1CD0, s29;
	[tilespmem:s18+$0x9000] =	vst v6;
	v4 =	vadd.f32 v33, v3  }
0x459: {  	v36 =	vld [tilespmem:s19+$0x9000];
	s6 =	rddreg [dreg:$0xc];
	v37 =	vadd.f32 v34, v3  }
0x45a: {  	v38 =	vld [tilespmem:s6+$0x9000];
	[tilespmem:s17+$0x9000] =	vst v4  }
0x45b: {  	s20 =	sor.u32 $0x1CD0, s28;
	[tilespmem:s15+$0x9000] =	vst v37  }
0x45c: {  	v40 =	vadd.f32 v10, v2;
	v39 =	vld [tilespmem:s20+$0x9000];
	s9 =	rddreg [dreg:$0x11]  }
0x45d: {  	v42 =	vadd.f32 v35, v2;
	v41 =	vld [tilespmem:s9+$0x9000]  }
0x45e: {  	v43 =	vadd.f32 v36, v2;
	[tilespmem:s10+$0x9000] =	vst v40  }
0x45f: {  	s21 =	sor.u32 $0x1CE0, s31;
	v5 =	vadd.f32 v38, v2;
	[tilespmem:s25+$0x9000] =	vst v42  }
0x460: {  	[tilespmem:s19+$0x9000] =	vst v43;
	v44 =	vld [tilespmem:s21+$0x9000]  }
0x461: {  	s0 =	sor.u32 $0x1CE0, s29;
	[tilespmem:s6+$0x9000] =	vst v5;
	v10 =	vld [tilespmem:s7+$0x9000];
	v3 =	vadd.f32 v39, v2  }
0x462: {  	v4 =	vld [tilespmem:s0+$0x9000];
	s6 =	rddreg [dreg:$0x7];
	v45 =	vadd.f32 v41, v2  }
0x463: {  	v5 =	vld [tilespmem:s6+$0x9000];
	[tilespmem:s20+$0x9000] =	vst v3  }
0x464: {  	v46 =	vadd.f32 v9, v1;
	s22 =	sor.u32 $0x1CE0, s28;
	[tilespmem:s9+$0x9000] =	vst v45  }
0x465: {  	v3 =	vld [tilespmem:s22+$0x9000];
	v6 =	vadd.f32 v44, v1;
	s9 =	rddreg [dreg:$0xe]  }
0x466: {  	v48 =	vadd.f32 v10, v1;
	[tilespmem:s3+$0x9000] =	vst v46;
	v47 =	vld [tilespmem:s9+$0x9000]  }
0x467: {  	s25 =	sor.u32 $0x1CF0, s31;
	v4 =	vadd.f32 v4, v1;
	[tilespmem:s21+$0x9000] =	vst v6;
	v49 =	vld [tilespmem:s24+$0x9000]  }
0x468: {  	v5 =	vadd.f32 v5, v1;
	[tilespmem:s7+$0x9000] =	vst v48;
	v50 =	vld [tilespmem:s25+$0x9000]  }
0x469: {  	s26 =	sor.u32 $0x1CF0, s29;
	v54 =	vadd.f32 v8, v0;
	[tilespmem:s0+$0x9000] =	vst v4;
	v51 =	vld [tilespmem:s23+$0x9000]  }
0x46a: {  	v3 =	vadd.f32 v3, v1;
	[tilespmem:s6+$0x9000] =	vst v5;
	v52 =	vld [tilespmem:s26+$0x9000]  }
0x46b: {  	[tilespmem:s4+$0x9000] =	vst v54;
	v53 =	vadd.f32 v47, v1  }
0x46c: {  	[tilespmem:s22+$0x9000] =	vst v3;
	v56 =	vadd.f32 v49, v0  }
0x46d: {  	v2 =	vadd.f32 v50, v0;
	[tilespmem:s9+$0x9000] =	vst v53  }
0x46e: {  	v59 =	vadd.f32 v51, v0;
	[tilespmem:s24+$0x9000] =	vst v56  }
0x46f: {  	s28 =	sor.u32 $0x1CF0, s28;
	v55 =	vld [tilespmem:s8+$0x9000];
	v60 =	vadd.f32 v52, v0;
	[tilespmem:s25+$0x9000] =	vst v2  }
0x470: {  	v57 =	vld [tilespmem:s28+$0x9000];
	[tilespmem:s23+$0x9000] =	vst v59  }
0x471: {  	[tilespmem:s26+$0x9000] =	vst v60;
	v58 =	vld [tilespmem:s30+$0x9000]  }
0x472: {  	s3 =	sld [smem:$0x7FB];
	_ =	sdelay $0x1  }
0x473: {  	v61 =	vadd.f32 v55, v0;
	s0 =	rddreg [dreg:$0x18]  }
0x474: {  	v62 =	vadd.f32 v57, v0;
	s0 =	sadd.s32 s3, s0  }
0x475: {  	s29 =	rddreg [dreg:$0x2];
	[tilespmem:s8+$0x9000] =	vst v61;
	s0 =	sshll.u32 s0, $0x7;
	v63 =	vadd.f32 v58, v0  }
0x476: {  	[tilespmem:s28+$0x9000] =	vst v62;
	s0 =	sadd.s32 s29, s0  }
0x477: {  	s31 =	simm.s32 $0x9000;
	s0 =	sadd.s32 $0x1000, s0;
	[tilespmem:s30+$0x9000] =	vst v63;
	s30 =	simm.s32 $0x0  }
0x478: {  	[hbm4b:s0+s30] =	stream.linear.scatter [tilespmem:s31], [sflag:$0x4], $0x8000, $0x38;
	[tilespmem:$0x11000] =	vst v63  }
0x479: {  	s0 =	simm.s32 @!p0 $0x4  }
0x47a: {  	_ =	swait.ge @!p0 [sflag:s0], $0x8000  }
0x47b: {  	[sflag:s0] =	ssyncset.done @!p0 $0x0;
	s1 =	rddreg [dreg:$0x1d]  }
0x47c: {  	s1 =	sadd.s32 @!p0 s3, s1;
	[sflag:s0] =	ssyncadd.s32 @!p0 $0xFFFF8000  }
0x47d: {  	s0 =	sshll.u32 @!p0 s1, $0x7;
	s1 =	rddreg [dreg:$0x0]  }
0x47e: {  	s2 =	simm.s32 @!p0 $0x9000;
	s0 =	sadd.s32 @!p0 s1, s0;
	s1 =	simm.s32 @!p0 $0x0  }
0x47f: {  	[tilespmem:s2], [sflag:$0x2] =	stream.linear.gather @!p0 [hbm4b:s0+s1], $0x8000, $0x38;
	[tilespmem:$0x11000] =	vst v63  }
0x480: {  	s0 =	sld [smem:$0x7FC];
	_ =	sdelay $0x2  }
0x481: {  	p1 =	sne.s32 @!p0 s0, $0x4  }
0x482: {  	p0 =	por p0, !p1  }
.Ltmp16:
0x483: {  	_ = 	snop;
	(pc) =	sbr.rel @!p0 .LBB2_2-.Ltmp16, $1  }
0x484: {  	_ =	sdelay $0x3  }
0x485: {  	s0 =	simm.s32 $0x3  }
0x486: {  	_ =	swait.ge [sflag:s0], $0x8000  }
0x487: {  	[sflag:s0] =	ssyncset.done $0x0  }
0x488: {  	s1 =	simm.s32 $0x4;
	[sflag:s0] =	ssyncadd.s32 $0xFFFF8000  }
0x489: {  	_ =	swait.ge [sflag:s1], $0x8000  }
0x48a: {  	s2 =	rddreg [dreg:$0x1f]  }
0x48b: {  	s31 =	rddreg [dreg:$0x1e];
	s2 =	sadd.s32 $0x1, s2  }
0x48c: {  	p0 =	sne.s32 s2, s31  }
.Ltmp17:
0x48d: {  	_ = 	snop;
	(pc) =	sbr.rel @p0 .LBB2_1-.Ltmp17, $3  }
0x48e: {  	_ =	sdelay $0x1  }
0x48f: {  	[sflag:s1] =	ssyncset.done $0x0  }
0x490: {  	[sflag:s1] =	ssyncadd.s32 $0xFFFF8000  }
0x491: {  	_ =	sfence.sel $0x180000  }
0x492: {  	[bflag:$0x0] =	sbarrier.arrive $0xFFFF  }
0x493: {  	_ =	strace $0x90000047  }
0x494: {  	s0 =	stileid.u32;
	[bflag:$0x2] =	sbarrier.arrive $0xFFFF  }
0x495: {  	p0 =	sne.s32 s0, $0x0;
	s0 =	rddreg [dreg:$0x3]  }
0x496: {  	s0 =	sadd.s32 @!p0 $0x100000, s0  }
0x497: {  	[sflag:s0] =	ssyncadd.tile.s32 @!p0 $0x1;
	_ =	shalt  }
.Lfunc_end2:
_tile_overlayer_lowered:
.L_overlay_start_2:
0x498: {  	(tag) =	ssettag $0x2  }
0x499: {  	s0 =	rddreg [dreg:$0x0];
	s2 =	stileid.u32  }
0x49a: {  	s1 =	rddreg [dreg:$0x1];
	p0 =	sne.s32 s2, $0x0  }
0x49b: {  	s3 =	rddreg [dreg:$0x2];
	[bflag:$0x3] =	sbarrier.arrive $0xFFFF;
	s2 =	simm.s32 @!p0 $0x1C05  }
0x49c: {  	[timem:s3], [sflag:s2] =	dma.local @!p0 [hbm:s0], s1  }
0x49d: {  	s0 =	simm.s32 @!p0 $0x5  }
0x49e: {  	_ =	swait.ge @!p0 [sflag:s0], s1  }
0x49f: {  	s1 =	ssub.s32 @!p0 $0x0, s1;
	[sflag:s0] =	ssyncset.done @!p0 $0x0  }
0x4a0: {  	[sflag:s0] =	ssyncadd.s32 @!p0 s1  }
0x4a1: {  	[bflag:$0x3] =	sbarrier.arrive $0xFFFF  }
0x4a2: {  	_ =	shalt  }

</sc_bundles>
